<compile_context>
chip_gen: v7x
topology: tpu7x:2x2x1
jax: 0.10.2.dev20260603
libtpu: 0.0.44.dev20260713+nightly
codegen_flags: <defaults>
</compile_context>

<pallas_src>
import jax
import jax.numpy as jnp
from jax import lax
from jax.experimental import pallas as pl
from jax.experimental.pallas import tpu as pltpu
from jax.experimental.pallas import tpu_sc as plsc

N = 10000
E = 320000
D = 128
HD = D // 2

NC = 2
NS = 16
EPT = E // NS
CHUNK = 80
NCHUNK = EPT // CHUNK
NBUF = 9
NROUND = -(-NCHUNK // NBUF)
RPS = 624
RPS_LAST = N - (NS - 1) * RPS

_mesh = plsc.VectorSubcoreMesh(
    core_axis_name="c", subcore_axis_name="s", num_cores=NC, num_subcores=NS
)


def _agg_body(xs_hbm, src_hbm, dst_hbm, out_hbm,
              src_v, dst_v, rows_v, gsem, ssem, acc_sh):
    c = lax.axis_index("c")
    s = lax.axis_index("s")

    @pl.when(s < NS - 1)
    def _():
        pltpu.async_copy(xs_hbm.at[c, pl.ds(s * RPS, RPS)],
                         acc_sh.at[pl.ds(s * RPS, RPS)], gsem.at[0])

    @pl.when(s == NS - 1)
    def _():
        pltpu.async_copy(xs_hbm.at[c, pl.ds((NS - 1) * RPS, RPS_LAST)],
                         acc_sh.at[pl.ds((NS - 1) * RPS, RPS_LAST)],
                         gsem.at[0])

    pltpu.async_copy(src_hbm.at[s], src_v, gsem.at[1])
    pltpu.async_copy(dst_hbm.at[s], dst_v, gsem.at[2])

    @pl.when(s < NS - 1)
    def _():
        pltpu.make_async_copy(xs_hbm.at[c, pl.ds(s * RPS, RPS)],
                              acc_sh.at[pl.ds(s * RPS, RPS)],
                              gsem.at[0]).wait()

    @pl.when(s == NS - 1)
    def _():
        pltpu.make_async_copy(xs_hbm.at[c, pl.ds((NS - 1) * RPS, RPS_LAST)],
                              acc_sh.at[pl.ds((NS - 1) * RPS, RPS_LAST)],
                              gsem.at[0]).wait()

    pltpu.make_async_copy(src_hbm.at[s], src_v, gsem.at[1]).wait()
    pltpu.make_async_copy(dst_hbm.at[s], dst_v, gsem.at[2]).wait()
    plsc.subcore_barrier()

    xc = xs_hbm.at[c]

    for b in range(NBUF):
        pltpu.async_copy(xc.at[src_v.at[b]], rows_v.at[b], gsem.at[b])

    def round_body(g, cc):
        for b in range(NBUF):
            j = g * NBUF + b

            @pl.when(j < NCHUNK)
            def _():
                pltpu.make_async_copy(xc.at[src_v.at[j]], rows_v.at[b],
                                      gsem.at[b]).wait()
                pltpu.async_copy(rows_v.at[b], acc_sh.at[dst_v.at[j]],
                                 ssem.at[b], add=True)
        for b in range(NBUF):
            jn = (g + 1) * NBUF + b

            @pl.when(jn < NCHUNK)
            def _():
                pltpu.make_async_copy(rows_v.at[b], acc_sh.at[dst_v.at[jn]],
                                      ssem.at[b]).wait()
                pltpu.async_copy(xc.at[src_v.at[jn]], rows_v.at[b],
                                 gsem.at[b])
        return cc

    lax.fori_loop(0, NROUND, round_body, 0)
    for b in range(NBUF):
        pltpu.make_async_copy(rows_v.at[b], acc_sh.at[dst_v.at[b]],
                              ssem.at[b]).wait()
    plsc.subcore_barrier()

    @pl.when(s < NS - 1)
    def _():
        pltpu.sync_copy(acc_sh.at[pl.ds(s * RPS, RPS)],
                        out_hbm.at[pl.ds(s * RPS, RPS), pl.ds(c * HD, HD)])

    @pl.when(s == NS - 1)
    def _():
        pltpu.sync_copy(acc_sh.at[pl.ds((NS - 1) * RPS, RPS_LAST)],
                        out_hbm.at[pl.ds((NS - 1) * RPS, RPS_LAST),
                                   pl.ds(c * HD, HD)])


_agg = pl.kernel(
    _agg_body,
    out_type=jax.ShapeDtypeStruct((N, D), jnp.float32),
    mesh=_mesh,
    scratch_types=[
        pltpu.VMEM((NCHUNK, CHUNK), jnp.int32),
        pltpu.VMEM((NCHUNK, CHUNK), jnp.int32),
        pltpu.VMEM((NBUF, CHUNK, HD), jnp.float32),
        pltpu.SemaphoreType.DMA((NBUF,)),
        pltpu.SemaphoreType.DMA((NBUF,)),
        pltpu.VMEM_SHARED((N, HD), jnp.float32),
    ],
    compiler_params=pltpu.CompilerParams(use_tc_tiling_on_sc=False),
)

R = 2000
GRID = N // R


def _mlp1_body(p_ref, w1_ref, b1_ref, w2_ref, b2_ref, os_ref):
    sgm = p_ref[...]
    t = jnp.dot(sgm, w1_ref[...], preferred_element_type=jnp.float32)
    t = jnp.maximum(t + b1_ref[...], 0.0)
    h = jnp.dot(t, w2_ref[...], preferred_element_type=jnp.float32)
    h = jnp.maximum(h + b2_ref[...], 0.0)
    os_ref[0] = h[:, :HD]
    os_ref[1] = h[:, HD:]


_mlp1 = pl.pallas_call(
    _mlp1_body,
    grid=(GRID,),
    in_specs=[
        pl.BlockSpec((R, D), lambda i: (i, 0)),
        pl.BlockSpec((D, D), lambda i: (0, 0)),
        pl.BlockSpec((1, D), lambda i: (0, 0)),
        pl.BlockSpec((D, D), lambda i: (0, 0)),
        pl.BlockSpec((1, D), lambda i: (0, 0)),
    ],
    out_specs=pl.BlockSpec((NC, R, HD), lambda i: (0, i, 0)),
    out_shape=jax.ShapeDtypeStruct((NC, N, HD), jnp.float32),
)


def _mlp2_body(p_ref, w1_ref, b1_ref, w2_ref, b2_ref, cs_ref, o_ref):
    i = pl.program_id(0)
    sgm = p_ref[...]
    g = jnp.dot(sgm, w1_ref[...], preferred_element_type=jnp.float32)
    g = jnp.maximum(g + b1_ref[...], 0.0)
    part = jnp.sum(g, axis=0, keepdims=True)

    @pl.when(i == 0)
    def _():
        cs_ref[...] = jnp.zeros_like(cs_ref)

    cs_ref[...] += part

    @pl.when(i == GRID - 1)
    def _():
        v = cs_ref[...] * (1.0 / N)
        o_ref[...] = jnp.dot(v, w2_ref[...],
                             preferred_element_type=jnp.float32) + b2_ref[...]


_mlp2 = pl.pallas_call(
    _mlp2_body,
    grid=(GRID,),
    in_specs=[
        pl.BlockSpec((R, D), lambda i: (i, 0)),
        pl.BlockSpec((D, D), lambda i: (0, 0)),
        pl.BlockSpec((1, D), lambda i: (0, 0)),
        pl.BlockSpec((D, D), lambda i: (0, 0)),
        pl.BlockSpec((1, D), lambda i: (0, 0)),
    ],
    out_specs=[
        pl.BlockSpec((1, D), lambda i: (0, 0)),
        pl.BlockSpec((1, D), lambda i: (0, 0)),
    ],
    out_shape=[
        jax.ShapeDtypeStruct((1, D), jnp.float32),
        jax.ShapeDtypeStruct((1, D), jnp.float32),
    ],
)


def kernel(x, edge_index, W1a, b1a, W2a, b2a, W1b, b1b, W2b, b2b, batch_size):
    src_r = edge_index[0].reshape(NS, NCHUNK, CHUNK)
    dst_r = edge_index[1].reshape(NS, NCHUNK, CHUNK)
    b1a_, b2a_, b1b_, b2b_ = (b.reshape(1, D) for b in (b1a, b2a, b1b, b2b))
    xs = jnp.stack([x[:, :HD], x[:, HD:]], axis=0)

    p1 = _agg(xs, src_r, dst_r)
    hs = _mlp1(p1, W1a, b1a_, W2a, b2a_)
    p2 = _agg(hs, src_r, dst_r)
    _, out = _mlp2(p2, W1b, b1b_, W2b, b2b_)
    return out.reshape(-1)

# --- scband reference (transcript-rebuilt; emitter-appended) ---
"""Pipeline reference for scband-ginencoder-43636867727410 (READ-ONLY COPY).

The authoritative reference and input builder live on the scoring server;
editing this copy changes nothing except your own understanding.
"""

import jax, jax.numpy as jnp
import numpy as np

N = 10000
E = 320000
D = 128


def setup_inputs(seed: int = 0) -> dict:
    key = jax.random.key(seed)
    ks = jax.random.split(key, 12)
    x = jax.random.normal(ks[0], (N, D), dtype=jnp.float32)
    edge_index = jax.random.randint(ks[1], (2, E), 0, N, dtype=jnp.int32)
    s = 1.0 / np.sqrt(D)
    W1a = jax.random.uniform(ks[2], (D, D), dtype=jnp.float32, minval=-s, maxval=s)
    b1a = jax.random.uniform(ks[3], (D,), dtype=jnp.float32, minval=-s, maxval=s)
    W2a = jax.random.uniform(ks[4], (D, D), dtype=jnp.float32, minval=-s, maxval=s)
    b2a = jax.random.uniform(ks[5], (D,), dtype=jnp.float32, minval=-s, maxval=s)
    W1b = jax.random.uniform(ks[6], (D, D), dtype=jnp.float32, minval=-s, maxval=s)
    b1b = jax.random.uniform(ks[7], (D,), dtype=jnp.float32, minval=-s, maxval=s)
    W2b = jax.random.uniform(ks[8], (D, D), dtype=jnp.float32, minval=-s, maxval=s)
    b2b = jax.random.uniform(ks[9], (D,), dtype=jnp.float32, minval=-s, maxval=s)
    return {"x": x, "edge_index": edge_index,
            "W1a": W1a, "b1a": b1a, "W2a": W2a, "b2a": b2a,
            "W1b": W1b, "b1b": b1b, "W2b": W2b, "b2b": b2b,
            "batch_size": 1}


def _gin_conv(x, src, dst, W1, b1, W2, b2):
    # GINConv, eps=0: MLP((1+eps)*x + sum_{j in N(i)} x_j)
    agg = jnp.zeros_like(x).at[dst].add(x[src])
    h = x + agg
    h = jnp.maximum(h @ W1 + b1, 0.0)
    return h @ W2 + b2


def reference(x, edge_index, W1a, b1a, W2a, b2a, W1b, b1b, W2b, b2b, batch_size):
    src, dst = edge_index[0], edge_index[1]
    h = _gin_conv(x, src, dst, W1a, b1a, W2a, b2a)
    h = jnp.maximum(h, 0.0)  # inter-layer activation (dropout=0, eval)
    h = _gin_conv(h, src, dst, W1b, b1b, W2b, b2b)
    h = h + (batch_size - batch_size)
    h = h.reshape(1, -1, h.shape[1]).mean(axis=1)
    return h.reshape(-1)

if __name__ == "__main__":
    import jax
    _d = setup_inputs()
    print(jax.jit(kernel)(*tuple(_d.values())))

</pallas_src>

<mosaic_0001>
#map = affine_map<(d0, d1) -> (0, 0, 0)>
#map1 = affine_map<(d0, d1) -> (0, 0)>
module attributes {stable_mosaic.version = 14 : i64} {
  func.func @_agg_body(%arg0: i32, %arg1: i32, %arg2: memref<2x10000x64xf32, #tpu.memory_space<hbm>>, %arg3: memref<16x250x80xi32, #tpu.memory_space<hbm>>, %arg4: memref<16x250x80xi32, #tpu.memory_space<hbm>>, %arg5: memref<10000x128xf32, #tpu.memory_space<hbm>>, %arg6: memref<250x80xi32, #tpu.memory_space<vmem>>, %arg7: memref<250x80xi32, #tpu.memory_space<vmem>>, %arg8: memref<9x80x64xf32, #tpu.memory_space<vmem>>, %arg9: memref<9x!tpu.dma_semaphore, #tpu.memory_space<semaphore_mem>>, %arg10: memref<9x!tpu.dma_semaphore, #tpu.memory_space<semaphore_mem>>, %arg11: memref<10000x64xf32, #tpu.memory_space<vmem_shared>>) attributes {dimension_semantics = [#tpu.dimension_semantics<core_parallel>, #tpu.dimension_semantics<subcore_parallel>], iteration_bounds = array<i64: 2, 16>, scalar_prefetch = 0 : i64, scratch_operands = 6 : i64, tpu.core_type = #tpu.core_type<sc_vector_subcore>, window_params = [{transform_indices = #map}, {transform_indices = #map}, {transform_indices = #map}, {transform_indices = #map1}]} {
    %lt3A = arith.constant 15 : i32
    %lt3A_0 = arith.cmpi slt, %arg1, %lt3A : i32
    %convert_element_type3A = arith.extui %lt3A_0 : i1 to i32
    %cond3A = arith.constant 0 : i32
    %cond3A_1 = arith.cmpi ne, %convert_element_type3A, %cond3A : i32
    scf.if %cond3A_1 {
      %mul3A = arith.constant 624 : i32
      %mul3A_380 = arith.muli %arg1, %mul3A : i32
      %mul3A_381 = arith.constant 624 : i32
      %mul3A_382 = arith.muli %arg1, %mul3A_381 : i32
      %dma_start3A_383 = arith.constant 0 : i32
      %dma_start3A_384 = tpu.memref_slice %arg9[%dma_start3A_383] : memref<9x!tpu.dma_semaphore, #tpu.memory_space<semaphore_mem>> -> memref<1x!tpu.dma_semaphore, #tpu.memory_space<semaphore_mem>>
      %dma_start3A_385 = tpu.memref_squeeze %dma_start3A_384 : memref<1x!tpu.dma_semaphore, #tpu.memory_space<semaphore_mem>> -> memref<!tpu.dma_semaphore, #tpu.memory_space<semaphore_mem>>
      %dma_start3A_386 = arith.constant 0 : i32
      %dma_start3A_387 = tpu.memref_slice %arg11[%mul3A_382, %dma_start3A_386] : memref<10000x64xf32, #tpu.memory_space<vmem_shared>> -> memref<624x64xf32, #tpu.memory_space<vmem_shared>>
      %dma_start3A_388 = arith.constant 0 : i32
      %dma_start3A_389 = tpu.memref_slice %arg2[%arg0, %mul3A_380, %dma_start3A_388] : memref<2x10000x64xf32, #tpu.memory_space<hbm>> -> memref<1x624x64xf32, #tpu.memory_space<hbm>>
      %dma_start3A_390 = tpu.memref_squeeze %dma_start3A_389 : memref<1x624x64xf32, #tpu.memory_space<hbm>> -> memref<624x64xf32, #tpu.memory_space<hbm>>
      tpu.enqueue_dma source(%dma_start3A_390 : memref<624x64xf32, #tpu.memory_space<hbm>>) target(%dma_start3A_387 : memref<624x64xf32, #tpu.memory_space<vmem_shared>>) target_semaphore(%dma_start3A_385 : memref<!tpu.dma_semaphore, #tpu.memory_space<semaphore_mem>>)
    } else {
    }
    %eq3A = arith.constant 15 : i32
    %eq3A_2 = arith.cmpi eq, %arg1, %eq3A : i32
    %convert_element_type3A_3 = arith.extui %eq3A_2 : i1 to i32
    %cond3A_4 = arith.constant 0 : i32
    %cond3A_5 = arith.cmpi ne, %convert_element_type3A_3, %cond3A_4 : i32
    scf.if %cond3A_5 {
      %dma_start3A_380 = arith.constant 0 : i32
      %dma_start3A_381 = tpu.memref_slice %arg9[%dma_start3A_380] : memref<9x!tpu.dma_semaphore, #tpu.memory_space<semaphore_mem>> -> memref<1x!tpu.dma_semaphore, #tpu.memory_space<semaphore_mem>>
      %dma_start3A_382 = tpu.memref_squeeze %dma_start3A_381 : memref<1x!tpu.dma_semaphore, #tpu.memory_space<semaphore_mem>> -> memref<!tpu.dma_semaphore, #tpu.memory_space<semaphore_mem>>
      %dma_start3A_383 = arith.constant 9360 : i32
      %dma_start3A_384 = arith.constant 0 : i32
      %dma_start3A_385 = tpu.memref_slice %arg11[%dma_start3A_383, %dma_start3A_384] : memref<10000x64xf32, #tpu.memory_space<vmem_shared>> -> memref<640x64xf32, #tpu.memory_space<vmem_shared>>
      %dma_start3A_386 = arith.constant 9360 : i32
      %dma_start3A_387 = arith.constant 0 : i32
      %dma_start3A_388 = tpu.memref_slice %arg2[%arg0, %dma_start3A_386, %dma_start3A_387] : memref<2x10000x64xf32, #tpu.memory_space<hbm>> -> memref<1x640x64xf32, #tpu.memory_space<hbm>>
      %dma_start3A_389 = tpu.memref_squeeze %dma_start3A_388 : memref<1x640x64xf32, #tpu.memory_space<hbm>> -> memref<640x64xf32, #tpu.memory_space<hbm>>
      tpu.enqueue_dma source(%dma_start3A_389 : memref<640x64xf32, #tpu.memory_space<hbm>>) target(%dma_start3A_385 : memref<640x64xf32, #tpu.memory_space<vmem_shared>>) target_semaphore(%dma_start3A_382 : memref<!tpu.dma_semaphore, #tpu.memory_space<semaphore_mem>>)
    } else {
    }
    %dma_start3A = arith.constant 1 : i32
    %dma_start3A_6 = arith.constant 0 : i32
    %dma_start3A_7 = arith.constant 0 : i32
    %dma_start3A_8 = tpu.memref_slice %arg3[%arg1, %dma_start3A_6, %dma_start3A_7] : memref<16x250x80xi32, #tpu.memory_space<hbm>> -> memref<1x250x80xi32, #tpu.memory_space<hbm>>
    %dma_start3A_9 = tpu.memref_squeeze %dma_start3A_8 : memref<1x250x80xi32, #tpu.memory_space<hbm>> -> memref<250x80xi32, #tpu.memory_space<hbm>>
    %dma_start3A_10 = tpu.memref_slice %arg9[%dma_start3A] : memref<9x!tpu.dma_semaphore, #tpu.memory_space<semaphore_mem>> -> memref<1x!tpu.dma_semaphore, #tpu.memory_space<semaphore_mem>>
    %dma_start3A_11 = tpu.memref_squeeze %dma_start3A_10 : memref<1x!tpu.dma_semaphore, #tpu.memory_space<semaphore_mem>> -> memref<!tpu.dma_semaphore, #tpu.memory_space<semaphore_mem>>
    %dma_start3A_12 = arith.constant 0 : i32
    %dma_start3A_13 = arith.constant 0 : i32
    %dma_start3A_14 = tpu.memref_slice %arg3[%arg1, %dma_start3A_12, %dma_start3A_13] : memref<16x250x80xi32, #tpu.memory_space<hbm>> -> memref<1x250x80xi32, #tpu.memory_space<hbm>>
    %dma_start3A_15 = tpu.memref_squeeze %dma_start3A_14 : memref<1x250x80xi32, #tpu.memory_space<hbm>> -> memref<250x80xi32, #tpu.memory_space<hbm>>
    tpu.enqueue_dma source(%dma_start3A_15 : memref<250x80xi32, #tpu.memory_space<hbm>>) target(%arg6 : memref<250x80xi32, #tpu.memory_space<vmem>>) target_semaphore(%dma_start3A_11 : memref<!tpu.dma_semaphore, #tpu.memory_space<semaphore_mem>>)
    %dma_start3A_16 = arith.constant 2 : i32
    %dma_start3A_17 = arith.constant 0 : i32
    %dma_start3A_18 = arith.constant 0 : i32
    %dma_start3A_19 = tpu.memref_slice %arg4[%arg1, %dma_start3A_17, %dma_start3A_18] : memref<16x250x80xi32, #tpu.memory_space<hbm>> -> memref<1x250x80xi32, #tpu.memory_space<hbm>>
    %dma_start3A_20 = tpu.memref_squeeze %dma_start3A_19 : memref<1x250x80xi32, #tpu.memory_space<hbm>> -> memref<250x80xi32, #tpu.memory_space<hbm>>
    %dma_start3A_21 = tpu.memref_slice %arg9[%dma_start3A_16] : memref<9x!tpu.dma_semaphore, #tpu.memory_space<semaphore_mem>> -> memref<1x!tpu.dma_semaphore, #tpu.memory_space<semaphore_mem>>
    %dma_start3A_22 = tpu.memref_squeeze %dma_start3A_21 : memref<1x!tpu.dma_semaphore, #tpu.memory_space<semaphore_mem>> -> memref<!tpu.dma_semaphore, #tpu.memory_space<semaphore_mem>>
    %dma_start3A_23 = arith.constant 0 : i32
    %dma_start3A_24 = arith.constant 0 : i32
    %dma_start3A_25 = tpu.memref_slice %arg4[%arg1, %dma_start3A_23, %dma_start3A_24] : memref<16x250x80xi32, #tpu.memory_space<hbm>> -> memref<1x250x80xi32, #tpu.memory_space<hbm>>
    %dma_start3A_26 = tpu.memref_squeeze %dma_start3A_25 : memref<1x250x80xi32, #tpu.memory_space<hbm>> -> memref<250x80xi32, #tpu.memory_space<hbm>>
    tpu.enqueue_dma source(%dma_start3A_26 : memref<250x80xi32, #tpu.memory_space<hbm>>) target(%arg7 : memref<250x80xi32, #tpu.memory_space<vmem>>) target_semaphore(%dma_start3A_22 : memref<!tpu.dma_semaphore, #tpu.memory_space<semaphore_mem>>)
    %lt3A_27 = arith.constant 15 : i32
    %lt3A_28 = arith.cmpi slt, %arg1, %lt3A_27 : i32
    %convert_element_type3A_29 = arith.extui %lt3A_28 : i1 to i32
    %cond3A_30 = arith.constant 0 : i32
    %cond3A_31 = arith.cmpi ne, %convert_element_type3A_29, %cond3A_30 : i32
    scf.if %cond3A_31 {
      %mul3A = arith.constant 624 : i32
      %mul3A_380 = arith.muli %arg1, %mul3A : i32
      %mul3A_381 = arith.constant 624 : i32
      %mul3A_382 = arith.muli %arg1, %mul3A_381 : i32
      %dma_wait3A_383 = arith.constant 0 : i32
      %dma_wait3A_384 = tpu.memref_slice %arg9[%dma_wait3A_383] : memref<9x!tpu.dma_semaphore, #tpu.memory_space<semaphore_mem>> -> memref<1x!tpu.dma_semaphore, #tpu.memory_space<semaphore_mem>>
      %dma_wait3A_385 = tpu.memref_squeeze %dma_wait3A_384 : memref<1x!tpu.dma_semaphore, #tpu.memory_space<semaphore_mem>> -> memref<!tpu.dma_semaphore, #tpu.memory_space<semaphore_mem>>
      %dma_wait3A_386 = arith.constant 0 : i32
      %dma_wait3A_387 = tpu.memref_slice %arg11[%mul3A_382, %dma_wait3A_386] : memref<10000x64xf32, #tpu.memory_space<vmem_shared>> -> memref<624x64xf32, #tpu.memory_space<vmem_shared>>
      %dma_wait3A_388 = arith.constant 0 : i32
      %dma_wait3A_389 = tpu.memref_slice %arg2[%arg0, %mul3A_380, %dma_wait3A_388] : memref<2x10000x64xf32, #tpu.memory_space<hbm>> -> memref<1x624x64xf32, #tpu.memory_space<hbm>>
      %dma_wait3A_390 = tpu.memref_squeeze %dma_wait3A_389 : memref<1x624x64xf32, #tpu.memory_space<hbm>> -> memref<624x64xf32, #tpu.memory_space<hbm>>
      tpu.wait_dma2 semaphore(%dma_wait3A_385 : memref<!tpu.dma_semaphore, #tpu.memory_space<semaphore_mem>>) src(%dma_wait3A_390 : memref<624x64xf32, #tpu.memory_space<hbm>>) dst(%dma_wait3A_387 : memref<624x64xf32, #tpu.memory_space<vmem_shared>>)
    } else {
    }
    %eq3A_32 = arith.constant 15 : i32
    %eq3A_33 = arith.cmpi eq, %arg1, %eq3A_32 : i32
    %convert_element_type3A_34 = arith.extui %eq3A_33 : i1 to i32
    %cond3A_35 = arith.constant 0 : i32
    %cond3A_36 = arith.cmpi ne, %convert_element_type3A_34, %cond3A_35 : i32
    scf.if %cond3A_36 {
      %dma_wait3A_380 = arith.constant 0 : i32
      %dma_wait3A_381 = tpu.memref_slice %arg9[%dma_wait3A_380] : memref<9x!tpu.dma_semaphore, #tpu.memory_space<semaphore_mem>> -> memref<1x!tpu.dma_semaphore, #tpu.memory_space<semaphore_mem>>
      %dma_wait3A_382 = tpu.memref_squeeze %dma_wait3A_381 : memref<1x!tpu.dma_semaphore, #tpu.memory_space<semaphore_mem>> -> memref<!tpu.dma_semaphore, #tpu.memory_space<semaphore_mem>>
      %dma_wait3A_383 = arith.constant 9360 : i32
      %dma_wait3A_384 = arith.constant 0 : i32
      %dma_wait3A_385 = tpu.memref_slice %arg11[%dma_wait3A_383, %dma_wait3A_384] : memref<10000x64xf32, #tpu.memory_space<vmem_shared>> -> memref<640x64xf32, #tpu.memory_space<vmem_shared>>
      %dma_wait3A_386 = arith.constant 9360 : i32
      %dma_wait3A_387 = arith.constant 0 : i32
      %dma_wait3A_388 = tpu.memref_slice %arg2[%arg0, %dma_wait3A_386, %dma_wait3A_387] : memref<2x10000x64xf32, #tpu.memory_space<hbm>> -> memref<1x640x64xf32, #tpu.memory_space<hbm>>
      %dma_wait3A_389 = tpu.memref_squeeze %dma_wait3A_388 : memref<1x640x64xf32, #tpu.memory_space<hbm>> -> memref<640x64xf32, #tpu.memory_space<hbm>>
      tpu.wait_dma2 semaphore(%dma_wait3A_382 : memref<!tpu.dma_semaphore, #tpu.memory_space<semaphore_mem>>) src(%dma_wait3A_389 : memref<640x64xf32, #tpu.memory_space<hbm>>) dst(%dma_wait3A_385 : memref<640x64xf32, #tpu.memory_space<vmem_shared>>)
    } else {
    }
    %dma_wait3A = arith.constant 1 : i32
    %dma_wait3A_37 = arith.constant 0 : i32
    %dma_wait3A_38 = arith.constant 0 : i32
    %dma_wait3A_39 = tpu.memref_slice %arg3[%arg1, %dma_wait3A_37, %dma_wait3A_38] : memref<16x250x80xi32, #tpu.memory_space<hbm>> -> memref<1x250x80xi32, #tpu.memory_space<hbm>>
    %dma_wait3A_40 = tpu.memref_squeeze %dma_wait3A_39 : memref<1x250x80xi32, #tpu.memory_space<hbm>> -> memref<250x80xi32, #tpu.memory_space<hbm>>
    %dma_wait3A_41 = tpu.memref_slice %arg9[%dma_wait3A] : memref<9x!tpu.dma_semaphore, #tpu.memory_space<semaphore_mem>> -> memref<1x!tpu.dma_semaphore, #tpu.memory_space<semaphore_mem>>
    %dma_wait3A_42 = tpu.memref_squeeze %dma_wait3A_41 : memref<1x!tpu.dma_semaphore, #tpu.memory_space<semaphore_mem>> -> memref<!tpu.dma_semaphore, #tpu.memory_space<semaphore_mem>>
    %dma_wait3A_43 = arith.constant 0 : i32
    %dma_wait3A_44 = arith.constant 0 : i32
    %dma_wait3A_45 = tpu.memref_slice %arg3[%arg1, %dma_wait3A_43, %dma_wait3A_44] : memref<16x250x80xi32, #tpu.memory_space<hbm>> -> memref<1x250x80xi32, #tpu.memory_space<hbm>>
    %dma_wait3A_46 = tpu.memref_squeeze %dma_wait3A_45 : memref<1x250x80xi32, #tpu.memory_space<hbm>> -> memref<250x80xi32, #tpu.memory_space<hbm>>
    tpu.wait_dma2 semaphore(%dma_wait3A_42 : memref<!tpu.dma_semaphore, #tpu.memory_space<semaphore_mem>>) src(%dma_wait3A_46 : memref<250x80xi32, #tpu.memory_space<hbm>>) dst(%arg6 : memref<250x80xi32, #tpu.memory_space<vmem>>)
    %dma_wait3A_47 = arith.constant 2 : i32
    %dma_wait3A_48 = arith.constant 0 : i32
    %dma_wait3A_49 = arith.constant 0 : i32
    %dma_wait3A_50 = tpu.memref_slice %arg4[%arg1, %dma_wait3A_48, %dma_wait3A_49] : memref<16x250x80xi32, #tpu.memory_space<hbm>> -> memref<1x250x80xi32, #tpu.memory_space<hbm>>
    %dma_wait3A_51 = tpu.memref_squeeze %dma_wait3A_50 : memref<1x250x80xi32, #tpu.memory_space<hbm>> -> memref<250x80xi32, #tpu.memory_space<hbm>>
    %dma_wait3A_52 = tpu.memref_slice %arg9[%dma_wait3A_47] : memref<9x!tpu.dma_semaphore, #tpu.memory_space<semaphore_mem>> -> memref<1x!tpu.dma_semaphore, #tpu.memory_space<semaphore_mem>>
    %dma_wait3A_53 = tpu.memref_squeeze %dma_wait3A_52 : memref<1x!tpu.dma_semaphore, #tpu.memory_space<semaphore_mem>> -> memref<!tpu.dma_semaphore, #tpu.memory_space<semaphore_mem>>
    %dma_wait3A_54 = arith.constant 0 : i32
    %dma_wait3A_55 = arith.constant 0 : i32
    %dma_wait3A_56 = tpu.memref_slice %arg4[%arg1, %dma_wait3A_54, %dma_wait3A_55] : memref<16x250x80xi32, #tpu.memory_space<hbm>> -> memref<1x250x80xi32, #tpu.memory_space<hbm>>
    %dma_wait3A_57 = tpu.memref_squeeze %dma_wait3A_56 : memref<1x250x80xi32, #tpu.memory_space<hbm>> -> memref<250x80xi32, #tpu.memory_space<hbm>>
    tpu.wait_dma2 semaphore(%dma_wait3A_53 : memref<!tpu.dma_semaphore, #tpu.memory_space<semaphore_mem>>) src(%dma_wait3A_57 : memref<250x80xi32, #tpu.memory_space<hbm>>) dst(%arg7 : memref<250x80xi32, #tpu.memory_space<vmem>>)
    %barrier3A = arith.constant 0 : index
    tpu.barrier barrier_id(%barrier3A)
    %dma_start3A_58 = arith.constant 0 : i32
    %dma_start3A_59 = arith.constant 0 : i32
    %dma_start3A_60 = arith.constant 0 : i32
    %dma_start3A_61 = arith.constant 0 : i32
    %dma_start3A_62 = arith.constant 0 : i32
    %dma_start3A_63 = tpu.memref_slice %arg8[%dma_start3A_59, %dma_start3A_61, %dma_start3A_62] : memref<9x80x64xf32, #tpu.memory_space<vmem>> -> memref<1x80x64xf32, #tpu.memory_space<vmem>>
    %dma_start3A_64 = tpu.memref_squeeze %dma_start3A_63 : memref<1x80x64xf32, #tpu.memory_space<vmem>> -> memref<80x64xf32, #tpu.memory_space<vmem>>
    %dma_start3A_65 = arith.constant 0 : i32
    %dma_start3A_66 = tpu.memref_slice %arg6[%dma_start3A_58, %dma_start3A_65] : memref<250x80xi32, #tpu.memory_space<vmem>> -> memref<1x80xi32, #tpu.memory_space<vmem>>
    %dma_start3A_67 = tpu.memref_squeeze %dma_start3A_66 : memref<1x80xi32, #tpu.memory_space<vmem>> -> memref<80xi32, #tpu.memory_space<vmem>>
    %dma_start3A_68 = arith.constant 0 : i32
    %dma_start3A_69 = arith.constant 0 : i32
    %dma_start3A_70 = tpu.memref_slice %arg2[%arg0, %dma_start3A_68, %dma_start3A_69] : memref<2x10000x64xf32, #tpu.memory_space<hbm>> -> memref<1x10000x64xf32, #tpu.memory_space<hbm>>
    %dma_start3A_71 = tpu.memref_squeeze %dma_start3A_70 : memref<1x10000x64xf32, #tpu.memory_space<hbm>> -> memref<10000x64xf32, #tpu.memory_space<hbm>>
    %dma_start3A_72 = arith.constant 0 : i32
    %dma_start3A_73 = arith.constant 0 : i32
    %dma_start3A_74 = tpu.memref_slice %dma_start3A_71[%dma_start3A_72, %dma_start3A_73] : memref<10000x64xf32, #tpu.memory_space<hbm>> -> memref<10000x64xf32, #tpu.memory_space<hbm>>
    %dma_start3A_75 = tpu.memref_slice %arg9[%dma_start3A_60] : memref<9x!tpu.dma_semaphore, #tpu.memory_space<semaphore_mem>> -> memref<1x!tpu.dma_semaphore, #tpu.memory_space<semaphore_mem>>
    %dma_start3A_76 = tpu.memref_squeeze %dma_start3A_75 : memref<1x!tpu.dma_semaphore, #tpu.memory_space<semaphore_mem>> -> memref<!tpu.dma_semaphore, #tpu.memory_space<semaphore_mem>>
    tpu.enqueue_indirect_dma source(%dma_start3A_74 : memref<10000x64xf32, #tpu.memory_space<hbm>>) target(%dma_start3A_64 : memref<80x64xf32, #tpu.memory_space<vmem>>) offsets(%dma_start3A_67 : memref<80xi32, #tpu.memory_space<vmem>>) semaphore(%dma_start3A_76 : memref<!tpu.dma_semaphore, #tpu.memory_space<semaphore_mem>>)
    %dma_start3A_77 = arith.constant 1 : i32
    %dma_start3A_78 = arith.constant 1 : i32
    %dma_start3A_79 = arith.constant 1 : i32
    %dma_start3A_80 = arith.constant 0 : i32
    %dma_start3A_81 = arith.constant 0 : i32
    %dma_start3A_82 = tpu.memref_slice %arg8[%dma_start3A_78, %dma_start3A_80, %dma_start3A_81] : memref<9x80x64xf32, #tpu.memory_space<vmem>> -> memref<1x80x64xf32, #tpu.memory_space<vmem>>
    %dma_start3A_83 = tpu.memref_squeeze %dma_start3A_82 : memref<1x80x64xf32, #tpu.memory_space<vmem>> -> memref<80x64xf32, #tpu.memory_space<vmem>>
    %dma_start3A_84 = arith.constant 0 : i32
    %dma_start3A_85 = tpu.memref_slice %arg6[%dma_start3A_77, %dma_start3A_84] : memref<250x80xi32, #tpu.memory_space<vmem>> -> memref<1x80xi32, #tpu.memory_space<vmem>>
    %dma_start3A_86 = tpu.memref_squeeze %dma_start3A_85 : memref<1x80xi32, #tpu.memory_space<vmem>> -> memref<80xi32, #tpu.memory_space<vmem>>
    %dma_start3A_87 = arith.constant 0 : i32
    %dma_start3A_88 = arith.constant 0 : i32
    %dma_start3A_89 = tpu.memref_slice %arg2[%arg0, %dma_start3A_87, %dma_start3A_88] : memref<2x10000x64xf32, #tpu.memory_space<hbm>> -> memref<1x10000x64xf32, #tpu.memory_space<hbm>>
    %dma_start3A_90 = tpu.memref_squeeze %dma_start3A_89 : memref<1x10000x64xf32, #tpu.memory_space<hbm>> -> memref<10000x64xf32, #tpu.memory_space<hbm>>
    %dma_start3A_91 = arith.constant 0 : i32
    %dma_start3A_92 = arith.constant 0 : i32
    %dma_start3A_93 = tpu.memref_slice %dma_start3A_90[%dma_start3A_91, %dma_start3A_92] : memref<10000x64xf32, #tpu.memory_space<hbm>> -> memref<10000x64xf32, #tpu.memory_space<hbm>>
    %dma_start3A_94 = tpu.memref_slice %arg9[%dma_start3A_79] : memref<9x!tpu.dma_semaphore, #tpu.memory_space<semaphore_mem>> -> memref<1x!tpu.dma_semaphore, #tpu.memory_space<semaphore_mem>>
    %dma_start3A_95 = tpu.memref_squeeze %dma_start3A_94 : memref<1x!tpu.dma_semaphore, #tpu.memory_space<semaphore_mem>> -> memref<!tpu.dma_semaphore, #tpu.memory_space<semaphore_mem>>
    tpu.enqueue_indirect_dma source(%dma_start3A_93 : memref<10000x64xf32, #tpu.memory_space<hbm>>) target(%dma_start3A_83 : memref<80x64xf32, #tpu.memory_space<vmem>>) offsets(%dma_start3A_86 : memref<80xi32, #tpu.memory_space<vmem>>) semaphore(%dma_start3A_95 : memref<!tpu.dma_semaphore, #tpu.memory_space<semaphore_mem>>)
    %dma_start3A_96 = arith.constant 2 : i32
    %dma_start3A_97 = arith.constant 2 : i32
    %dma_start3A_98 = arith.constant 2 : i32
    %dma_start3A_99 = arith.constant 0 : i32
    %dma_start3A_100 = arith.constant 0 : i32
    %dma_start3A_101 = tpu.memref_slice %arg8[%dma_start3A_97, %dma_start3A_99, %dma_start3A_100] : memref<9x80x64xf32, #tpu.memory_space<vmem>> -> memref<1x80x64xf32, #tpu.memory_space<vmem>>
    %dma_start3A_102 = tpu.memref_squeeze %dma_start3A_101 : memref<1x80x64xf32, #tpu.memory_space<vmem>> -> memref<80x64xf32, #tpu.memory_space<vmem>>
    %dma_start3A_103 = arith.constant 0 : i32
    %dma_start3A_104 = tpu.memref_slice %arg6[%dma_start3A_96, %dma_start3A_103] : memref<250x80xi32, #tpu.memory_space<vmem>> -> memref<1x80xi32, #tpu.memory_space<vmem>>
    %dma_start3A_105 = tpu.memref_squeeze %dma_start3A_104 : memref<1x80xi32, #tpu.memory_space<vmem>> -> memref<80xi32, #tpu.memory_space<vmem>>
    %dma_start3A_106 = arith.constant 0 : i32
    %dma_start3A_107 = arith.constant 0 : i32
    %dma_start3A_108 = tpu.memref_slice %arg2[%arg0, %dma_start3A_106, %dma_start3A_107] : memref<2x10000x64xf32, #tpu.memory_space<hbm>> -> memref<1x10000x64xf32, #tpu.memory_space<hbm>>
    %dma_start3A_109 = tpu.memref_squeeze %dma_start3A_108 : memref<1x10000x64xf32, #tpu.memory_space<hbm>> -> memref<10000x64xf32, #tpu.memory_space<hbm>>
    %dma_start3A_110 = arith.constant 0 : i32
    %dma_start3A_111 = arith.constant 0 : i32
    %dma_start3A_112 = tpu.memref_slice %dma_start3A_109[%dma_start3A_110, %dma_start3A_111] : memref<10000x64xf32, #tpu.memory_space<hbm>> -> memref<10000x64xf32, #tpu.memory_space<hbm>>
    %dma_start3A_113 = tpu.memref_slice %arg9[%dma_start3A_98] : memref<9x!tpu.dma_semaphore, #tpu.memory_space<semaphore_mem>> -> memref<1x!tpu.dma_semaphore, #tpu.memory_space<semaphore_mem>>
    %dma_start3A_114 = tpu.memref_squeeze %dma_start3A_113 : memref<1x!tpu.dma_semaphore, #tpu.memory_space<semaphore_mem>> -> memref<!tpu.dma_semaphore, #tpu.memory_space<semaphore_mem>>
    tpu.enqueue_indirect_dma source(%dma_start3A_112 : memref<10000x64xf32, #tpu.memory_space<hbm>>) target(%dma_start3A_102 : memref<80x64xf32, #tpu.memory_space<vmem>>) offsets(%dma_start3A_105 : memref<80xi32, #tpu.memory_space<vmem>>) semaphore(%dma_start3A_114 : memref<!tpu.dma_semaphore, #tpu.memory_space<semaphore_mem>>)
    %dma_start3A_115 = arith.constant 3 : i32
    %dma_start3A_116 = arith.constant 3 : i32
    %dma_start3A_117 = arith.constant 3 : i32
    %dma_start3A_118 = arith.constant 0 : i32
    %dma_start3A_119 = arith.constant 0 : i32
    %dma_start3A_120 = tpu.memref_slice %arg8[%dma_start3A_116, %dma_start3A_118, %dma_start3A_119] : memref<9x80x64xf32, #tpu.memory_space<vmem>> -> memref<1x80x64xf32, #tpu.memory_space<vmem>>
    %dma_start3A_121 = tpu.memref_squeeze %dma_start3A_120 : memref<1x80x64xf32, #tpu.memory_space<vmem>> -> memref<80x64xf32, #tpu.memory_space<vmem>>
    %dma_start3A_122 = arith.constant 0 : i32
    %dma_start3A_123 = tpu.memref_slice %arg6[%dma_start3A_115, %dma_start3A_122] : memref<250x80xi32, #tpu.memory_space<vmem>> -> memref<1x80xi32, #tpu.memory_space<vmem>>
    %dma_start3A_124 = tpu.memref_squeeze %dma_start3A_123 : memref<1x80xi32, #tpu.memory_space<vmem>> -> memref<80xi32, #tpu.memory_space<vmem>>
    %dma_start3A_125 = arith.constant 0 : i32
    %dma_start3A_126 = arith.constant 0 : i32
    %dma_start3A_127 = tpu.memref_slice %arg2[%arg0, %dma_start3A_125, %dma_start3A_126] : memref<2x10000x64xf32, #tpu.memory_space<hbm>> -> memref<1x10000x64xf32, #tpu.memory_space<hbm>>
    %dma_start3A_128 = tpu.memref_squeeze %dma_start3A_127 : memref<1x10000x64xf32, #tpu.memory_space<hbm>> -> memref<10000x64xf32, #tpu.memory_space<hbm>>
    %dma_start3A_129 = arith.constant 0 : i32
    %dma_start3A_130 = arith.constant 0 : i32
    %dma_start3A_131 = tpu.memref_slice %dma_start3A_128[%dma_start3A_129, %dma_start3A_130] : memref<10000x64xf32, #tpu.memory_space<hbm>> -> memref<10000x64xf32, #tpu.memory_space<hbm>>
    %dma_start3A_132 = tpu.memref_slice %arg9[%dma_start3A_117] : memref<9x!tpu.dma_semaphore, #tpu.memory_space<semaphore_mem>> -> memref<1x!tpu.dma_semaphore, #tpu.memory_space<semaphore_mem>>
    %dma_start3A_133 = tpu.memref_squeeze %dma_start3A_132 : memref<1x!tpu.dma_semaphore, #tpu.memory_space<semaphore_mem>> -> memref<!tpu.dma_semaphore, #tpu.memory_space<semaphore_mem>>
    tpu.enqueue_indirect_dma source(%dma_start3A_131 : memref<10000x64xf32, #tpu.memory_space<hbm>>) target(%dma_start3A_121 : memref<80x64xf32, #tpu.memory_space<vmem>>) offsets(%dma_start3A_124 : memref<80xi32, #tpu.memory_space<vmem>>) semaphore(%dma_start3A_133 : memref<!tpu.dma_semaphore, #tpu.memory_space<semaphore_mem>>)
    %dma_start3A_134 = arith.constant 4 : i32
    %dma_start3A_135 = arith.constant 4 : i32
    %dma_start3A_136 = arith.constant 4 : i32
    %dma_start3A_137 = arith.constant 0 : i32
    %dma_start3A_138 = arith.constant 0 : i32
    %dma_start3A_139 = tpu.memref_slice %arg8[%dma_start3A_135, %dma_start3A_137, %dma_start3A_138] : memref<9x80x64xf32, #tpu.memory_space<vmem>> -> memref<1x80x64xf32, #tpu.memory_space<vmem>>
    %dma_start3A_140 = tpu.memref_squeeze %dma_start3A_139 : memref<1x80x64xf32, #tpu.memory_space<vmem>> -> memref<80x64xf32, #tpu.memory_space<vmem>>
    %dma_start3A_141 = arith.constant 0 : i32
    %dma_start3A_142 = tpu.memref_slice %arg6[%dma_start3A_134, %dma_start3A_141] : memref<250x80xi32, #tpu.memory_space<vmem>> -> memref<1x80xi32, #tpu.memory_space<vmem>>
    %dma_start3A_143 = tpu.memref_squeeze %dma_start3A_142 : memref<1x80xi32, #tpu.memory_space<vmem>> -> memref<80xi32, #tpu.memory_space<vmem>>
    %dma_start3A_144 = arith.constant 0 : i32
    %dma_start3A_145 = arith.constant 0 : i32
    %dma_start3A_146 = tpu.memref_slice %arg2[%arg0, %dma_start3A_144, %dma_start3A_145] : memref<2x10000x64xf32, #tpu.memory_space<hbm>> -> memref<1x10000x64xf32, #tpu.memory_space<hbm>>
    %dma_start3A_147 = tpu.memref_squeeze %dma_start3A_146 : memref<1x10000x64xf32, #tpu.memory_space<hbm>> -> memref<10000x64xf32, #tpu.memory_space<hbm>>
    %dma_start3A_148 = arith.constant 0 : i32
    %dma_start3A_149 = arith.constant 0 : i32
    %dma_start3A_150 = tpu.memref_slice %dma_start3A_147[%dma_start3A_148, %dma_start3A_149] : memref<10000x64xf32, #tpu.memory_space<hbm>> -> memref<10000x64xf32, #tpu.memory_space<hbm>>
    %dma_start3A_151 = tpu.memref_slice %arg9[%dma_start3A_136] : memref<9x!tpu.dma_semaphore, #tpu.memory_space<semaphore_mem>> -> memref<1x!tpu.dma_semaphore, #tpu.memory_space<semaphore_mem>>
    %dma_start3A_152 = tpu.memref_squeeze %dma_start3A_151 : memref<1x!tpu.dma_semaphore, #tpu.memory_space<semaphore_mem>> -> memref<!tpu.dma_semaphore, #tpu.memory_space<semaphore_mem>>
    tpu.enqueue_indirect_dma source(%dma_start3A_150 : memref<10000x64xf32, #tpu.memory_space<hbm>>) target(%dma_start3A_140 : memref<80x64xf32, #tpu.memory_space<vmem>>) offsets(%dma_start3A_143 : memref<80xi32, #tpu.memory_space<vmem>>) semaphore(%dma_start3A_152 : memref<!tpu.dma_semaphore, #tpu.memory_space<semaphore_mem>>)
    %dma_start3A_153 = arith.constant 5 : i32
    %dma_start3A_154 = arith.constant 5 : i32
    %dma_start3A_155 = arith.constant 5 : i32
    %dma_start3A_156 = arith.constant 0 : i32
    %dma_start3A_157 = arith.constant 0 : i32
    %dma_start3A_158 = tpu.memref_slice %arg8[%dma_start3A_154, %dma_start3A_156, %dma_start3A_157] : memref<9x80x64xf32, #tpu.memory_space<vmem>> -> memref<1x80x64xf32, #tpu.memory_space<vmem>>
    %dma_start3A_159 = tpu.memref_squeeze %dma_start3A_158 : memref<1x80x64xf32, #tpu.memory_space<vmem>> -> memref<80x64xf32, #tpu.memory_space<vmem>>
    %dma_start3A_160 = arith.constant 0 : i32
    %dma_start3A_161 = tpu.memref_slice %arg6[%dma_start3A_153, %dma_start3A_160] : memref<250x80xi32, #tpu.memory_space<vmem>> -> memref<1x80xi32, #tpu.memory_space<vmem>>
    %dma_start3A_162 = tpu.memref_squeeze %dma_start3A_161 : memref<1x80xi32, #tpu.memory_space<vmem>> -> memref<80xi32, #tpu.memory_space<vmem>>
    %dma_start3A_163 = arith.constant 0 : i32
    %dma_start3A_164 = arith.constant 0 : i32
    %dma_start3A_165 = tpu.memref_slice %arg2[%arg0, %dma_start3A_163, %dma_start3A_164] : memref<2x10000x64xf32, #tpu.memory_space<hbm>> -> memref<1x10000x64xf32, #tpu.memory_space<hbm>>
    %dma_start3A_166 = tpu.memref_squeeze %dma_start3A_165 : memref<1x10000x64xf32, #tpu.memory_space<hbm>> -> memref<10000x64xf32, #tpu.memory_space<hbm>>
    %dma_start3A_167 = arith.constant 0 : i32
    %dma_start3A_168 = arith.constant 0 : i32
    %dma_start3A_169 = tpu.memref_slice %dma_start3A_166[%dma_start3A_167, %dma_start3A_168] : memref<10000x64xf32, #tpu.memory_space<hbm>> -> memref<10000x64xf32, #tpu.memory_space<hbm>>
    %dma_start3A_170 = tpu.memref_slice %arg9[%dma_start3A_155] : memref<9x!tpu.dma_semaphore, #tpu.memory_space<semaphore_mem>> -> memref<1x!tpu.dma_semaphore, #tpu.memory_space<semaphore_mem>>
    %dma_start3A_171 = tpu.memref_squeeze %dma_start3A_170 : memref<1x!tpu.dma_semaphore, #tpu.memory_space<semaphore_mem>> -> memref<!tpu.dma_semaphore, #tpu.memory_space<semaphore_mem>>
    tpu.enqueue_indirect_dma source(%dma_start3A_169 : memref<10000x64xf32, #tpu.memory_space<hbm>>) target(%dma_start3A_159 : memref<80x64xf32, #tpu.memory_space<vmem>>) offsets(%dma_start3A_162 : memref<80xi32, #tpu.memory_space<vmem>>) semaphore(%dma_start3A_171 : memref<!tpu.dma_semaphore, #tpu.memory_space<semaphore_mem>>)
    %dma_start3A_172 = arith.constant 6 : i32
    %dma_start3A_173 = arith.constant 6 : i32
    %dma_start3A_174 = arith.constant 6 : i32
    %dma_start3A_175 = arith.constant 0 : i32
    %dma_start3A_176 = arith.constant 0 : i32
    %dma_start3A_177 = tpu.memref_slice %arg8[%dma_start3A_173, %dma_start3A_175, %dma_start3A_176] : memref<9x80x64xf32, #tpu.memory_space<vmem>> -> memref<1x80x64xf32, #tpu.memory_space<vmem>>
    %dma_start3A_178 = tpu.memref_squeeze %dma_start3A_177 : memref<1x80x64xf32, #tpu.memory_space<vmem>> -> memref<80x64xf32, #tpu.memory_space<vmem>>
    %dma_start3A_179 = arith.constant 0 : i32
    %dma_start3A_180 = tpu.memref_slice %arg6[%dma_start3A_172, %dma_start3A_179] : memref<250x80xi32, #tpu.memory_space<vmem>> -> memref<1x80xi32, #tpu.memory_space<vmem>>
    %dma_start3A_181 = tpu.memref_squeeze %dma_start3A_180 : memref<1x80xi32, #tpu.memory_space<vmem>> -> memref<80xi32, #tpu.memory_space<vmem>>
    %dma_start3A_182 = arith.constant 0 : i32
    %dma_start3A_183 = arith.constant 0 : i32
    %dma_start3A_184 = tpu.memref_slice %arg2[%arg0, %dma_start3A_182, %dma_start3A_183] : memref<2x10000x64xf32, #tpu.memory_space<hbm>> -> memref<1x10000x64xf32, #tpu.memory_space<hbm>>
    %dma_start3A_185 = tpu.memref_squeeze %dma_start3A_184 : memref<1x10000x64xf32, #tpu.memory_space<hbm>> -> memref<10000x64xf32, #tpu.memory_space<hbm>>
    %dma_start3A_186 = arith.constant 0 : i32
    %dma_start3A_187 = arith.constant 0 : i32
    %dma_start3A_188 = tpu.memref_slice %dma_start3A_185[%dma_start3A_186, %dma_start3A_187] : memref<10000x64xf32, #tpu.memory_space<hbm>> -> memref<10000x64xf32, #tpu.memory_space<hbm>>
    %dma_start3A_189 = tpu.memref_slice %arg9[%dma_start3A_174] : memref<9x!tpu.dma_semaphore, #tpu.memory_space<semaphore_mem>> -> memref<1x!tpu.dma_semaphore, #tpu.memory_space<semaphore_mem>>
    %dma_start3A_190 = tpu.memref_squeeze %dma_start3A_189 : memref<1x!tpu.dma_semaphore, #tpu.memory_space<semaphore_mem>> -> memref<!tpu.dma_semaphore, #tpu.memory_space<semaphore_mem>>
    tpu.enqueue_indirect_dma source(%dma_start3A_188 : memref<10000x64xf32, #tpu.memory_space<hbm>>) target(%dma_start3A_178 : memref<80x64xf32, #tpu.memory_space<vmem>>) offsets(%dma_start3A_181 : memref<80xi32, #tpu.memory_space<vmem>>) semaphore(%dma_start3A_190 : memref<!tpu.dma_semaphore, #tpu.memory_space<semaphore_mem>>)
    %dma_start3A_191 = arith.constant 7 : i32
    %dma_start3A_192 = arith.constant 7 : i32
    %dma_start3A_193 = arith.constant 7 : i32
    %dma_start3A_194 = arith.constant 0 : i32
    %dma_start3A_195 = arith.constant 0 : i32
    %dma_start3A_196 = tpu.memref_slice %arg8[%dma_start3A_192, %dma_start3A_194, %dma_start3A_195] : memref<9x80x64xf32, #tpu.memory_space<vmem>> -> memref<1x80x64xf32, #tpu.memory_space<vmem>>
    %dma_start3A_197 = tpu.memref_squeeze %dma_start3A_196 : memref<1x80x64xf32, #tpu.memory_space<vmem>> -> memref<80x64xf32, #tpu.memory_space<vmem>>
    %dma_start3A_198 = arith.constant 0 : i32
    %dma_start3A_199 = tpu.memref_slice %arg6[%dma_start3A_191, %dma_start3A_198] : memref<250x80xi32, #tpu.memory_space<vmem>> -> memref<1x80xi32, #tpu.memory_space<vmem>>
    %dma_start3A_200 = tpu.memref_squeeze %dma_start3A_199 : memref<1x80xi32, #tpu.memory_space<vmem>> -> memref<80xi32, #tpu.memory_space<vmem>>
    %dma_start3A_201 = arith.constant 0 : i32
    %dma_start3A_202 = arith.constant 0 : i32
    %dma_start3A_203 = tpu.memref_slice %arg2[%arg0, %dma_start3A_201, %dma_start3A_202] : memref<2x10000x64xf32, #tpu.memory_space<hbm>> -> memref<1x10000x64xf32, #tpu.memory_space<hbm>>
    %dma_start3A_204 = tpu.memref_squeeze %dma_start3A_203 : memref<1x10000x64xf32, #tpu.memory_space<hbm>> -> memref<10000x64xf32, #tpu.memory_space<hbm>>
    %dma_start3A_205 = arith.constant 0 : i32
    %dma_start3A_206 = arith.constant 0 : i32
    %dma_start3A_207 = tpu.memref_slice %dma_start3A_204[%dma_start3A_205, %dma_start3A_206] : memref<10000x64xf32, #tpu.memory_space<hbm>> -> memref<10000x64xf32, #tpu.memory_space<hbm>>
    %dma_start3A_208 = tpu.memref_slice %arg9[%dma_start3A_193] : memref<9x!tpu.dma_semaphore, #tpu.memory_space<semaphore_mem>> -> memref<1x!tpu.dma_semaphore, #tpu.memory_space<semaphore_mem>>
    %dma_start3A_209 = tpu.memref_squeeze %dma_start3A_208 : memref<1x!tpu.dma_semaphore, #tpu.memory_space<semaphore_mem>> -> memref<!tpu.dma_semaphore, #tpu.memory_space<semaphore_mem>>
    tpu.enqueue_indirect_dma source(%dma_start3A_207 : memref<10000x64xf32, #tpu.memory_space<hbm>>) target(%dma_start3A_197 : memref<80x64xf32, #tpu.memory_space<vmem>>) offsets(%dma_start3A_200 : memref<80xi32, #tpu.memory_space<vmem>>) semaphore(%dma_start3A_209 : memref<!tpu.dma_semaphore, #tpu.memory_space<semaphore_mem>>)
    %dma_start3A_210 = arith.constant 8 : i32
    %dma_start3A_211 = arith.constant 8 : i32
    %dma_start3A_212 = arith.constant 8 : i32
    %dma_start3A_213 = arith.constant 0 : i32
    %dma_start3A_214 = arith.constant 0 : i32
    %dma_start3A_215 = tpu.memref_slice %arg8[%dma_start3A_211, %dma_start3A_213, %dma_start3A_214] : memref<9x80x64xf32, #tpu.memory_space<vmem>> -> memref<1x80x64xf32, #tpu.memory_space<vmem>>
    %dma_start3A_216 = tpu.memref_squeeze %dma_start3A_215 : memref<1x80x64xf32, #tpu.memory_space<vmem>> -> memref<80x64xf32, #tpu.memory_space<vmem>>
    %dma_start3A_217 = arith.constant 0 : i32
    %dma_start3A_218 = tpu.memref_slice %arg6[%dma_start3A_210, %dma_start3A_217] : memref<250x80xi32, #tpu.memory_space<vmem>> -> memref<1x80xi32, #tpu.memory_space<vmem>>
    %dma_start3A_219 = tpu.memref_squeeze %dma_start3A_218 : memref<1x80xi32, #tpu.memory_space<vmem>> -> memref<80xi32, #tpu.memory_space<vmem>>
    %dma_start3A_220 = arith.constant 0 : i32
    %dma_start3A_221 = arith.constant 0 : i32
    %dma_start3A_222 = tpu.memref_slice %arg2[%arg0, %dma_start3A_220, %dma_start3A_221] : memref<2x10000x64xf32, #tpu.memory_space<hbm>> -> memref<1x10000x64xf32, #tpu.memory_space<hbm>>
    %dma_start3A_223 = tpu.memref_squeeze %dma_start3A_222 : memref<1x10000x64xf32, #tpu.memory_space<hbm>> -> memref<10000x64xf32, #tpu.memory_space<hbm>>
    %dma_start3A_224 = arith.constant 0 : i32
    %dma_start3A_225 = arith.constant 0 : i32
    %dma_start3A_226 = tpu.memref_slice %dma_start3A_223[%dma_start3A_224, %dma_start3A_225] : memref<10000x64xf32, #tpu.memory_space<hbm>> -> memref<10000x64xf32, #tpu.memory_space<hbm>>
    %dma_start3A_227 = tpu.memref_slice %arg9[%dma_start3A_212] : memref<9x!tpu.dma_semaphore, #tpu.memory_space<semaphore_mem>> -> memref<1x!tpu.dma_semaphore, #tpu.memory_space<semaphore_mem>>
    %dma_start3A_228 = tpu.memref_squeeze %dma_start3A_227 : memref<1x!tpu.dma_semaphore, #tpu.memory_space<semaphore_mem>> -> memref<!tpu.dma_semaphore, #tpu.memory_space<semaphore_mem>>
    tpu.enqueue_indirect_dma source(%dma_start3A_226 : memref<10000x64xf32, #tpu.memory_space<hbm>>) target(%dma_start3A_216 : memref<80x64xf32, #tpu.memory_space<vmem>>) offsets(%dma_start3A_219 : memref<80xi32, #tpu.memory_space<vmem>>) semaphore(%dma_start3A_228 : memref<!tpu.dma_semaphore, #tpu.memory_space<semaphore_mem>>)
    %scan3A = arith.constant 0 : i32
    %scan3A_229 = arith.constant 0 : i32
    %scan3A_230 = arith.constant 28 : i32
    %scan3A_231 = arith.addi %scan3A_229, %scan3A_230 : i32
    %scan3A_232 = arith.constant 1 : i32
    scf.for %scan3A_380 = %scan3A_229 to %scan3A_231 step %scan3A_232  : i32 {
      %mul3A = arith.constant 9 : i32
      %mul3A_381 = arith.muli %scan3A_380, %mul3A : i32
      %add3A = arith.constant 0 : i32
      %add3A_382 = arith.addi %mul3A_381, %add3A : i32
      %lt3A_383 = arith.constant 250 : i32
      %lt3A_384 = arith.cmpi slt, %add3A_382, %lt3A_383 : i32
      %convert_element_type3A_385 = arith.extui %lt3A_384 : i1 to i32
      %cond3A_386 = arith.constant 0 : i32
      %cond3A_387 = arith.cmpi ne, %convert_element_type3A_385, %cond3A_386 : i32
      scf.if %cond3A_387 {
        %dma_wait3A_559 = arith.constant 0 : i32
        %dma_wait3A_560 = arith.constant 0 : i32
        %dma_wait3A_561 = arith.constant 0 : i32
        %dma_wait3A_562 = arith.constant 0 : i32
        %dma_wait3A_563 = tpu.memref_slice %arg8[%dma_wait3A_559, %dma_wait3A_561, %dma_wait3A_562] : memref<9x80x64xf32, #tpu.memory_space<vmem>> -> memref<1x80x64xf32, #tpu.memory_space<vmem>>
        %dma_wait3A_564 = tpu.memref_squeeze %dma_wait3A_563 : memref<1x80x64xf32, #tpu.memory_space<vmem>> -> memref<80x64xf32, #tpu.memory_space<vmem>>
        %dma_wait3A_565 = arith.constant 0 : i32
        %dma_wait3A_566 = tpu.memref_slice %arg6[%add3A_382, %dma_wait3A_565] : memref<250x80xi32, #tpu.memory_space<vmem>> -> memref<1x80xi32, #tpu.memory_space<vmem>>
        %dma_wait3A_567 = tpu.memref_squeeze %dma_wait3A_566 : memref<1x80xi32, #tpu.memory_space<vmem>> -> memref<80xi32, #tpu.memory_space<vmem>>
        %dma_wait3A_568 = arith.constant 0 : i32
        %dma_wait3A_569 = arith.constant 0 : i32
        %dma_wait3A_570 = tpu.memref_slice %arg2[%arg0, %dma_wait3A_568, %dma_wait3A_569] : memref<2x10000x64xf32, #tpu.memory_space<hbm>> -> memref<1x10000x64xf32, #tpu.memory_space<hbm>>
        %dma_wait3A_571 = tpu.memref_squeeze %dma_wait3A_570 : memref<1x10000x64xf32, #tpu.memory_space<hbm>> -> memref<10000x64xf32, #tpu.memory_space<hbm>>
        %dma_wait3A_572 = arith.constant 0 : i32
        %dma_wait3A_573 = arith.constant 0 : i32
        %dma_wait3A_574 = tpu.memref_slice %dma_wait3A_571[%dma_wait3A_572, %dma_wait3A_573] : memref<10000x64xf32, #tpu.memory_space<hbm>> -> memref<10000x64xf32, #tpu.memory_space<hbm>>
        %dma_wait3A_575 = tpu.memref_slice %arg9[%dma_wait3A_560] : memref<9x!tpu.dma_semaphore, #tpu.memory_space<semaphore_mem>> -> memref<1x!tpu.dma_semaphore, #tpu.memory_space<semaphore_mem>>
        %dma_wait3A_576 = tpu.memref_squeeze %dma_wait3A_575 : memref<1x!tpu.dma_semaphore, #tpu.memory_space<semaphore_mem>> -> memref<!tpu.dma_semaphore, #tpu.memory_space<semaphore_mem>>
        tpu.wait_indirect_dma semaphore(%dma_wait3A_576 : memref<!tpu.dma_semaphore, #tpu.memory_space<semaphore_mem>>) src(%dma_wait3A_574 : memref<10000x64xf32, #tpu.memory_space<hbm>>) dst(%dma_wait3A_564 : memref<80x64xf32, #tpu.memory_space<vmem>>)
        %dma_start3A_577 = arith.constant 0 : i32
        %dma_start3A_578 = arith.constant 0 : i32
        %dma_start3A_579 = arith.constant 0 : i32
        %dma_start3A_580 = arith.constant 0 : i32
        %dma_start3A_581 = tpu.memref_slice %arg8[%dma_start3A_577, %dma_start3A_579, %dma_start3A_580] : memref<9x80x64xf32, #tpu.memory_space<vmem>> -> memref<1x80x64xf32, #tpu.memory_space<vmem>>
        %dma_start3A_582 = tpu.memref_squeeze %dma_start3A_581 : memref<1x80x64xf32, #tpu.memory_space<vmem>> -> memref<80x64xf32, #tpu.memory_space<vmem>>
        %dma_start3A_583 = arith.constant 0 : i32
        %dma_start3A_584 = tpu.memref_slice %arg7[%add3A_382, %dma_start3A_583] : memref<250x80xi32, #tpu.memory_space<vmem>> -> memref<1x80xi32, #tpu.memory_space<vmem>>
        %dma_start3A_585 = tpu.memref_squeeze %dma_start3A_584 : memref<1x80xi32, #tpu.memory_space<vmem>> -> memref<80xi32, #tpu.memory_space<vmem>>
        %dma_start3A_586 = arith.constant 0 : i32
        %dma_start3A_587 = arith.constant 0 : i32
        %dma_start3A_588 = tpu.memref_slice %arg11[%dma_start3A_586, %dma_start3A_587] : memref<10000x64xf32, #tpu.memory_space<vmem_shared>> -> memref<10000x64xf32, #tpu.memory_space<vmem_shared>>
        %dma_start3A_589 = tpu.memref_slice %arg10[%dma_start3A_578] : memref<9x!tpu.dma_semaphore, #tpu.memory_space<semaphore_mem>> -> memref<1x!tpu.dma_semaphore, #tpu.memory_space<semaphore_mem>>
        %dma_start3A_590 = tpu.memref_squeeze %dma_start3A_589 : memref<1x!tpu.dma_semaphore, #tpu.memory_space<semaphore_mem>> -> memref<!tpu.dma_semaphore, #tpu.memory_space<semaphore_mem>>
        tpu.enqueue_indirect_dma source(%dma_start3A_582 : memref<80x64xf32, #tpu.memory_space<vmem>>) target(%dma_start3A_588 : memref<10000x64xf32, #tpu.memory_space<vmem_shared>>) offsets(%dma_start3A_585 : memref<80xi32, #tpu.memory_space<vmem>>) semaphore(%dma_start3A_590 : memref<!tpu.dma_semaphore, #tpu.memory_space<semaphore_mem>>) {add = true}
      } else {
      }
      %mul3A_388 = arith.constant 9 : i32
      %mul3A_389 = arith.muli %scan3A_380, %mul3A_388 : i32
      %add3A_390 = arith.constant 1 : i32
      %add3A_391 = arith.addi %mul3A_389, %add3A_390 : i32
      %lt3A_392 = arith.constant 250 : i32
      %lt3A_393 = arith.cmpi slt, %add3A_391, %lt3A_392 : i32
      %convert_element_type3A_394 = arith.extui %lt3A_393 : i1 to i32
      %cond3A_395 = arith.constant 0 : i32
      %cond3A_396 = arith.cmpi ne, %convert_element_type3A_394, %cond3A_395 : i32
      scf.if %cond3A_396 {
        %dma_wait3A_559 = arith.constant 1 : i32
        %dma_wait3A_560 = arith.constant 1 : i32
        %dma_wait3A_561 = arith.constant 0 : i32
        %dma_wait3A_562 = arith.constant 0 : i32
        %dma_wait3A_563 = tpu.memref_slice %arg8[%dma_wait3A_559, %dma_wait3A_561, %dma_wait3A_562] : memref<9x80x64xf32, #tpu.memory_space<vmem>> -> memref<1x80x64xf32, #tpu.memory_space<vmem>>
        %dma_wait3A_564 = tpu.memref_squeeze %dma_wait3A_563 : memref<1x80x64xf32, #tpu.memory_space<vmem>> -> memref<80x64xf32, #tpu.memory_space<vmem>>
        %dma_wait3A_565 = arith.constant 0 : i32
        %dma_wait3A_566 = tpu.memref_slice %arg6[%add3A_391, %dma_wait3A_565] : memref<250x80xi32, #tpu.memory_space<vmem>> -> memref<1x80xi32, #tpu.memory_space<vmem>>
        %dma_wait3A_567 = tpu.memref_squeeze %dma_wait3A_566 : memref<1x80xi32, #tpu.memory_space<vmem>> -> memref<80xi32, #tpu.memory_space<vmem>>
        %dma_wait3A_568 = arith.constant 0 : i32
        %dma_wait3A_569 = arith.constant 0 : i32
        %dma_wait3A_570 = tpu.memref_slice %arg2[%arg0, %dma_wait3A_568, %dma_wait3A_569] : memref<2x10000x64xf32, #tpu.memory_space<hbm>> -> memref<1x10000x64xf32, #tpu.memory_space<hbm>>
        %dma_wait3A_571 = tpu.memref_squeeze %dma_wait3A_570 : memref<1x10000x64xf32, #tpu.memory_space<hbm>> -> memref<10000x64xf32, #tpu.memory_space<hbm>>
        %dma_wait3A_572 = arith.constant 0 : i32
        %dma_wait3A_573 = arith.constant 0 : i32
        %dma_wait3A_574 = tpu.memref_slice %dma_wait3A_571[%dma_wait3A_572, %dma_wait3A_573] : memref<10000x64xf32, #tpu.memory_space<hbm>> -> memref<10000x64xf32, #tpu.memory_space<hbm>>
        %dma_wait3A_575 = tpu.memref_slice %arg9[%dma_wait3A_560] : memref<9x!tpu.dma_semaphore, #tpu.memory_space<semaphore_mem>> -> memref<1x!tpu.dma_semaphore, #tpu.memory_space<semaphore_mem>>
        %dma_wait3A_576 = tpu.memref_squeeze %dma_wait3A_575 : memref<1x!tpu.dma_semaphore, #tpu.memory_space<semaphore_mem>> -> memref<!tpu.dma_semaphore, #tpu.memory_space<semaphore_mem>>
        tpu.wait_indirect_dma semaphore(%dma_wait3A_576 : memref<!tpu.dma_semaphore, #tpu.memory_space<semaphore_mem>>) src(%dma_wait3A_574 : memref<10000x64xf32, #tpu.memory_space<hbm>>) dst(%dma_wait3A_564 : memref<80x64xf32, #tpu.memory_space<vmem>>)
        %dma_start3A_577 = arith.constant 1 : i32
        %dma_start3A_578 = arith.constant 1 : i32
        %dma_start3A_579 = arith.constant 0 : i32
        %dma_start3A_580 = arith.constant 0 : i32
        %dma_start3A_581 = tpu.memref_slice %arg8[%dma_start3A_577, %dma_start3A_579, %dma_start3A_580] : memref<9x80x64xf32, #tpu.memory_space<vmem>> -> memref<1x80x64xf32, #tpu.memory_space<vmem>>
        %dma_start3A_582 = tpu.memref_squeeze %dma_start3A_581 : memref<1x80x64xf32, #tpu.memory_space<vmem>> -> memref<80x64xf32, #tpu.memory_space<vmem>>
        %dma_start3A_583 = arith.constant 0 : i32
        %dma_start3A_584 = tpu.memref_slice %arg7[%add3A_391, %dma_start3A_583] : memref<250x80xi32, #tpu.memory_space<vmem>> -> memref<1x80xi32, #tpu.memory_space<vmem>>
        %dma_start3A_585 = tpu.memref_squeeze %dma_start3A_584 : memref<1x80xi32, #tpu.memory_space<vmem>> -> memref<80xi32, #tpu.memory_space<vmem>>
        %dma_start3A_586 = arith.constant 0 : i32
        %dma_start3A_587 = arith.constant 0 : i32
        %dma_start3A_588 = tpu.memref_slice %arg11[%dma_start3A_586, %dma_start3A_587] : memref<10000x64xf32, #tpu.memory_space<vmem_shared>> -> memref<10000x64xf32, #tpu.memory_space<vmem_shared>>
        %dma_start3A_589 = tpu.memref_slice %arg10[%dma_start3A_578] : memref<9x!tpu.dma_semaphore, #tpu.memory_space<semaphore_mem>> -> memref<1x!tpu.dma_semaphore, #tpu.memory_space<semaphore_mem>>
        %dma_start3A_590 = tpu.memref_squeeze %dma_start3A_589 : memref<1x!tpu.dma_semaphore, #tpu.memory_space<semaphore_mem>> -> memref<!tpu.dma_semaphore, #tpu.memory_space<semaphore_mem>>
        tpu.enqueue_indirect_dma source(%dma_start3A_582 : memref<80x64xf32, #tpu.memory_space<vmem>>) target(%dma_start3A_588 : memref<10000x64xf32, #tpu.memory_space<vmem_shared>>) offsets(%dma_start3A_585 : memref<80xi32, #tpu.memory_space<vmem>>) semaphore(%dma_start3A_590 : memref<!tpu.dma_semaphore, #tpu.memory_space<semaphore_mem>>) {add = true}
      } else {
      }
      %mul3A_397 = arith.constant 9 : i32
      %mul3A_398 = arith.muli %scan3A_380, %mul3A_397 : i32
      %add3A_399 = arith.constant 2 : i32
      %add3A_400 = arith.addi %mul3A_398, %add3A_399 : i32
      %lt3A_401 = arith.constant 250 : i32
      %lt3A_402 = arith.cmpi slt, %add3A_400, %lt3A_401 : i32
      %convert_element_type3A_403 = arith.extui %lt3A_402 : i1 to i32
      %cond3A_404 = arith.constant 0 : i32
      %cond3A_405 = arith.cmpi ne, %convert_element_type3A_403, %cond3A_404 : i32
      scf.if %cond3A_405 {
        %dma_wait3A_559 = arith.constant 2 : i32
        %dma_wait3A_560 = arith.constant 2 : i32
        %dma_wait3A_561 = arith.constant 0 : i32
        %dma_wait3A_562 = arith.constant 0 : i32
        %dma_wait3A_563 = tpu.memref_slice %arg8[%dma_wait3A_559, %dma_wait3A_561, %dma_wait3A_562] : memref<9x80x64xf32, #tpu.memory_space<vmem>> -> memref<1x80x64xf32, #tpu.memory_space<vmem>>
        %dma_wait3A_564 = tpu.memref_squeeze %dma_wait3A_563 : memref<1x80x64xf32, #tpu.memory_space<vmem>> -> memref<80x64xf32, #tpu.memory_space<vmem>>
        %dma_wait3A_565 = arith.constant 0 : i32
        %dma_wait3A_566 = tpu.memref_slice %arg6[%add3A_400, %dma_wait3A_565] : memref<250x80xi32, #tpu.memory_space<vmem>> -> memref<1x80xi32, #tpu.memory_space<vmem>>
        %dma_wait3A_567 = tpu.memref_squeeze %dma_wait3A_566 : memref<1x80xi32, #tpu.memory_space<vmem>> -> memref<80xi32, #tpu.memory_space<vmem>>
        %dma_wait3A_568 = arith.constant 0 : i32
        %dma_wait3A_569 = arith.constant 0 : i32
        %dma_wait3A_570 = tpu.memref_slice %arg2[%arg0, %dma_wait3A_568, %dma_wait3A_569] : memref<2x10000x64xf32, #tpu.memory_space<hbm>> -> memref<1x10000x64xf32, #tpu.memory_space<hbm>>
        %dma_wait3A_571 = tpu.memref_squeeze %dma_wait3A_570 : memref<1x10000x64xf32, #tpu.memory_space<hbm>> -> memref<10000x64xf32, #tpu.memory_space<hbm>>
        %dma_wait3A_572 = arith.constant 0 : i32
        %dma_wait3A_573 = arith.constant 0 : i32
        %dma_wait3A_574 = tpu.memref_slice %dma_wait3A_571[%dma_wait3A_572, %dma_wait3A_573] : memref<10000x64xf32, #tpu.memory_space<hbm>> -> memref<10000x64xf32, #tpu.memory_space<hbm>>
        %dma_wait3A_575 = tpu.memref_slice %arg9[%dma_wait3A_560] : memref<9x!tpu.dma_semaphore, #tpu.memory_space<semaphore_mem>> -> memref<1x!tpu.dma_semaphore, #tpu.memory_space<semaphore_mem>>
        %dma_wait3A_576 = tpu.memref_squeeze %dma_wait3A_575 : memref<1x!tpu.dma_semaphore, #tpu.memory_space<semaphore_mem>> -> memref<!tpu.dma_semaphore, #tpu.memory_space<semaphore_mem>>
        tpu.wait_indirect_dma semaphore(%dma_wait3A_576 : memref<!tpu.dma_semaphore, #tpu.memory_space<semaphore_mem>>) src(%dma_wait3A_574 : memref<10000x64xf32, #tpu.memory_space<hbm>>) dst(%dma_wait3A_564 : memref<80x64xf32, #tpu.memory_space<vmem>>)
        %dma_start3A_577 = arith.constant 2 : i32
        %dma_start3A_578 = arith.constant 2 : i32
        %dma_start3A_579 = arith.constant 0 : i32
        %dma_start3A_580 = arith.constant 0 : i32
        %dma_start3A_581 = tpu.memref_slice %arg8[%dma_start3A_577, %dma_start3A_579, %dma_start3A_580] : memref<9x80x64xf32, #tpu.memory_space<vmem>> -> memref<1x80x64xf32, #tpu.memory_space<vmem>>
        %dma_start3A_582 = tpu.memref_squeeze %dma_start3A_581 : memref<1x80x64xf32, #tpu.memory_space<vmem>> -> memref<80x64xf32, #tpu.memory_space<vmem>>
        %dma_start3A_583 = arith.constant 0 : i32
        %dma_start3A_584 = tpu.memref_slice %arg7[%add3A_400, %dma_start3A_583] : memref<250x80xi32, #tpu.memory_space<vmem>> -> memref<1x80xi32, #tpu.memory_space<vmem>>
        %dma_start3A_585 = tpu.memref_squeeze %dma_start3A_584 : memref<1x80xi32, #tpu.memory_space<vmem>> -> memref<80xi32, #tpu.memory_space<vmem>>
        %dma_start3A_586 = arith.constant 0 : i32
        %dma_start3A_587 = arith.constant 0 : i32
        %dma_start3A_588 = tpu.memref_slice %arg11[%dma_start3A_586, %dma_start3A_587] : memref<10000x64xf32, #tpu.memory_space<vmem_shared>> -> memref<10000x64xf32, #tpu.memory_space<vmem_shared>>
        %dma_start3A_589 = tpu.memref_slice %arg10[%dma_start3A_578] : memref<9x!tpu.dma_semaphore, #tpu.memory_space<semaphore_mem>> -> memref<1x!tpu.dma_semaphore, #tpu.memory_space<semaphore_mem>>
        %dma_start3A_590 = tpu.memref_squeeze %dma_start3A_589 : memref<1x!tpu.dma_semaphore, #tpu.memory_space<semaphore_mem>> -> memref<!tpu.dma_semaphore, #tpu.memory_space<semaphore_mem>>
        tpu.enqueue_indirect_dma source(%dma_start3A_582 : memref<80x64xf32, #tpu.memory_space<vmem>>) target(%dma_start3A_588 : memref<10000x64xf32, #tpu.memory_space<vmem_shared>>) offsets(%dma_start3A_585 : memref<80xi32, #tpu.memory_space<vmem>>) semaphore(%dma_start3A_590 : memref<!tpu.dma_semaphore, #tpu.memory_space<semaphore_mem>>) {add = true}
      } else {
      }
      %mul3A_406 = arith.constant 9 : i32
      %mul3A_407 = arith.muli %scan3A_380, %mul3A_406 : i32
      %add3A_408 = arith.constant 3 : i32
      %add3A_409 = arith.addi %mul3A_407, %add3A_408 : i32
      %lt3A_410 = arith.constant 250 : i32
      %lt3A_411 = arith.cmpi slt, %add3A_409, %lt3A_410 : i32
      %convert_element_type3A_412 = arith.extui %lt3A_411 : i1 to i32
      %cond3A_413 = arith.constant 0 : i32
      %cond3A_414 = arith.cmpi ne, %convert_element_type3A_412, %cond3A_413 : i32
      scf.if %cond3A_414 {
        %dma_wait3A_559 = arith.constant 3 : i32
        %dma_wait3A_560 = arith.constant 3 : i32
        %dma_wait3A_561 = arith.constant 0 : i32
        %dma_wait3A_562 = arith.constant 0 : i32
        %dma_wait3A_563 = tpu.memref_slice %arg8[%dma_wait3A_559, %dma_wait3A_561, %dma_wait3A_562] : memref<9x80x64xf32, #tpu.memory_space<vmem>> -> memref<1x80x64xf32, #tpu.memory_space<vmem>>
        %dma_wait3A_564 = tpu.memref_squeeze %dma_wait3A_563 : memref<1x80x64xf32, #tpu.memory_space<vmem>> -> memref<80x64xf32, #tpu.memory_space<vmem>>
        %dma_wait3A_565 = arith.constant 0 : i32
        %dma_wait3A_566 = tpu.memref_slice %arg6[%add3A_409, %dma_wait3A_565] : memref<250x80xi32, #tpu.memory_space<vmem>> -> memref<1x80xi32, #tpu.memory_space<vmem>>
        %dma_wait3A_567 = tpu.memref_squeeze %dma_wait3A_566 : memref<1x80xi32, #tpu.memory_space<vmem>> -> memref<80xi32, #tpu.memory_space<vmem>>
        %dma_wait3A_568 = arith.constant 0 : i32
        %dma_wait3A_569 = arith.constant 0 : i32
        %dma_wait3A_570 = tpu.memref_slice %arg2[%arg0, %dma_wait3A_568, %dma_wait3A_569] : memref<2x10000x64xf32, #tpu.memory_space<hbm>> -> memref<1x10000x64xf32, #tpu.memory_space<hbm>>
        %dma_wait3A_571 = tpu.memref_squeeze %dma_wait3A_570 : memref<1x10000x64xf32, #tpu.memory_space<hbm>> -> memref<10000x64xf32, #tpu.memory_space<hbm>>
        %dma_wait3A_572 = arith.constant 0 : i32
        %dma_wait3A_573 = arith.constant 0 : i32
        %dma_wait3A_574 = tpu.memref_slice %dma_wait3A_571[%dma_wait3A_572, %dma_wait3A_573] : memref<10000x64xf32, #tpu.memory_space<hbm>> -> memref<10000x64xf32, #tpu.memory_space<hbm>>
        %dma_wait3A_575 = tpu.memref_slice %arg9[%dma_wait3A_560] : memref<9x!tpu.dma_semaphore, #tpu.memory_space<semaphore_mem>> -> memref<1x!tpu.dma_semaphore, #tpu.memory_space<semaphore_mem>>
        %dma_wait3A_576 = tpu.memref_squeeze %dma_wait3A_575 : memref<1x!tpu.dma_semaphore, #tpu.memory_space<semaphore_mem>> -> memref<!tpu.dma_semaphore, #tpu.memory_space<semaphore_mem>>
        tpu.wait_indirect_dma semaphore(%dma_wait3A_576 : memref<!tpu.dma_semaphore, #tpu.memory_space<semaphore_mem>>) src(%dma_wait3A_574 : memref<10000x64xf32, #tpu.memory_space<hbm>>) dst(%dma_wait3A_564 : memref<80x64xf32, #tpu.memory_space<vmem>>)
        %dma_start3A_577 = arith.constant 3 : i32
        %dma_start3A_578 = arith.constant 3 : i32
        %dma_start3A_579 = arith.constant 0 : i32
        %dma_start3A_580 = arith.constant 0 : i32
        %dma_start3A_581 = tpu.memref_slice %arg8[%dma_start3A_577, %dma_start3A_579, %dma_start3A_580] : memref<9x80x64xf32, #tpu.memory_space<vmem>> -> memref<1x80x64xf32, #tpu.memory_space<vmem>>
        %dma_start3A_582 = tpu.memref_squeeze %dma_start3A_581 : memref<1x80x64xf32, #tpu.memory_space<vmem>> -> memref<80x64xf32, #tpu.memory_space<vmem>>
        %dma_start3A_583 = arith.constant 0 : i32
        %dma_start3A_584 = tpu.memref_slice %arg7[%add3A_409, %dma_start3A_583] : memref<250x80xi32, #tpu.memory_space<vmem>> -> memref<1x80xi32, #tpu.memory_space<vmem>>
        %dma_start3A_585 = tpu.memref_squeeze %dma_start3A_584 : memref<1x80xi32, #tpu.memory_space<vmem>> -> memref<80xi32, #tpu.memory_space<vmem>>
        %dma_start3A_586 = arith.constant 0 : i32
        %dma_start3A_587 = arith.constant 0 : i32
        %dma_start3A_588 = tpu.memref_slice %arg11[%dma_start3A_586, %dma_start3A_587] : memref<10000x64xf32, #tpu.memory_space<vmem_shared>> -> memref<10000x64xf32, #tpu.memory_space<vmem_shared>>
        %dma_start3A_589 = tpu.memref_slice %arg10[%dma_start3A_578] : memref<9x!tpu.dma_semaphore, #tpu.memory_space<semaphore_mem>> -> memref<1x!tpu.dma_semaphore, #tpu.memory_space<semaphore_mem>>
        %dma_start3A_590 = tpu.memref_squeeze %dma_start3A_589 : memref<1x!tpu.dma_semaphore, #tpu.memory_space<semaphore_mem>> -> memref<!tpu.dma_semaphore, #tpu.memory_space<semaphore_mem>>
        tpu.enqueue_indirect_dma source(%dma_start3A_582 : memref<80x64xf32, #tpu.memory_space<vmem>>) target(%dma_start3A_588 : memref<10000x64xf32, #tpu.memory_space<vmem_shared>>) offsets(%dma_start3A_585 : memref<80xi32, #tpu.memory_space<vmem>>) semaphore(%dma_start3A_590 : memref<!tpu.dma_semaphore, #tpu.memory_space<semaphore_mem>>) {add = true}
      } else {
      }
      %mul3A_415 = arith.constant 9 : i32
      %mul3A_416 = arith.muli %scan3A_380, %mul3A_415 : i32
      %add3A_417 = arith.constant 4 : i32
      %add3A_418 = arith.addi %mul3A_416, %add3A_417 : i32
      %lt3A_419 = arith.constant 250 : i32
      %lt3A_420 = arith.cmpi slt, %add3A_418, %lt3A_419 : i32
      %convert_element_type3A_421 = arith.extui %lt3A_420 : i1 to i32
      %cond3A_422 = arith.constant 0 : i32
      %cond3A_423 = arith.cmpi ne, %convert_element_type3A_421, %cond3A_422 : i32
      scf.if %cond3A_423 {
        %dma_wait3A_559 = arith.constant 4 : i32
        %dma_wait3A_560 = arith.constant 4 : i32
        %dma_wait3A_561 = arith.constant 0 : i32
        %dma_wait3A_562 = arith.constant 0 : i32
        %dma_wait3A_563 = tpu.memref_slice %arg8[%dma_wait3A_559, %dma_wait3A_561, %dma_wait3A_562] : memref<9x80x64xf32, #tpu.memory_space<vmem>> -> memref<1x80x64xf32, #tpu.memory_space<vmem>>
        %dma_wait3A_564 = tpu.memref_squeeze %dma_wait3A_563 : memref<1x80x64xf32, #tpu.memory_space<vmem>> -> memref<80x64xf32, #tpu.memory_space<vmem>>
        %dma_wait3A_565 = arith.constant 0 : i32
        %dma_wait3A_566 = tpu.memref_slice %arg6[%add3A_418, %dma_wait3A_565] : memref<250x80xi32, #tpu.memory_space<vmem>> -> memref<1x80xi32, #tpu.memory_space<vmem>>
        %dma_wait3A_567 = tpu.memref_squeeze %dma_wait3A_566 : memref<1x80xi32, #tpu.memory_space<vmem>> -> memref<80xi32, #tpu.memory_space<vmem>>
        %dma_wait3A_568 = arith.constant 0 : i32
        %dma_wait3A_569 = arith.constant 0 : i32
        %dma_wait3A_570 = tpu.memref_slice %arg2[%arg0, %dma_wait3A_568, %dma_wait3A_569] : memref<2x10000x64xf32, #tpu.memory_space<hbm>> -> memref<1x10000x64xf32, #tpu.memory_space<hbm>>
        %dma_wait3A_571 = tpu.memref_squeeze %dma_wait3A_570 : memref<1x10000x64xf32, #tpu.memory_space<hbm>> -> memref<10000x64xf32, #tpu.memory_space<hbm>>
        %dma_wait3A_572 = arith.constant 0 : i32
        %dma_wait3A_573 = arith.constant 0 : i32
        %dma_wait3A_574 = tpu.memref_slice %dma_wait3A_571[%dma_wait3A_572, %dma_wait3A_573] : memref<10000x64xf32, #tpu.memory_space<hbm>> -> memref<10000x64xf32, #tpu.memory_space<hbm>>
        %dma_wait3A_575 = tpu.memref_slice %arg9[%dma_wait3A_560] : memref<9x!tpu.dma_semaphore, #tpu.memory_space<semaphore_mem>> -> memref<1x!tpu.dma_semaphore, #tpu.memory_space<semaphore_mem>>
        %dma_wait3A_576 = tpu.memref_squeeze %dma_wait3A_575 : memref<1x!tpu.dma_semaphore, #tpu.memory_space<semaphore_mem>> -> memref<!tpu.dma_semaphore, #tpu.memory_space<semaphore_mem>>
        tpu.wait_indirect_dma semaphore(%dma_wait3A_576 : memref<!tpu.dma_semaphore, #tpu.memory_space<semaphore_mem>>) src(%dma_wait3A_574 : memref<10000x64xf32, #tpu.memory_space<hbm>>) dst(%dma_wait3A_564 : memref<80x64xf32, #tpu.memory_space<vmem>>)
        %dma_start3A_577 = arith.constant 4 : i32
        %dma_start3A_578 = arith.constant 4 : i32
        %dma_start3A_579 = arith.constant 0 : i32
        %dma_start3A_580 = arith.constant 0 : i32
        %dma_start3A_581 = tpu.memref_slice %arg8[%dma_start3A_577, %dma_start3A_579, %dma_start3A_580] : memref<9x80x64xf32, #tpu.memory_space<vmem>> -> memref<1x80x64xf32, #tpu.memory_space<vmem>>
        %dma_start3A_582 = tpu.memref_squeeze %dma_start3A_581 : memref<1x80x64xf32, #tpu.memory_space<vmem>> -> memref<80x64xf32, #tpu.memory_space<vmem>>
        %dma_start3A_583 = arith.constant 0 : i32
        %dma_start3A_584 = tpu.memref_slice %arg7[%add3A_418, %dma_start3A_583] : memref<250x80xi32, #tpu.memory_space<vmem>> -> memref<1x80xi32, #tpu.memory_space<vmem>>
        %dma_start3A_585 = tpu.memref_squeeze %dma_start3A_584 : memref<1x80xi32, #tpu.memory_space<vmem>> -> memref<80xi32, #tpu.memory_space<vmem>>
        %dma_start3A_586 = arith.constant 0 : i32
        %dma_start3A_587 = arith.constant 0 : i32
        %dma_start3A_588 = tpu.memref_slice %arg11[%dma_start3A_586, %dma_start3A_587] : memref<10000x64xf32, #tpu.memory_space<vmem_shared>> -> memref<10000x64xf32, #tpu.memory_space<vmem_shared>>
        %dma_start3A_589 = tpu.memref_slice %arg10[%dma_start3A_578] : memref<9x!tpu.dma_semaphore, #tpu.memory_space<semaphore_mem>> -> memref<1x!tpu.dma_semaphore, #tpu.memory_space<semaphore_mem>>
        %dma_start3A_590 = tpu.memref_squeeze %dma_start3A_589 : memref<1x!tpu.dma_semaphore, #tpu.memory_space<semaphore_mem>> -> memref<!tpu.dma_semaphore, #tpu.memory_space<semaphore_mem>>
        tpu.enqueue_indirect_dma source(%dma_start3A_582 : memref<80x64xf32, #tpu.memory_space<vmem>>) target(%dma_start3A_588 : memref<10000x64xf32, #tpu.memory_space<vmem_shared>>) offsets(%dma_start3A_585 : memref<80xi32, #tpu.memory_space<vmem>>) semaphore(%dma_start3A_590 : memref<!tpu.dma_semaphore, #tpu.memory_space<semaphore_mem>>) {add = true}
      } else {
      }
      %mul3A_424 = arith.constant 9 : i32
      %mul3A_425 = arith.muli %scan3A_380, %mul3A_424 : i32
      %add3A_426 = arith.constant 5 : i32
      %add3A_427 = arith.addi %mul3A_425, %add3A_426 : i32
      %lt3A_428 = arith.constant 250 : i32
      %lt3A_429 = arith.cmpi slt, %add3A_427, %lt3A_428 : i32
      %convert_element_type3A_430 = arith.extui %lt3A_429 : i1 to i32
      %cond3A_431 = arith.constant 0 : i32
      %cond3A_432 = arith.cmpi ne, %convert_element_type3A_430, %cond3A_431 : i32
      scf.if %cond3A_432 {
        %dma_wait3A_559 = arith.constant 5 : i32
        %dma_wait3A_560 = arith.constant 5 : i32
        %dma_wait3A_561 = arith.constant 0 : i32
        %dma_wait3A_562 = arith.constant 0 : i32
        %dma_wait3A_563 = tpu.memref_slice %arg8[%dma_wait3A_559, %dma_wait3A_561, %dma_wait3A_562] : memref<9x80x64xf32, #tpu.memory_space<vmem>> -> memref<1x80x64xf32, #tpu.memory_space<vmem>>
        %dma_wait3A_564 = tpu.memref_squeeze %dma_wait3A_563 : memref<1x80x64xf32, #tpu.memory_space<vmem>> -> memref<80x64xf32, #tpu.memory_space<vmem>>
        %dma_wait3A_565 = arith.constant 0 : i32
        %dma_wait3A_566 = tpu.memref_slice %arg6[%add3A_427, %dma_wait3A_565] : memref<250x80xi32, #tpu.memory_space<vmem>> -> memref<1x80xi32, #tpu.memory_space<vmem>>
        %dma_wait3A_567 = tpu.memref_squeeze %dma_wait3A_566 : memref<1x80xi32, #tpu.memory_space<vmem>> -> memref<80xi32, #tpu.memory_space<vmem>>
        %dma_wait3A_568 = arith.constant 0 : i32
        %dma_wait3A_569 = arith.constant 0 : i32
        %dma_wait3A_570 = tpu.memref_slice %arg2[%arg0, %dma_wait3A_568, %dma_wait3A_569] : memref<2x10000x64xf32, #tpu.memory_space<hbm>> -> memref<1x10000x64xf32, #tpu.memory_space<hbm>>
        %dma_wait3A_571 = tpu.memref_squeeze %dma_wait3A_570 : memref<1x10000x64xf32, #tpu.memory_space<hbm>> -> memref<10000x64xf32, #tpu.memory_space<hbm>>
        %dma_wait3A_572 = arith.constant 0 : i32
        %dma_wait3A_573 = arith.constant 0 : i32
        %dma_wait3A_574 = tpu.memref_slice %dma_wait3A_571[%dma_wait3A_572, %dma_wait3A_573] : memref<10000x64xf32, #tpu.memory_space<hbm>> -> memref<10000x64xf32, #tpu.memory_space<hbm>>
        %dma_wait3A_575 = tpu.memref_slice %arg9[%dma_wait3A_560] : memref<9x!tpu.dma_semaphore, #tpu.memory_space<semaphore_mem>> -> memref<1x!tpu.dma_semaphore, #tpu.memory_space<semaphore_mem>>
        %dma_wait3A_576 = tpu.memref_squeeze %dma_wait3A_575 : memref<1x!tpu.dma_semaphore, #tpu.memory_space<semaphore_mem>> -> memref<!tpu.dma_semaphore, #tpu.memory_space<semaphore_mem>>
        tpu.wait_indirect_dma semaphore(%dma_wait3A_576 : memref<!tpu.dma_semaphore, #tpu.memory_space<semaphore_mem>>) src(%dma_wait3A_574 : memref<10000x64xf32, #tpu.memory_space<hbm>>) dst(%dma_wait3A_564 : memref<80x64xf32, #tpu.memory_space<vmem>>)
        %dma_start3A_577 = arith.constant 5 : i32
        %dma_start3A_578 = arith.constant 5 : i32
        %dma_start3A_579 = arith.constant 0 : i32
        %dma_start3A_580 = arith.constant 0 : i32
        %dma_start3A_581 = tpu.memref_slice %arg8[%dma_start3A_577, %dma_start3A_579, %dma_start3A_580] : memref<9x80x64xf32, #tpu.memory_space<vmem>> -> memref<1x80x64xf32, #tpu.memory_space<vmem>>
        %dma_start3A_582 = tpu.memref_squeeze %dma_start3A_581 : memref<1x80x64xf32, #tpu.memory_space<vmem>> -> memref<80x64xf32, #tpu.memory_space<vmem>>
        %dma_start3A_583 = arith.constant 0 : i32
        %dma_start3A_584 = tpu.memref_slice %arg7[%add3A_427, %dma_start3A_583] : memref<250x80xi32, #tpu.memory_space<vmem>> -> memref<1x80xi32, #tpu.memory_space<vmem>>
        %dma_start3A_585 = tpu.memref_squeeze %dma_start3A_584 : memref<1x80xi32, #tpu.memory_space<vmem>> -> memref<80xi32, #tpu.memory_space<vmem>>
        %dma_start3A_586 = arith.constant 0 : i32
        %dma_start3A_587 = arith.constant 0 : i32
        %dma_start3A_588 = tpu.memref_slice %arg11[%dma_start3A_586, %dma_start3A_587] : memref<10000x64xf32, #tpu.memory_space<vmem_shared>> -> memref<10000x64xf32, #tpu.memory_space<vmem_shared>>
        %dma_start3A_589 = tpu.memref_slice %arg10[%dma_start3A_578] : memref<9x!tpu.dma_semaphore, #tpu.memory_space<semaphore_mem>> -> memref<1x!tpu.dma_semaphore, #tpu.memory_space<semaphore_mem>>
        %dma_start3A_590 = tpu.memref_squeeze %dma_start3A_589 : memref<1x!tpu.dma_semaphore, #tpu.memory_space<semaphore_mem>> -> memref<!tpu.dma_semaphore, #tpu.memory_space<semaphore_mem>>
        tpu.enqueue_indirect_dma source(%dma_start3A_582 : memref<80x64xf32, #tpu.memory_space<vmem>>) target(%dma_start3A_588 : memref<10000x64xf32, #tpu.memory_space<vmem_shared>>) offsets(%dma_start3A_585 : memref<80xi32, #tpu.memory_space<vmem>>) semaphore(%dma_start3A_590 : memref<!tpu.dma_semaphore, #tpu.memory_space<semaphore_mem>>) {add = true}
      } else {
      }
      %mul3A_433 = arith.constant 9 : i32
      %mul3A_434 = arith.muli %scan3A_380, %mul3A_433 : i32
      %add3A_435 = arith.constant 6 : i32
      %add3A_436 = arith.addi %mul3A_434, %add3A_435 : i32
      %lt3A_437 = arith.constant 250 : i32
      %lt3A_438 = arith.cmpi slt, %add3A_436, %lt3A_437 : i32
      %convert_element_type3A_439 = arith.extui %lt3A_438 : i1 to i32
      %cond3A_440 = arith.constant 0 : i32
      %cond3A_441 = arith.cmpi ne, %convert_element_type3A_439, %cond3A_440 : i32
      scf.if %cond3A_441 {
        %dma_wait3A_559 = arith.constant 6 : i32
        %dma_wait3A_560 = arith.constant 6 : i32
        %dma_wait3A_561 = arith.constant 0 : i32
        %dma_wait3A_562 = arith.constant 0 : i32
        %dma_wait3A_563 = tpu.memref_slice %arg8[%dma_wait3A_559, %dma_wait3A_561, %dma_wait3A_562] : memref<9x80x64xf32, #tpu.memory_space<vmem>> -> memref<1x80x64xf32, #tpu.memory_space<vmem>>
        %dma_wait3A_564 = tpu.memref_squeeze %dma_wait3A_563 : memref<1x80x64xf32, #tpu.memory_space<vmem>> -> memref<80x64xf32, #tpu.memory_space<vmem>>
        %dma_wait3A_565 = arith.constant 0 : i32
        %dma_wait3A_566 = tpu.memref_slice %arg6[%add3A_436, %dma_wait3A_565] : memref<250x80xi32, #tpu.memory_space<vmem>> -> memref<1x80xi32, #tpu.memory_space<vmem>>
        %dma_wait3A_567 = tpu.memref_squeeze %dma_wait3A_566 : memref<1x80xi32, #tpu.memory_space<vmem>> -> memref<80xi32, #tpu.memory_space<vmem>>
        %dma_wait3A_568 = arith.constant 0 : i32
        %dma_wait3A_569 = arith.constant 0 : i32
        %dma_wait3A_570 = tpu.memref_slice %arg2[%arg0, %dma_wait3A_568, %dma_wait3A_569] : memref<2x10000x64xf32, #tpu.memory_space<hbm>> -> memref<1x10000x64xf32, #tpu.memory_space<hbm>>
        %dma_wait3A_571 = tpu.memref_squeeze %dma_wait3A_570 : memref<1x10000x64xf32, #tpu.memory_space<hbm>> -> memref<10000x64xf32, #tpu.memory_space<hbm>>
        %dma_wait3A_572 = arith.constant 0 : i32
        %dma_wait3A_573 = arith.constant 0 : i32
        %dma_wait3A_574 = tpu.memref_slice %dma_wait3A_571[%dma_wait3A_572, %dma_wait3A_573] : memref<10000x64xf32, #tpu.memory_space<hbm>> -> memref<10000x64xf32, #tpu.memory_space<hbm>>
        %dma_wait3A_575 = tpu.memref_slice %arg9[%dma_wait3A_560] : memref<9x!tpu.dma_semaphore, #tpu.memory_space<semaphore_mem>> -> memref<1x!tpu.dma_semaphore, #tpu.memory_space<semaphore_mem>>
        %dma_wait3A_576 = tpu.memref_squeeze %dma_wait3A_575 : memref<1x!tpu.dma_semaphore, #tpu.memory_space<semaphore_mem>> -> memref<!tpu.dma_semaphore, #tpu.memory_space<semaphore_mem>>
        tpu.wait_indirect_dma semaphore(%dma_wait3A_576 : memref<!tpu.dma_semaphore, #tpu.memory_space<semaphore_mem>>) src(%dma_wait3A_574 : memref<10000x64xf32, #tpu.memory_space<hbm>>) dst(%dma_wait3A_564 : memref<80x64xf32, #tpu.memory_space<vmem>>)
        %dma_start3A_577 = arith.constant 6 : i32
        %dma_start3A_578 = arith.constant 6 : i32
        %dma_start3A_579 = arith.constant 0 : i32
        %dma_start3A_580 = arith.constant 0 : i32
        %dma_start3A_581 = tpu.memref_slice %arg8[%dma_start3A_577, %dma_start3A_579, %dma_start3A_580] : memref<9x80x64xf32, #tpu.memory_space<vmem>> -> memref<1x80x64xf32, #tpu.memory_space<vmem>>
        %dma_start3A_582 = tpu.memref_squeeze %dma_start3A_581 : memref<1x80x64xf32, #tpu.memory_space<vmem>> -> memref<80x64xf32, #tpu.memory_space<vmem>>
        %dma_start3A_583 = arith.constant 0 : i32
        %dma_start3A_584 = tpu.memref_slice %arg7[%add3A_436, %dma_start3A_583] : memref<250x80xi32, #tpu.memory_space<vmem>> -> memref<1x80xi32, #tpu.memory_space<vmem>>
        %dma_start3A_585 = tpu.memref_squeeze %dma_start3A_584 : memref<1x80xi32, #tpu.memory_space<vmem>> -> memref<80xi32, #tpu.memory_space<vmem>>
        %dma_start3A_586 = arith.constant 0 : i32
        %dma_start3A_587 = arith.constant 0 : i32
        %dma_start3A_588 = tpu.memref_slice %arg11[%dma_start3A_586, %dma_start3A_587] : memref<10000x64xf32, #tpu.memory_space<vmem_shared>> -> memref<10000x64xf32, #tpu.memory_space<vmem_shared>>
        %dma_start3A_589 = tpu.memref_slice %arg10[%dma_start3A_578] : memref<9x!tpu.dma_semaphore, #tpu.memory_space<semaphore_mem>> -> memref<1x!tpu.dma_semaphore, #tpu.memory_space<semaphore_mem>>
        %dma_start3A_590 = tpu.memref_squeeze %dma_start3A_589 : memref<1x!tpu.dma_semaphore, #tpu.memory_space<semaphore_mem>> -> memref<!tpu.dma_semaphore, #tpu.memory_space<semaphore_mem>>
        tpu.enqueue_indirect_dma source(%dma_start3A_582 : memref<80x64xf32, #tpu.memory_space<vmem>>) target(%dma_start3A_588 : memref<10000x64xf32, #tpu.memory_space<vmem_shared>>) offsets(%dma_start3A_585 : memref<80xi32, #tpu.memory_space<vmem>>) semaphore(%dma_start3A_590 : memref<!tpu.dma_semaphore, #tpu.memory_space<semaphore_mem>>) {add = true}
      } else {
      }
      %mul3A_442 = arith.constant 9 : i32
      %mul3A_443 = arith.muli %scan3A_380, %mul3A_442 : i32
      %add3A_444 = arith.constant 7 : i32
      %add3A_445 = arith.addi %mul3A_443, %add3A_444 : i32
      %lt3A_446 = arith.constant 250 : i32
      %lt3A_447 = arith.cmpi slt, %add3A_445, %lt3A_446 : i32
      %convert_element_type3A_448 = arith.extui %lt3A_447 : i1 to i32
      %cond3A_449 = arith.constant 0 : i32
      %cond3A_450 = arith.cmpi ne, %convert_element_type3A_448, %cond3A_449 : i32
      scf.if %cond3A_450 {
        %dma_wait3A_559 = arith.constant 7 : i32
        %dma_wait3A_560 = arith.constant 7 : i32
        %dma_wait3A_561 = arith.constant 0 : i32
        %dma_wait3A_562 = arith.constant 0 : i32
        %dma_wait3A_563 = tpu.memref_slice %arg8[%dma_wait3A_559, %dma_wait3A_561, %dma_wait3A_562] : memref<9x80x64xf32, #tpu.memory_space<vmem>> -> memref<1x80x64xf32, #tpu.memory_space<vmem>>
        %dma_wait3A_564 = tpu.memref_squeeze %dma_wait3A_563 : memref<1x80x64xf32, #tpu.memory_space<vmem>> -> memref<80x64xf32, #tpu.memory_space<vmem>>
        %dma_wait3A_565 = arith.constant 0 : i32
        %dma_wait3A_566 = tpu.memref_slice %arg6[%add3A_445, %dma_wait3A_565] : memref<250x80xi32, #tpu.memory_space<vmem>> -> memref<1x80xi32, #tpu.memory_space<vmem>>
        %dma_wait3A_567 = tpu.memref_squeeze %dma_wait3A_566 : memref<1x80xi32, #tpu.memory_space<vmem>> -> memref<80xi32, #tpu.memory_space<vmem>>
        %dma_wait3A_568 = arith.constant 0 : i32
        %dma_wait3A_569 = arith.constant 0 : i32
        %dma_wait3A_570 = tpu.memref_slice %arg2[%arg0, %dma_wait3A_568, %dma_wait3A_569] : memref<2x10000x64xf32, #tpu.memory_space<hbm>> -> memref<1x10000x64xf32, #tpu.memory_space<hbm>>
        %dma_wait3A_571 = tpu.memref_squeeze %dma_wait3A_570 : memref<1x10000x64xf32, #tpu.memory_space<hbm>> -> memref<10000x64xf32, #tpu.memory_space<hbm>>
        %dma_wait3A_572 = arith.constant 0 : i32
        %dma_wait3A_573 = arith.constant 0 : i32
        %dma_wait3A_574 = tpu.memref_slice %dma_wait3A_571[%dma_wait3A_572, %dma_wait3A_573] : memref<10000x64xf32, #tpu.memory_space<hbm>> -> memref<10000x64xf32, #tpu.memory_space<hbm>>
        %dma_wait3A_575 = tpu.memref_slice %arg9[%dma_wait3A_560] : memref<9x!tpu.dma_semaphore, #tpu.memory_space<semaphore_mem>> -> memref<1x!tpu.dma_semaphore, #tpu.memory_space<semaphore_mem>>
        %dma_wait3A_576 = tpu.memref_squeeze %dma_wait3A_575 : memref<1x!tpu.dma_semaphore, #tpu.memory_space<semaphore_mem>> -> memref<!tpu.dma_semaphore, #tpu.memory_space<semaphore_mem>>
        tpu.wait_indirect_dma semaphore(%dma_wait3A_576 : memref<!tpu.dma_semaphore, #tpu.memory_space<semaphore_mem>>) src(%dma_wait3A_574 : memref<10000x64xf32, #tpu.memory_space<hbm>>) dst(%dma_wait3A_564 : memref<80x64xf32, #tpu.memory_space<vmem>>)
        %dma_start3A_577 = arith.constant 7 : i32
        %dma_start3A_578 = arith.constant 7 : i32
        %dma_start3A_579 = arith.constant 0 : i32
        %dma_start3A_580 = arith.constant 0 : i32
        %dma_start3A_581 = tpu.memref_slice %arg8[%dma_start3A_577, %dma_start3A_579, %dma_start3A_580] : memref<9x80x64xf32, #tpu.memory_space<vmem>> -> memref<1x80x64xf32, #tpu.memory_space<vmem>>
        %dma_start3A_582 = tpu.memref_squeeze %dma_start3A_581 : memref<1x80x64xf32, #tpu.memory_space<vmem>> -> memref<80x64xf32, #tpu.memory_space<vmem>>
        %dma_start3A_583 = arith.constant 0 : i32
        %dma_start3A_584 = tpu.memref_slice %arg7[%add3A_445, %dma_start3A_583] : memref<250x80xi32, #tpu.memory_space<vmem>> -> memref<1x80xi32, #tpu.memory_space<vmem>>
        %dma_start3A_585 = tpu.memref_squeeze %dma_start3A_584 : memref<1x80xi32, #tpu.memory_space<vmem>> -> memref<80xi32, #tpu.memory_space<vmem>>
        %dma_start3A_586 = arith.constant 0 : i32
        %dma_start3A_587 = arith.constant 0 : i32
        %dma_start3A_588 = tpu.memref_slice %arg11[%dma_start3A_586, %dma_start3A_587] : memref<10000x64xf32, #tpu.memory_space<vmem_shared>> -> memref<10000x64xf32, #tpu.memory_space<vmem_shared>>
        %dma_start3A_589 = tpu.memref_slice %arg10[%dma_start3A_578] : memref<9x!tpu.dma_semaphore, #tpu.memory_space<semaphore_mem>> -> memref<1x!tpu.dma_semaphore, #tpu.memory_space<semaphore_mem>>
        %dma_start3A_590 = tpu.memref_squeeze %dma_start3A_589 : memref<1x!tpu.dma_semaphore, #tpu.memory_space<semaphore_mem>> -> memref<!tpu.dma_semaphore, #tpu.memory_space<semaphore_mem>>
        tpu.enqueue_indirect_dma source(%dma_start3A_582 : memref<80x64xf32, #tpu.memory_space<vmem>>) target(%dma_start3A_588 : memref<10000x64xf32, #tpu.memory_space<vmem_shared>>) offsets(%dma_start3A_585 : memref<80xi32, #tpu.memory_space<vmem>>) semaphore(%dma_start3A_590 : memref<!tpu.dma_semaphore, #tpu.memory_space<semaphore_mem>>) {add = true}
      } else {
      }
      %mul3A_451 = arith.constant 9 : i32
      %mul3A_452 = arith.muli %scan3A_380, %mul3A_451 : i32
      %add3A_453 = arith.constant 8 : i32
      %add3A_454 = arith.addi %mul3A_452, %add3A_453 : i32
      %lt3A_455 = arith.constant 250 : i32
      %lt3A_456 = arith.cmpi slt, %add3A_454, %lt3A_455 : i32
      %convert_element_type3A_457 = arith.extui %lt3A_456 : i1 to i32
      %cond3A_458 = arith.constant 0 : i32
      %cond3A_459 = arith.cmpi ne, %convert_element_type3A_457, %cond3A_458 : i32
      scf.if %cond3A_459 {
        %dma_wait3A_559 = arith.constant 8 : i32
        %dma_wait3A_560 = arith.constant 8 : i32
        %dma_wait3A_561 = arith.constant 0 : i32
        %dma_wait3A_562 = arith.constant 0 : i32
        %dma_wait3A_563 = tpu.memref_slice %arg8[%dma_wait3A_559, %dma_wait3A_561, %dma_wait3A_562] : memref<9x80x64xf32, #tpu.memory_space<vmem>> -> memref<1x80x64xf32, #tpu.memory_space<vmem>>
        %dma_wait3A_564 = tpu.memref_squeeze %dma_wait3A_563 : memref<1x80x64xf32, #tpu.memory_space<vmem>> -> memref<80x64xf32, #tpu.memory_space<vmem>>
        %dma_wait3A_565 = arith.constant 0 : i32
        %dma_wait3A_566 = tpu.memref_slice %arg6[%add3A_454, %dma_wait3A_565] : memref<250x80xi32, #tpu.memory_space<vmem>> -> memref<1x80xi32, #tpu.memory_space<vmem>>
        %dma_wait3A_567 = tpu.memref_squeeze %dma_wait3A_566 : memref<1x80xi32, #tpu.memory_space<vmem>> -> memref<80xi32, #tpu.memory_space<vmem>>
        %dma_wait3A_568 = arith.constant 0 : i32
        %dma_wait3A_569 = arith.constant 0 : i32
        %dma_wait3A_570 = tpu.memref_slice %arg2[%arg0, %dma_wait3A_568, %dma_wait3A_569] : memref<2x10000x64xf32, #tpu.memory_space<hbm>> -> memref<1x10000x64xf32, #tpu.memory_space<hbm>>
        %dma_wait3A_571 = tpu.memref_squeeze %dma_wait3A_570 : memref<1x10000x64xf32, #tpu.memory_space<hbm>> -> memref<10000x64xf32, #tpu.memory_space<hbm>>
        %dma_wait3A_572 = arith.constant 0 : i32
        %dma_wait3A_573 = arith.constant 0 : i32
        %dma_wait3A_574 = tpu.memref_slice %dma_wait3A_571[%dma_wait3A_572, %dma_wait3A_573] : memref<10000x64xf32, #tpu.memory_space<hbm>> -> memref<10000x64xf32, #tpu.memory_space<hbm>>
        %dma_wait3A_575 = tpu.memref_slice %arg9[%dma_wait3A_560] : memref<9x!tpu.dma_semaphore, #tpu.memory_space<semaphore_mem>> -> memref<1x!tpu.dma_semaphore, #tpu.memory_space<semaphore_mem>>
        %dma_wait3A_576 = tpu.memref_squeeze %dma_wait3A_575 : memref<1x!tpu.dma_semaphore, #tpu.memory_space<semaphore_mem>> -> memref<!tpu.dma_semaphore, #tpu.memory_space<semaphore_mem>>
        tpu.wait_indirect_dma semaphore(%dma_wait3A_576 : memref<!tpu.dma_semaphore, #tpu.memory_space<semaphore_mem>>) src(%dma_wait3A_574 : memref<10000x64xf32, #tpu.memory_space<hbm>>) dst(%dma_wait3A_564 : memref<80x64xf32, #tpu.memory_space<vmem>>)
        %dma_start3A_577 = arith.constant 8 : i32
        %dma_start3A_578 = arith.constant 8 : i32
        %dma_start3A_579 = arith.constant 0 : i32
        %dma_start3A_580 = arith.constant 0 : i32
        %dma_start3A_581 = tpu.memref_slice %arg8[%dma_start3A_577, %dma_start3A_579, %dma_start3A_580] : memref<9x80x64xf32, #tpu.memory_space<vmem>> -> memref<1x80x64xf32, #tpu.memory_space<vmem>>
        %dma_start3A_582 = tpu.memref_squeeze %dma_start3A_581 : memref<1x80x64xf32, #tpu.memory_space<vmem>> -> memref<80x64xf32, #tpu.memory_space<vmem>>
        %dma_start3A_583 = arith.constant 0 : i32
        %dma_start3A_584 = tpu.memref_slice %arg7[%add3A_454, %dma_start3A_583] : memref<250x80xi32, #tpu.memory_space<vmem>> -> memref<1x80xi32, #tpu.memory_space<vmem>>
        %dma_start3A_585 = tpu.memref_squeeze %dma_start3A_584 : memref<1x80xi32, #tpu.memory_space<vmem>> -> memref<80xi32, #tpu.memory_space<vmem>>
        %dma_start3A_586 = arith.constant 0 : i32
        %dma_start3A_587 = arith.constant 0 : i32
        %dma_start3A_588 = tpu.memref_slice %arg11[%dma_start3A_586, %dma_start3A_587] : memref<10000x64xf32, #tpu.memory_space<vmem_shared>> -> memref<10000x64xf32, #tpu.memory_space<vmem_shared>>
        %dma_start3A_589 = tpu.memref_slice %arg10[%dma_start3A_578] : memref<9x!tpu.dma_semaphore, #tpu.memory_space<semaphore_mem>> -> memref<1x!tpu.dma_semaphore, #tpu.memory_space<semaphore_mem>>
        %dma_start3A_590 = tpu.memref_squeeze %dma_start3A_589 : memref<1x!tpu.dma_semaphore, #tpu.memory_space<semaphore_mem>> -> memref<!tpu.dma_semaphore, #tpu.memory_space<semaphore_mem>>
        tpu.enqueue_indirect_dma source(%dma_start3A_582 : memref<80x64xf32, #tpu.memory_space<vmem>>) target(%dma_start3A_588 : memref<10000x64xf32, #tpu.memory_space<vmem_shared>>) offsets(%dma_start3A_585 : memref<80xi32, #tpu.memory_space<vmem>>) semaphore(%dma_start3A_590 : memref<!tpu.dma_semaphore, #tpu.memory_space<semaphore_mem>>) {add = true}
      } else {
      }
      %add3A_460 = arith.constant 1 : i32
      %add3A_461 = arith.addi %scan3A_380, %add3A_460 : i32
      %mul3A_462 = arith.constant 9 : i32
      %mul3A_463 = arith.muli %add3A_461, %mul3A_462 : i32
      %add3A_464 = arith.constant 0 : i32
      %add3A_465 = arith.addi %mul3A_463, %add3A_464 : i32
      %lt3A_466 = arith.constant 250 : i32
      %lt3A_467 = arith.cmpi slt, %add3A_465, %lt3A_466 : i32
      %convert_element_type3A_468 = arith.extui %lt3A_467 : i1 to i32
      %cond3A_469 = arith.constant 0 : i32
      %cond3A_470 = arith.cmpi ne, %convert_element_type3A_468, %cond3A_469 : i32
      scf.if %cond3A_470 {
        %dma_wait3A_559 = arith.constant 0 : i32
        %dma_wait3A_560 = arith.constant 0 : i32
        %dma_wait3A_561 = arith.constant 0 : i32
        %dma_wait3A_562 = arith.constant 0 : i32
        %dma_wait3A_563 = tpu.memref_slice %arg8[%dma_wait3A_559, %dma_wait3A_561, %dma_wait3A_562] : memref<9x80x64xf32, #tpu.memory_space<vmem>> -> memref<1x80x64xf32, #tpu.memory_space<vmem>>
        %dma_wait3A_564 = tpu.memref_squeeze %dma_wait3A_563 : memref<1x80x64xf32, #tpu.memory_space<vmem>> -> memref<80x64xf32, #tpu.memory_space<vmem>>
        %dma_wait3A_565 = arith.constant 0 : i32
        %dma_wait3A_566 = tpu.memref_slice %arg7[%add3A_465, %dma_wait3A_565] : memref<250x80xi32, #tpu.memory_space<vmem>> -> memref<1x80xi32, #tpu.memory_space<vmem>>
        %dma_wait3A_567 = tpu.memref_squeeze %dma_wait3A_566 : memref<1x80xi32, #tpu.memory_space<vmem>> -> memref<80xi32, #tpu.memory_space<vmem>>
        %dma_wait3A_568 = arith.constant 0 : i32
        %dma_wait3A_569 = arith.constant 0 : i32
        %dma_wait3A_570 = tpu.memref_slice %arg11[%dma_wait3A_568, %dma_wait3A_569] : memref<10000x64xf32, #tpu.memory_space<vmem_shared>> -> memref<10000x64xf32, #tpu.memory_space<vmem_shared>>
        %dma_wait3A_571 = tpu.memref_slice %arg10[%dma_wait3A_560] : memref<9x!tpu.dma_semaphore, #tpu.memory_space<semaphore_mem>> -> memref<1x!tpu.dma_semaphore, #tpu.memory_space<semaphore_mem>>
        %dma_wait3A_572 = tpu.memref_squeeze %dma_wait3A_571 : memref<1x!tpu.dma_semaphore, #tpu.memory_space<semaphore_mem>> -> memref<!tpu.dma_semaphore, #tpu.memory_space<semaphore_mem>>
        tpu.wait_indirect_dma semaphore(%dma_wait3A_572 : memref<!tpu.dma_semaphore, #tpu.memory_space<semaphore_mem>>) src(%dma_wait3A_564 : memref<80x64xf32, #tpu.memory_space<vmem>>) dst(%dma_wait3A_570 : memref<10000x64xf32, #tpu.memory_space<vmem_shared>>)
        %dma_start3A_573 = arith.constant 0 : i32
        %dma_start3A_574 = arith.constant 0 : i32
        %dma_start3A_575 = arith.constant 0 : i32
        %dma_start3A_576 = arith.constant 0 : i32
        %dma_start3A_577 = tpu.memref_slice %arg8[%dma_start3A_573, %dma_start3A_575, %dma_start3A_576] : memref<9x80x64xf32, #tpu.memory_space<vmem>> -> memref<1x80x64xf32, #tpu.memory_space<vmem>>
        %dma_start3A_578 = tpu.memref_squeeze %dma_start3A_577 : memref<1x80x64xf32, #tpu.memory_space<vmem>> -> memref<80x64xf32, #tpu.memory_space<vmem>>
        %dma_start3A_579 = arith.constant 0 : i32
        %dma_start3A_580 = tpu.memref_slice %arg6[%add3A_465, %dma_start3A_579] : memref<250x80xi32, #tpu.memory_space<vmem>> -> memref<1x80xi32, #tpu.memory_space<vmem>>
        %dma_start3A_581 = tpu.memref_squeeze %dma_start3A_580 : memref<1x80xi32, #tpu.memory_space<vmem>> -> memref<80xi32, #tpu.memory_space<vmem>>
        %dma_start3A_582 = arith.constant 0 : i32
        %dma_start3A_583 = arith.constant 0 : i32
        %dma_start3A_584 = tpu.memref_slice %arg2[%arg0, %dma_start3A_582, %dma_start3A_583] : memref<2x10000x64xf32, #tpu.memory_space<hbm>> -> memref<1x10000x64xf32, #tpu.memory_space<hbm>>
        %dma_start3A_585 = tpu.memref_squeeze %dma_start3A_584 : memref<1x10000x64xf32, #tpu.memory_space<hbm>> -> memref<10000x64xf32, #tpu.memory_space<hbm>>
        %dma_start3A_586 = arith.constant 0 : i32
        %dma_start3A_587 = arith.constant 0 : i32
        %dma_start3A_588 = tpu.memref_slice %dma_start3A_585[%dma_start3A_586, %dma_start3A_587] : memref<10000x64xf32, #tpu.memory_space<hbm>> -> memref<10000x64xf32, #tpu.memory_space<hbm>>
        %dma_start3A_589 = tpu.memref_slice %arg9[%dma_start3A_574] : memref<9x!tpu.dma_semaphore, #tpu.memory_space<semaphore_mem>> -> memref<1x!tpu.dma_semaphore, #tpu.memory_space<semaphore_mem>>
        %dma_start3A_590 = tpu.memref_squeeze %dma_start3A_589 : memref<1x!tpu.dma_semaphore, #tpu.memory_space<semaphore_mem>> -> memref<!tpu.dma_semaphore, #tpu.memory_space<semaphore_mem>>
        tpu.enqueue_indirect_dma source(%dma_start3A_588 : memref<10000x64xf32, #tpu.memory_space<hbm>>) target(%dma_start3A_578 : memref<80x64xf32, #tpu.memory_space<vmem>>) offsets(%dma_start3A_581 : memref<80xi32, #tpu.memory_space<vmem>>) semaphore(%dma_start3A_590 : memref<!tpu.dma_semaphore, #tpu.memory_space<semaphore_mem>>)
      } else {
      }
      %add3A_471 = arith.constant 1 : i32
      %add3A_472 = arith.addi %scan3A_380, %add3A_471 : i32
      %mul3A_473 = arith.constant 9 : i32
      %mul3A_474 = arith.muli %add3A_472, %mul3A_473 : i32
      %add3A_475 = arith.constant 1 : i32
      %add3A_476 = arith.addi %mul3A_474, %add3A_475 : i32
      %lt3A_477 = arith.constant 250 : i32
      %lt3A_478 = arith.cmpi slt, %add3A_476, %lt3A_477 : i32
      %convert_element_type3A_479 = arith.extui %lt3A_478 : i1 to i32
      %cond3A_480 = arith.constant 0 : i32
      %cond3A_481 = arith.cmpi ne, %convert_element_type3A_479, %cond3A_480 : i32
      scf.if %cond3A_481 {
        %dma_wait3A_559 = arith.constant 1 : i32
        %dma_wait3A_560 = arith.constant 1 : i32
        %dma_wait3A_561 = arith.constant 0 : i32
        %dma_wait3A_562 = arith.constant 0 : i32
        %dma_wait3A_563 = tpu.memref_slice %arg8[%dma_wait3A_559, %dma_wait3A_561, %dma_wait3A_562] : memref<9x80x64xf32, #tpu.memory_space<vmem>> -> memref<1x80x64xf32, #tpu.memory_space<vmem>>
        %dma_wait3A_564 = tpu.memref_squeeze %dma_wait3A_563 : memref<1x80x64xf32, #tpu.memory_space<vmem>> -> memref<80x64xf32, #tpu.memory_space<vmem>>
        %dma_wait3A_565 = arith.constant 0 : i32
        %dma_wait3A_566 = tpu.memref_slice %arg7[%add3A_476, %dma_wait3A_565] : memref<250x80xi32, #tpu.memory_space<vmem>> -> memref<1x80xi32, #tpu.memory_space<vmem>>
        %dma_wait3A_567 = tpu.memref_squeeze %dma_wait3A_566 : memref<1x80xi32, #tpu.memory_space<vmem>> -> memref<80xi32, #tpu.memory_space<vmem>>
        %dma_wait3A_568 = arith.constant 0 : i32
        %dma_wait3A_569 = arith.constant 0 : i32
        %dma_wait3A_570 = tpu.memref_slice %arg11[%dma_wait3A_568, %dma_wait3A_569] : memref<10000x64xf32, #tpu.memory_space<vmem_shared>> -> memref<10000x64xf32, #tpu.memory_space<vmem_shared>>
        %dma_wait3A_571 = tpu.memref_slice %arg10[%dma_wait3A_560] : memref<9x!tpu.dma_semaphore, #tpu.memory_space<semaphore_mem>> -> memref<1x!tpu.dma_semaphore, #tpu.memory_space<semaphore_mem>>
        %dma_wait3A_572 = tpu.memref_squeeze %dma_wait3A_571 : memref<1x!tpu.dma_semaphore, #tpu.memory_space<semaphore_mem>> -> memref<!tpu.dma_semaphore, #tpu.memory_space<semaphore_mem>>
        tpu.wait_indirect_dma semaphore(%dma_wait3A_572 : memref<!tpu.dma_semaphore, #tpu.memory_space<semaphore_mem>>) src(%dma_wait3A_564 : memref<80x64xf32, #tpu.memory_space<vmem>>) dst(%dma_wait3A_570 : memref<10000x64xf32, #tpu.memory_space<vmem_shared>>)
        %dma_start3A_573 = arith.constant 1 : i32
        %dma_start3A_574 = arith.constant 1 : i32
        %dma_start3A_575 = arith.constant 0 : i32
        %dma_start3A_576 = arith.constant 0 : i32
        %dma_start3A_577 = tpu.memref_slice %arg8[%dma_start3A_573, %dma_start3A_575, %dma_start3A_576] : memref<9x80x64xf32, #tpu.memory_space<vmem>> -> memref<1x80x64xf32, #tpu.memory_space<vmem>>
        %dma_start3A_578 = tpu.memref_squeeze %dma_start3A_577 : memref<1x80x64xf32, #tpu.memory_space<vmem>> -> memref<80x64xf32, #tpu.memory_space<vmem>>
        %dma_start3A_579 = arith.constant 0 : i32
        %dma_start3A_580 = tpu.memref_slice %arg6[%add3A_476, %dma_start3A_579] : memref<250x80xi32, #tpu.memory_space<vmem>> -> memref<1x80xi32, #tpu.memory_space<vmem>>
        %dma_start3A_581 = tpu.memref_squeeze %dma_start3A_580 : memref<1x80xi32, #tpu.memory_space<vmem>> -> memref<80xi32, #tpu.memory_space<vmem>>
        %dma_start3A_582 = arith.constant 0 : i32
        %dma_start3A_583 = arith.constant 0 : i32
        %dma_start3A_584 = tpu.memref_slice %arg2[%arg0, %dma_start3A_582, %dma_start3A_583] : memref<2x10000x64xf32, #tpu.memory_space<hbm>> -> memref<1x10000x64xf32, #tpu.memory_space<hbm>>
        %dma_start3A_585 = tpu.memref_squeeze %dma_start3A_584 : memref<1x10000x64xf32, #tpu.memory_space<hbm>> -> memref<10000x64xf32, #tpu.memory_space<hbm>>
        %dma_start3A_586 = arith.constant 0 : i32
        %dma_start3A_587 = arith.constant 0 : i32
        %dma_start3A_588 = tpu.memref_slice %dma_start3A_585[%dma_start3A_586, %dma_start3A_587] : memref<10000x64xf32, #tpu.memory_space<hbm>> -> memref<10000x64xf32, #tpu.memory_space<hbm>>
        %dma_start3A_589 = tpu.memref_slice %arg9[%dma_start3A_574] : memref<9x!tpu.dma_semaphore, #tpu.memory_space<semaphore_mem>> -> memref<1x!tpu.dma_semaphore, #tpu.memory_space<semaphore_mem>>
        %dma_start3A_590 = tpu.memref_squeeze %dma_start3A_589 : memref<1x!tpu.dma_semaphore, #tpu.memory_space<semaphore_mem>> -> memref<!tpu.dma_semaphore, #tpu.memory_space<semaphore_mem>>
        tpu.enqueue_indirect_dma source(%dma_start3A_588 : memref<10000x64xf32, #tpu.memory_space<hbm>>) target(%dma_start3A_578 : memref<80x64xf32, #tpu.memory_space<vmem>>) offsets(%dma_start3A_581 : memref<80xi32, #tpu.memory_space<vmem>>) semaphore(%dma_start3A_590 : memref<!tpu.dma_semaphore, #tpu.memory_space<semaphore_mem>>)
      } else {
      }
      %add3A_482 = arith.constant 1 : i32
      %add3A_483 = arith.addi %scan3A_380, %add3A_482 : i32
      %mul3A_484 = arith.constant 9 : i32
      %mul3A_485 = arith.muli %add3A_483, %mul3A_484 : i32
      %add3A_486 = arith.constant 2 : i32
      %add3A_487 = arith.addi %mul3A_485, %add3A_486 : i32
      %lt3A_488 = arith.constant 250 : i32
      %lt3A_489 = arith.cmpi slt, %add3A_487, %lt3A_488 : i32
      %convert_element_type3A_490 = arith.extui %lt3A_489 : i1 to i32
      %cond3A_491 = arith.constant 0 : i32
      %cond3A_492 = arith.cmpi ne, %convert_element_type3A_490, %cond3A_491 : i32
      scf.if %cond3A_492 {
        %dma_wait3A_559 = arith.constant 2 : i32
        %dma_wait3A_560 = arith.constant 2 : i32
        %dma_wait3A_561 = arith.constant 0 : i32
        %dma_wait3A_562 = arith.constant 0 : i32
        %dma_wait3A_563 = tpu.memref_slice %arg8[%dma_wait3A_559, %dma_wait3A_561, %dma_wait3A_562] : memref<9x80x64xf32, #tpu.memory_space<vmem>> -> memref<1x80x64xf32, #tpu.memory_space<vmem>>
        %dma_wait3A_564 = tpu.memref_squeeze %dma_wait3A_563 : memref<1x80x64xf32, #tpu.memory_space<vmem>> -> memref<80x64xf32, #tpu.memory_space<vmem>>
        %dma_wait3A_565 = arith.constant 0 : i32
        %dma_wait3A_566 = tpu.memref_slice %arg7[%add3A_487, %dma_wait3A_565] : memref<250x80xi32, #tpu.memory_space<vmem>> -> memref<1x80xi32, #tpu.memory_space<vmem>>
        %dma_wait3A_567 = tpu.memref_squeeze %dma_wait3A_566 : memref<1x80xi32, #tpu.memory_space<vmem>> -> memref<80xi32, #tpu.memory_space<vmem>>
        %dma_wait3A_568 = arith.constant 0 : i32
        %dma_wait3A_569 = arith.constant 0 : i32
        %dma_wait3A_570 = tpu.memref_slice %arg11[%dma_wait3A_568, %dma_wait3A_569] : memref<10000x64xf32, #tpu.memory_space<vmem_shared>> -> memref<10000x64xf32, #tpu.memory_space<vmem_shared>>
        %dma_wait3A_571 = tpu.memref_slice %arg10[%dma_wait3A_560] : memref<9x!tpu.dma_semaphore, #tpu.memory_space<semaphore_mem>> -> memref<1x!tpu.dma_semaphore, #tpu.memory_space<semaphore_mem>>
        %dma_wait3A_572 = tpu.memref_squeeze %dma_wait3A_571 : memref<1x!tpu.dma_semaphore, #tpu.memory_space<semaphore_mem>> -> memref<!tpu.dma_semaphore, #tpu.memory_space<semaphore_mem>>
        tpu.wait_indirect_dma semaphore(%dma_wait3A_572 : memref<!tpu.dma_semaphore, #tpu.memory_space<semaphore_mem>>) src(%dma_wait3A_564 : memref<80x64xf32, #tpu.memory_space<vmem>>) dst(%dma_wait3A_570 : memref<10000x64xf32, #tpu.memory_space<vmem_shared>>)
        %dma_start3A_573 = arith.constant 2 : i32
        %dma_start3A_574 = arith.constant 2 : i32
        %dma_start3A_575 = arith.constant 0 : i32
        %dma_start3A_576 = arith.constant 0 : i32
        %dma_start3A_577 = tpu.memref_slice %arg8[%dma_start3A_573, %dma_start3A_575, %dma_start3A_576] : memref<9x80x64xf32, #tpu.memory_space<vmem>> -> memref<1x80x64xf32, #tpu.memory_space<vmem>>
        %dma_start3A_578 = tpu.memref_squeeze %dma_start3A_577 : memref<1x80x64xf32, #tpu.memory_space<vmem>> -> memref<80x64xf32, #tpu.memory_space<vmem>>
        %dma_start3A_579 = arith.constant 0 : i32
        %dma_start3A_580 = tpu.memref_slice %arg6[%add3A_487, %dma_start3A_579] : memref<250x80xi32, #tpu.memory_space<vmem>> -> memref<1x80xi32, #tpu.memory_space<vmem>>
        %dma_start3A_581 = tpu.memref_squeeze %dma_start3A_580 : memref<1x80xi32, #tpu.memory_space<vmem>> -> memref<80xi32, #tpu.memory_space<vmem>>
        %dma_start3A_582 = arith.constant 0 : i32
        %dma_start3A_583 = arith.constant 0 : i32
        %dma_start3A_584 = tpu.memref_slice %arg2[%arg0, %dma_start3A_582, %dma_start3A_583] : memref<2x10000x64xf32, #tpu.memory_space<hbm>> -> memref<1x10000x64xf32, #tpu.memory_space<hbm>>
        %dma_start3A_585 = tpu.memref_squeeze %dma_start3A_584 : memref<1x10000x64xf32, #tpu.memory_space<hbm>> -> memref<10000x64xf32, #tpu.memory_space<hbm>>
        %dma_start3A_586 = arith.constant 0 : i32
        %dma_start3A_587 = arith.constant 0 : i32
        %dma_start3A_588 = tpu.memref_slice %dma_start3A_585[%dma_start3A_586, %dma_start3A_587] : memref<10000x64xf32, #tpu.memory_space<hbm>> -> memref<10000x64xf32, #tpu.memory_space<hbm>>
        %dma_start3A_589 = tpu.memref_slice %arg9[%dma_start3A_574] : memref<9x!tpu.dma_semaphore, #tpu.memory_space<semaphore_mem>> -> memref<1x!tpu.dma_semaphore, #tpu.memory_space<semaphore_mem>>
        %dma_start3A_590 = tpu.memref_squeeze %dma_start3A_589 : memref<1x!tpu.dma_semaphore, #tpu.memory_space<semaphore_mem>> -> memref<!tpu.dma_semaphore, #tpu.memory_space<semaphore_mem>>
        tpu.enqueue_indirect_dma source(%dma_start3A_588 : memref<10000x64xf32, #tpu.memory_space<hbm>>) target(%dma_start3A_578 : memref<80x64xf32, #tpu.memory_space<vmem>>) offsets(%dma_start3A_581 : memref<80xi32, #tpu.memory_space<vmem>>) semaphore(%dma_start3A_590 : memref<!tpu.dma_semaphore, #tpu.memory_space<semaphore_mem>>)
      } else {
      }
      %add3A_493 = arith.constant 1 : i32
      %add3A_494 = arith.addi %scan3A_380, %add3A_493 : i32
      %mul3A_495 = arith.constant 9 : i32
      %mul3A_496 = arith.muli %add3A_494, %mul3A_495 : i32
      %add3A_497 = arith.constant 3 : i32
      %add3A_498 = arith.addi %mul3A_496, %add3A_497 : i32
      %lt3A_499 = arith.constant 250 : i32
      %lt3A_500 = arith.cmpi slt, %add3A_498, %lt3A_499 : i32
      %convert_element_type3A_501 = arith.extui %lt3A_500 : i1 to i32
      %cond3A_502 = arith.constant 0 : i32
      %cond3A_503 = arith.cmpi ne, %convert_element_type3A_501, %cond3A_502 : i32
      scf.if %cond3A_503 {
        %dma_wait3A_559 = arith.constant 3 : i32
        %dma_wait3A_560 = arith.constant 3 : i32
        %dma_wait3A_561 = arith.constant 0 : i32
        %dma_wait3A_562 = arith.constant 0 : i32
        %dma_wait3A_563 = tpu.memref_slice %arg8[%dma_wait3A_559, %dma_wait3A_561, %dma_wait3A_562] : memref<9x80x64xf32, #tpu.memory_space<vmem>> -> memref<1x80x64xf32, #tpu.memory_space<vmem>>
        %dma_wait3A_564 = tpu.memref_squeeze %dma_wait3A_563 : memref<1x80x64xf32, #tpu.memory_space<vmem>> -> memref<80x64xf32, #tpu.memory_space<vmem>>
        %dma_wait3A_565 = arith.constant 0 : i32
        %dma_wait3A_566 = tpu.memref_slice %arg7[%add3A_498, %dma_wait3A_565] : memref<250x80xi32, #tpu.memory_space<vmem>> -> memref<1x80xi32, #tpu.memory_space<vmem>>
        %dma_wait3A_567 = tpu.memref_squeeze %dma_wait3A_566 : memref<1x80xi32, #tpu.memory_space<vmem>> -> memref<80xi32, #tpu.memory_space<vmem>>
        %dma_wait3A_568 = arith.constant 0 : i32
        %dma_wait3A_569 = arith.constant 0 : i32
        %dma_wait3A_570 = tpu.memref_slice %arg11[%dma_wait3A_568, %dma_wait3A_569] : memref<10000x64xf32, #tpu.memory_space<vmem_shared>> -> memref<10000x64xf32, #tpu.memory_space<vmem_shared>>
        %dma_wait3A_571 = tpu.memref_slice %arg10[%dma_wait3A_560] : memref<9x!tpu.dma_semaphore, #tpu.memory_space<semaphore_mem>> -> memref<1x!tpu.dma_semaphore, #tpu.memory_space<semaphore_mem>>
        %dma_wait3A_572 = tpu.memref_squeeze %dma_wait3A_571 : memref<1x!tpu.dma_semaphore, #tpu.memory_space<semaphore_mem>> -> memref<!tpu.dma_semaphore, #tpu.memory_space<semaphore_mem>>
        tpu.wait_indirect_dma semaphore(%dma_wait3A_572 : memref<!tpu.dma_semaphore, #tpu.memory_space<semaphore_mem>>) src(%dma_wait3A_564 : memref<80x64xf32, #tpu.memory_space<vmem>>) dst(%dma_wait3A_570 : memref<10000x64xf32, #tpu.memory_space<vmem_shared>>)
        %dma_start3A_573 = arith.constant 3 : i32
        %dma_start3A_574 = arith.constant 3 : i32
        %dma_start3A_575 = arith.constant 0 : i32
        %dma_start3A_576 = arith.constant 0 : i32
        %dma_start3A_577 = tpu.memref_slice %arg8[%dma_start3A_573, %dma_start3A_575, %dma_start3A_576] : memref<9x80x64xf32, #tpu.memory_space<vmem>> -> memref<1x80x64xf32, #tpu.memory_space<vmem>>
        %dma_start3A_578 = tpu.memref_squeeze %dma_start3A_577 : memref<1x80x64xf32, #tpu.memory_space<vmem>> -> memref<80x64xf32, #tpu.memory_space<vmem>>
        %dma_start3A_579 = arith.constant 0 : i32
        %dma_start3A_580 = tpu.memref_slice %arg6[%add3A_498, %dma_start3A_579] : memref<250x80xi32, #tpu.memory_space<vmem>> -> memref<1x80xi32, #tpu.memory_space<vmem>>
        %dma_start3A_581 = tpu.memref_squeeze %dma_start3A_580 : memref<1x80xi32, #tpu.memory_space<vmem>> -> memref<80xi32, #tpu.memory_space<vmem>>
        %dma_start3A_582 = arith.constant 0 : i32
        %dma_start3A_583 = arith.constant 0 : i32
        %dma_start3A_584 = tpu.memref_slice %arg2[%arg0, %dma_start3A_582, %dma_start3A_583] : memref<2x10000x64xf32, #tpu.memory_space<hbm>> -> memref<1x10000x64xf32, #tpu.memory_space<hbm>>
        %dma_start3A_585 = tpu.memref_squeeze %dma_start3A_584 : memref<1x10000x64xf32, #tpu.memory_space<hbm>> -> memref<10000x64xf32, #tpu.memory_space<hbm>>
        %dma_start3A_586 = arith.constant 0 : i32
        %dma_start3A_587 = arith.constant 0 : i32
        %dma_start3A_588 = tpu.memref_slice %dma_start3A_585[%dma_start3A_586, %dma_start3A_587] : memref<10000x64xf32, #tpu.memory_space<hbm>> -> memref<10000x64xf32, #tpu.memory_space<hbm>>
        %dma_start3A_589 = tpu.memref_slice %arg9[%dma_start3A_574] : memref<9x!tpu.dma_semaphore, #tpu.memory_space<semaphore_mem>> -> memref<1x!tpu.dma_semaphore, #tpu.memory_space<semaphore_mem>>
        %dma_start3A_590 = tpu.memref_squeeze %dma_start3A_589 : memref<1x!tpu.dma_semaphore, #tpu.memory_space<semaphore_mem>> -> memref<!tpu.dma_semaphore, #tpu.memory_space<semaphore_mem>>
        tpu.enqueue_indirect_dma source(%dma_start3A_588 : memref<10000x64xf32, #tpu.memory_space<hbm>>) target(%dma_start3A_578 : memref<80x64xf32, #tpu.memory_space<vmem>>) offsets(%dma_start3A_581 : memref<80xi32, #tpu.memory_space<vmem>>) semaphore(%dma_start3A_590 : memref<!tpu.dma_semaphore, #tpu.memory_space<semaphore_mem>>)
      } else {
      }
      %add3A_504 = arith.constant 1 : i32
      %add3A_505 = arith.addi %scan3A_380, %add3A_504 : i32
      %mul3A_506 = arith.constant 9 : i32
      %mul3A_507 = arith.muli %add3A_505, %mul3A_506 : i32
      %add3A_508 = arith.constant 4 : i32
      %add3A_509 = arith.addi %mul3A_507, %add3A_508 : i32
      %lt3A_510 = arith.constant 250 : i32
      %lt3A_511 = arith.cmpi slt, %add3A_509, %lt3A_510 : i32
      %convert_element_type3A_512 = arith.extui %lt3A_511 : i1 to i32
      %cond3A_513 = arith.constant 0 : i32
      %cond3A_514 = arith.cmpi ne, %convert_element_type3A_512, %cond3A_513 : i32
      scf.if %cond3A_514 {
        %dma_wait3A_559 = arith.constant 4 : i32
        %dma_wait3A_560 = arith.constant 4 : i32
        %dma_wait3A_561 = arith.constant 0 : i32
        %dma_wait3A_562 = arith.constant 0 : i32
        %dma_wait3A_563 = tpu.memref_slice %arg8[%dma_wait3A_559, %dma_wait3A_561, %dma_wait3A_562] : memref<9x80x64xf32, #tpu.memory_space<vmem>> -> memref<1x80x64xf32, #tpu.memory_space<vmem>>
        %dma_wait3A_564 = tpu.memref_squeeze %dma_wait3A_563 : memref<1x80x64xf32, #tpu.memory_space<vmem>> -> memref<80x64xf32, #tpu.memory_space<vmem>>
        %dma_wait3A_565 = arith.constant 0 : i32
        %dma_wait3A_566 = tpu.memref_slice %arg7[%add3A_509, %dma_wait3A_565] : memref<250x80xi32, #tpu.memory_space<vmem>> -> memref<1x80xi32, #tpu.memory_space<vmem>>
        %dma_wait3A_567 = tpu.memref_squeeze %dma_wait3A_566 : memref<1x80xi32, #tpu.memory_space<vmem>> -> memref<80xi32, #tpu.memory_space<vmem>>
        %dma_wait3A_568 = arith.constant 0 : i32
        %dma_wait3A_569 = arith.constant 0 : i32
        %dma_wait3A_570 = tpu.memref_slice %arg11[%dma_wait3A_568, %dma_wait3A_569] : memref<10000x64xf32, #tpu.memory_space<vmem_shared>> -> memref<10000x64xf32, #tpu.memory_space<vmem_shared>>
        %dma_wait3A_571 = tpu.memref_slice %arg10[%dma_wait3A_560] : memref<9x!tpu.dma_semaphore, #tpu.memory_space<semaphore_mem>> -> memref<1x!tpu.dma_semaphore, #tpu.memory_space<semaphore_mem>>
        %dma_wait3A_572 = tpu.memref_squeeze %dma_wait3A_571 : memref<1x!tpu.dma_semaphore, #tpu.memory_space<semaphore_mem>> -> memref<!tpu.dma_semaphore, #tpu.memory_space<semaphore_mem>>
        tpu.wait_indirect_dma semaphore(%dma_wait3A_572 : memref<!tpu.dma_semaphore, #tpu.memory_space<semaphore_mem>>) src(%dma_wait3A_564 : memref<80x64xf32, #tpu.memory_space<vmem>>) dst(%dma_wait3A_570 : memref<10000x64xf32, #tpu.memory_space<vmem_shared>>)
        %dma_start3A_573 = arith.constant 4 : i32
        %dma_start3A_574 = arith.constant 4 : i32
        %dma_start3A_575 = arith.constant 0 : i32
        %dma_start3A_576 = arith.constant 0 : i32
        %dma_start3A_577 = tpu.memref_slice %arg8[%dma_start3A_573, %dma_start3A_575, %dma_start3A_576] : memref<9x80x64xf32, #tpu.memory_space<vmem>> -> memref<1x80x64xf32, #tpu.memory_space<vmem>>
        %dma_start3A_578 = tpu.memref_squeeze %dma_start3A_577 : memref<1x80x64xf32, #tpu.memory_space<vmem>> -> memref<80x64xf32, #tpu.memory_space<vmem>>
        %dma_start3A_579 = arith.constant 0 : i32
        %dma_start3A_580 = tpu.memref_slice %arg6[%add3A_509, %dma_start3A_579] : memref<250x80xi32, #tpu.memory_space<vmem>> -> memref<1x80xi32, #tpu.memory_space<vmem>>
        %dma_start3A_581 = tpu.memref_squeeze %dma_start3A_580 : memref<1x80xi32, #tpu.memory_space<vmem>> -> memref<80xi32, #tpu.memory_space<vmem>>
        %dma_start3A_582 = arith.constant 0 : i32
        %dma_start3A_583 = arith.constant 0 : i32
        %dma_start3A_584 = tpu.memref_slice %arg2[%arg0, %dma_start3A_582, %dma_start3A_583] : memref<2x10000x64xf32, #tpu.memory_space<hbm>> -> memref<1x10000x64xf32, #tpu.memory_space<hbm>>
        %dma_start3A_585 = tpu.memref_squeeze %dma_start3A_584 : memref<1x10000x64xf32, #tpu.memory_space<hbm>> -> memref<10000x64xf32, #tpu.memory_space<hbm>>
        %dma_start3A_586 = arith.constant 0 : i32
        %dma_start3A_587 = arith.constant 0 : i32
        %dma_start3A_588 = tpu.memref_slice %dma_start3A_585[%dma_start3A_586, %dma_start3A_587] : memref<10000x64xf32, #tpu.memory_space<hbm>> -> memref<10000x64xf32, #tpu.memory_space<hbm>>
        %dma_start3A_589 = tpu.memref_slice %arg9[%dma_start3A_574] : memref<9x!tpu.dma_semaphore, #tpu.memory_space<semaphore_mem>> -> memref<1x!tpu.dma_semaphore, #tpu.memory_space<semaphore_mem>>
        %dma_start3A_590 = tpu.memref_squeeze %dma_start3A_589 : memref<1x!tpu.dma_semaphore, #tpu.memory_space<semaphore_mem>> -> memref<!tpu.dma_semaphore, #tpu.memory_space<semaphore_mem>>
        tpu.enqueue_indirect_dma source(%dma_start3A_588 : memref<10000x64xf32, #tpu.memory_space<hbm>>) target(%dma_start3A_578 : memref<80x64xf32, #tpu.memory_space<vmem>>) offsets(%dma_start3A_581 : memref<80xi32, #tpu.memory_space<vmem>>) semaphore(%dma_start3A_590 : memref<!tpu.dma_semaphore, #tpu.memory_space<semaphore_mem>>)
      } else {
      }
      %add3A_515 = arith.constant 1 : i32
      %add3A_516 = arith.addi %scan3A_380, %add3A_515 : i32
      %mul3A_517 = arith.constant 9 : i32
      %mul3A_518 = arith.muli %add3A_516, %mul3A_517 : i32
      %add3A_519 = arith.constant 5 : i32
      %add3A_520 = arith.addi %mul3A_518, %add3A_519 : i32
      %lt3A_521 = arith.constant 250 : i32
      %lt3A_522 = arith.cmpi slt, %add3A_520, %lt3A_521 : i32
      %convert_element_type3A_523 = arith.extui %lt3A_522 : i1 to i32
      %cond3A_524 = arith.constant 0 : i32
      %cond3A_525 = arith.cmpi ne, %convert_element_type3A_523, %cond3A_524 : i32
      scf.if %cond3A_525 {
        %dma_wait3A_559 = arith.constant 5 : i32
        %dma_wait3A_560 = arith.constant 5 : i32
        %dma_wait3A_561 = arith.constant 0 : i32
        %dma_wait3A_562 = arith.constant 0 : i32
        %dma_wait3A_563 = tpu.memref_slice %arg8[%dma_wait3A_559, %dma_wait3A_561, %dma_wait3A_562] : memref<9x80x64xf32, #tpu.memory_space<vmem>> -> memref<1x80x64xf32, #tpu.memory_space<vmem>>
        %dma_wait3A_564 = tpu.memref_squeeze %dma_wait3A_563 : memref<1x80x64xf32, #tpu.memory_space<vmem>> -> memref<80x64xf32, #tpu.memory_space<vmem>>
        %dma_wait3A_565 = arith.constant 0 : i32
        %dma_wait3A_566 = tpu.memref_slice %arg7[%add3A_520, %dma_wait3A_565] : memref<250x80xi32, #tpu.memory_space<vmem>> -> memref<1x80xi32, #tpu.memory_space<vmem>>
        %dma_wait3A_567 = tpu.memref_squeeze %dma_wait3A_566 : memref<1x80xi32, #tpu.memory_space<vmem>> -> memref<80xi32, #tpu.memory_space<vmem>>
        %dma_wait3A_568 = arith.constant 0 : i32
        %dma_wait3A_569 = arith.constant 0 : i32
        %dma_wait3A_570 = tpu.memref_slice %arg11[%dma_wait3A_568, %dma_wait3A_569] : memref<10000x64xf32, #tpu.memory_space<vmem_shared>> -> memref<10000x64xf32, #tpu.memory_space<vmem_shared>>
        %dma_wait3A_571 = tpu.memref_slice %arg10[%dma_wait3A_560] : memref<9x!tpu.dma_semaphore, #tpu.memory_space<semaphore_mem>> -> memref<1x!tpu.dma_semaphore, #tpu.memory_space<semaphore_mem>>
        %dma_wait3A_572 = tpu.memref_squeeze %dma_wait3A_571 : memref<1x!tpu.dma_semaphore, #tpu.memory_space<semaphore_mem>> -> memref<!tpu.dma_semaphore, #tpu.memory_space<semaphore_mem>>
        tpu.wait_indirect_dma semaphore(%dma_wait3A_572 : memref<!tpu.dma_semaphore, #tpu.memory_space<semaphore_mem>>) src(%dma_wait3A_564 : memref<80x64xf32, #tpu.memory_space<vmem>>) dst(%dma_wait3A_570 : memref<10000x64xf32, #tpu.memory_space<vmem_shared>>)
        %dma_start3A_573 = arith.constant 5 : i32
        %dma_start3A_574 = arith.constant 5 : i32
        %dma_start3A_575 = arith.constant 0 : i32
        %dma_start3A_576 = arith.constant 0 : i32
        %dma_start3A_577 = tpu.memref_slice %arg8[%dma_start3A_573, %dma_start3A_575, %dma_start3A_576] : memref<9x80x64xf32, #tpu.memory_space<vmem>> -> memref<1x80x64xf32, #tpu.memory_space<vmem>>
        %dma_start3A_578 = tpu.memref_squeeze %dma_start3A_577 : memref<1x80x64xf32, #tpu.memory_space<vmem>> -> memref<80x64xf32, #tpu.memory_space<vmem>>
        %dma_start3A_579 = arith.constant 0 : i32
        %dma_start3A_580 = tpu.memref_slice %arg6[%add3A_520, %dma_start3A_579] : memref<250x80xi32, #tpu.memory_space<vmem>> -> memref<1x80xi32, #tpu.memory_space<vmem>>
        %dma_start3A_581 = tpu.memref_squeeze %dma_start3A_580 : memref<1x80xi32, #tpu.memory_space<vmem>> -> memref<80xi32, #tpu.memory_space<vmem>>
        %dma_start3A_582 = arith.constant 0 : i32
        %dma_start3A_583 = arith.constant 0 : i32
        %dma_start3A_584 = tpu.memref_slice %arg2[%arg0, %dma_start3A_582, %dma_start3A_583] : memref<2x10000x64xf32, #tpu.memory_space<hbm>> -> memref<1x10000x64xf32, #tpu.memory_space<hbm>>
        %dma_start3A_585 = tpu.memref_squeeze %dma_start3A_584 : memref<1x10000x64xf32, #tpu.memory_space<hbm>> -> memref<10000x64xf32, #tpu.memory_space<hbm>>
        %dma_start3A_586 = arith.constant 0 : i32
        %dma_start3A_587 = arith.constant 0 : i32
        %dma_start3A_588 = tpu.memref_slice %dma_start3A_585[%dma_start3A_586, %dma_start3A_587] : memref<10000x64xf32, #tpu.memory_space<hbm>> -> memref<10000x64xf32, #tpu.memory_space<hbm>>
        %dma_start3A_589 = tpu.memref_slice %arg9[%dma_start3A_574] : memref<9x!tpu.dma_semaphore, #tpu.memory_space<semaphore_mem>> -> memref<1x!tpu.dma_semaphore, #tpu.memory_space<semaphore_mem>>
        %dma_start3A_590 = tpu.memref_squeeze %dma_start3A_589 : memref<1x!tpu.dma_semaphore, #tpu.memory_space<semaphore_mem>> -> memref<!tpu.dma_semaphore, #tpu.memory_space<semaphore_mem>>
        tpu.enqueue_indirect_dma source(%dma_start3A_588 : memref<10000x64xf32, #tpu.memory_space<hbm>>) target(%dma_start3A_578 : memref<80x64xf32, #tpu.memory_space<vmem>>) offsets(%dma_start3A_581 : memref<80xi32, #tpu.memory_space<vmem>>) semaphore(%dma_start3A_590 : memref<!tpu.dma_semaphore, #tpu.memory_space<semaphore_mem>>)
      } else {
      }
      %add3A_526 = arith.constant 1 : i32
      %add3A_527 = arith.addi %scan3A_380, %add3A_526 : i32
      %mul3A_528 = arith.constant 9 : i32
      %mul3A_529 = arith.muli %add3A_527, %mul3A_528 : i32
      %add3A_530 = arith.constant 6 : i32
      %add3A_531 = arith.addi %mul3A_529, %add3A_530 : i32
      %lt3A_532 = arith.constant 250 : i32
      %lt3A_533 = arith.cmpi slt, %add3A_531, %lt3A_532 : i32
      %convert_element_type3A_534 = arith.extui %lt3A_533 : i1 to i32
      %cond3A_535 = arith.constant 0 : i32
      %cond3A_536 = arith.cmpi ne, %convert_element_type3A_534, %cond3A_535 : i32
      scf.if %cond3A_536 {
        %dma_wait3A_559 = arith.constant 6 : i32
        %dma_wait3A_560 = arith.constant 6 : i32
        %dma_wait3A_561 = arith.constant 0 : i32
        %dma_wait3A_562 = arith.constant 0 : i32
        %dma_wait3A_563 = tpu.memref_slice %arg8[%dma_wait3A_559, %dma_wait3A_561, %dma_wait3A_562] : memref<9x80x64xf32, #tpu.memory_space<vmem>> -> memref<1x80x64xf32, #tpu.memory_space<vmem>>
        %dma_wait3A_564 = tpu.memref_squeeze %dma_wait3A_563 : memref<1x80x64xf32, #tpu.memory_space<vmem>> -> memref<80x64xf32, #tpu.memory_space<vmem>>
        %dma_wait3A_565 = arith.constant 0 : i32
        %dma_wait3A_566 = tpu.memref_slice %arg7[%add3A_531, %dma_wait3A_565] : memref<250x80xi32, #tpu.memory_space<vmem>> -> memref<1x80xi32, #tpu.memory_space<vmem>>
        %dma_wait3A_567 = tpu.memref_squeeze %dma_wait3A_566 : memref<1x80xi32, #tpu.memory_space<vmem>> -> memref<80xi32, #tpu.memory_space<vmem>>
        %dma_wait3A_568 = arith.constant 0 : i32
        %dma_wait3A_569 = arith.constant 0 : i32
        %dma_wait3A_570 = tpu.memref_slice %arg11[%dma_wait3A_568, %dma_wait3A_569] : memref<10000x64xf32, #tpu.memory_space<vmem_shared>> -> memref<10000x64xf32, #tpu.memory_space<vmem_shared>>
        %dma_wait3A_571 = tpu.memref_slice %arg10[%dma_wait3A_560] : memref<9x!tpu.dma_semaphore, #tpu.memory_space<semaphore_mem>> -> memref<1x!tpu.dma_semaphore, #tpu.memory_space<semaphore_mem>>
        %dma_wait3A_572 = tpu.memref_squeeze %dma_wait3A_571 : memref<1x!tpu.dma_semaphore, #tpu.memory_space<semaphore_mem>> -> memref<!tpu.dma_semaphore, #tpu.memory_space<semaphore_mem>>
        tpu.wait_indirect_dma semaphore(%dma_wait3A_572 : memref<!tpu.dma_semaphore, #tpu.memory_space<semaphore_mem>>) src(%dma_wait3A_564 : memref<80x64xf32, #tpu.memory_space<vmem>>) dst(%dma_wait3A_570 : memref<10000x64xf32, #tpu.memory_space<vmem_shared>>)
        %dma_start3A_573 = arith.constant 6 : i32
        %dma_start3A_574 = arith.constant 6 : i32
        %dma_start3A_575 = arith.constant 0 : i32
        %dma_start3A_576 = arith.constant 0 : i32
        %dma_start3A_577 = tpu.memref_slice %arg8[%dma_start3A_573, %dma_start3A_575, %dma_start3A_576] : memref<9x80x64xf32, #tpu.memory_space<vmem>> -> memref<1x80x64xf32, #tpu.memory_space<vmem>>
        %dma_start3A_578 = tpu.memref_squeeze %dma_start3A_577 : memref<1x80x64xf32, #tpu.memory_space<vmem>> -> memref<80x64xf32, #tpu.memory_space<vmem>>
        %dma_start3A_579 = arith.constant 0 : i32
        %dma_start3A_580 = tpu.memref_slice %arg6[%add3A_531, %dma_start3A_579] : memref<250x80xi32, #tpu.memory_space<vmem>> -> memref<1x80xi32, #tpu.memory_space<vmem>>
        %dma_start3A_581 = tpu.memref_squeeze %dma_start3A_580 : memref<1x80xi32, #tpu.memory_space<vmem>> -> memref<80xi32, #tpu.memory_space<vmem>>
        %dma_start3A_582 = arith.constant 0 : i32
        %dma_start3A_583 = arith.constant 0 : i32
        %dma_start3A_584 = tpu.memref_slice %arg2[%arg0, %dma_start3A_582, %dma_start3A_583] : memref<2x10000x64xf32, #tpu.memory_space<hbm>> -> memref<1x10000x64xf32, #tpu.memory_space<hbm>>
        %dma_start3A_585 = tpu.memref_squeeze %dma_start3A_584 : memref<1x10000x64xf32, #tpu.memory_space<hbm>> -> memref<10000x64xf32, #tpu.memory_space<hbm>>
        %dma_start3A_586 = arith.constant 0 : i32
        %dma_start3A_587 = arith.constant 0 : i32
        %dma_start3A_588 = tpu.memref_slice %dma_start3A_585[%dma_start3A_586, %dma_start3A_587] : memref<10000x64xf32, #tpu.memory_space<hbm>> -> memref<10000x64xf32, #tpu.memory_space<hbm>>
        %dma_start3A_589 = tpu.memref_slice %arg9[%dma_start3A_574] : memref<9x!tpu.dma_semaphore, #tpu.memory_space<semaphore_mem>> -> memref<1x!tpu.dma_semaphore, #tpu.memory_space<semaphore_mem>>
        %dma_start3A_590 = tpu.memref_squeeze %dma_start3A_589 : memref<1x!tpu.dma_semaphore, #tpu.memory_space<semaphore_mem>> -> memref<!tpu.dma_semaphore, #tpu.memory_space<semaphore_mem>>
        tpu.enqueue_indirect_dma source(%dma_start3A_588 : memref<10000x64xf32, #tpu.memory_space<hbm>>) target(%dma_start3A_578 : memref<80x64xf32, #tpu.memory_space<vmem>>) offsets(%dma_start3A_581 : memref<80xi32, #tpu.memory_space<vmem>>) semaphore(%dma_start3A_590 : memref<!tpu.dma_semaphore, #tpu.memory_space<semaphore_mem>>)
      } else {
      }
      %add3A_537 = arith.constant 1 : i32
      %add3A_538 = arith.addi %scan3A_380, %add3A_537 : i32
      %mul3A_539 = arith.constant 9 : i32
      %mul3A_540 = arith.muli %add3A_538, %mul3A_539 : i32
      %add3A_541 = arith.constant 7 : i32
      %add3A_542 = arith.addi %mul3A_540, %add3A_541 : i32
      %lt3A_543 = arith.constant 250 : i32
      %lt3A_544 = arith.cmpi slt, %add3A_542, %lt3A_543 : i32
      %convert_element_type3A_545 = arith.extui %lt3A_544 : i1 to i32
      %cond3A_546 = arith.constant 0 : i32
      %cond3A_547 = arith.cmpi ne, %convert_element_type3A_545, %cond3A_546 : i32
      scf.if %cond3A_547 {
        %dma_wait3A_559 = arith.constant 7 : i32
        %dma_wait3A_560 = arith.constant 7 : i32
        %dma_wait3A_561 = arith.constant 0 : i32
        %dma_wait3A_562 = arith.constant 0 : i32
        %dma_wait3A_563 = tpu.memref_slice %arg8[%dma_wait3A_559, %dma_wait3A_561, %dma_wait3A_562] : memref<9x80x64xf32, #tpu.memory_space<vmem>> -> memref<1x80x64xf32, #tpu.memory_space<vmem>>
        %dma_wait3A_564 = tpu.memref_squeeze %dma_wait3A_563 : memref<1x80x64xf32, #tpu.memory_space<vmem>> -> memref<80x64xf32, #tpu.memory_space<vmem>>
        %dma_wait3A_565 = arith.constant 0 : i32
        %dma_wait3A_566 = tpu.memref_slice %arg7[%add3A_542, %dma_wait3A_565] : memref<250x80xi32, #tpu.memory_space<vmem>> -> memref<1x80xi32, #tpu.memory_space<vmem>>
        %dma_wait3A_567 = tpu.memref_squeeze %dma_wait3A_566 : memref<1x80xi32, #tpu.memory_space<vmem>> -> memref<80xi32, #tpu.memory_space<vmem>>
        %dma_wait3A_568 = arith.constant 0 : i32
        %dma_wait3A_569 = arith.constant 0 : i32
        %dma_wait3A_570 = tpu.memref_slice %arg11[%dma_wait3A_568, %dma_wait3A_569] : memref<10000x64xf32, #tpu.memory_space<vmem_shared>> -> memref<10000x64xf32, #tpu.memory_space<vmem_shared>>
        %dma_wait3A_571 = tpu.memref_slice %arg10[%dma_wait3A_560] : memref<9x!tpu.dma_semaphore, #tpu.memory_space<semaphore_mem>> -> memref<1x!tpu.dma_semaphore, #tpu.memory_space<semaphore_mem>>
        %dma_wait3A_572 = tpu.memref_squeeze %dma_wait3A_571 : memref<1x!tpu.dma_semaphore, #tpu.memory_space<semaphore_mem>> -> memref<!tpu.dma_semaphore, #tpu.memory_space<semaphore_mem>>
        tpu.wait_indirect_dma semaphore(%dma_wait3A_572 : memref<!tpu.dma_semaphore, #tpu.memory_space<semaphore_mem>>) src(%dma_wait3A_564 : memref<80x64xf32, #tpu.memory_space<vmem>>) dst(%dma_wait3A_570 : memref<10000x64xf32, #tpu.memory_space<vmem_shared>>)
        %dma_start3A_573 = arith.constant 7 : i32
        %dma_start3A_574 = arith.constant 7 : i32
        %dma_start3A_575 = arith.constant 0 : i32
        %dma_start3A_576 = arith.constant 0 : i32
        %dma_start3A_577 = tpu.memref_slice %arg8[%dma_start3A_573, %dma_start3A_575, %dma_start3A_576] : memref<9x80x64xf32, #tpu.memory_space<vmem>> -> memref<1x80x64xf32, #tpu.memory_space<vmem>>
        %dma_start3A_578 = tpu.memref_squeeze %dma_start3A_577 : memref<1x80x64xf32, #tpu.memory_space<vmem>> -> memref<80x64xf32, #tpu.memory_space<vmem>>
        %dma_start3A_579 = arith.constant 0 : i32
        %dma_start3A_580 = tpu.memref_slice %arg6[%add3A_542, %dma_start3A_579] : memref<250x80xi32, #tpu.memory_space<vmem>> -> memref<1x80xi32, #tpu.memory_space<vmem>>
        %dma_start3A_581 = tpu.memref_squeeze %dma_start3A_580 : memref<1x80xi32, #tpu.memory_space<vmem>> -> memref<80xi32, #tpu.memory_space<vmem>>
        %dma_start3A_582 = arith.constant 0 : i32
        %dma_start3A_583 = arith.constant 0 : i32
        %dma_start3A_584 = tpu.memref_slice %arg2[%arg0, %dma_start3A_582, %dma_start3A_583] : memref<2x10000x64xf32, #tpu.memory_space<hbm>> -> memref<1x10000x64xf32, #tpu.memory_space<hbm>>
        %dma_start3A_585 = tpu.memref_squeeze %dma_start3A_584 : memref<1x10000x64xf32, #tpu.memory_space<hbm>> -> memref<10000x64xf32, #tpu.memory_space<hbm>>
        %dma_start3A_586 = arith.constant 0 : i32
        %dma_start3A_587 = arith.constant 0 : i32
        %dma_start3A_588 = tpu.memref_slice %dma_start3A_585[%dma_start3A_586, %dma_start3A_587] : memref<10000x64xf32, #tpu.memory_space<hbm>> -> memref<10000x64xf32, #tpu.memory_space<hbm>>
        %dma_start3A_589 = tpu.memref_slice %arg9[%dma_start3A_574] : memref<9x!tpu.dma_semaphore, #tpu.memory_space<semaphore_mem>> -> memref<1x!tpu.dma_semaphore, #tpu.memory_space<semaphore_mem>>
        %dma_start3A_590 = tpu.memref_squeeze %dma_start3A_589 : memref<1x!tpu.dma_semaphore, #tpu.memory_space<semaphore_mem>> -> memref<!tpu.dma_semaphore, #tpu.memory_space<semaphore_mem>>
        tpu.enqueue_indirect_dma source(%dma_start3A_588 : memref<10000x64xf32, #tpu.memory_space<hbm>>) target(%dma_start3A_578 : memref<80x64xf32, #tpu.memory_space<vmem>>) offsets(%dma_start3A_581 : memref<80xi32, #tpu.memory_space<vmem>>) semaphore(%dma_start3A_590 : memref<!tpu.dma_semaphore, #tpu.memory_space<semaphore_mem>>)
      } else {
      }
      %add3A_548 = arith.constant 1 : i32
      %add3A_549 = arith.addi %scan3A_380, %add3A_548 : i32
      %mul3A_550 = arith.constant 9 : i32
      %mul3A_551 = arith.muli %add3A_549, %mul3A_550 : i32
      %add3A_552 = arith.constant 8 : i32
      %add3A_553 = arith.addi %mul3A_551, %add3A_552 : i32
      %lt3A_554 = arith.constant 250 : i32
      %lt3A_555 = arith.cmpi slt, %add3A_553, %lt3A_554 : i32
      %convert_element_type3A_556 = arith.extui %lt3A_555 : i1 to i32
      %cond3A_557 = arith.constant 0 : i32
      %cond3A_558 = arith.cmpi ne, %convert_element_type3A_556, %cond3A_557 : i32
      scf.if %cond3A_558 {
        %dma_wait3A_559 = arith.constant 8 : i32
        %dma_wait3A_560 = arith.constant 8 : i32
        %dma_wait3A_561 = arith.constant 0 : i32
        %dma_wait3A_562 = arith.constant 0 : i32
        %dma_wait3A_563 = tpu.memref_slice %arg8[%dma_wait3A_559, %dma_wait3A_561, %dma_wait3A_562] : memref<9x80x64xf32, #tpu.memory_space<vmem>> -> memref<1x80x64xf32, #tpu.memory_space<vmem>>
        %dma_wait3A_564 = tpu.memref_squeeze %dma_wait3A_563 : memref<1x80x64xf32, #tpu.memory_space<vmem>> -> memref<80x64xf32, #tpu.memory_space<vmem>>
        %dma_wait3A_565 = arith.constant 0 : i32
        %dma_wait3A_566 = tpu.memref_slice %arg7[%add3A_553, %dma_wait3A_565] : memref<250x80xi32, #tpu.memory_space<vmem>> -> memref<1x80xi32, #tpu.memory_space<vmem>>
        %dma_wait3A_567 = tpu.memref_squeeze %dma_wait3A_566 : memref<1x80xi32, #tpu.memory_space<vmem>> -> memref<80xi32, #tpu.memory_space<vmem>>
        %dma_wait3A_568 = arith.constant 0 : i32
        %dma_wait3A_569 = arith.constant 0 : i32
        %dma_wait3A_570 = tpu.memref_slice %arg11[%dma_wait3A_568, %dma_wait3A_569] : memref<10000x64xf32, #tpu.memory_space<vmem_shared>> -> memref<10000x64xf32, #tpu.memory_space<vmem_shared>>
        %dma_wait3A_571 = tpu.memref_slice %arg10[%dma_wait3A_560] : memref<9x!tpu.dma_semaphore, #tpu.memory_space<semaphore_mem>> -> memref<1x!tpu.dma_semaphore, #tpu.memory_space<semaphore_mem>>
        %dma_wait3A_572 = tpu.memref_squeeze %dma_wait3A_571 : memref<1x!tpu.dma_semaphore, #tpu.memory_space<semaphore_mem>> -> memref<!tpu.dma_semaphore, #tpu.memory_space<semaphore_mem>>
        tpu.wait_indirect_dma semaphore(%dma_wait3A_572 : memref<!tpu.dma_semaphore, #tpu.memory_space<semaphore_mem>>) src(%dma_wait3A_564 : memref<80x64xf32, #tpu.memory_space<vmem>>) dst(%dma_wait3A_570 : memref<10000x64xf32, #tpu.memory_space<vmem_shared>>)
        %dma_start3A_573 = arith.constant 8 : i32
        %dma_start3A_574 = arith.constant 8 : i32
        %dma_start3A_575 = arith.constant 0 : i32
        %dma_start3A_576 = arith.constant 0 : i32
        %dma_start3A_577 = tpu.memref_slice %arg8[%dma_start3A_573, %dma_start3A_575, %dma_start3A_576] : memref<9x80x64xf32, #tpu.memory_space<vmem>> -> memref<1x80x64xf32, #tpu.memory_space<vmem>>
        %dma_start3A_578 = tpu.memref_squeeze %dma_start3A_577 : memref<1x80x64xf32, #tpu.memory_space<vmem>> -> memref<80x64xf32, #tpu.memory_space<vmem>>
        %dma_start3A_579 = arith.constant 0 : i32
        %dma_start3A_580 = tpu.memref_slice %arg6[%add3A_553, %dma_start3A_579] : memref<250x80xi32, #tpu.memory_space<vmem>> -> memref<1x80xi32, #tpu.memory_space<vmem>>
        %dma_start3A_581 = tpu.memref_squeeze %dma_start3A_580 : memref<1x80xi32, #tpu.memory_space<vmem>> -> memref<80xi32, #tpu.memory_space<vmem>>
        %dma_start3A_582 = arith.constant 0 : i32
        %dma_start3A_583 = arith.constant 0 : i32
        %dma_start3A_584 = tpu.memref_slice %arg2[%arg0, %dma_start3A_582, %dma_start3A_583] : memref<2x10000x64xf32, #tpu.memory_space<hbm>> -> memref<1x10000x64xf32, #tpu.memory_space<hbm>>
        %dma_start3A_585 = tpu.memref_squeeze %dma_start3A_584 : memref<1x10000x64xf32, #tpu.memory_space<hbm>> -> memref<10000x64xf32, #tpu.memory_space<hbm>>
        %dma_start3A_586 = arith.constant 0 : i32
        %dma_start3A_587 = arith.constant 0 : i32
        %dma_start3A_588 = tpu.memref_slice %dma_start3A_585[%dma_start3A_586, %dma_start3A_587] : memref<10000x64xf32, #tpu.memory_space<hbm>> -> memref<10000x64xf32, #tpu.memory_space<hbm>>
        %dma_start3A_589 = tpu.memref_slice %arg9[%dma_start3A_574] : memref<9x!tpu.dma_semaphore, #tpu.memory_space<semaphore_mem>> -> memref<1x!tpu.dma_semaphore, #tpu.memory_space<semaphore_mem>>
        %dma_start3A_590 = tpu.memref_squeeze %dma_start3A_589 : memref<1x!tpu.dma_semaphore, #tpu.memory_space<semaphore_mem>> -> memref<!tpu.dma_semaphore, #tpu.memory_space<semaphore_mem>>
        tpu.enqueue_indirect_dma source(%dma_start3A_588 : memref<10000x64xf32, #tpu.memory_space<hbm>>) target(%dma_start3A_578 : memref<80x64xf32, #tpu.memory_space<vmem>>) offsets(%dma_start3A_581 : memref<80xi32, #tpu.memory_space<vmem>>) semaphore(%dma_start3A_590 : memref<!tpu.dma_semaphore, #tpu.memory_space<semaphore_mem>>)
      } else {
      }
    }
    %scan3A_233 = arith.constant 28 : i32
    %dma_wait3A_234 = arith.constant 0 : i32
    %dma_wait3A_235 = arith.constant 0 : i32
    %dma_wait3A_236 = arith.constant 0 : i32
    %dma_wait3A_237 = arith.constant 0 : i32
    %dma_wait3A_238 = arith.constant 0 : i32
    %dma_wait3A_239 = tpu.memref_slice %arg8[%dma_wait3A_234, %dma_wait3A_237, %dma_wait3A_238] : memref<9x80x64xf32, #tpu.memory_space<vmem>> -> memref<1x80x64xf32, #tpu.memory_space<vmem>>
    %dma_wait3A_240 = tpu.memref_squeeze %dma_wait3A_239 : memref<1x80x64xf32, #tpu.memory_space<vmem>> -> memref<80x64xf32, #tpu.memory_space<vmem>>
    %dma_wait3A_241 = arith.constant 0 : i32
    %dma_wait3A_242 = tpu.memref_slice %arg7[%dma_wait3A_235, %dma_wait3A_241] : memref<250x80xi32, #tpu.memory_space<vmem>> -> memref<1x80xi32, #tpu.memory_space<vmem>>
    %dma_wait3A_243 = tpu.memref_squeeze %dma_wait3A_242 : memref<1x80xi32, #tpu.memory_space<vmem>> -> memref<80xi32, #tpu.memory_space<vmem>>
    %dma_wait3A_244 = arith.constant 0 : i32
    %dma_wait3A_245 = arith.constant 0 : i32
    %dma_wait3A_246 = tpu.memref_slice %arg11[%dma_wait3A_244, %dma_wait3A_245] : memref<10000x64xf32, #tpu.memory_space<vmem_shared>> -> memref<10000x64xf32, #tpu.memory_space<vmem_shared>>
    %dma_wait3A_247 = tpu.memref_slice %arg10[%dma_wait3A_236] : memref<9x!tpu.dma_semaphore, #tpu.memory_space<semaphore_mem>> -> memref<1x!tpu.dma_semaphore, #tpu.memory_space<semaphore_mem>>
    %dma_wait3A_248 = tpu.memref_squeeze %dma_wait3A_247 : memref<1x!tpu.dma_semaphore, #tpu.memory_space<semaphore_mem>> -> memref<!tpu.dma_semaphore, #tpu.memory_space<semaphore_mem>>
    tpu.wait_indirect_dma semaphore(%dma_wait3A_248 : memref<!tpu.dma_semaphore, #tpu.memory_space<semaphore_mem>>) src(%dma_wait3A_240 : memref<80x64xf32, #tpu.memory_space<vmem>>) dst(%dma_wait3A_246 : memref<10000x64xf32, #tpu.memory_space<vmem_shared>>)
    %dma_wait3A_249 = arith.constant 1 : i32
    %dma_wait3A_250 = arith.constant 1 : i32
    %dma_wait3A_251 = arith.constant 1 : i32
    %dma_wait3A_252 = arith.constant 0 : i32
    %dma_wait3A_253 = arith.constant 0 : i32
    %dma_wait3A_254 = tpu.memref_slice %arg8[%dma_wait3A_249, %dma_wait3A_252, %dma_wait3A_253] : memref<9x80x64xf32, #tpu.memory_space<vmem>> -> memref<1x80x64xf32, #tpu.memory_space<vmem>>
    %dma_wait3A_255 = tpu.memref_squeeze %dma_wait3A_254 : memref<1x80x64xf32, #tpu.memory_space<vmem>> -> memref<80x64xf32, #tpu.memory_space<vmem>>
    %dma_wait3A_256 = arith.constant 0 : i32
    %dma_wait3A_257 = tpu.memref_slice %arg7[%dma_wait3A_250, %dma_wait3A_256] : memref<250x80xi32, #tpu.memory_space<vmem>> -> memref<1x80xi32, #tpu.memory_space<vmem>>
    %dma_wait3A_258 = tpu.memref_squeeze %dma_wait3A_257 : memref<1x80xi32, #tpu.memory_space<vmem>> -> memref<80xi32, #tpu.memory_space<vmem>>
    %dma_wait3A_259 = arith.constant 0 : i32
    %dma_wait3A_260 = arith.constant 0 : i32
    %dma_wait3A_261 = tpu.memref_slice %arg11[%dma_wait3A_259, %dma_wait3A_260] : memref<10000x64xf32, #tpu.memory_space<vmem_shared>> -> memref<10000x64xf32, #tpu.memory_space<vmem_shared>>
    %dma_wait3A_262 = tpu.memref_slice %arg10[%dma_wait3A_251] : memref<9x!tpu.dma_semaphore, #tpu.memory_space<semaphore_mem>> -> memref<1x!tpu.dma_semaphore, #tpu.memory_space<semaphore_mem>>
    %dma_wait3A_263 = tpu.memref_squeeze %dma_wait3A_262 : memref<1x!tpu.dma_semaphore, #tpu.memory_space<semaphore_mem>> -> memref<!tpu.dma_semaphore, #tpu.memory_space<semaphore_mem>>
    tpu.wait_indirect_dma semaphore(%dma_wait3A_263 : memref<!tpu.dma_semaphore, #tpu.memory_space<semaphore_mem>>) src(%dma_wait3A_255 : memref<80x64xf32, #tpu.memory_space<vmem>>) dst(%dma_wait3A_261 : memref<10000x64xf32, #tpu.memory_space<vmem_shared>>)
    %dma_wait3A_264 = arith.constant 2 : i32
    %dma_wait3A_265 = arith.constant 2 : i32
    %dma_wait3A_266 = arith.constant 2 : i32
    %dma_wait3A_267 = arith.constant 0 : i32
    %dma_wait3A_268 = arith.constant 0 : i32
    %dma_wait3A_269 = tpu.memref_slice %arg8[%dma_wait3A_264, %dma_wait3A_267, %dma_wait3A_268] : memref<9x80x64xf32, #tpu.memory_space<vmem>> -> memref<1x80x64xf32, #tpu.memory_space<vmem>>
    %dma_wait3A_270 = tpu.memref_squeeze %dma_wait3A_269 : memref<1x80x64xf32, #tpu.memory_space<vmem>> -> memref<80x64xf32, #tpu.memory_space<vmem>>
    %dma_wait3A_271 = arith.constant 0 : i32
    %dma_wait3A_272 = tpu.memref_slice %arg7[%dma_wait3A_265, %dma_wait3A_271] : memref<250x80xi32, #tpu.memory_space<vmem>> -> memref<1x80xi32, #tpu.memory_space<vmem>>
    %dma_wait3A_273 = tpu.memref_squeeze %dma_wait3A_272 : memref<1x80xi32, #tpu.memory_space<vmem>> -> memref<80xi32, #tpu.memory_space<vmem>>
    %dma_wait3A_274 = arith.constant 0 : i32
    %dma_wait3A_275 = arith.constant 0 : i32
    %dma_wait3A_276 = tpu.memref_slice %arg11[%dma_wait3A_274, %dma_wait3A_275] : memref<10000x64xf32, #tpu.memory_space<vmem_shared>> -> memref<10000x64xf32, #tpu.memory_space<vmem_shared>>
    %dma_wait3A_277 = tpu.memref_slice %arg10[%dma_wait3A_266] : memref<9x!tpu.dma_semaphore, #tpu.memory_space<semaphore_mem>> -> memref<1x!tpu.dma_semaphore, #tpu.memory_space<semaphore_mem>>
    %dma_wait3A_278 = tpu.memref_squeeze %dma_wait3A_277 : memref<1x!tpu.dma_semaphore, #tpu.memory_space<semaphore_mem>> -> memref<!tpu.dma_semaphore, #tpu.memory_space<semaphore_mem>>
    tpu.wait_indirect_dma semaphore(%dma_wait3A_278 : memref<!tpu.dma_semaphore, #tpu.memory_space<semaphore_mem>>) src(%dma_wait3A_270 : memref<80x64xf32, #tpu.memory_space<vmem>>) dst(%dma_wait3A_276 : memref<10000x64xf32, #tpu.memory_space<vmem_shared>>)
    %dma_wait3A_279 = arith.constant 3 : i32
    %dma_wait3A_280 = arith.constant 3 : i32
    %dma_wait3A_281 = arith.constant 3 : i32
    %dma_wait3A_282 = arith.constant 0 : i32
    %dma_wait3A_283 = arith.constant 0 : i32
    %dma_wait3A_284 = tpu.memref_slice %arg8[%dma_wait3A_279, %dma_wait3A_282, %dma_wait3A_283] : memref<9x80x64xf32, #tpu.memory_space<vmem>> -> memref<1x80x64xf32, #tpu.memory_space<vmem>>
    %dma_wait3A_285 = tpu.memref_squeeze %dma_wait3A_284 : memref<1x80x64xf32, #tpu.memory_space<vmem>> -> memref<80x64xf32, #tpu.memory_space<vmem>>
    %dma_wait3A_286 = arith.constant 0 : i32
    %dma_wait3A_287 = tpu.memref_slice %arg7[%dma_wait3A_280, %dma_wait3A_286] : memref<250x80xi32, #tpu.memory_space<vmem>> -> memref<1x80xi32, #tpu.memory_space<vmem>>
    %dma_wait3A_288 = tpu.memref_squeeze %dma_wait3A_287 : memref<1x80xi32, #tpu.memory_space<vmem>> -> memref<80xi32, #tpu.memory_space<vmem>>
    %dma_wait3A_289 = arith.constant 0 : i32
    %dma_wait3A_290 = arith.constant 0 : i32
    %dma_wait3A_291 = tpu.memref_slice %arg11[%dma_wait3A_289, %dma_wait3A_290] : memref<10000x64xf32, #tpu.memory_space<vmem_shared>> -> memref<10000x64xf32, #tpu.memory_space<vmem_shared>>
    %dma_wait3A_292 = tpu.memref_slice %arg10[%dma_wait3A_281] : memref<9x!tpu.dma_semaphore, #tpu.memory_space<semaphore_mem>> -> memref<1x!tpu.dma_semaphore, #tpu.memory_space<semaphore_mem>>
    %dma_wait3A_293 = tpu.memref_squeeze %dma_wait3A_292 : memref<1x!tpu.dma_semaphore, #tpu.memory_space<semaphore_mem>> -> memref<!tpu.dma_semaphore, #tpu.memory_space<semaphore_mem>>
    tpu.wait_indirect_dma semaphore(%dma_wait3A_293 : memref<!tpu.dma_semaphore, #tpu.memory_space<semaphore_mem>>) src(%dma_wait3A_285 : memref<80x64xf32, #tpu.memory_space<vmem>>) dst(%dma_wait3A_291 : memref<10000x64xf32, #tpu.memory_space<vmem_shared>>)
    %dma_wait3A_294 = arith.constant 4 : i32
    %dma_wait3A_295 = arith.constant 4 : i32
    %dma_wait3A_296 = arith.constant 4 : i32
    %dma_wait3A_297 = arith.constant 0 : i32
    %dma_wait3A_298 = arith.constant 0 : i32
    %dma_wait3A_299 = tpu.memref_slice %arg8[%dma_wait3A_294, %dma_wait3A_297, %dma_wait3A_298] : memref<9x80x64xf32, #tpu.memory_space<vmem>> -> memref<1x80x64xf32, #tpu.memory_space<vmem>>
    %dma_wait3A_300 = tpu.memref_squeeze %dma_wait3A_299 : memref<1x80x64xf32, #tpu.memory_space<vmem>> -> memref<80x64xf32, #tpu.memory_space<vmem>>
    %dma_wait3A_301 = arith.constant 0 : i32
    %dma_wait3A_302 = tpu.memref_slice %arg7[%dma_wait3A_295, %dma_wait3A_301] : memref<250x80xi32, #tpu.memory_space<vmem>> -> memref<1x80xi32, #tpu.memory_space<vmem>>
    %dma_wait3A_303 = tpu.memref_squeeze %dma_wait3A_302 : memref<1x80xi32, #tpu.memory_space<vmem>> -> memref<80xi32, #tpu.memory_space<vmem>>
    %dma_wait3A_304 = arith.constant 0 : i32
    %dma_wait3A_305 = arith.constant 0 : i32
    %dma_wait3A_306 = tpu.memref_slice %arg11[%dma_wait3A_304, %dma_wait3A_305] : memref<10000x64xf32, #tpu.memory_space<vmem_shared>> -> memref<10000x64xf32, #tpu.memory_space<vmem_shared>>
    %dma_wait3A_307 = tpu.memref_slice %arg10[%dma_wait3A_296] : memref<9x!tpu.dma_semaphore, #tpu.memory_space<semaphore_mem>> -> memref<1x!tpu.dma_semaphore, #tpu.memory_space<semaphore_mem>>
    %dma_wait3A_308 = tpu.memref_squeeze %dma_wait3A_307 : memref<1x!tpu.dma_semaphore, #tpu.memory_space<semaphore_mem>> -> memref<!tpu.dma_semaphore, #tpu.memory_space<semaphore_mem>>
    tpu.wait_indirect_dma semaphore(%dma_wait3A_308 : memref<!tpu.dma_semaphore, #tpu.memory_space<semaphore_mem>>) src(%dma_wait3A_300 : memref<80x64xf32, #tpu.memory_space<vmem>>) dst(%dma_wait3A_306 : memref<10000x64xf32, #tpu.memory_space<vmem_shared>>)
    %dma_wait3A_309 = arith.constant 5 : i32
    %dma_wait3A_310 = arith.constant 5 : i32
    %dma_wait3A_311 = arith.constant 5 : i32
    %dma_wait3A_312 = arith.constant 0 : i32
    %dma_wait3A_313 = arith.constant 0 : i32
    %dma_wait3A_314 = tpu.memref_slice %arg8[%dma_wait3A_309, %dma_wait3A_312, %dma_wait3A_313] : memref<9x80x64xf32, #tpu.memory_space<vmem>> -> memref<1x80x64xf32, #tpu.memory_space<vmem>>
    %dma_wait3A_315 = tpu.memref_squeeze %dma_wait3A_314 : memref<1x80x64xf32, #tpu.memory_space<vmem>> -> memref<80x64xf32, #tpu.memory_space<vmem>>
    %dma_wait3A_316 = arith.constant 0 : i32
    %dma_wait3A_317 = tpu.memref_slice %arg7[%dma_wait3A_310, %dma_wait3A_316] : memref<250x80xi32, #tpu.memory_space<vmem>> -> memref<1x80xi32, #tpu.memory_space<vmem>>
    %dma_wait3A_318 = tpu.memref_squeeze %dma_wait3A_317 : memref<1x80xi32, #tpu.memory_space<vmem>> -> memref<80xi32, #tpu.memory_space<vmem>>
    %dma_wait3A_319 = arith.constant 0 : i32
    %dma_wait3A_320 = arith.constant 0 : i32
    %dma_wait3A_321 = tpu.memref_slice %arg11[%dma_wait3A_319, %dma_wait3A_320] : memref<10000x64xf32, #tpu.memory_space<vmem_shared>> -> memref<10000x64xf32, #tpu.memory_space<vmem_shared>>
    %dma_wait3A_322 = tpu.memref_slice %arg10[%dma_wait3A_311] : memref<9x!tpu.dma_semaphore, #tpu.memory_space<semaphore_mem>> -> memref<1x!tpu.dma_semaphore, #tpu.memory_space<semaphore_mem>>
    %dma_wait3A_323 = tpu.memref_squeeze %dma_wait3A_322 : memref<1x!tpu.dma_semaphore, #tpu.memory_space<semaphore_mem>> -> memref<!tpu.dma_semaphore, #tpu.memory_space<semaphore_mem>>
    tpu.wait_indirect_dma semaphore(%dma_wait3A_323 : memref<!tpu.dma_semaphore, #tpu.memory_space<semaphore_mem>>) src(%dma_wait3A_315 : memref<80x64xf32, #tpu.memory_space<vmem>>) dst(%dma_wait3A_321 : memref<10000x64xf32, #tpu.memory_space<vmem_shared>>)
    %dma_wait3A_324 = arith.constant 6 : i32
    %dma_wait3A_325 = arith.constant 6 : i32
    %dma_wait3A_326 = arith.constant 6 : i32
    %dma_wait3A_327 = arith.constant 0 : i32
    %dma_wait3A_328 = arith.constant 0 : i32
    %dma_wait3A_329 = tpu.memref_slice %arg8[%dma_wait3A_324, %dma_wait3A_327, %dma_wait3A_328] : memref<9x80x64xf32, #tpu.memory_space<vmem>> -> memref<1x80x64xf32, #tpu.memory_space<vmem>>
    %dma_wait3A_330 = tpu.memref_squeeze %dma_wait3A_329 : memref<1x80x64xf32, #tpu.memory_space<vmem>> -> memref<80x64xf32, #tpu.memory_space<vmem>>
    %dma_wait3A_331 = arith.constant 0 : i32
    %dma_wait3A_332 = tpu.memref_slice %arg7[%dma_wait3A_325, %dma_wait3A_331] : memref<250x80xi32, #tpu.memory_space<vmem>> -> memref<1x80xi32, #tpu.memory_space<vmem>>
    %dma_wait3A_333 = tpu.memref_squeeze %dma_wait3A_332 : memref<1x80xi32, #tpu.memory_space<vmem>> -> memref<80xi32, #tpu.memory_space<vmem>>
    %dma_wait3A_334 = arith.constant 0 : i32
    %dma_wait3A_335 = arith.constant 0 : i32
    %dma_wait3A_336 = tpu.memref_slice %arg11[%dma_wait3A_334, %dma_wait3A_335] : memref<10000x64xf32, #tpu.memory_space<vmem_shared>> -> memref<10000x64xf32, #tpu.memory_space<vmem_shared>>
    %dma_wait3A_337 = tpu.memref_slice %arg10[%dma_wait3A_326] : memref<9x!tpu.dma_semaphore, #tpu.memory_space<semaphore_mem>> -> memref<1x!tpu.dma_semaphore, #tpu.memory_space<semaphore_mem>>
    %dma_wait3A_338 = tpu.memref_squeeze %dma_wait3A_337 : memref<1x!tpu.dma_semaphore, #tpu.memory_space<semaphore_mem>> -> memref<!tpu.dma_semaphore, #tpu.memory_space<semaphore_mem>>
    tpu.wait_indirect_dma semaphore(%dma_wait3A_338 : memref<!tpu.dma_semaphore, #tpu.memory_space<semaphore_mem>>) src(%dma_wait3A_330 : memref<80x64xf32, #tpu.memory_space<vmem>>) dst(%dma_wait3A_336 : memref<10000x64xf32, #tpu.memory_space<vmem_shared>>)
    %dma_wait3A_339 = arith.constant 7 : i32
    %dma_wait3A_340 = arith.constant 7 : i32
    %dma_wait3A_341 = arith.constant 7 : i32
    %dma_wait3A_342 = arith.constant 0 : i32
    %dma_wait3A_343 = arith.constant 0 : i32
    %dma_wait3A_344 = tpu.memref_slice %arg8[%dma_wait3A_339, %dma_wait3A_342, %dma_wait3A_343] : memref<9x80x64xf32, #tpu.memory_space<vmem>> -> memref<1x80x64xf32, #tpu.memory_space<vmem>>
    %dma_wait3A_345 = tpu.memref_squeeze %dma_wait3A_344 : memref<1x80x64xf32, #tpu.memory_space<vmem>> -> memref<80x64xf32, #tpu.memory_space<vmem>>
    %dma_wait3A_346 = arith.constant 0 : i32
    %dma_wait3A_347 = tpu.memref_slice %arg7[%dma_wait3A_340, %dma_wait3A_346] : memref<250x80xi32, #tpu.memory_space<vmem>> -> memref<1x80xi32, #tpu.memory_space<vmem>>
    %dma_wait3A_348 = tpu.memref_squeeze %dma_wait3A_347 : memref<1x80xi32, #tpu.memory_space<vmem>> -> memref<80xi32, #tpu.memory_space<vmem>>
    %dma_wait3A_349 = arith.constant 0 : i32
    %dma_wait3A_350 = arith.constant 0 : i32
    %dma_wait3A_351 = tpu.memref_slice %arg11[%dma_wait3A_349, %dma_wait3A_350] : memref<10000x64xf32, #tpu.memory_space<vmem_shared>> -> memref<10000x64xf32, #tpu.memory_space<vmem_shared>>
    %dma_wait3A_352 = tpu.memref_slice %arg10[%dma_wait3A_341] : memref<9x!tpu.dma_semaphore, #tpu.memory_space<semaphore_mem>> -> memref<1x!tpu.dma_semaphore, #tpu.memory_space<semaphore_mem>>
    %dma_wait3A_353 = tpu.memref_squeeze %dma_wait3A_352 : memref<1x!tpu.dma_semaphore, #tpu.memory_space<semaphore_mem>> -> memref<!tpu.dma_semaphore, #tpu.memory_space<semaphore_mem>>
    tpu.wait_indirect_dma semaphore(%dma_wait3A_353 : memref<!tpu.dma_semaphore, #tpu.memory_space<semaphore_mem>>) src(%dma_wait3A_345 : memref<80x64xf32, #tpu.memory_space<vmem>>) dst(%dma_wait3A_351 : memref<10000x64xf32, #tpu.memory_space<vmem_shared>>)
    %dma_wait3A_354 = arith.constant 8 : i32
    %dma_wait3A_355 = arith.constant 8 : i32
    %dma_wait3A_356 = arith.constant 8 : i32
    %dma_wait3A_357 = arith.constant 0 : i32
    %dma_wait3A_358 = arith.constant 0 : i32
    %dma_wait3A_359 = tpu.memref_slice %arg8[%dma_wait3A_354, %dma_wait3A_357, %dma_wait3A_358] : memref<9x80x64xf32, #tpu.memory_space<vmem>> -> memref<1x80x64xf32, #tpu.memory_space<vmem>>
    %dma_wait3A_360 = tpu.memref_squeeze %dma_wait3A_359 : memref<1x80x64xf32, #tpu.memory_space<vmem>> -> memref<80x64xf32, #tpu.memory_space<vmem>>
    %dma_wait3A_361 = arith.constant 0 : i32
    %dma_wait3A_362 = tpu.memref_slice %arg7[%dma_wait3A_355, %dma_wait3A_361] : memref<250x80xi32, #tpu.memory_space<vmem>> -> memref<1x80xi32, #tpu.memory_space<vmem>>
    %dma_wait3A_363 = tpu.memref_squeeze %dma_wait3A_362 : memref<1x80xi32, #tpu.memory_space<vmem>> -> memref<80xi32, #tpu.memory_space<vmem>>
    %dma_wait3A_364 = arith.constant 0 : i32
    %dma_wait3A_365 = arith.constant 0 : i32
    %dma_wait3A_366 = tpu.memref_slice %arg11[%dma_wait3A_364, %dma_wait3A_365] : memref<10000x64xf32, #tpu.memory_space<vmem_shared>> -> memref<10000x64xf32, #tpu.memory_space<vmem_shared>>
    %dma_wait3A_367 = tpu.memref_slice %arg10[%dma_wait3A_356] : memref<9x!tpu.dma_semaphore, #tpu.memory_space<semaphore_mem>> -> memref<1x!tpu.dma_semaphore, #tpu.memory_space<semaphore_mem>>
    %dma_wait3A_368 = tpu.memref_squeeze %dma_wait3A_367 : memref<1x!tpu.dma_semaphore, #tpu.memory_space<semaphore_mem>> -> memref<!tpu.dma_semaphore, #tpu.memory_space<semaphore_mem>>
    tpu.wait_indirect_dma semaphore(%dma_wait3A_368 : memref<!tpu.dma_semaphore, #tpu.memory_space<semaphore_mem>>) src(%dma_wait3A_360 : memref<80x64xf32, #tpu.memory_space<vmem>>) dst(%dma_wait3A_366 : memref<10000x64xf32, #tpu.memory_space<vmem_shared>>)
    %barrier3A_369 = arith.constant 0 : index
    tpu.barrier barrier_id(%barrier3A_369)
    %lt3A_370 = arith.constant 15 : i32
    %lt3A_371 = arith.cmpi slt, %arg1, %lt3A_370 : i32
    %convert_element_type3A_372 = arith.extui %lt3A_371 : i1 to i32
    %cond3A_373 = arith.constant 0 : i32
    %cond3A_374 = arith.cmpi ne, %convert_element_type3A_372, %cond3A_373 : i32
    scf.if %cond3A_374 {
      %mul3A = arith.constant 624 : i32
      %mul3A_380 = arith.muli %arg1, %mul3A : i32
      %mul3A_381 = arith.constant 624 : i32
      %mul3A_382 = arith.muli %arg1, %mul3A_381 : i32
      %mul3A_383 = arith.constant 64 : i32
      %mul3A_384 = arith.muli %arg0, %mul3A_383 : i32
      "tpu.region"() ({
        %run_scoped3A = tpu.sem_alloc : memref<!tpu.dma_semaphore, #tpu.memory_space<semaphore_mem>>
        %dma_start3A_385 = tpu.memref_slice %arg5[%mul3A_382, %mul3A_384] : memref<10000x128xf32, #tpu.memory_space<hbm>> -> memref<624x64xf32, #tpu.memory_space<hbm>>
        %dma_start3A_386 = arith.constant 0 : i32
        %dma_start3A_387 = tpu.memref_slice %arg11[%mul3A_380, %dma_start3A_386] : memref<10000x64xf32, #tpu.memory_space<vmem_shared>> -> memref<624x64xf32, #tpu.memory_space<vmem_shared>>
        tpu.enqueue_dma source(%dma_start3A_387 : memref<624x64xf32, #tpu.memory_space<vmem_shared>>) target(%dma_start3A_385 : memref<624x64xf32, #tpu.memory_space<hbm>>) target_semaphore(%run_scoped3A : memref<!tpu.dma_semaphore, #tpu.memory_space<semaphore_mem>>)
        %dma_wait3A_388 = tpu.memref_slice %arg5[%mul3A_382, %mul3A_384] : memref<10000x128xf32, #tpu.memory_space<hbm>> -> memref<624x64xf32, #tpu.memory_space<hbm>>
        %dma_wait3A_389 = arith.constant 0 : i32
        %dma_wait3A_390 = tpu.memref_slice %arg11[%mul3A_380, %dma_wait3A_389] : memref<10000x64xf32, #tpu.memory_space<vmem_shared>> -> memref<624x64xf32, #tpu.memory_space<vmem_shared>>
        tpu.wait_dma2 semaphore(%run_scoped3A : memref<!tpu.dma_semaphore, #tpu.memory_space<semaphore_mem>>) src(%dma_wait3A_390 : memref<624x64xf32, #tpu.memory_space<vmem_shared>>) dst(%dma_wait3A_388 : memref<624x64xf32, #tpu.memory_space<hbm>>)
        tpu.yield
      }) : () -> ()
    } else {
    }
    %eq3A_375 = arith.constant 15 : i32
    %eq3A_376 = arith.cmpi eq, %arg1, %eq3A_375 : i32
    %convert_element_type3A_377 = arith.extui %eq3A_376 : i1 to i32
    %cond3A_378 = arith.constant 0 : i32
    %cond3A_379 = arith.cmpi ne, %convert_element_type3A_377, %cond3A_378 : i32
    scf.if %cond3A_379 {
      %mul3A = arith.constant 64 : i32
      %mul3A_380 = arith.muli %arg0, %mul3A : i32
      "tpu.region"() ({
        %run_scoped3A = tpu.sem_alloc : memref<!tpu.dma_semaphore, #tpu.memory_space<semaphore_mem>>
        %dma_start3A_381 = arith.constant 9360 : i32
        %dma_start3A_382 = tpu.memref_slice %arg5[%dma_start3A_381, %mul3A_380] : memref<10000x128xf32, #tpu.memory_space<hbm>> -> memref<640x64xf32, #tpu.memory_space<hbm>>
        %dma_start3A_383 = arith.constant 9360 : i32
        %dma_start3A_384 = arith.constant 0 : i32
        %dma_start3A_385 = tpu.memref_slice %arg11[%dma_start3A_383, %dma_start3A_384] : memref<10000x64xf32, #tpu.memory_space<vmem_shared>> -> memref<640x64xf32, #tpu.memory_space<vmem_shared>>
        tpu.enqueue_dma source(%dma_start3A_385 : memref<640x64xf32, #tpu.memory_space<vmem_shared>>) target(%dma_start3A_382 : memref<640x64xf32, #tpu.memory_space<hbm>>) target_semaphore(%run_scoped3A : memref<!tpu.dma_semaphore, #tpu.memory_space<semaphore_mem>>)
        %dma_wait3A_386 = arith.constant 9360 : i32
        %dma_wait3A_387 = tpu.memref_slice %arg5[%dma_wait3A_386, %mul3A_380] : memref<10000x128xf32, #tpu.memory_space<hbm>> -> memref<640x64xf32, #tpu.memory_space<hbm>>
        %dma_wait3A_388 = arith.constant 9360 : i32
        %dma_wait3A_389 = arith.constant 0 : i32
        %dma_wait3A_390 = tpu.memref_slice %arg11[%dma_wait3A_388, %dma_wait3A_389] : memref<10000x64xf32, #tpu.memory_space<vmem_shared>> -> memref<640x64xf32, #tpu.memory_space<vmem_shared>>
        tpu.wait_dma2 semaphore(%run_scoped3A : memref<!tpu.dma_semaphore, #tpu.memory_space<semaphore_mem>>) src(%dma_wait3A_390 : memref<640x64xf32, #tpu.memory_space<vmem_shared>>) dst(%dma_wait3A_387 : memref<640x64xf32, #tpu.memory_space<hbm>>)
        tpu.yield
      }) : () -> ()
    } else {
    }
    return
  }
}

#map = affine_map<(d0, d1) -> (0, 0, 0)>
#map1 = affine_map<(d0, d1) -> (0, 0)>
module attributes {stable_mosaic.version = 14 : i64} {
  func.func @_agg_body(%arg0: i32, %arg1: i32, %arg2: memref<2x10000x64xf32, #tpu.memory_space<hbm>>, %arg3: memref<16x250x80xi32, #tpu.memory_space<hbm>>, %arg4: memref<16x250x80xi32, #tpu.memory_space<hbm>>, %arg5: memref<10000x128xf32, #tpu.memory_space<hbm>>, %arg6: memref<250x80xi32, #tpu.memory_space<vmem>>, %arg7: memref<250x80xi32, #tpu.memory_space<vmem>>, %arg8: memref<9x80x64xf32, #tpu.memory_space<vmem>>, %arg9: memref<9x!tpu.dma_semaphore, #tpu.memory_space<semaphore_mem>>, %arg10: memref<9x!tpu.dma_semaphore, #tpu.memory_space<semaphore_mem>>, %arg11: memref<10000x64xf32, #tpu.memory_space<vmem_shared>>) attributes {dimension_semantics = [#tpu.dimension_semantics<core_parallel>, #tpu.dimension_semantics<subcore_parallel>], iteration_bounds = array<i64: 2, 16>, scalar_prefetch = 0 : i64, scratch_operands = 6 : i64, tpu.core_type = #tpu.core_type<sc_vector_subcore>, window_params = [{transform_indices = #map}, {transform_indices = #map}, {transform_indices = #map}, {transform_indices = #map1}]} {
    %lt3A = arith.constant 15 : i32
    %lt3A_0 = arith.cmpi slt, %arg1, %lt3A : i32
    %convert_element_type3A = arith.extui %lt3A_0 : i1 to i32
    %cond3A = arith.constant 0 : i32
    %cond3A_1 = arith.cmpi ne, %convert_element_type3A, %cond3A : i32
    scf.if %cond3A_1 {
      %mul3A = arith.constant 624 : i32
      %mul3A_380 = arith.muli %arg1, %mul3A : i32
      %mul3A_381 = arith.constant 624 : i32
      %mul3A_382 = arith.muli %arg1, %mul3A_381 : i32
      %dma_start3A_383 = arith.constant 0 : i32
      %dma_start3A_384 = tpu.memref_slice %arg9[%dma_start3A_383] : memref<9x!tpu.dma_semaphore, #tpu.memory_space<semaphore_mem>> -> memref<1x!tpu.dma_semaphore, #tpu.memory_space<semaphore_mem>>
      %dma_start3A_385 = tpu.memref_squeeze %dma_start3A_384 : memref<1x!tpu.dma_semaphore, #tpu.memory_space<semaphore_mem>> -> memref<!tpu.dma_semaphore, #tpu.memory_space<semaphore_mem>>
      %dma_start3A_386 = arith.constant 0 : i32
      %dma_start3A_387 = tpu.memref_slice %arg11[%mul3A_382, %dma_start3A_386] : memref<10000x64xf32, #tpu.memory_space<vmem_shared>> -> memref<624x64xf32, #tpu.memory_space<vmem_shared>>
      %dma_start3A_388 = arith.constant 0 : i32
      %dma_start3A_389 = tpu.memref_slice %arg2[%arg0, %mul3A_380, %dma_start3A_388] : memref<2x10000x64xf32, #tpu.memory_space<hbm>> -> memref<1x624x64xf32, #tpu.memory_space<hbm>>
      %dma_start3A_390 = tpu.memref_squeeze %dma_start3A_389 : memref<1x624x64xf32, #tpu.memory_space<hbm>> -> memref<624x64xf32, #tpu.memory_space<hbm>>
      tpu.enqueue_dma source(%dma_start3A_390 : memref<624x64xf32, #tpu.memory_space<hbm>>) target(%dma_start3A_387 : memref<624x64xf32, #tpu.memory_space<vmem_shared>>) target_semaphore(%dma_start3A_385 : memref<!tpu.dma_semaphore, #tpu.memory_space<semaphore_mem>>)
    } else {
    }
    %eq3A = arith.constant 15 : i32
    %eq3A_2 = arith.cmpi eq, %arg1, %eq3A : i32
    %convert_element_type3A_3 = arith.extui %eq3A_2 : i1 to i32
    %cond3A_4 = arith.constant 0 : i32
    %cond3A_5 = arith.cmpi ne, %convert_element_type3A_3, %cond3A_4 : i32
    scf.if %cond3A_5 {
      %dma_start3A_380 = arith.constant 0 : i32
      %dma_start3A_381 = tpu.memref_slice %arg9[%dma_start3A_380] : memref<9x!tpu.dma_semaphore, #tpu.memory_space<semaphore_mem>> -> memref<1x!tpu.dma_semaphore, #tpu.memory_space<semaphore_mem>>
      %dma_start3A_382 = tpu.memref_squeeze %dma_start3A_381 : memref<1x!tpu.dma_semaphore, #tpu.memory_space<semaphore_mem>> -> memref<!tpu.dma_semaphore, #tpu.memory_space<semaphore_mem>>
      %dma_start3A_383 = arith.constant 9360 : i32
      %dma_start3A_384 = arith.constant 0 : i32
      %dma_start3A_385 = tpu.memref_slice %arg11[%dma_start3A_383, %dma_start3A_384] : memref<10000x64xf32, #tpu.memory_space<vmem_shared>> -> memref<640x64xf32, #tpu.memory_space<vmem_shared>>
      %dma_start3A_386 = arith.constant 9360 : i32
      %dma_start3A_387 = arith.constant 0 : i32
      %dma_start3A_388 = tpu.memref_slice %arg2[%arg0, %dma_start3A_386, %dma_start3A_387] : memref<2x10000x64xf32, #tpu.memory_space<hbm>> -> memref<1x640x64xf32, #tpu.memory_space<hbm>>
      %dma_start3A_389 = tpu.memref_squeeze %dma_start3A_388 : memref<1x640x64xf32, #tpu.memory_space<hbm>> -> memref<640x64xf32, #tpu.memory_space<hbm>>
      tpu.enqueue_dma source(%dma_start3A_389 : memref<640x64xf32, #tpu.memory_space<hbm>>) target(%dma_start3A_385 : memref<640x64xf32, #tpu.memory_space<vmem_shared>>) target_semaphore(%dma_start3A_382 : memref<!tpu.dma_semaphore, #tpu.memory_space<semaphore_mem>>)
    } else {
    }
    %dma_start3A = arith.constant 1 : i32
    %dma_start3A_6 = arith.constant 0 : i32
    %dma_start3A_7 = arith.constant 0 : i32
    %dma_start3A_8 = tpu.memref_slice %arg3[%arg1, %dma_start3A_6, %dma_start3A_7] : memref<16x250x80xi32, #tpu.memory_space<hbm>> -> memref<1x250x80xi32, #tpu.memory_space<hbm>>
    %dma_start3A_9 = tpu.memref_squeeze %dma_start3A_8 : memref<1x250x80xi32, #tpu.memory_space<hbm>> -> memref<250x80xi32, #tpu.memory_space<hbm>>
    %dma_start3A_10 = tpu.memref_slice %arg9[%dma_start3A] : memref<9x!tpu.dma_semaphore, #tpu.memory_space<semaphore_mem>> -> memref<1x!tpu.dma_semaphore, #tpu.memory_space<semaphore_mem>>
    %dma_start3A_11 = tpu.memref_squeeze %dma_start3A_10 : memref<1x!tpu.dma_semaphore, #tpu.memory_space<semaphore_mem>> -> memref<!tpu.dma_semaphore, #tpu.memory_space<semaphore_mem>>
    %dma_start3A_12 = arith.constant 0 : i32
    %dma_start3A_13 = arith.constant 0 : i32
    %dma_start3A_14 = tpu.memref_slice %arg3[%arg1, %dma_start3A_12, %dma_start3A_13] : memref<16x250x80xi32, #tpu.memory_space<hbm>> -> memref<1x250x80xi32, #tpu.memory_space<hbm>>
    %dma_start3A_15 = tpu.memref_squeeze %dma_start3A_14 : memref<1x250x80xi32, #tpu.memory_space<hbm>> -> memref<250x80xi32, #tpu.memory_space<hbm>>
    tpu.enqueue_dma source(%dma_start3A_15 : memref<250x80xi32, #tpu.memory_space<hbm>>) target(%arg6 : memref<250x80xi32, #tpu.memory_space<vmem>>) target_semaphore(%dma_start3A_11 : memref<!tpu.dma_semaphore, #tpu.memory_space<semaphore_mem>>)
    %dma_start3A_16 = arith.constant 2 : i32
    %dma_start3A_17 = arith.constant 0 : i32
    %dma_start3A_18 = arith.constant 0 : i32
    %dma_start3A_19 = tpu.memref_slice %arg4[%arg1, %dma_start3A_17, %dma_start3A_18] : memref<16x250x80xi32, #tpu.memory_space<hbm>> -> memref<1x250x80xi32, #tpu.memory_space<hbm>>
    %dma_start3A_20 = tpu.memref_squeeze %dma_start3A_19 : memref<1x250x80xi32, #tpu.memory_space<hbm>> -> memref<250x80xi32, #tpu.memory_space<hbm>>
    %dma_start3A_21 = tpu.memref_slice %arg9[%dma_start3A_16] : memref<9x!tpu.dma_semaphore, #tpu.memory_space<semaphore_mem>> -> memref<1x!tpu.dma_semaphore, #tpu.memory_space<semaphore_mem>>
    %dma_start3A_22 = tpu.memref_squeeze %dma_start3A_21 : memref<1x!tpu.dma_semaphore, #tpu.memory_space<semaphore_mem>> -> memref<!tpu.dma_semaphore, #tpu.memory_space<semaphore_mem>>
    %dma_start3A_23 = arith.constant 0 : i32
    %dma_start3A_24 = arith.constant 0 : i32
    %dma_start3A_25 = tpu.memref_slice %arg4[%arg1, %dma_start3A_23, %dma_start3A_24] : memref<16x250x80xi32, #tpu.memory_space<hbm>> -> memref<1x250x80xi32, #tpu.memory_space<hbm>>
    %dma_start3A_26 = tpu.memref_squeeze %dma_start3A_25 : memref<1x250x80xi32, #tpu.memory_space<hbm>> -> memref<250x80xi32, #tpu.memory_space<hbm>>
    tpu.enqueue_dma source(%dma_start3A_26 : memref<250x80xi32, #tpu.memory_space<hbm>>) target(%arg7 : memref<250x80xi32, #tpu.memory_space<vmem>>) target_semaphore(%dma_start3A_22 : memref<!tpu.dma_semaphore, #tpu.memory_space<semaphore_mem>>)
    %lt3A_27 = arith.constant 15 : i32
    %lt3A_28 = arith.cmpi slt, %arg1, %lt3A_27 : i32
    %convert_element_type3A_29 = arith.extui %lt3A_28 : i1 to i32
    %cond3A_30 = arith.constant 0 : i32
    %cond3A_31 = arith.cmpi ne, %convert_element_type3A_29, %cond3A_30 : i32
    scf.if %cond3A_31 {
      %mul3A = arith.constant 624 : i32
      %mul3A_380 = arith.muli %arg1, %mul3A : i32
      %mul3A_381 = arith.constant 624 : i32
      %mul3A_382 = arith.muli %arg1, %mul3A_381 : i32
      %dma_wait3A_383 = arith.constant 0 : i32
      %dma_wait3A_384 = tpu.memref_slice %arg9[%dma_wait3A_383] : memref<9x!tpu.dma_semaphore, #tpu.memory_space<semaphore_mem>> -> memref<1x!tpu.dma_semaphore, #tpu.memory_space<semaphore_mem>>
      %dma_wait3A_385 = tpu.memref_squeeze %dma_wait3A_384 : memref<1x!tpu.dma_semaphore, #tpu.memory_space<semaphore_mem>> -> memref<!tpu.dma_semaphore, #tpu.memory_space<semaphore_mem>>
      %dma_wait3A_386 = arith.constant 0 : i32
      %dma_wait3A_387 = tpu.memref_slice %arg11[%mul3A_382, %dma_wait3A_386] : memref<10000x64xf32, #tpu.memory_space<vmem_shared>> -> memref<624x64xf32, #tpu.memory_space<vmem_shared>>
      %dma_wait3A_388 = arith.constant 0 : i32
      %dma_wait3A_389 = tpu.memref_slice %arg2[%arg0, %mul3A_380, %dma_wait3A_388] : memref<2x10000x64xf32, #tpu.memory_space<hbm>> -> memref<1x624x64xf32, #tpu.memory_space<hbm>>
      %dma_wait3A_390 = tpu.memref_squeeze %dma_wait3A_389 : memref<1x624x64xf32, #tpu.memory_space<hbm>> -> memref<624x64xf32, #tpu.memory_space<hbm>>
      tpu.wait_dma2 semaphore(%dma_wait3A_385 : memref<!tpu.dma_semaphore, #tpu.memory_space<semaphore_mem>>) src(%dma_wait3A_390 : memref<624x64xf32, #tpu.memory_space<hbm>>) dst(%dma_wait3A_387 : memref<624x64xf32, #tpu.memory_space<vmem_shared>>)
    } else {
    }
    %eq3A_32 = arith.constant 15 : i32
    %eq3A_33 = arith.cmpi eq, %arg1, %eq3A_32 : i32
    %convert_element_type3A_34 = arith.extui %eq3A_33 : i1 to i32
    %cond3A_35 = arith.constant 0 : i32
    %cond3A_36 = arith.cmpi ne, %convert_element_type3A_34, %cond3A_35 : i32
    scf.if %cond3A_36 {
      %dma_wait3A_380 = arith.constant 0 : i32
      %dma_wait3A_381 = tpu.memref_slice %arg9[%dma_wait3A_380] : memref<9x!tpu.dma_semaphore, #tpu.memory_space<semaphore_mem>> -> memref<1x!tpu.dma_semaphore, #tpu.memory_space<semaphore_mem>>
      %dma_wait3A_382 = tpu.memref_squeeze %dma_wait3A_381 : memref<1x!tpu.dma_semaphore, #tpu.memory_space<semaphore_mem>> -> memref<!tpu.dma_semaphore, #tpu.memory_space<semaphore_mem>>
      %dma_wait3A_383 = arith.constant 9360 : i32
      %dma_wait3A_384 = arith.constant 0 : i32
      %dma_wait3A_385 = tpu.memref_slice %arg11[%dma_wait3A_383, %dma_wait3A_384] : memref<10000x64xf32, #tpu.memory_space<vmem_shared>> -> memref<640x64xf32, #tpu.memory_space<vmem_shared>>
      %dma_wait3A_386 = arith.constant 9360 : i32
      %dma_wait3A_387 = arith.constant 0 : i32
      %dma_wait3A_388 = tpu.memref_slice %arg2[%arg0, %dma_wait3A_386, %dma_wait3A_387] : memref<2x10000x64xf32, #tpu.memory_space<hbm>> -> memref<1x640x64xf32, #tpu.memory_space<hbm>>
      %dma_wait3A_389 = tpu.memref_squeeze %dma_wait3A_388 : memref<1x640x64xf32, #tpu.memory_space<hbm>> -> memref<640x64xf32, #tpu.memory_space<hbm>>
      tpu.wait_dma2 semaphore(%dma_wait3A_382 : memref<!tpu.dma_semaphore, #tpu.memory_space<semaphore_mem>>) src(%dma_wait3A_389 : memref<640x64xf32, #tpu.memory_space<hbm>>) dst(%dma_wait3A_385 : memref<640x64xf32, #tpu.memory_space<vmem_shared>>)
    } else {
    }
    %dma_wait3A = arith.constant 1 : i32
    %dma_wait3A_37 = arith.constant 0 : i32
    %dma_wait3A_38 = arith.constant 0 : i32
    %dma_wait3A_39 = tpu.memref_slice %arg3[%arg1, %dma_wait3A_37, %dma_wait3A_38] : memref<16x250x80xi32, #tpu.memory_space<hbm>> -> memref<1x250x80xi32, #tpu.memory_space<hbm>>
    %dma_wait3A_40 = tpu.memref_squeeze %dma_wait3A_39 : memref<1x250x80xi32, #tpu.memory_space<hbm>> -> memref<250x80xi32, #tpu.memory_space<hbm>>
    %dma_wait3A_41 = tpu.memref_slice %arg9[%dma_wait3A] : memref<9x!tpu.dma_semaphore, #tpu.memory_space<semaphore_mem>> -> memref<1x!tpu.dma_semaphore, #tpu.memory_space<semaphore_mem>>
    %dma_wait3A_42 = tpu.memref_squeeze %dma_wait3A_41 : memref<1x!tpu.dma_semaphore, #tpu.memory_space<semaphore_mem>> -> memref<!tpu.dma_semaphore, #tpu.memory_space<semaphore_mem>>
    %dma_wait3A_43 = arith.constant 0 : i32
    %dma_wait3A_44 = arith.constant 0 : i32
    %dma_wait3A_45 = tpu.memref_slice %arg3[%arg1, %dma_wait3A_43, %dma_wait3A_44] : memref<16x250x80xi32, #tpu.memory_space<hbm>> -> memref<1x250x80xi32, #tpu.memory_space<hbm>>
    %dma_wait3A_46 = tpu.memref_squeeze %dma_wait3A_45 : memref<1x250x80xi32, #tpu.memory_space<hbm>> -> memref<250x80xi32, #tpu.memory_space<hbm>>
    tpu.wait_dma2 semaphore(%dma_wait3A_42 : memref<!tpu.dma_semaphore, #tpu.memory_space<semaphore_mem>>) src(%dma_wait3A_46 : memref<250x80xi32, #tpu.memory_space<hbm>>) dst(%arg6 : memref<250x80xi32, #tpu.memory_space<vmem>>)
    %dma_wait3A_47 = arith.constant 2 : i32
    %dma_wait3A_48 = arith.constant 0 : i32
    %dma_wait3A_49 = arith.constant 0 : i32
    %dma_wait3A_50 = tpu.memref_slice %arg4[%arg1, %dma_wait3A_48, %dma_wait3A_49] : memref<16x250x80xi32, #tpu.memory_space<hbm>> -> memref<1x250x80xi32, #tpu.memory_space<hbm>>
    %dma_wait3A_51 = tpu.memref_squeeze %dma_wait3A_50 : memref<1x250x80xi32, #tpu.memory_space<hbm>> -> memref<250x80xi32, #tpu.memory_space<hbm>>
    %dma_wait3A_52 = tpu.memref_slice %arg9[%dma_wait3A_47] : memref<9x!tpu.dma_semaphore, #tpu.memory_space<semaphore_mem>> -> memref<1x!tpu.dma_semaphore, #tpu.memory_space<semaphore_mem>>
    %dma_wait3A_53 = tpu.memref_squeeze %dma_wait3A_52 : memref<1x!tpu.dma_semaphore, #tpu.memory_space<semaphore_mem>> -> memref<!tpu.dma_semaphore, #tpu.memory_space<semaphore_mem>>
    %dma_wait3A_54 = arith.constant 0 : i32
    %dma_wait3A_55 = arith.constant 0 : i32
    %dma_wait3A_56 = tpu.memref_slice %arg4[%arg1, %dma_wait3A_54, %dma_wait3A_55] : memref<16x250x80xi32, #tpu.memory_space<hbm>> -> memref<1x250x80xi32, #tpu.memory_space<hbm>>
    %dma_wait3A_57 = tpu.memref_squeeze %dma_wait3A_56 : memref<1x250x80xi32, #tpu.memory_space<hbm>> -> memref<250x80xi32, #tpu.memory_space<hbm>>
    tpu.wait_dma2 semaphore(%dma_wait3A_53 : memref<!tpu.dma_semaphore, #tpu.memory_space<semaphore_mem>>) src(%dma_wait3A_57 : memref<250x80xi32, #tpu.memory_space<hbm>>) dst(%arg7 : memref<250x80xi32, #tpu.memory_space<vmem>>)
    %barrier3A = arith.constant 0 : index
    tpu.barrier barrier_id(%barrier3A)
    %dma_start3A_58 = arith.constant 0 : i32
    %dma_start3A_59 = arith.constant 0 : i32
    %dma_start3A_60 = arith.constant 0 : i32
    %dma_start3A_61 = arith.constant 0 : i32
    %dma_start3A_62 = arith.constant 0 : i32
    %dma_start3A_63 = tpu.memref_slice %arg8[%dma_start3A_59, %dma_start3A_61, %dma_start3A_62] : memref<9x80x64xf32, #tpu.memory_space<vmem>> -> memref<1x80x64xf32, #tpu.memory_space<vmem>>
    %dma_start3A_64 = tpu.memref_squeeze %dma_start3A_63 : memref<1x80x64xf32, #tpu.memory_space<vmem>> -> memref<80x64xf32, #tpu.memory_space<vmem>>
    %dma_start3A_65 = arith.constant 0 : i32
    %dma_start3A_66 = tpu.memref_slice %arg6[%dma_start3A_58, %dma_start3A_65] : memref<250x80xi32, #tpu.memory_space<vmem>> -> memref<1x80xi32, #tpu.memory_space<vmem>>
    %dma_start3A_67 = tpu.memref_squeeze %dma_start3A_66 : memref<1x80xi32, #tpu.memory_space<vmem>> -> memref<80xi32, #tpu.memory_space<vmem>>
    %dma_start3A_68 = arith.constant 0 : i32
    %dma_start3A_69 = arith.constant 0 : i32
    %dma_start3A_70 = tpu.memref_slice %arg2[%arg0, %dma_start3A_68, %dma_start3A_69] : memref<2x10000x64xf32, #tpu.memory_space<hbm>> -> memref<1x10000x64xf32, #tpu.memory_space<hbm>>
    %dma_start3A_71 = tpu.memref_squeeze %dma_start3A_70 : memref<1x10000x64xf32, #tpu.memory_space<hbm>> -> memref<10000x64xf32, #tpu.memory_space<hbm>>
    %dma_start3A_72 = arith.constant 0 : i32
    %dma_start3A_73 = arith.constant 0 : i32
    %dma_start3A_74 = tpu.memref_slice %dma_start3A_71[%dma_start3A_72, %dma_start3A_73] : memref<10000x64xf32, #tpu.memory_space<hbm>> -> memref<10000x64xf32, #tpu.memory_space<hbm>>
    %dma_start3A_75 = tpu.memref_slice %arg9[%dma_start3A_60] : memref<9x!tpu.dma_semaphore, #tpu.memory_space<semaphore_mem>> -> memref<1x!tpu.dma_semaphore, #tpu.memory_space<semaphore_mem>>
    %dma_start3A_76 = tpu.memref_squeeze %dma_start3A_75 : memref<1x!tpu.dma_semaphore, #tpu.memory_space<semaphore_mem>> -> memref<!tpu.dma_semaphore, #tpu.memory_space<semaphore_mem>>
    tpu.enqueue_indirect_dma source(%dma_start3A_74 : memref<10000x64xf32, #tpu.memory_space<hbm>>) target(%dma_start3A_64 : memref<80x64xf32, #tpu.memory_space<vmem>>) offsets(%dma_start3A_67 : memref<80xi32, #tpu.memory_space<vmem>>) semaphore(%dma_start3A_76 : memref<!tpu.dma_semaphore, #tpu.memory_space<semaphore_mem>>)
    %dma_start3A_77 = arith.constant 1 : i32
    %dma_start3A_78 = arith.constant 1 : i32
    %dma_start3A_79 = arith.constant 1 : i32
    %dma_start3A_80 = arith.constant 0 : i32
    %dma_start3A_81 = arith.constant 0 : i32
    %dma_start3A_82 = tpu.memref_slice %arg8[%dma_start3A_78, %dma_start3A_80, %dma_start3A_81] : memref<9x80x64xf32, #tpu.memory_space<vmem>> -> memref<1x80x64xf32, #tpu.memory_space<vmem>>
    %dma_start3A_83 = tpu.memref_squeeze %dma_start3A_82 : memref<1x80x64xf32, #tpu.memory_space<vmem>> -> memref<80x64xf32, #tpu.memory_space<vmem>>
    %dma_start3A_84 = arith.constant 0 : i32
    %dma_start3A_85 = tpu.memref_slice %arg6[%dma_start3A_77, %dma_start3A_84] : memref<250x80xi32, #tpu.memory_space<vmem>> -> memref<1x80xi32, #tpu.memory_space<vmem>>
    %dma_start3A_86 = tpu.memref_squeeze %dma_start3A_85 : memref<1x80xi32, #tpu.memory_space<vmem>> -> memref<80xi32, #tpu.memory_space<vmem>>
    %dma_start3A_87 = arith.constant 0 : i32
    %dma_start3A_88 = arith.constant 0 : i32
    %dma_start3A_89 = tpu.memref_slice %arg2[%arg0, %dma_start3A_87, %dma_start3A_88] : memref<2x10000x64xf32, #tpu.memory_space<hbm>> -> memref<1x10000x64xf32, #tpu.memory_space<hbm>>
    %dma_start3A_90 = tpu.memref_squeeze %dma_start3A_89 : memref<1x10000x64xf32, #tpu.memory_space<hbm>> -> memref<10000x64xf32, #tpu.memory_space<hbm>>
    %dma_start3A_91 = arith.constant 0 : i32
    %dma_start3A_92 = arith.constant 0 : i32
    %dma_start3A_93 = tpu.memref_slice %dma_start3A_90[%dma_start3A_91, %dma_start3A_92] : memref<10000x64xf32, #tpu.memory_space<hbm>> -> memref<10000x64xf32, #tpu.memory_space<hbm>>
    %dma_start3A_94 = tpu.memref_slice %arg9[%dma_start3A_79] : memref<9x!tpu.dma_semaphore, #tpu.memory_space<semaphore_mem>> -> memref<1x!tpu.dma_semaphore, #tpu.memory_space<semaphore_mem>>
    %dma_start3A_95 = tpu.memref_squeeze %dma_start3A_94 : memref<1x!tpu.dma_semaphore, #tpu.memory_space<semaphore_mem>> -> memref<!tpu.dma_semaphore, #tpu.memory_space<semaphore_mem>>
    tpu.enqueue_indirect_dma source(%dma_start3A_93 : memref<10000x64xf32, #tpu.memory_space<hbm>>) target(%dma_start3A_83 : memref<80x64xf32, #tpu.memory_space<vmem>>) offsets(%dma_start3A_86 : memref<80xi32, #tpu.memory_space<vmem>>) semaphore(%dma_start3A_95 : memref<!tpu.dma_semaphore, #tpu.memory_space<semaphore_mem>>)
    %dma_start3A_96 = arith.constant 2 : i32
    %dma_start3A_97 = arith.constant 2 : i32
    %dma_start3A_98 = arith.constant 2 : i32
    %dma_start3A_99 = arith.constant 0 : i32
    %dma_start3A_100 = arith.constant 0 : i32
    %dma_start3A_101 = tpu.memref_slice %arg8[%dma_start3A_97, %dma_start3A_99, %dma_start3A_100] : memref<9x80x64xf32, #tpu.memory_space<vmem>> -> memref<1x80x64xf32, #tpu.memory_space<vmem>>
    %dma_start3A_102 = tpu.memref_squeeze %dma_start3A_101 : memref<1x80x64xf32, #tpu.memory_space<vmem>> -> memref<80x64xf32, #tpu.memory_space<vmem>>
    %dma_start3A_103 = arith.constant 0 : i32
    %dma_start3A_104 = tpu.memref_slice %arg6[%dma_start3A_96, %dma_start3A_103] : memref<250x80xi32, #tpu.memory_space<vmem>> -> memref<1x80xi32, #tpu.memory_space<vmem>>
    %dma_start3A_105 = tpu.memref_squeeze %dma_start3A_104 : memref<1x80xi32, #tpu.memory_space<vmem>> -> memref<80xi32, #tpu.memory_space<vmem>>
    %dma_start3A_106 = arith.constant 0 : i32
    %dma_start3A_107 = arith.constant 0 : i32
    %dma_start3A_108 = tpu.memref_slice %arg2[%arg0, %dma_start3A_106, %dma_start3A_107] : memref<2x10000x64xf32, #tpu.memory_space<hbm>> -> memref<1x10000x64xf32, #tpu.memory_space<hbm>>
    %dma_start3A_109 = tpu.memref_squeeze %dma_start3A_108 : memref<1x10000x64xf32, #tpu.memory_space<hbm>> -> memref<10000x64xf32, #tpu.memory_space<hbm>>
    %dma_start3A_110 = arith.constant 0 : i32
    %dma_start3A_111 = arith.constant 0 : i32
    %dma_start3A_112 = tpu.memref_slice %dma_start3A_109[%dma_start3A_110, %dma_start3A_111] : memref<10000x64xf32, #tpu.memory_space<hbm>> -> memref<10000x64xf32, #tpu.memory_space<hbm>>
    %dma_start3A_113 = tpu.memref_slice %arg9[%dma_start3A_98] : memref<9x!tpu.dma_semaphore, #tpu.memory_space<semaphore_mem>> -> memref<1x!tpu.dma_semaphore, #tpu.memory_space<semaphore_mem>>
    %dma_start3A_114 = tpu.memref_squeeze %dma_start3A_113 : memref<1x!tpu.dma_semaphore, #tpu.memory_space<semaphore_mem>> -> memref<!tpu.dma_semaphore, #tpu.memory_space<semaphore_mem>>
    tpu.enqueue_indirect_dma source(%dma_start3A_112 : memref<10000x64xf32, #tpu.memory_space<hbm>>) target(%dma_start3A_102 : memref<80x64xf32, #tpu.memory_space<vmem>>) offsets(%dma_start3A_105 : memref<80xi32, #tpu.memory_space<vmem>>) semaphore(%dma_start3A_114 : memref<!tpu.dma_semaphore, #tpu.memory_space<semaphore_mem>>)
    %dma_start3A_115 = arith.constant 3 : i32
    %dma_start3A_116 = arith.constant 3 : i32
    %dma_start3A_117 = arith.constant 3 : i32
    %dma_start3A_118 = arith.constant 0 : i32
    %dma_start3A_119 = arith.constant 0 : i32
    %dma_start3A_120 = tpu.memref_slice %arg8[%dma_start3A_116, %dma_start3A_118, %dma_start3A_119] : memref<9x80x64xf32, #tpu.memory_space<vmem>> -> memref<1x80x64xf32, #tpu.memory_space<vmem>>
    %dma_start3A_121 = tpu.memref_squeeze %dma_start3A_120 : memref<1x80x64xf32, #tpu.memory_space<vmem>> -> memref<80x64xf32, #tpu.memory_space<vmem>>
    %dma_start3A_122 = arith.constant 0 : i32
    %dma_start3A_123 = tpu.memref_slice %arg6[%dma_start3A_115, %dma_start3A_122] : memref<250x80xi32, #tpu.memory_space<vmem>> -> memref<1x80xi32, #tpu.memory_space<vmem>>
    %dma_start3A_124 = tpu.memref_squeeze %dma_start3A_123 : memref<1x80xi32, #tpu.memory_space<vmem>> -> memref<80xi32, #tpu.memory_space<vmem>>
    %dma_start3A_125 = arith.constant 0 : i32
    %dma_start3A_126 = arith.constant 0 : i32
    %dma_start3A_127 = tpu.memref_slice %arg2[%arg0, %dma_start3A_125, %dma_start3A_126] : memref<2x10000x64xf32, #tpu.memory_space<hbm>> -> memref<1x10000x64xf32, #tpu.memory_space<hbm>>
    %dma_start3A_128 = tpu.memref_squeeze %dma_start3A_127 : memref<1x10000x64xf32, #tpu.memory_space<hbm>> -> memref<10000x64xf32, #tpu.memory_space<hbm>>
    %dma_start3A_129 = arith.constant 0 : i32
    %dma_start3A_130 = arith.constant 0 : i32
    %dma_start3A_131 = tpu.memref_slice %dma_start3A_128[%dma_start3A_129, %dma_start3A_130] : memref<10000x64xf32, #tpu.memory_space<hbm>> -> memref<10000x64xf32, #tpu.memory_space<hbm>>
    %dma_start3A_132 = tpu.memref_slice %arg9[%dma_start3A_117] : memref<9x!tpu.dma_semaphore, #tpu.memory_space<semaphore_mem>> -> memref<1x!tpu.dma_semaphore, #tpu.memory_space<semaphore_mem>>
    %dma_start3A_133 = tpu.memref_squeeze %dma_start3A_132 : memref<1x!tpu.dma_semaphore, #tpu.memory_space<semaphore_mem>> -> memref<!tpu.dma_semaphore, #tpu.memory_space<semaphore_mem>>
    tpu.enqueue_indirect_dma source(%dma_start3A_131 : memref<10000x64xf32, #tpu.memory_space<hbm>>) target(%dma_start3A_121 : memref<80x64xf32, #tpu.memory_space<vmem>>) offsets(%dma_start3A_124 : memref<80xi32, #tpu.memory_space<vmem>>) semaphore(%dma_start3A_133 : memref<!tpu.dma_semaphore, #tpu.memory_space<semaphore_mem>>)
    %dma_start3A_134 = arith.constant 4 : i32
    %dma_start3A_135 = arith.constant 4 : i32
    %dma_start3A_136 = arith.constant 4 : i32
    %dma_start3A_137 = arith.constant 0 : i32
    %dma_start3A_138 = arith.constant 0 : i32
    %dma_start3A_139 = tpu.memref_slice %arg8[%dma_start3A_135, %dma_start3A_137, %dma_start3A_138] : memref<9x80x64xf32, #tpu.memory_space<vmem>> -> memref<1x80x64xf32, #tpu.memory_space<vmem>>
    %dma_start3A_140 = tpu.memref_squeeze %dma_start3A_139 : memref<1x80x64xf32, #tpu.memory_space<vmem>> -> memref<80x64xf32, #tpu.memory_space<vmem>>
    %dma_start3A_141 = arith.constant 0 : i32
    %dma_start3A_142 = tpu.memref_slice %arg6[%dma_start3A_134, %dma_start3A_141] : memref<250x80xi32, #tpu.memory_space<vmem>> -> memref<1x80xi32, #tpu.memory_space<vmem>>
    %dma_start3A_143 = tpu.memref_squeeze %dma_start3A_142 : memref<1x80xi32, #tpu.memory_space<vmem>> -> memref<80xi32, #tpu.memory_space<vmem>>
    %dma_start3A_144 = arith.constant 0 : i32
    %dma_start3A_145 = arith.constant 0 : i32
    %dma_start3A_146 = tpu.memref_slice %arg2[%arg0, %dma_start3A_144, %dma_start3A_145] : memref<2x10000x64xf32, #tpu.memory_space<hbm>> -> memref<1x10000x64xf32, #tpu.memory_space<hbm>>
    %dma_start3A_147 = tpu.memref_squeeze %dma_start3A_146 : memref<1x10000x64xf32, #tpu.memory_space<hbm>> -> memref<10000x64xf32, #tpu.memory_space<hbm>>
    %dma_start3A_148 = arith.constant 0 : i32
    %dma_start3A_149 = arith.constant 0 : i32
    %dma_start3A_150 = tpu.memref_slice %dma_start3A_147[%dma_start3A_148, %dma_start3A_149] : memref<10000x64xf32, #tpu.memory_space<hbm>> -> memref<10000x64xf32, #tpu.memory_space<hbm>>
    %dma_start3A_151 = tpu.memref_slice %arg9[%dma_start3A_136] : memref<9x!tpu.dma_semaphore, #tpu.memory_space<semaphore_mem>> -> memref<1x!tpu.dma_semaphore, #tpu.memory_space<semaphore_mem>>
    %dma_start3A_152 = tpu.memref_squeeze %dma_start3A_151 : memref<1x!tpu.dma_semaphore, #tpu.memory_space<semaphore_mem>> -> memref<!tpu.dma_semaphore, #tpu.memory_space<semaphore_mem>>
    tpu.enqueue_indirect_dma source(%dma_start3A_150 : memref<10000x64xf32, #tpu.memory_space<hbm>>) target(%dma_start3A_140 : memref<80x64xf32, #tpu.memory_space<vmem>>) offsets(%dma_start3A_143 : memref<80xi32, #tpu.memory_space<vmem>>) semaphore(%dma_start3A_152 : memref<!tpu.dma_semaphore, #tpu.memory_space<semaphore_mem>>)
    %dma_start3A_153 = arith.constant 5 : i32
    %dma_start3A_154 = arith.constant 5 : i32
    %dma_start3A_155 = arith.constant 5 : i32
    %dma_start3A_156 = arith.constant 0 : i32
    %dma_start3A_157 = arith.constant 0 : i32
    %dma_start3A_158 = tpu.memref_slice %arg8[%dma_start3A_154, %dma_start3A_156, %dma_start3A_157] : memref<9x80x64xf32, #tpu.memory_space<vmem>> -> memref<1x80x64xf32, #tpu.memory_space<vmem>>
    %dma_start3A_159 = tpu.memref_squeeze %dma_start3A_158 : memref<1x80x64xf32, #tpu.memory_space<vmem>> -> memref<80x64xf32, #tpu.memory_space<vmem>>
    %dma_start3A_160 = arith.constant 0 : i32
    %dma_start3A_161 = tpu.memref_slice %arg6[%dma_start3A_153, %dma_start3A_160] : memref<250x80xi32, #tpu.memory_space<vmem>> -> memref<1x80xi32, #tpu.memory_space<vmem>>
    %dma_start3A_162 = tpu.memref_squeeze %dma_start3A_161 : memref<1x80xi32, #tpu.memory_space<vmem>> -> memref<80xi32, #tpu.memory_space<vmem>>
    %dma_start3A_163 = arith.constant 0 : i32
    %dma_start3A_164 = arith.constant 0 : i32
    %dma_start3A_165 = tpu.memref_slice %arg2[%arg0, %dma_start3A_163, %dma_start3A_164] : memref<2x10000x64xf32, #tpu.memory_space<hbm>> -> memref<1x10000x64xf32, #tpu.memory_space<hbm>>
    %dma_start3A_166 = tpu.memref_squeeze %dma_start3A_165 : memref<1x10000x64xf32, #tpu.memory_space<hbm>> -> memref<10000x64xf32, #tpu.memory_space<hbm>>
    %dma_start3A_167 = arith.constant 0 : i32
    %dma_start3A_168 = arith.constant 0 : i32
    %dma_start3A_169 = tpu.memref_slice %dma_start3A_166[%dma_start3A_167, %dma_start3A_168] : memref<10000x64xf32, #tpu.memory_space<hbm>> -> memref<10000x64xf32, #tpu.memory_space<hbm>>
    %dma_start3A_170 = tpu.memref_slice %arg9[%dma_start3A_155] : memref<9x!tpu.dma_semaphore, #tpu.memory_space<semaphore_mem>> -> memref<1x!tpu.dma_semaphore, #tpu.memory_space<semaphore_mem>>
    %dma_start3A_171 = tpu.memref_squeeze %dma_start3A_170 : memref<1x!tpu.dma_semaphore, #tpu.memory_space<semaphore_mem>> -> memref<!tpu.dma_semaphore, #tpu.memory_space<semaphore_mem>>
    tpu.enqueue_indirect_dma source(%dma_start3A_169 : memref<10000x64xf32, #tpu.memory_space<hbm>>) target(%dma_start3A_159 : memref<80x64xf32, #tpu.memory_space<vmem>>) offsets(%dma_start3A_162 : memref<80xi32, #tpu.memory_space<vmem>>) semaphore(%dma_start3A_171 : memref<!tpu.dma_semaphore, #tpu.memory_space<semaphore_mem>>)
    %dma_start3A_172 = arith.constant 6 : i32
    %dma_start3A_173 = arith.constant 6 : i32
    %dma_start3A_174 = arith.constant 6 : i32
    %dma_start3A_175 = arith.constant 0 : i32
    %dma_start3A_176 = arith.constant 0 : i32
    %dma_start3A_177 = tpu.memref_slice %arg8[%dma_start3A_173, %dma_start3A_175, %dma_start3A_176] : memref<9x80x64xf32, #tpu.memory_space<vmem>> -> memref<1x80x64xf32, #tpu.memory_space<vmem>>
    %dma_start3A_178 = tpu.memref_squeeze %dma_start3A_177 : memref<1x80x64xf32, #tpu.memory_space<vmem>> -> memref<80x64xf32, #tpu.memory_space<vmem>>
    %dma_start3A_179 = arith.constant 0 : i32
    %dma_start3A_180 = tpu.memref_slice %arg6[%dma_start3A_172, %dma_start3A_179] : memref<250x80xi32, #tpu.memory_space<vmem>> -> memref<1x80xi32, #tpu.memory_space<vmem>>
    %dma_start3A_181 = tpu.memref_squeeze %dma_start3A_180 : memref<1x80xi32, #tpu.memory_space<vmem>> -> memref<80xi32, #tpu.memory_space<vmem>>
    %dma_start3A_182 = arith.constant 0 : i32
    %dma_start3A_183 = arith.constant 0 : i32
    %dma_start3A_184 = tpu.memref_slice %arg2[%arg0, %dma_start3A_182, %dma_start3A_183] : memref<2x10000x64xf32, #tpu.memory_space<hbm>> -> memref<1x10000x64xf32, #tpu.memory_space<hbm>>
    %dma_start3A_185 = tpu.memref_squeeze %dma_start3A_184 : memref<1x10000x64xf32, #tpu.memory_space<hbm>> -> memref<10000x64xf32, #tpu.memory_space<hbm>>
    %dma_start3A_186 = arith.constant 0 : i32
    %dma_start3A_187 = arith.constant 0 : i32
    %dma_start3A_188 = tpu.memref_slice %dma_start3A_185[%dma_start3A_186, %dma_start3A_187] : memref<10000x64xf32, #tpu.memory_space<hbm>> -> memref<10000x64xf32, #tpu.memory_space<hbm>>
    %dma_start3A_189 = tpu.memref_slice %arg9[%dma_start3A_174] : memref<9x!tpu.dma_semaphore, #tpu.memory_space<semaphore_mem>> -> memref<1x!tpu.dma_semaphore, #tpu.memory_space<semaphore_mem>>
    %dma_start3A_190 = tpu.memref_squeeze %dma_start3A_189 : memref<1x!tpu.dma_semaphore, #tpu.memory_space<semaphore_mem>> -> memref<!tpu.dma_semaphore, #tpu.memory_space<semaphore_mem>>
    tpu.enqueue_indirect_dma source(%dma_start3A_188 : memref<10000x64xf32, #tpu.memory_space<hbm>>) target(%dma_start3A_178 : memref<80x64xf32, #tpu.memory_space<vmem>>) offsets(%dma_start3A_181 : memref<80xi32, #tpu.memory_space<vmem>>) semaphore(%dma_start3A_190 : memref<!tpu.dma_semaphore, #tpu.memory_space<semaphore_mem>>)
    %dma_start3A_191 = arith.constant 7 : i32
    %dma_start3A_192 = arith.constant 7 : i32
    %dma_start3A_193 = arith.constant 7 : i32
    %dma_start3A_194 = arith.constant 0 : i32
    %dma_start3A_195 = arith.constant 0 : i32
    %dma_start3A_196 = tpu.memref_slice %arg8[%dma_start3A_192, %dma_start3A_194, %dma_start3A_195] : memref<9x80x64xf32, #tpu.memory_space<vmem>> -> memref<1x80x64xf32, #tpu.memory_space<vmem>>
    %dma_start3A_197 = tpu.memref_squeeze %dma_start3A_196 : memref<1x80x64xf32, #tpu.memory_space<vmem>> -> memref<80x64xf32, #tpu.memory_space<vmem>>
    %dma_start3A_198 = arith.constant 0 : i32
    %dma_start3A_199 = tpu.memref_slice %arg6[%dma_start3A_191, %dma_start3A_198] : memref<250x80xi32, #tpu.memory_space<vmem>> -> memref<1x80xi32, #tpu.memory_space<vmem>>
    %dma_start3A_200 = tpu.memref_squeeze %dma_start3A_199 : memref<1x80xi32, #tpu.memory_space<vmem>> -> memref<80xi32, #tpu.memory_space<vmem>>
    %dma_start3A_201 = arith.constant 0 : i32
    %dma_start3A_202 = arith.constant 0 : i32
    %dma_start3A_203 = tpu.memref_slice %arg2[%arg0, %dma_start3A_201, %dma_start3A_202] : memref<2x10000x64xf32, #tpu.memory_space<hbm>> -> memref<1x10000x64xf32, #tpu.memory_space<hbm>>
    %dma_start3A_204 = tpu.memref_squeeze %dma_start3A_203 : memref<1x10000x64xf32, #tpu.memory_space<hbm>> -> memref<10000x64xf32, #tpu.memory_space<hbm>>
    %dma_start3A_205 = arith.constant 0 : i32
    %dma_start3A_206 = arith.constant 0 : i32
    %dma_start3A_207 = tpu.memref_slice %dma_start3A_204[%dma_start3A_205, %dma_start3A_206] : memref<10000x64xf32, #tpu.memory_space<hbm>> -> memref<10000x64xf32, #tpu.memory_space<hbm>>
    %dma_start3A_208 = tpu.memref_slice %arg9[%dma_start3A_193] : memref<9x!tpu.dma_semaphore, #tpu.memory_space<semaphore_mem>> -> memref<1x!tpu.dma_semaphore, #tpu.memory_space<semaphore_mem>>
    %dma_start3A_209 = tpu.memref_squeeze %dma_start3A_208 : memref<1x!tpu.dma_semaphore, #tpu.memory_space<semaphore_mem>> -> memref<!tpu.dma_semaphore, #tpu.memory_space<semaphore_mem>>
    tpu.enqueue_indirect_dma source(%dma_start3A_207 : memref<10000x64xf32, #tpu.memory_space<hbm>>) target(%dma_start3A_197 : memref<80x64xf32, #tpu.memory_space<vmem>>) offsets(%dma_start3A_200 : memref<80xi32, #tpu.memory_space<vmem>>) semaphore(%dma_start3A_209 : memref<!tpu.dma_semaphore, #tpu.memory_space<semaphore_mem>>)
    %dma_start3A_210 = arith.constant 8 : i32
    %dma_start3A_211 = arith.constant 8 : i32
    %dma_start3A_212 = arith.constant 8 : i32
    %dma_start3A_213 = arith.constant 0 : i32
    %dma_start3A_214 = arith.constant 0 : i32
    %dma_start3A_215 = tpu.memref_slice %arg8[%dma_start3A_211, %dma_start3A_213, %dma_start3A_214] : memref<9x80x64xf32, #tpu.memory_space<vmem>> -> memref<1x80x64xf32, #tpu.memory_space<vmem>>
    %dma_start3A_216 = tpu.memref_squeeze %dma_start3A_215 : memref<1x80x64xf32, #tpu.memory_space<vmem>> -> memref<80x64xf32, #tpu.memory_space<vmem>>
    %dma_start3A_217 = arith.constant 0 : i32
    %dma_start3A_218 = tpu.memref_slice %arg6[%dma_start3A_210, %dma_start3A_217] : memref<250x80xi32, #tpu.memory_space<vmem>> -> memref<1x80xi32, #tpu.memory_space<vmem>>
    %dma_start3A_219 = tpu.memref_squeeze %dma_start3A_218 : memref<1x80xi32, #tpu.memory_space<vmem>> -> memref<80xi32, #tpu.memory_space<vmem>>
    %dma_start3A_220 = arith.constant 0 : i32
    %dma_start3A_221 = arith.constant 0 : i32
    %dma_start3A_222 = tpu.memref_slice %arg2[%arg0, %dma_start3A_220, %dma_start3A_221] : memref<2x10000x64xf32, #tpu.memory_space<hbm>> -> memref<1x10000x64xf32, #tpu.memory_space<hbm>>
    %dma_start3A_223 = tpu.memref_squeeze %dma_start3A_222 : memref<1x10000x64xf32, #tpu.memory_space<hbm>> -> memref<10000x64xf32, #tpu.memory_space<hbm>>
    %dma_start3A_224 = arith.constant 0 : i32
    %dma_start3A_225 = arith.constant 0 : i32
    %dma_start3A_226 = tpu.memref_slice %dma_start3A_223[%dma_start3A_224, %dma_start3A_225] : memref<10000x64xf32, #tpu.memory_space<hbm>> -> memref<10000x64xf32, #tpu.memory_space<hbm>>
    %dma_start3A_227 = tpu.memref_slice %arg9[%dma_start3A_212] : memref<9x!tpu.dma_semaphore, #tpu.memory_space<semaphore_mem>> -> memref<1x!tpu.dma_semaphore, #tpu.memory_space<semaphore_mem>>
    %dma_start3A_228 = tpu.memref_squeeze %dma_start3A_227 : memref<1x!tpu.dma_semaphore, #tpu.memory_space<semaphore_mem>> -> memref<!tpu.dma_semaphore, #tpu.memory_space<semaphore_mem>>
    tpu.enqueue_indirect_dma source(%dma_start3A_226 : memref<10000x64xf32, #tpu.memory_space<hbm>>) target(%dma_start3A_216 : memref<80x64xf32, #tpu.memory_space<vmem>>) offsets(%dma_start3A_219 : memref<80xi32, #tpu.memory_space<vmem>>) semaphore(%dma_start3A_228 : memref<!tpu.dma_semaphore, #tpu.memory_space<semaphore_mem>>)
    %scan3A = arith.constant 0 : i32
    %scan3A_229 = arith.constant 0 : i32
    %scan3A_230 = arith.constant 28 : i32
    %scan3A_231 = arith.addi %scan3A_229, %scan3A_230 : i32
    %scan3A_232 = arith.constant 1 : i32
    scf.for %scan3A_380 = %scan3A_229 to %scan3A_231 step %scan3A_232  : i32 {
      %mul3A = arith.constant 9 : i32
      %mul3A_381 = arith.muli %scan3A_380, %mul3A : i32
      %add3A = arith.constant 0 : i32
      %add3A_382 = arith.addi %mul3A_381, %add3A : i32
      %lt3A_383 = arith.constant 250 : i32
      %lt3A_384 = arith.cmpi slt, %add3A_382, %lt3A_383 : i32
      %convert_element_type3A_385 = arith.extui %lt3A_384 : i1 to i32
      %cond3A_386 = arith.constant 0 : i32
      %cond3A_387 = arith.cmpi ne, %convert_element_type3A_385, %cond3A_386 : i32
      scf.if %cond3A_387 {
        %dma_wait3A_559 = arith.constant 0 : i32
        %dma_wait3A_560 = arith.constant 0 : i32
        %dma_wait3A_561 = arith.constant 0 : i32
        %dma_wait3A_562 = arith.constant 0 : i32
        %dma_wait3A_563 = tpu.memref_slice %arg8[%dma_wait3A_559, %dma_wait3A_561, %dma_wait3A_562] : memref<9x80x64xf32, #tpu.memory_space<vmem>> -> memref<1x80x64xf32, #tpu.memory_space<vmem>>
        %dma_wait3A_564 = tpu.memref_squeeze %dma_wait3A_563 : memref<1x80x64xf32, #tpu.memory_space<vmem>> -> memref<80x64xf32, #tpu.memory_space<vmem>>
        %dma_wait3A_565 = arith.constant 0 : i32
        %dma_wait3A_566 = tpu.memref_slice %arg6[%add3A_382, %dma_wait3A_565] : memref<250x80xi32, #tpu.memory_space<vmem>> -> memref<1x80xi32, #tpu.memory_space<vmem>>
        %dma_wait3A_567 = tpu.memref_squeeze %dma_wait3A_566 : memref<1x80xi32, #tpu.memory_space<vmem>> -> memref<80xi32, #tpu.memory_space<vmem>>
        %dma_wait3A_568 = arith.constant 0 : i32
        %dma_wait3A_569 = arith.constant 0 : i32
        %dma_wait3A_570 = tpu.memref_slice %arg2[%arg0, %dma_wait3A_568, %dma_wait3A_569] : memref<2x10000x64xf32, #tpu.memory_space<hbm>> -> memref<1x10000x64xf32, #tpu.memory_space<hbm>>
        %dma_wait3A_571 = tpu.memref_squeeze %dma_wait3A_570 : memref<1x10000x64xf32, #tpu.memory_space<hbm>> -> memref<10000x64xf32, #tpu.memory_space<hbm>>
        %dma_wait3A_572 = arith.constant 0 : i32
        %dma_wait3A_573 = arith.constant 0 : i32
        %dma_wait3A_574 = tpu.memref_slice %dma_wait3A_571[%dma_wait3A_572, %dma_wait3A_573] : memref<10000x64xf32, #tpu.memory_space<hbm>> -> memref<10000x64xf32, #tpu.memory_space<hbm>>
        %dma_wait3A_575 = tpu.memref_slice %arg9[%dma_wait3A_560] : memref<9x!tpu.dma_semaphore, #tpu.memory_space<semaphore_mem>> -> memref<1x!tpu.dma_semaphore, #tpu.memory_space<semaphore_mem>>
        %dma_wait3A_576 = tpu.memref_squeeze %dma_wait3A_575 : memref<1x!tpu.dma_semaphore, #tpu.memory_space<semaphore_mem>> -> memref<!tpu.dma_semaphore, #tpu.memory_space<semaphore_mem>>
        tpu.wait_indirect_dma semaphore(%dma_wait3A_576 : memref<!tpu.dma_semaphore, #tpu.memory_space<semaphore_mem>>) src(%dma_wait3A_574 : memref<10000x64xf32, #tpu.memory_space<hbm>>) dst(%dma_wait3A_564 : memref<80x64xf32, #tpu.memory_space<vmem>>)
        %dma_start3A_577 = arith.constant 0 : i32
        %dma_start3A_578 = arith.constant 0 : i32
        %dma_start3A_579 = arith.constant 0 : i32
        %dma_start3A_580 = arith.constant 0 : i32
        %dma_start3A_581 = tpu.memref_slice %arg8[%dma_start3A_577, %dma_start3A_579, %dma_start3A_580] : memref<9x80x64xf32, #tpu.memory_space<vmem>> -> memref<1x80x64xf32, #tpu.memory_space<vmem>>
        %dma_start3A_582 = tpu.memref_squeeze %dma_start3A_581 : memref<1x80x64xf32, #tpu.memory_space<vmem>> -> memref<80x64xf32, #tpu.memory_space<vmem>>
        %dma_start3A_583 = arith.constant 0 : i32
        %dma_start3A_584 = tpu.memref_slice %arg7[%add3A_382, %dma_start3A_583] : memref<250x80xi32, #tpu.memory_space<vmem>> -> memref<1x80xi32, #tpu.memory_space<vmem>>
        %dma_start3A_585 = tpu.memref_squeeze %dma_start3A_584 : memref<1x80xi32, #tpu.memory_space<vmem>> -> memref<80xi32, #tpu.memory_space<vmem>>
        %dma_start3A_586 = arith.constant 0 : i32
        %dma_start3A_587 = arith.constant 0 : i32
        %dma_start3A_588 = tpu.memref_slice %arg11[%dma_start3A_586, %dma_start3A_587] : memref<10000x64xf32, #tpu.memory_space<vmem_shared>> -> memref<10000x64xf32, #tpu.memory_space<vmem_shared>>
        %dma_start3A_589 = tpu.memref_slice %arg10[%dma_start3A_578] : memref<9x!tpu.dma_semaphore, #tpu.memory_space<semaphore_mem>> -> memref<1x!tpu.dma_semaphore, #tpu.memory_space<semaphore_mem>>
        %dma_start3A_590 = tpu.memref_squeeze %dma_start3A_589 : memref<1x!tpu.dma_semaphore, #tpu.memory_space<semaphore_mem>> -> memref<!tpu.dma_semaphore, #tpu.memory_space<semaphore_mem>>
        tpu.enqueue_indirect_dma source(%dma_start3A_582 : memref<80x64xf32, #tpu.memory_space<vmem>>) target(%dma_start3A_588 : memref<10000x64xf32, #tpu.memory_space<vmem_shared>>) offsets(%dma_start3A_585 : memref<80xi32, #tpu.memory_space<vmem>>) semaphore(%dma_start3A_590 : memref<!tpu.dma_semaphore, #tpu.memory_space<semaphore_mem>>) {add = true}
      } else {
      }
      %mul3A_388 = arith.constant 9 : i32
      %mul3A_389 = arith.muli %scan3A_380, %mul3A_388 : i32
      %add3A_390 = arith.constant 1 : i32
      %add3A_391 = arith.addi %mul3A_389, %add3A_390 : i32
      %lt3A_392 = arith.constant 250 : i32
      %lt3A_393 = arith.cmpi slt, %add3A_391, %lt3A_392 : i32
      %convert_element_type3A_394 = arith.extui %lt3A_393 : i1 to i32
      %cond3A_395 = arith.constant 0 : i32
      %cond3A_396 = arith.cmpi ne, %convert_element_type3A_394, %cond3A_395 : i32
      scf.if %cond3A_396 {
        %dma_wait3A_559 = arith.constant 1 : i32
        %dma_wait3A_560 = arith.constant 1 : i32
        %dma_wait3A_561 = arith.constant 0 : i32
        %dma_wait3A_562 = arith.constant 0 : i32
        %dma_wait3A_563 = tpu.memref_slice %arg8[%dma_wait3A_559, %dma_wait3A_561, %dma_wait3A_562] : memref<9x80x64xf32, #tpu.memory_space<vmem>> -> memref<1x80x64xf32, #tpu.memory_space<vmem>>
        %dma_wait3A_564 = tpu.memref_squeeze %dma_wait3A_563 : memref<1x80x64xf32, #tpu.memory_space<vmem>> -> memref<80x64xf32, #tpu.memory_space<vmem>>
        %dma_wait3A_565 = arith.constant 0 : i32
        %dma_wait3A_566 = tpu.memref_slice %arg6[%add3A_391, %dma_wait3A_565] : memref<250x80xi32, #tpu.memory_space<vmem>> -> memref<1x80xi32, #tpu.memory_space<vmem>>
        %dma_wait3A_567 = tpu.memref_squeeze %dma_wait3A_566 : memref<1x80xi32, #tpu.memory_space<vmem>> -> memref<80xi32, #tpu.memory_space<vmem>>
        %dma_wait3A_568 = arith.constant 0 : i32
        %dma_wait3A_569 = arith.constant 0 : i32
        %dma_wait3A_570 = tpu.memref_slice %arg2[%arg0, %dma_wait3A_568, %dma_wait3A_569] : memref<2x10000x64xf32, #tpu.memory_space<hbm>> -> memref<1x10000x64xf32, #tpu.memory_space<hbm>>
        %dma_wait3A_571 = tpu.memref_squeeze %dma_wait3A_570 : memref<1x10000x64xf32, #tpu.memory_space<hbm>> -> memref<10000x64xf32, #tpu.memory_space<hbm>>
        %dma_wait3A_572 = arith.constant 0 : i32
        %dma_wait3A_573 = arith.constant 0 : i32
        %dma_wait3A_574 = tpu.memref_slice %dma_wait3A_571[%dma_wait3A_572, %dma_wait3A_573] : memref<10000x64xf32, #tpu.memory_space<hbm>> -> memref<10000x64xf32, #tpu.memory_space<hbm>>
        %dma_wait3A_575 = tpu.memref_slice %arg9[%dma_wait3A_560] : memref<9x!tpu.dma_semaphore, #tpu.memory_space<semaphore_mem>> -> memref<1x!tpu.dma_semaphore, #tpu.memory_space<semaphore_mem>>
        %dma_wait3A_576 = tpu.memref_squeeze %dma_wait3A_575 : memref<1x!tpu.dma_semaphore, #tpu.memory_space<semaphore_mem>> -> memref<!tpu.dma_semaphore, #tpu.memory_space<semaphore_mem>>
        tpu.wait_indirect_dma semaphore(%dma_wait3A_576 : memref<!tpu.dma_semaphore, #tpu.memory_space<semaphore_mem>>) src(%dma_wait3A_574 : memref<10000x64xf32, #tpu.memory_space<hbm>>) dst(%dma_wait3A_564 : memref<80x64xf32, #tpu.memory_space<vmem>>)
        %dma_start3A_577 = arith.constant 1 : i32
        %dma_start3A_578 = arith.constant 1 : i32
        %dma_start3A_579 = arith.constant 0 : i32
        %dma_start3A_580 = arith.constant 0 : i32
        %dma_start3A_581 = tpu.memref_slice %arg8[%dma_start3A_577, %dma_start3A_579, %dma_start3A_580] : memref<9x80x64xf32, #tpu.memory_space<vmem>> -> memref<1x80x64xf32, #tpu.memory_space<vmem>>
        %dma_start3A_582 = tpu.memref_squeeze %dma_start3A_581 : memref<1x80x64xf32, #tpu.memory_space<vmem>> -> memref<80x64xf32, #tpu.memory_space<vmem>>
        %dma_start3A_583 = arith.constant 0 : i32
        %dma_start3A_584 = tpu.memref_slice %arg7[%add3A_391, %dma_start3A_583] : memref<250x80xi32, #tpu.memory_space<vmem>> -> memref<1x80xi32, #tpu.memory_space<vmem>>
        %dma_start3A_585 = tpu.memref_squeeze %dma_start3A_584 : memref<1x80xi32, #tpu.memory_space<vmem>> -> memref<80xi32, #tpu.memory_space<vmem>>
        %dma_start3A_586 = arith.constant 0 : i32
        %dma_start3A_587 = arith.constant 0 : i32
        %dma_start3A_588 = tpu.memref_slice %arg11[%dma_start3A_586, %dma_start3A_587] : memref<10000x64xf32, #tpu.memory_space<vmem_shared>> -> memref<10000x64xf32, #tpu.memory_space<vmem_shared>>
        %dma_start3A_589 = tpu.memref_slice %arg10[%dma_start3A_578] : memref<9x!tpu.dma_semaphore, #tpu.memory_space<semaphore_mem>> -> memref<1x!tpu.dma_semaphore, #tpu.memory_space<semaphore_mem>>
        %dma_start3A_590 = tpu.memref_squeeze %dma_start3A_589 : memref<1x!tpu.dma_semaphore, #tpu.memory_space<semaphore_mem>> -> memref<!tpu.dma_semaphore, #tpu.memory_space<semaphore_mem>>
        tpu.enqueue_indirect_dma source(%dma_start3A_582 : memref<80x64xf32, #tpu.memory_space<vmem>>) target(%dma_start3A_588 : memref<10000x64xf32, #tpu.memory_space<vmem_shared>>) offsets(%dma_start3A_585 : memref<80xi32, #tpu.memory_space<vmem>>) semaphore(%dma_start3A_590 : memref<!tpu.dma_semaphore, #tpu.memory_space<semaphore_mem>>) {add = true}
      } else {
      }
      %mul3A_397 = arith.constant 9 : i32
      %mul3A_398 = arith.muli %scan3A_380, %mul3A_397 : i32
      %add3A_399 = arith.constant 2 : i32
      %add3A_400 = arith.addi %mul3A_398, %add3A_399 : i32
      %lt3A_401 = arith.constant 250 : i32
      %lt3A_402 = arith.cmpi slt, %add3A_400, %lt3A_401 : i32
      %convert_element_type3A_403 = arith.extui %lt3A_402 : i1 to i32
      %cond3A_404 = arith.constant 0 : i32
      %cond3A_405 = arith.cmpi ne, %convert_element_type3A_403, %cond3A_404 : i32
      scf.if %cond3A_405 {
        %dma_wait3A_559 = arith.constant 2 : i32
        %dma_wait3A_560 = arith.constant 2 : i32
        %dma_wait3A_561 = arith.constant 0 : i32
        %dma_wait3A_562 = arith.constant 0 : i32
        %dma_wait3A_563 = tpu.memref_slice %arg8[%dma_wait3A_559, %dma_wait3A_561, %dma_wait3A_562] : memref<9x80x64xf32, #tpu.memory_space<vmem>> -> memref<1x80x64xf32, #tpu.memory_space<vmem>>
        %dma_wait3A_564 = tpu.memref_squeeze %dma_wait3A_563 : memref<1x80x64xf32, #tpu.memory_space<vmem>> -> memref<80x64xf32, #tpu.memory_space<vmem>>
        %dma_wait3A_565 = arith.constant 0 : i32
        %dma_wait3A_566 = tpu.memref_slice %arg6[%add3A_400, %dma_wait3A_565] : memref<250x80xi32, #tpu.memory_space<vmem>> -> memref<1x80xi32, #tpu.memory_space<vmem>>
        %dma_wait3A_567 = tpu.memref_squeeze %dma_wait3A_566 : memref<1x80xi32, #tpu.memory_space<vmem>> -> memref<80xi32, #tpu.memory_space<vmem>>
        %dma_wait3A_568 = arith.constant 0 : i32
        %dma_wait3A_569 = arith.constant 0 : i32
        %dma_wait3A_570 = tpu.memref_slice %arg2[%arg0, %dma_wait3A_568, %dma_wait3A_569] : memref<2x10000x64xf32, #tpu.memory_space<hbm>> -> memref<1x10000x64xf32, #tpu.memory_space<hbm>>
        %dma_wait3A_571 = tpu.memref_squeeze %dma_wait3A_570 : memref<1x10000x64xf32, #tpu.memory_space<hbm>> -> memref<10000x64xf32, #tpu.memory_space<hbm>>
        %dma_wait3A_572 = arith.constant 0 : i32
        %dma_wait3A_573 = arith.constant 0 : i32
        %dma_wait3A_574 = tpu.memref_slice %dma_wait3A_571[%dma_wait3A_572, %dma_wait3A_573] : memref<10000x64xf32, #tpu.memory_space<hbm>> -> memref<10000x64xf32, #tpu.memory_space<hbm>>
        %dma_wait3A_575 = tpu.memref_slice %arg9[%dma_wait3A_560] : memref<9x!tpu.dma_semaphore, #tpu.memory_space<semaphore_mem>> -> memref<1x!tpu.dma_semaphore, #tpu.memory_space<semaphore_mem>>
        %dma_wait3A_576 = tpu.memref_squeeze %dma_wait3A_575 : memref<1x!tpu.dma_semaphore, #tpu.memory_space<semaphore_mem>> -> memref<!tpu.dma_semaphore, #tpu.memory_space<semaphore_mem>>
        tpu.wait_indirect_dma semaphore(%dma_wait3A_576 : memref<!tpu.dma_semaphore, #tpu.memory_space<semaphore_mem>>) src(%dma_wait3A_574 : memref<10000x64xf32, #tpu.memory_space<hbm>>) dst(%dma_wait3A_564 : memref<80x64xf32, #tpu.memory_space<vmem>>)
        %dma_start3A_577 = arith.constant 2 : i32
        %dma_start3A_578 = arith.constant 2 : i32
        %dma_start3A_579 = arith.constant 0 : i32
        %dma_start3A_580 = arith.constant 0 : i32
        %dma_start3A_581 = tpu.memref_slice %arg8[%dma_start3A_577, %dma_start3A_579, %dma_start3A_580] : memref<9x80x64xf32, #tpu.memory_space<vmem>> -> memref<1x80x64xf32, #tpu.memory_space<vmem>>
        %dma_start3A_582 = tpu.memref_squeeze %dma_start3A_581 : memref<1x80x64xf32, #tpu.memory_space<vmem>> -> memref<80x64xf32, #tpu.memory_space<vmem>>
        %dma_start3A_583 = arith.constant 0 : i32
        %dma_start3A_584 = tpu.memref_slice %arg7[%add3A_400, %dma_start3A_583] : memref<250x80xi32, #tpu.memory_space<vmem>> -> memref<1x80xi32, #tpu.memory_space<vmem>>
        %dma_start3A_585 = tpu.memref_squeeze %dma_start3A_584 : memref<1x80xi32, #tpu.memory_space<vmem>> -> memref<80xi32, #tpu.memory_space<vmem>>
        %dma_start3A_586 = arith.constant 0 : i32
        %dma_start3A_587 = arith.constant 0 : i32
        %dma_start3A_588 = tpu.memref_slice %arg11[%dma_start3A_586, %dma_start3A_587] : memref<10000x64xf32, #tpu.memory_space<vmem_shared>> -> memref<10000x64xf32, #tpu.memory_space<vmem_shared>>
        %dma_start3A_589 = tpu.memref_slice %arg10[%dma_start3A_578] : memref<9x!tpu.dma_semaphore, #tpu.memory_space<semaphore_mem>> -> memref<1x!tpu.dma_semaphore, #tpu.memory_space<semaphore_mem>>
        %dma_start3A_590 = tpu.memref_squeeze %dma_start3A_589 : memref<1x!tpu.dma_semaphore, #tpu.memory_space<semaphore_mem>> -> memref<!tpu.dma_semaphore, #tpu.memory_space<semaphore_mem>>
        tpu.enqueue_indirect_dma source(%dma_start3A_582 : memref<80x64xf32, #tpu.memory_space<vmem>>) target(%dma_start3A_588 : memref<10000x64xf32, #tpu.memory_space<vmem_shared>>) offsets(%dma_start3A_585 : memref<80xi32, #tpu.memory_space<vmem>>) semaphore(%dma_start3A_590 : memref<!tpu.dma_semaphore, #tpu.memory_space<semaphore_mem>>) {add = true}
      } else {
      }
      %mul3A_406 = arith.constant 9 : i32
      %mul3A_407 = arith.muli %scan3A_380, %mul3A_406 : i32
      %add3A_408 = arith.constant 3 : i32
      %add3A_409 = arith.addi %mul3A_407, %add3A_408 : i32
      %lt3A_410 = arith.constant 250 : i32
      %lt3A_411 = arith.cmpi slt, %add3A_409, %lt3A_410 : i32
      %convert_element_type3A_412 = arith.extui %lt3A_411 : i1 to i32
      %cond3A_413 = arith.constant 0 : i32
      %cond3A_414 = arith.cmpi ne, %convert_element_type3A_412, %cond3A_413 : i32
      scf.if %cond3A_414 {
        %dma_wait3A_559 = arith.constant 3 : i32
        %dma_wait3A_560 = arith.constant 3 : i32
        %dma_wait3A_561 = arith.constant 0 : i32
        %dma_wait3A_562 = arith.constant 0 : i32
        %dma_wait3A_563 = tpu.memref_slice %arg8[%dma_wait3A_559, %dma_wait3A_561, %dma_wait3A_562] : memref<9x80x64xf32, #tpu.memory_space<vmem>> -> memref<1x80x64xf32, #tpu.memory_space<vmem>>
        %dma_wait3A_564 = tpu.memref_squeeze %dma_wait3A_563 : memref<1x80x64xf32, #tpu.memory_space<vmem>> -> memref<80x64xf32, #tpu.memory_space<vmem>>
        %dma_wait3A_565 = arith.constant 0 : i32
        %dma_wait3A_566 = tpu.memref_slice %arg6[%add3A_409, %dma_wait3A_565] : memref<250x80xi32, #tpu.memory_space<vmem>> -> memref<1x80xi32, #tpu.memory_space<vmem>>
        %dma_wait3A_567 = tpu.memref_squeeze %dma_wait3A_566 : memref<1x80xi32, #tpu.memory_space<vmem>> -> memref<80xi32, #tpu.memory_space<vmem>>
        %dma_wait3A_568 = arith.constant 0 : i32
        %dma_wait3A_569 = arith.constant 0 : i32
        %dma_wait3A_570 = tpu.memref_slice %arg2[%arg0, %dma_wait3A_568, %dma_wait3A_569] : memref<2x10000x64xf32, #tpu.memory_space<hbm>> -> memref<1x10000x64xf32, #tpu.memory_space<hbm>>
        %dma_wait3A_571 = tpu.memref_squeeze %dma_wait3A_570 : memref<1x10000x64xf32, #tpu.memory_space<hbm>> -> memref<10000x64xf32, #tpu.memory_space<hbm>>
        %dma_wait3A_572 = arith.constant 0 : i32
        %dma_wait3A_573 = arith.constant 0 : i32
        %dma_wait3A_574 = tpu.memref_slice %dma_wait3A_571[%dma_wait3A_572, %dma_wait3A_573] : memref<10000x64xf32, #tpu.memory_space<hbm>> -> memref<10000x64xf32, #tpu.memory_space<hbm>>
        %dma_wait3A_575 = tpu.memref_slice %arg9[%dma_wait3A_560] : memref<9x!tpu.dma_semaphore, #tpu.memory_space<semaphore_mem>> -> memref<1x!tpu.dma_semaphore, #tpu.memory_space<semaphore_mem>>
        %dma_wait3A_576 = tpu.memref_squeeze %dma_wait3A_575 : memref<1x!tpu.dma_semaphore, #tpu.memory_space<semaphore_mem>> -> memref<!tpu.dma_semaphore, #tpu.memory_space<semaphore_mem>>
        tpu.wait_indirect_dma semaphore(%dma_wait3A_576 : memref<!tpu.dma_semaphore, #tpu.memory_space<semaphore_mem>>) src(%dma_wait3A_574 : memref<10000x64xf32, #tpu.memory_space<hbm>>) dst(%dma_wait3A_564 : memref<80x64xf32, #tpu.memory_space<vmem>>)
        %dma_start3A_577 = arith.constant 3 : i32
        %dma_start3A_578 = arith.constant 3 : i32
        %dma_start3A_579 = arith.constant 0 : i32
        %dma_start3A_580 = arith.constant 0 : i32
        %dma_start3A_581 = tpu.memref_slice %arg8[%dma_start3A_577, %dma_start3A_579, %dma_start3A_580] : memref<9x80x64xf32, #tpu.memory_space<vmem>> -> memref<1x80x64xf32, #tpu.memory_space<vmem>>
        %dma_start3A_582 = tpu.memref_squeeze %dma_start3A_581 : memref<1x80x64xf32, #tpu.memory_space<vmem>> -> memref<80x64xf32, #tpu.memory_space<vmem>>
        %dma_start3A_583 = arith.constant 0 : i32
        %dma_start3A_584 = tpu.memref_slice %arg7[%add3A_409, %dma_start3A_583] : memref<250x80xi32, #tpu.memory_space<vmem>> -> memref<1x80xi32, #tpu.memory_space<vmem>>
        %dma_start3A_585 = tpu.memref_squeeze %dma_start3A_584 : memref<1x80xi32, #tpu.memory_space<vmem>> -> memref<80xi32, #tpu.memory_space<vmem>>
        %dma_start3A_586 = arith.constant 0 : i32
        %dma_start3A_587 = arith.constant 0 : i32
        %dma_start3A_588 = tpu.memref_slice %arg11[%dma_start3A_586, %dma_start3A_587] : memref<10000x64xf32, #tpu.memory_space<vmem_shared>> -> memref<10000x64xf32, #tpu.memory_space<vmem_shared>>
        %dma_start3A_589 = tpu.memref_slice %arg10[%dma_start3A_578] : memref<9x!tpu.dma_semaphore, #tpu.memory_space<semaphore_mem>> -> memref<1x!tpu.dma_semaphore, #tpu.memory_space<semaphore_mem>>
        %dma_start3A_590 = tpu.memref_squeeze %dma_start3A_589 : memref<1x!tpu.dma_semaphore, #tpu.memory_space<semaphore_mem>> -> memref<!tpu.dma_semaphore, #tpu.memory_space<semaphore_mem>>
        tpu.enqueue_indirect_dma source(%dma_start3A_582 : memref<80x64xf32, #tpu.memory_space<vmem>>) target(%dma_start3A_588 : memref<10000x64xf32, #tpu.memory_space<vmem_shared>>) offsets(%dma_start3A_585 : memref<80xi32, #tpu.memory_space<vmem>>) semaphore(%dma_start3A_590 : memref<!tpu.dma_semaphore, #tpu.memory_space<semaphore_mem>>) {add = true}
      } else {
      }
      %mul3A_415 = arith.constant 9 : i32
      %mul3A_416 = arith.muli %scan3A_380, %mul3A_415 : i32
      %add3A_417 = arith.constant 4 : i32
      %add3A_418 = arith.addi %mul3A_416, %add3A_417 : i32
      %lt3A_419 = arith.constant 250 : i32
      %lt3A_420 = arith.cmpi slt, %add3A_418, %lt3A_419 : i32
      %convert_element_type3A_421 = arith.extui %lt3A_420 : i1 to i32
      %cond3A_422 = arith.constant 0 : i32
      %cond3A_423 = arith.cmpi ne, %convert_element_type3A_421, %cond3A_422 : i32
      scf.if %cond3A_423 {
        %dma_wait3A_559 = arith.constant 4 : i32
        %dma_wait3A_560 = arith.constant 4 : i32
        %dma_wait3A_561 = arith.constant 0 : i32
        %dma_wait3A_562 = arith.constant 0 : i32
        %dma_wait3A_563 = tpu.memref_slice %arg8[%dma_wait3A_559, %dma_wait3A_561, %dma_wait3A_562] : memref<9x80x64xf32, #tpu.memory_space<vmem>> -> memref<1x80x64xf32, #tpu.memory_space<vmem>>
        %dma_wait3A_564 = tpu.memref_squeeze %dma_wait3A_563 : memref<1x80x64xf32, #tpu.memory_space<vmem>> -> memref<80x64xf32, #tpu.memory_space<vmem>>
        %dma_wait3A_565 = arith.constant 0 : i32
        %dma_wait3A_566 = tpu.memref_slice %arg6[%add3A_418, %dma_wait3A_565] : memref<250x80xi32, #tpu.memory_space<vmem>> -> memref<1x80xi32, #tpu.memory_space<vmem>>
        %dma_wait3A_567 = tpu.memref_squeeze %dma_wait3A_566 : memref<1x80xi32, #tpu.memory_space<vmem>> -> memref<80xi32, #tpu.memory_space<vmem>>
        %dma_wait3A_568 = arith.constant 0 : i32
        %dma_wait3A_569 = arith.constant 0 : i32
        %dma_wait3A_570 = tpu.memref_slice %arg2[%arg0, %dma_wait3A_568, %dma_wait3A_569] : memref<2x10000x64xf32, #tpu.memory_space<hbm>> -> memref<1x10000x64xf32, #tpu.memory_space<hbm>>
        %dma_wait3A_571 = tpu.memref_squeeze %dma_wait3A_570 : memref<1x10000x64xf32, #tpu.memory_space<hbm>> -> memref<10000x64xf32, #tpu.memory_space<hbm>>
        %dma_wait3A_572 = arith.constant 0 : i32
        %dma_wait3A_573 = arith.constant 0 : i32
        %dma_wait3A_574 = tpu.memref_slice %dma_wait3A_571[%dma_wait3A_572, %dma_wait3A_573] : memref<10000x64xf32, #tpu.memory_space<hbm>> -> memref<10000x64xf32, #tpu.memory_space<hbm>>
        %dma_wait3A_575 = tpu.memref_slice %arg9[%dma_wait3A_560] : memref<9x!tpu.dma_semaphore, #tpu.memory_space<semaphore_mem>> -> memref<1x!tpu.dma_semaphore, #tpu.memory_space<semaphore_mem>>
        %dma_wait3A_576 = tpu.memref_squeeze %dma_wait3A_575 : memref<1x!tpu.dma_semaphore, #tpu.memory_space<semaphore_mem>> -> memref<!tpu.dma_semaphore, #tpu.memory_space<semaphore_mem>>
        tpu.wait_indirect_dma semaphore(%dma_wait3A_576 : memref<!tpu.dma_semaphore, #tpu.memory_space<semaphore_mem>>) src(%dma_wait3A_574 : memref<10000x64xf32, #tpu.memory_space<hbm>>) dst(%dma_wait3A_564 : memref<80x64xf32, #tpu.memory_space<vmem>>)
        %dma_start3A_577 = arith.constant 4 : i32
        %dma_start3A_578 = arith.constant 4 : i32
        %dma_start3A_579 = arith.constant 0 : i32
        %dma_start3A_580 = arith.constant 0 : i32
        %dma_start3A_581 = tpu.memref_slice %arg8[%dma_start3A_577, %dma_start3A_579, %dma_start3A_580] : memref<9x80x64xf32, #tpu.memory_space<vmem>> -> memref<1x80x64xf32, #tpu.memory_space<vmem>>
        %dma_start3A_582 = tpu.memref_squeeze %dma_start3A_581 : memref<1x80x64xf32, #tpu.memory_space<vmem>> -> memref<80x64xf32, #tpu.memory_space<vmem>>
        %dma_start3A_583 = arith.constant 0 : i32
        %dma_start3A_584 = tpu.memref_slice %arg7[%add3A_418, %dma_start3A_583] : memref<250x80xi32, #tpu.memory_space<vmem>> -> memref<1x80xi32, #tpu.memory_space<vmem>>
        %dma_start3A_585 = tpu.memref_squeeze %dma_start3A_584 : memref<1x80xi32, #tpu.memory_space<vmem>> -> memref<80xi32, #tpu.memory_space<vmem>>
        %dma_start3A_586 = arith.constant 0 : i32
        %dma_start3A_587 = arith.constant 0 : i32
        %dma_start3A_588 = tpu.memref_slice %arg11[%dma_start3A_586, %dma_start3A_587] : memref<10000x64xf32, #tpu.memory_space<vmem_shared>> -> memref<10000x64xf32, #tpu.memory_space<vmem_shared>>
        %dma_start3A_589 = tpu.memref_slice %arg10[%dma_start3A_578] : memref<9x!tpu.dma_semaphore, #tpu.memory_space<semaphore_mem>> -> memref<1x!tpu.dma_semaphore, #tpu.memory_space<semaphore_mem>>
        %dma_start3A_590 = tpu.memref_squeeze %dma_start3A_589 : memref<1x!tpu.dma_semaphore, #tpu.memory_space<semaphore_mem>> -> memref<!tpu.dma_semaphore, #tpu.memory_space<semaphore_mem>>
        tpu.enqueue_indirect_dma source(%dma_start3A_582 : memref<80x64xf32, #tpu.memory_space<vmem>>) target(%dma_start3A_588 : memref<10000x64xf32, #tpu.memory_space<vmem_shared>>) offsets(%dma_start3A_585 : memref<80xi32, #tpu.memory_space<vmem>>) semaphore(%dma_start3A_590 : memref<!tpu.dma_semaphore, #tpu.memory_space<semaphore_mem>>) {add = true}
      } else {
      }
      %mul3A_424 = arith.constant 9 : i32
      %mul3A_425 = arith.muli %scan3A_380, %mul3A_424 : i32
      %add3A_426 = arith.constant 5 : i32
      %add3A_427 = arith.addi %mul3A_425, %add3A_426 : i32
      %lt3A_428 = arith.constant 250 : i32
      %lt3A_429 = arith.cmpi slt, %add3A_427, %lt3A_428 : i32
      %convert_element_type3A_430 = arith.extui %lt3A_429 : i1 to i32
      %cond3A_431 = arith.constant 0 : i32
      %cond3A_432 = arith.cmpi ne, %convert_element_type3A_430, %cond3A_431 : i32
      scf.if %cond3A_432 {
        %dma_wait3A_559 = arith.constant 5 : i32
        %dma_wait3A_560 = arith.constant 5 : i32
        %dma_wait3A_561 = arith.constant 0 : i32
        %dma_wait3A_562 = arith.constant 0 : i32
        %dma_wait3A_563 = tpu.memref_slice %arg8[%dma_wait3A_559, %dma_wait3A_561, %dma_wait3A_562] : memref<9x80x64xf32, #tpu.memory_space<vmem>> -> memref<1x80x64xf32, #tpu.memory_space<vmem>>
        %dma_wait3A_564 = tpu.memref_squeeze %dma_wait3A_563 : memref<1x80x64xf32, #tpu.memory_space<vmem>> -> memref<80x64xf32, #tpu.memory_space<vmem>>
        %dma_wait3A_565 = arith.constant 0 : i32
        %dma_wait3A_566 = tpu.memref_slice %arg6[%add3A_427, %dma_wait3A_565] : memref<250x80xi32, #tpu.memory_space<vmem>> -> memref<1x80xi32, #tpu.memory_space<vmem>>
        %dma_wait3A_567 = tpu.memref_squeeze %dma_wait3A_566 : memref<1x80xi32, #tpu.memory_space<vmem>> -> memref<80xi32, #tpu.memory_space<vmem>>
        %dma_wait3A_568 = arith.constant 0 : i32
        %dma_wait3A_569 = arith.constant 0 : i32
        %dma_wait3A_570 = tpu.memref_slice %arg2[%arg0, %dma_wait3A_568, %dma_wait3A_569] : memref<2x10000x64xf32, #tpu.memory_space<hbm>> -> memref<1x10000x64xf32, #tpu.memory_space<hbm>>
        %dma_wait3A_571 = tpu.memref_squeeze %dma_wait3A_570 : memref<1x10000x64xf32, #tpu.memory_space<hbm>> -> memref<10000x64xf32, #tpu.memory_space<hbm>>
        %dma_wait3A_572 = arith.constant 0 : i32
        %dma_wait3A_573 = arith.constant 0 : i32
        %dma_wait3A_574 = tpu.memref_slice %dma_wait3A_571[%dma_wait3A_572, %dma_wait3A_573] : memref<10000x64xf32, #tpu.memory_space<hbm>> -> memref<10000x64xf32, #tpu.memory_space<hbm>>
        %dma_wait3A_575 = tpu.memref_slice %arg9[%dma_wait3A_560] : memref<9x!tpu.dma_semaphore, #tpu.memory_space<semaphore_mem>> -> memref<1x!tpu.dma_semaphore, #tpu.memory_space<semaphore_mem>>
        %dma_wait3A_576 = tpu.memref_squeeze %dma_wait3A_575 : memref<1x!tpu.dma_semaphore, #tpu.memory_space<semaphore_mem>> -> memref<!tpu.dma_semaphore, #tpu.memory_space<semaphore_mem>>
        tpu.wait_indirect_dma semaphore(%dma_wait3A_576 : memref<!tpu.dma_semaphore, #tpu.memory_space<semaphore_mem>>) src(%dma_wait3A_574 : memref<10000x64xf32, #tpu.memory_space<hbm>>) dst(%dma_wait3A_564 : memref<80x64xf32, #tpu.memory_space<vmem>>)
        %dma_start3A_577 = arith.constant 5 : i32
        %dma_start3A_578 = arith.constant 5 : i32
        %dma_start3A_579 = arith.constant 0 : i32
        %dma_start3A_580 = arith.constant 0 : i32
        %dma_start3A_581 = tpu.memref_slice %arg8[%dma_start3A_577, %dma_start3A_579, %dma_start3A_580] : memref<9x80x64xf32, #tpu.memory_space<vmem>> -> memref<1x80x64xf32, #tpu.memory_space<vmem>>
        %dma_start3A_582 = tpu.memref_squeeze %dma_start3A_581 : memref<1x80x64xf32, #tpu.memory_space<vmem>> -> memref<80x64xf32, #tpu.memory_space<vmem>>
        %dma_start3A_583 = arith.constant 0 : i32
        %dma_start3A_584 = tpu.memref_slice %arg7[%add3A_427, %dma_start3A_583] : memref<250x80xi32, #tpu.memory_space<vmem>> -> memref<1x80xi32, #tpu.memory_space<vmem>>
        %dma_start3A_585 = tpu.memref_squeeze %dma_start3A_584 : memref<1x80xi32, #tpu.memory_space<vmem>> -> memref<80xi32, #tpu.memory_space<vmem>>
        %dma_start3A_586 = arith.constant 0 : i32
        %dma_start3A_587 = arith.constant 0 : i32
        %dma_start3A_588 = tpu.memref_slice %arg11[%dma_start3A_586, %dma_start3A_587] : memref<10000x64xf32, #tpu.memory_space<vmem_shared>> -> memref<10000x64xf32, #tpu.memory_space<vmem_shared>>
        %dma_start3A_589 = tpu.memref_slice %arg10[%dma_start3A_578] : memref<9x!tpu.dma_semaphore, #tpu.memory_space<semaphore_mem>> -> memref<1x!tpu.dma_semaphore, #tpu.memory_space<semaphore_mem>>
        %dma_start3A_590 = tpu.memref_squeeze %dma_start3A_589 : memref<1x!tpu.dma_semaphore, #tpu.memory_space<semaphore_mem>> -> memref<!tpu.dma_semaphore, #tpu.memory_space<semaphore_mem>>
        tpu.enqueue_indirect_dma source(%dma_start3A_582 : memref<80x64xf32, #tpu.memory_space<vmem>>) target(%dma_start3A_588 : memref<10000x64xf32, #tpu.memory_space<vmem_shared>>) offsets(%dma_start3A_585 : memref<80xi32, #tpu.memory_space<vmem>>) semaphore(%dma_start3A_590 : memref<!tpu.dma_semaphore, #tpu.memory_space<semaphore_mem>>) {add = true}
      } else {
      }
      %mul3A_433 = arith.constant 9 : i32
      %mul3A_434 = arith.muli %scan3A_380, %mul3A_433 : i32
      %add3A_435 = arith.constant 6 : i32
      %add3A_436 = arith.addi %mul3A_434, %add3A_435 : i32
      %lt3A_437 = arith.constant 250 : i32
      %lt3A_438 = arith.cmpi slt, %add3A_436, %lt3A_437 : i32
      %convert_element_type3A_439 = arith.extui %lt3A_438 : i1 to i32
      %cond3A_440 = arith.constant 0 : i32
      %cond3A_441 = arith.cmpi ne, %convert_element_type3A_439, %cond3A_440 : i32
      scf.if %cond3A_441 {
        %dma_wait3A_559 = arith.constant 6 : i32
        %dma_wait3A_560 = arith.constant 6 : i32
        %dma_wait3A_561 = arith.constant 0 : i32
        %dma_wait3A_562 = arith.constant 0 : i32
        %dma_wait3A_563 = tpu.memref_slice %arg8[%dma_wait3A_559, %dma_wait3A_561, %dma_wait3A_562] : memref<9x80x64xf32, #tpu.memory_space<vmem>> -> memref<1x80x64xf32, #tpu.memory_space<vmem>>
        %dma_wait3A_564 = tpu.memref_squeeze %dma_wait3A_563 : memref<1x80x64xf32, #tpu.memory_space<vmem>> -> memref<80x64xf32, #tpu.memory_space<vmem>>
        %dma_wait3A_565 = arith.constant 0 : i32
        %dma_wait3A_566 = tpu.memref_slice %arg6[%add3A_436, %dma_wait3A_565] : memref<250x80xi32, #tpu.memory_space<vmem>> -> memref<1x80xi32, #tpu.memory_space<vmem>>
        %dma_wait3A_567 = tpu.memref_squeeze %dma_wait3A_566 : memref<1x80xi32, #tpu.memory_space<vmem>> -> memref<80xi32, #tpu.memory_space<vmem>>
        %dma_wait3A_568 = arith.constant 0 : i32
        %dma_wait3A_569 = arith.constant 0 : i32
        %dma_wait3A_570 = tpu.memref_slice %arg2[%arg0, %dma_wait3A_568, %dma_wait3A_569] : memref<2x10000x64xf32, #tpu.memory_space<hbm>> -> memref<1x10000x64xf32, #tpu.memory_space<hbm>>
        %dma_wait3A_571 = tpu.memref_squeeze %dma_wait3A_570 : memref<1x10000x64xf32, #tpu.memory_space<hbm>> -> memref<10000x64xf32, #tpu.memory_space<hbm>>
        %dma_wait3A_572 = arith.constant 0 : i32
        %dma_wait3A_573 = arith.constant 0 : i32
        %dma_wait3A_574 = tpu.memref_slice %dma_wait3A_571[%dma_wait3A_572, %dma_wait3A_573] : memref<10000x64xf32, #tpu.memory_space<hbm>> -> memref<10000x64xf32, #tpu.memory_space<hbm>>
        %dma_wait3A_575 = tpu.memref_slice %arg9[%dma_wait3A_560] : memref<9x!tpu.dma_semaphore, #tpu.memory_space<semaphore_mem>> -> memref<1x!tpu.dma_semaphore, #tpu.memory_space<semaphore_mem>>
        %dma_wait3A_576 = tpu.memref_squeeze %dma_wait3A_575 : memref<1x!tpu.dma_semaphore, #tpu.memory_space<semaphore_mem>> -> memref<!tpu.dma_semaphore, #tpu.memory_space<semaphore_mem>>
        tpu.wait_indirect_dma semaphore(%dma_wait3A_576 : memref<!tpu.dma_semaphore, #tpu.memory_space<semaphore_mem>>) src(%dma_wait3A_574 : memref<10000x64xf32, #tpu.memory_space<hbm>>) dst(%dma_wait3A_564 : memref<80x64xf32, #tpu.memory_space<vmem>>)
        %dma_start3A_577 = arith.constant 6 : i32
        %dma_start3A_578 = arith.constant 6 : i32
        %dma_start3A_579 = arith.constant 0 : i32
        %dma_start3A_580 = arith.constant 0 : i32
        %dma_start3A_581 = tpu.memref_slice %arg8[%dma_start3A_577, %dma_start3A_579, %dma_start3A_580] : memref<9x80x64xf32, #tpu.memory_space<vmem>> -> memref<1x80x64xf32, #tpu.memory_space<vmem>>
        %dma_start3A_582 = tpu.memref_squeeze %dma_start3A_581 : memref<1x80x64xf32, #tpu.memory_space<vmem>> -> memref<80x64xf32, #tpu.memory_space<vmem>>
        %dma_start3A_583 = arith.constant 0 : i32
        %dma_start3A_584 = tpu.memref_slice %arg7[%add3A_436, %dma_start3A_583] : memref<250x80xi32, #tpu.memory_space<vmem>> -> memref<1x80xi32, #tpu.memory_space<vmem>>
        %dma_start3A_585 = tpu.memref_squeeze %dma_start3A_584 : memref<1x80xi32, #tpu.memory_space<vmem>> -> memref<80xi32, #tpu.memory_space<vmem>>
        %dma_start3A_586 = arith.constant 0 : i32
        %dma_start3A_587 = arith.constant 0 : i32
        %dma_start3A_588 = tpu.memref_slice %arg11[%dma_start3A_586, %dma_start3A_587] : memref<10000x64xf32, #tpu.memory_space<vmem_shared>> -> memref<10000x64xf32, #tpu.memory_space<vmem_shared>>
        %dma_start3A_589 = tpu.memref_slice %arg10[%dma_start3A_578] : memref<9x!tpu.dma_semaphore, #tpu.memory_space<semaphore_mem>> -> memref<1x!tpu.dma_semaphore, #tpu.memory_space<semaphore_mem>>
        %dma_start3A_590 = tpu.memref_squeeze %dma_start3A_589 : memref<1x!tpu.dma_semaphore, #tpu.memory_space<semaphore_mem>> -> memref<!tpu.dma_semaphore, #tpu.memory_space<semaphore_mem>>
        tpu.enqueue_indirect_dma source(%dma_start3A_582 : memref<80x64xf32, #tpu.memory_space<vmem>>) target(%dma_start3A_588 : memref<10000x64xf32, #tpu.memory_space<vmem_shared>>) offsets(%dma_start3A_585 : memref<80xi32, #tpu.memory_space<vmem>>) semaphore(%dma_start3A_590 : memref<!tpu.dma_semaphore, #tpu.memory_space<semaphore_mem>>) {add = true}
      } else {
      }
      %mul3A_442 = arith.constant 9 : i32
      %mul3A_443 = arith.muli %scan3A_380, %mul3A_442 : i32
      %add3A_444 = arith.constant 7 : i32
      %add3A_445 = arith.addi %mul3A_443, %add3A_444 : i32
      %lt3A_446 = arith.constant 250 : i32
      %lt3A_447 = arith.cmpi slt, %add3A_445, %lt3A_446 : i32
      %convert_element_type3A_448 = arith.extui %lt3A_447 : i1 to i32
      %cond3A_449 = arith.constant 0 : i32
      %cond3A_450 = arith.cmpi ne, %convert_element_type3A_448, %cond3A_449 : i32
      scf.if %cond3A_450 {
        %dma_wait3A_559 = arith.constant 7 : i32
        %dma_wait3A_560 = arith.constant 7 : i32
        %dma_wait3A_561 = arith.constant 0 : i32
        %dma_wait3A_562 = arith.constant 0 : i32
        %dma_wait3A_563 = tpu.memref_slice %arg8[%dma_wait3A_559, %dma_wait3A_561, %dma_wait3A_562] : memref<9x80x64xf32, #tpu.memory_space<vmem>> -> memref<1x80x64xf32, #tpu.memory_space<vmem>>
        %dma_wait3A_564 = tpu.memref_squeeze %dma_wait3A_563 : memref<1x80x64xf32, #tpu.memory_space<vmem>> -> memref<80x64xf32, #tpu.memory_space<vmem>>
        %dma_wait3A_565 = arith.constant 0 : i32
        %dma_wait3A_566 = tpu.memref_slice %arg6[%add3A_445, %dma_wait3A_565] : memref<250x80xi32, #tpu.memory_space<vmem>> -> memref<1x80xi32, #tpu.memory_space<vmem>>
        %dma_wait3A_567 = tpu.memref_squeeze %dma_wait3A_566 : memref<1x80xi32, #tpu.memory_space<vmem>> -> memref<80xi32, #tpu.memory_space<vmem>>
        %dma_wait3A_568 = arith.constant 0 : i32
        %dma_wait3A_569 = arith.constant 0 : i32
        %dma_wait3A_570 = tpu.memref_slice %arg2[%arg0, %dma_wait3A_568, %dma_wait3A_569] : memref<2x10000x64xf32, #tpu.memory_space<hbm>> -> memref<1x10000x64xf32, #tpu.memory_space<hbm>>
        %dma_wait3A_571 = tpu.memref_squeeze %dma_wait3A_570 : memref<1x10000x64xf32, #tpu.memory_space<hbm>> -> memref<10000x64xf32, #tpu.memory_space<hbm>>
        %dma_wait3A_572 = arith.constant 0 : i32
        %dma_wait3A_573 = arith.constant 0 : i32
        %dma_wait3A_574 = tpu.memref_slice %dma_wait3A_571[%dma_wait3A_572, %dma_wait3A_573] : memref<10000x64xf32, #tpu.memory_space<hbm>> -> memref<10000x64xf32, #tpu.memory_space<hbm>>
        %dma_wait3A_575 = tpu.memref_slice %arg9[%dma_wait3A_560] : memref<9x!tpu.dma_semaphore, #tpu.memory_space<semaphore_mem>> -> memref<1x!tpu.dma_semaphore, #tpu.memory_space<semaphore_mem>>
        %dma_wait3A_576 = tpu.memref_squeeze %dma_wait3A_575 : memref<1x!tpu.dma_semaphore, #tpu.memory_space<semaphore_mem>> -> memref<!tpu.dma_semaphore, #tpu.memory_space<semaphore_mem>>
        tpu.wait_indirect_dma semaphore(%dma_wait3A_576 : memref<!tpu.dma_semaphore, #tpu.memory_space<semaphore_mem>>) src(%dma_wait3A_574 : memref<10000x64xf32, #tpu.memory_space<hbm>>) dst(%dma_wait3A_564 : memref<80x64xf32, #tpu.memory_space<vmem>>)
        %dma_start3A_577 = arith.constant 7 : i32
        %dma_start3A_578 = arith.constant 7 : i32
        %dma_start3A_579 = arith.constant 0 : i32
        %dma_start3A_580 = arith.constant 0 : i32
        %dma_start3A_581 = tpu.memref_slice %arg8[%dma_start3A_577, %dma_start3A_579, %dma_start3A_580] : memref<9x80x64xf32, #tpu.memory_space<vmem>> -> memref<1x80x64xf32, #tpu.memory_space<vmem>>
        %dma_start3A_582 = tpu.memref_squeeze %dma_start3A_581 : memref<1x80x64xf32, #tpu.memory_space<vmem>> -> memref<80x64xf32, #tpu.memory_space<vmem>>
        %dma_start3A_583 = arith.constant 0 : i32
        %dma_start3A_584 = tpu.memref_slice %arg7[%add3A_445, %dma_start3A_583] : memref<250x80xi32, #tpu.memory_space<vmem>> -> memref<1x80xi32, #tpu.memory_space<vmem>>
        %dma_start3A_585 = tpu.memref_squeeze %dma_start3A_584 : memref<1x80xi32, #tpu.memory_space<vmem>> -> memref<80xi32, #tpu.memory_space<vmem>>
        %dma_start3A_586 = arith.constant 0 : i32
        %dma_start3A_587 = arith.constant 0 : i32
        %dma_start3A_588 = tpu.memref_slice %arg11[%dma_start3A_586, %dma_start3A_587] : memref<10000x64xf32, #tpu.memory_space<vmem_shared>> -> memref<10000x64xf32, #tpu.memory_space<vmem_shared>>
        %dma_start3A_589 = tpu.memref_slice %arg10[%dma_start3A_578] : memref<9x!tpu.dma_semaphore, #tpu.memory_space<semaphore_mem>> -> memref<1x!tpu.dma_semaphore, #tpu.memory_space<semaphore_mem>>
        %dma_start3A_590 = tpu.memref_squeeze %dma_start3A_589 : memref<1x!tpu.dma_semaphore, #tpu.memory_space<semaphore_mem>> -> memref<!tpu.dma_semaphore, #tpu.memory_space<semaphore_mem>>
        tpu.enqueue_indirect_dma source(%dma_start3A_582 : memref<80x64xf32, #tpu.memory_space<vmem>>) target(%dma_start3A_588 : memref<10000x64xf32, #tpu.memory_space<vmem_shared>>) offsets(%dma_start3A_585 : memref<80xi32, #tpu.memory_space<vmem>>) semaphore(%dma_start3A_590 : memref<!tpu.dma_semaphore, #tpu.memory_space<semaphore_mem>>) {add = true}
      } else {
      }
      %mul3A_451 = arith.constant 9 : i32
      %mul3A_452 = arith.muli %scan3A_380, %mul3A_451 : i32
      %add3A_453 = arith.constant 8 : i32
      %add3A_454 = arith.addi %mul3A_452, %add3A_453 : i32
      %lt3A_455 = arith.constant 250 : i32
      %lt3A_456 = arith.cmpi slt, %add3A_454, %lt3A_455 : i32
      %convert_element_type3A_457 = arith.extui %lt3A_456 : i1 to i32
      %cond3A_458 = arith.constant 0 : i32
      %cond3A_459 = arith.cmpi ne, %convert_element_type3A_457, %cond3A_458 : i32
      scf.if %cond3A_459 {
        %dma_wait3A_559 = arith.constant 8 : i32
        %dma_wait3A_560 = arith.constant 8 : i32
        %dma_wait3A_561 = arith.constant 0 : i32
        %dma_wait3A_562 = arith.constant 0 : i32
        %dma_wait3A_563 = tpu.memref_slice %arg8[%dma_wait3A_559, %dma_wait3A_561, %dma_wait3A_562] : memref<9x80x64xf32, #tpu.memory_space<vmem>> -> memref<1x80x64xf32, #tpu.memory_space<vmem>>
        %dma_wait3A_564 = tpu.memref_squeeze %dma_wait3A_563 : memref<1x80x64xf32, #tpu.memory_space<vmem>> -> memref<80x64xf32, #tpu.memory_space<vmem>>
        %dma_wait3A_565 = arith.constant 0 : i32
        %dma_wait3A_566 = tpu.memref_slice %arg6[%add3A_454, %dma_wait3A_565] : memref<250x80xi32, #tpu.memory_space<vmem>> -> memref<1x80xi32, #tpu.memory_space<vmem>>
        %dma_wait3A_567 = tpu.memref_squeeze %dma_wait3A_566 : memref<1x80xi32, #tpu.memory_space<vmem>> -> memref<80xi32, #tpu.memory_space<vmem>>
        %dma_wait3A_568 = arith.constant 0 : i32
        %dma_wait3A_569 = arith.constant 0 : i32
        %dma_wait3A_570 = tpu.memref_slice %arg2[%arg0, %dma_wait3A_568, %dma_wait3A_569] : memref<2x10000x64xf32, #tpu.memory_space<hbm>> -> memref<1x10000x64xf32, #tpu.memory_space<hbm>>
        %dma_wait3A_571 = tpu.memref_squeeze %dma_wait3A_570 : memref<1x10000x64xf32, #tpu.memory_space<hbm>> -> memref<10000x64xf32, #tpu.memory_space<hbm>>
        %dma_wait3A_572 = arith.constant 0 : i32
        %dma_wait3A_573 = arith.constant 0 : i32
        %dma_wait3A_574 = tpu.memref_slice %dma_wait3A_571[%dma_wait3A_572, %dma_wait3A_573] : memref<10000x64xf32, #tpu.memory_space<hbm>> -> memref<10000x64xf32, #tpu.memory_space<hbm>>
        %dma_wait3A_575 = tpu.memref_slice %arg9[%dma_wait3A_560] : memref<9x!tpu.dma_semaphore, #tpu.memory_space<semaphore_mem>> -> memref<1x!tpu.dma_semaphore, #tpu.memory_space<semaphore_mem>>
        %dma_wait3A_576 = tpu.memref_squeeze %dma_wait3A_575 : memref<1x!tpu.dma_semaphore, #tpu.memory_space<semaphore_mem>> -> memref<!tpu.dma_semaphore, #tpu.memory_space<semaphore_mem>>
        tpu.wait_indirect_dma semaphore(%dma_wait3A_576 : memref<!tpu.dma_semaphore, #tpu.memory_space<semaphore_mem>>) src(%dma_wait3A_574 : memref<10000x64xf32, #tpu.memory_space<hbm>>) dst(%dma_wait3A_564 : memref<80x64xf32, #tpu.memory_space<vmem>>)
        %dma_start3A_577 = arith.constant 8 : i32
        %dma_start3A_578 = arith.constant 8 : i32
        %dma_start3A_579 = arith.constant 0 : i32
        %dma_start3A_580 = arith.constant 0 : i32
        %dma_start3A_581 = tpu.memref_slice %arg8[%dma_start3A_577, %dma_start3A_579, %dma_start3A_580] : memref<9x80x64xf32, #tpu.memory_space<vmem>> -> memref<1x80x64xf32, #tpu.memory_space<vmem>>
        %dma_start3A_582 = tpu.memref_squeeze %dma_start3A_581 : memref<1x80x64xf32, #tpu.memory_space<vmem>> -> memref<80x64xf32, #tpu.memory_space<vmem>>
        %dma_start3A_583 = arith.constant 0 : i32
        %dma_start3A_584 = tpu.memref_slice %arg7[%add3A_454, %dma_start3A_583] : memref<250x80xi32, #tpu.memory_space<vmem>> -> memref<1x80xi32, #tpu.memory_space<vmem>>
        %dma_start3A_585 = tpu.memref_squeeze %dma_start3A_584 : memref<1x80xi32, #tpu.memory_space<vmem>> -> memref<80xi32, #tpu.memory_space<vmem>>
        %dma_start3A_586 = arith.constant 0 : i32
        %dma_start3A_587 = arith.constant 0 : i32
        %dma_start3A_588 = tpu.memref_slice %arg11[%dma_start3A_586, %dma_start3A_587] : memref<10000x64xf32, #tpu.memory_space<vmem_shared>> -> memref<10000x64xf32, #tpu.memory_space<vmem_shared>>
        %dma_start3A_589 = tpu.memref_slice %arg10[%dma_start3A_578] : memref<9x!tpu.dma_semaphore, #tpu.memory_space<semaphore_mem>> -> memref<1x!tpu.dma_semaphore, #tpu.memory_space<semaphore_mem>>
        %dma_start3A_590 = tpu.memref_squeeze %dma_start3A_589 : memref<1x!tpu.dma_semaphore, #tpu.memory_space<semaphore_mem>> -> memref<!tpu.dma_semaphore, #tpu.memory_space<semaphore_mem>>
        tpu.enqueue_indirect_dma source(%dma_start3A_582 : memref<80x64xf32, #tpu.memory_space<vmem>>) target(%dma_start3A_588 : memref<10000x64xf32, #tpu.memory_space<vmem_shared>>) offsets(%dma_start3A_585 : memref<80xi32, #tpu.memory_space<vmem>>) semaphore(%dma_start3A_590 : memref<!tpu.dma_semaphore, #tpu.memory_space<semaphore_mem>>) {add = true}
      } else {
      }
      %add3A_460 = arith.constant 1 : i32
      %add3A_461 = arith.addi %scan3A_380, %add3A_460 : i32
      %mul3A_462 = arith.constant 9 : i32
      %mul3A_463 = arith.muli %add3A_461, %mul3A_462 : i32
      %add3A_464 = arith.constant 0 : i32
      %add3A_465 = arith.addi %mul3A_463, %add3A_464 : i32
      %lt3A_466 = arith.constant 250 : i32
      %lt3A_467 = arith.cmpi slt, %add3A_465, %lt3A_466 : i32
      %convert_element_type3A_468 = arith.extui %lt3A_467 : i1 to i32
      %cond3A_469 = arith.constant 0 : i32
      %cond3A_470 = arith.cmpi ne, %convert_element_type3A_468, %cond3A_469 : i32
      scf.if %cond3A_470 {
        %dma_wait3A_559 = arith.constant 0 : i32
        %dma_wait3A_560 = arith.constant 0 : i32
        %dma_wait3A_561 = arith.constant 0 : i32
        %dma_wait3A_562 = arith.constant 0 : i32
        %dma_wait3A_563 = tpu.memref_slice %arg8[%dma_wait3A_559, %dma_wait3A_561, %dma_wait3A_562] : memref<9x80x64xf32, #tpu.memory_space<vmem>> -> memref<1x80x64xf32, #tpu.memory_space<vmem>>
        %dma_wait3A_564 = tpu.memref_squeeze %dma_wait3A_563 : memref<1x80x64xf32, #tpu.memory_space<vmem>> -> memref<80x64xf32, #tpu.memory_space<vmem>>
        %dma_wait3A_565 = arith.constant 0 : i32
        %dma_wait3A_566 = tpu.memref_slice %arg7[%add3A_465, %dma_wait3A_565] : memref<250x80xi32, #tpu.memory_space<vmem>> -> memref<1x80xi32, #tpu.memory_space<vmem>>
        %dma_wait3A_567 = tpu.memref_squeeze %dma_wait3A_566 : memref<1x80xi32, #tpu.memory_space<vmem>> -> memref<80xi32, #tpu.memory_space<vmem>>
        %dma_wait3A_568 = arith.constant 0 : i32
        %dma_wait3A_569 = arith.constant 0 : i32
        %dma_wait3A_570 = tpu.memref_slice %arg11[%dma_wait3A_568, %dma_wait3A_569] : memref<10000x64xf32, #tpu.memory_space<vmem_shared>> -> memref<10000x64xf32, #tpu.memory_space<vmem_shared>>
        %dma_wait3A_571 = tpu.memref_slice %arg10[%dma_wait3A_560] : memref<9x!tpu.dma_semaphore, #tpu.memory_space<semaphore_mem>> -> memref<1x!tpu.dma_semaphore, #tpu.memory_space<semaphore_mem>>
        %dma_wait3A_572 = tpu.memref_squeeze %dma_wait3A_571 : memref<1x!tpu.dma_semaphore, #tpu.memory_space<semaphore_mem>> -> memref<!tpu.dma_semaphore, #tpu.memory_space<semaphore_mem>>
        tpu.wait_indirect_dma semaphore(%dma_wait3A_572 : memref<!tpu.dma_semaphore, #tpu.memory_space<semaphore_mem>>) src(%dma_wait3A_564 : memref<80x64xf32, #tpu.memory_space<vmem>>) dst(%dma_wait3A_570 : memref<10000x64xf32, #tpu.memory_space<vmem_shared>>)
        %dma_start3A_573 = arith.constant 0 : i32
        %dma_start3A_574 = arith.constant 0 : i32
        %dma_start3A_575 = arith.constant 0 : i32
        %dma_start3A_576 = arith.constant 0 : i32
        %dma_start3A_577 = tpu.memref_slice %arg8[%dma_start3A_573, %dma_start3A_575, %dma_start3A_576] : memref<9x80x64xf32, #tpu.memory_space<vmem>> -> memref<1x80x64xf32, #tpu.memory_space<vmem>>
        %dma_start3A_578 = tpu.memref_squeeze %dma_start3A_577 : memref<1x80x64xf32, #tpu.memory_space<vmem>> -> memref<80x64xf32, #tpu.memory_space<vmem>>
        %dma_start3A_579 = arith.constant 0 : i32
        %dma_start3A_580 = tpu.memref_slice %arg6[%add3A_465, %dma_start3A_579] : memref<250x80xi32, #tpu.memory_space<vmem>> -> memref<1x80xi32, #tpu.memory_space<vmem>>
        %dma_start3A_581 = tpu.memref_squeeze %dma_start3A_580 : memref<1x80xi32, #tpu.memory_space<vmem>> -> memref<80xi32, #tpu.memory_space<vmem>>
        %dma_start3A_582 = arith.constant 0 : i32
        %dma_start3A_583 = arith.constant 0 : i32
        %dma_start3A_584 = tpu.memref_slice %arg2[%arg0, %dma_start3A_582, %dma_start3A_583] : memref<2x10000x64xf32, #tpu.memory_space<hbm>> -> memref<1x10000x64xf32, #tpu.memory_space<hbm>>
        %dma_start3A_585 = tpu.memref_squeeze %dma_start3A_584 : memref<1x10000x64xf32, #tpu.memory_space<hbm>> -> memref<10000x64xf32, #tpu.memory_space<hbm>>
        %dma_start3A_586 = arith.constant 0 : i32
        %dma_start3A_587 = arith.constant 0 : i32
        %dma_start3A_588 = tpu.memref_slice %dma_start3A_585[%dma_start3A_586, %dma_start3A_587] : memref<10000x64xf32, #tpu.memory_space<hbm>> -> memref<10000x64xf32, #tpu.memory_space<hbm>>
        %dma_start3A_589 = tpu.memref_slice %arg9[%dma_start3A_574] : memref<9x!tpu.dma_semaphore, #tpu.memory_space<semaphore_mem>> -> memref<1x!tpu.dma_semaphore, #tpu.memory_space<semaphore_mem>>
        %dma_start3A_590 = tpu.memref_squeeze %dma_start3A_589 : memref<1x!tpu.dma_semaphore, #tpu.memory_space<semaphore_mem>> -> memref<!tpu.dma_semaphore, #tpu.memory_space<semaphore_mem>>
        tpu.enqueue_indirect_dma source(%dma_start3A_588 : memref<10000x64xf32, #tpu.memory_space<hbm>>) target(%dma_start3A_578 : memref<80x64xf32, #tpu.memory_space<vmem>>) offsets(%dma_start3A_581 : memref<80xi32, #tpu.memory_space<vmem>>) semaphore(%dma_start3A_590 : memref<!tpu.dma_semaphore, #tpu.memory_space<semaphore_mem>>)
      } else {
      }
      %add3A_471 = arith.constant 1 : i32
      %add3A_472 = arith.addi %scan3A_380, %add3A_471 : i32
      %mul3A_473 = arith.constant 9 : i32
      %mul3A_474 = arith.muli %add3A_472, %mul3A_473 : i32
      %add3A_475 = arith.constant 1 : i32
      %add3A_476 = arith.addi %mul3A_474, %add3A_475 : i32
      %lt3A_477 = arith.constant 250 : i32
      %lt3A_478 = arith.cmpi slt, %add3A_476, %lt3A_477 : i32
      %convert_element_type3A_479 = arith.extui %lt3A_478 : i1 to i32
      %cond3A_480 = arith.constant 0 : i32
      %cond3A_481 = arith.cmpi ne, %convert_element_type3A_479, %cond3A_480 : i32
      scf.if %cond3A_481 {
        %dma_wait3A_559 = arith.constant 1 : i32
        %dma_wait3A_560 = arith.constant 1 : i32
        %dma_wait3A_561 = arith.constant 0 : i32
        %dma_wait3A_562 = arith.constant 0 : i32
        %dma_wait3A_563 = tpu.memref_slice %arg8[%dma_wait3A_559, %dma_wait3A_561, %dma_wait3A_562] : memref<9x80x64xf32, #tpu.memory_space<vmem>> -> memref<1x80x64xf32, #tpu.memory_space<vmem>>
        %dma_wait3A_564 = tpu.memref_squeeze %dma_wait3A_563 : memref<1x80x64xf32, #tpu.memory_space<vmem>> -> memref<80x64xf32, #tpu.memory_space<vmem>>
        %dma_wait3A_565 = arith.constant 0 : i32
        %dma_wait3A_566 = tpu.memref_slice %arg7[%add3A_476, %dma_wait3A_565] : memref<250x80xi32, #tpu.memory_space<vmem>> -> memref<1x80xi32, #tpu.memory_space<vmem>>
        %dma_wait3A_567 = tpu.memref_squeeze %dma_wait3A_566 : memref<1x80xi32, #tpu.memory_space<vmem>> -> memref<80xi32, #tpu.memory_space<vmem>>
        %dma_wait3A_568 = arith.constant 0 : i32
        %dma_wait3A_569 = arith.constant 0 : i32
        %dma_wait3A_570 = tpu.memref_slice %arg11[%dma_wait3A_568, %dma_wait3A_569] : memref<10000x64xf32, #tpu.memory_space<vmem_shared>> -> memref<10000x64xf32, #tpu.memory_space<vmem_shared>>
        %dma_wait3A_571 = tpu.memref_slice %arg10[%dma_wait3A_560] : memref<9x!tpu.dma_semaphore, #tpu.memory_space<semaphore_mem>> -> memref<1x!tpu.dma_semaphore, #tpu.memory_space<semaphore_mem>>
        %dma_wait3A_572 = tpu.memref_squeeze %dma_wait3A_571 : memref<1x!tpu.dma_semaphore, #tpu.memory_space<semaphore_mem>> -> memref<!tpu.dma_semaphore, #tpu.memory_space<semaphore_mem>>
        tpu.wait_indirect_dma semaphore(%dma_wait3A_572 : memref<!tpu.dma_semaphore, #tpu.memory_space<semaphore_mem>>) src(%dma_wait3A_564 : memref<80x64xf32, #tpu.memory_space<vmem>>) dst(%dma_wait3A_570 : memref<10000x64xf32, #tpu.memory_space<vmem_shared>>)
        %dma_start3A_573 = arith.constant 1 : i32
        %dma_start3A_574 = arith.constant 1 : i32
        %dma_start3A_575 = arith.constant 0 : i32
        %dma_start3A_576 = arith.constant 0 : i32
        %dma_start3A_577 = tpu.memref_slice %arg8[%dma_start3A_573, %dma_start3A_575, %dma_start3A_576] : memref<9x80x64xf32, #tpu.memory_space<vmem>> -> memref<1x80x64xf32, #tpu.memory_space<vmem>>
        %dma_start3A_578 = tpu.memref_squeeze %dma_start3A_577 : memref<1x80x64xf32, #tpu.memory_space<vmem>> -> memref<80x64xf32, #tpu.memory_space<vmem>>
        %dma_start3A_579 = arith.constant 0 : i32
        %dma_start3A_580 = tpu.memref_slice %arg6[%add3A_476, %dma_start3A_579] : memref<250x80xi32, #tpu.memory_space<vmem>> -> memref<1x80xi32, #tpu.memory_space<vmem>>
        %dma_start3A_581 = tpu.memref_squeeze %dma_start3A_580 : memref<1x80xi32, #tpu.memory_space<vmem>> -> memref<80xi32, #tpu.memory_space<vmem>>
        %dma_start3A_582 = arith.constant 0 : i32
        %dma_start3A_583 = arith.constant 0 : i32
        %dma_start3A_584 = tpu.memref_slice %arg2[%arg0, %dma_start3A_582, %dma_start3A_583] : memref<2x10000x64xf32, #tpu.memory_space<hbm>> -> memref<1x10000x64xf32, #tpu.memory_space<hbm>>
        %dma_start3A_585 = tpu.memref_squeeze %dma_start3A_584 : memref<1x10000x64xf32, #tpu.memory_space<hbm>> -> memref<10000x64xf32, #tpu.memory_space<hbm>>
        %dma_start3A_586 = arith.constant 0 : i32
        %dma_start3A_587 = arith.constant 0 : i32
        %dma_start3A_588 = tpu.memref_slice %dma_start3A_585[%dma_start3A_586, %dma_start3A_587] : memref<10000x64xf32, #tpu.memory_space<hbm>> -> memref<10000x64xf32, #tpu.memory_space<hbm>>
        %dma_start3A_589 = tpu.memref_slice %arg9[%dma_start3A_574] : memref<9x!tpu.dma_semaphore, #tpu.memory_space<semaphore_mem>> -> memref<1x!tpu.dma_semaphore, #tpu.memory_space<semaphore_mem>>
        %dma_start3A_590 = tpu.memref_squeeze %dma_start3A_589 : memref<1x!tpu.dma_semaphore, #tpu.memory_space<semaphore_mem>> -> memref<!tpu.dma_semaphore, #tpu.memory_space<semaphore_mem>>
        tpu.enqueue_indirect_dma source(%dma_start3A_588 : memref<10000x64xf32, #tpu.memory_space<hbm>>) target(%dma_start3A_578 : memref<80x64xf32, #tpu.memory_space<vmem>>) offsets(%dma_start3A_581 : memref<80xi32, #tpu.memory_space<vmem>>) semaphore(%dma_start3A_590 : memref<!tpu.dma_semaphore, #tpu.memory_space<semaphore_mem>>)
      } else {
      }
      %add3A_482 = arith.constant 1 : i32
      %add3A_483 = arith.addi %scan3A_380, %add3A_482 : i32
      %mul3A_484 = arith.constant 9 : i32
      %mul3A_485 = arith.muli %add3A_483, %mul3A_484 : i32
      %add3A_486 = arith.constant 2 : i32
      %add3A_487 = arith.addi %mul3A_485, %add3A_486 : i32
      %lt3A_488 = arith.constant 250 : i32
      %lt3A_489 = arith.cmpi slt, %add3A_487, %lt3A_488 : i32
      %convert_element_type3A_490 = arith.extui %lt3A_489 : i1 to i32
      %cond3A_491 = arith.constant 0 : i32
      %cond3A_492 = arith.cmpi ne, %convert_element_type3A_490, %cond3A_491 : i32
      scf.if %cond3A_492 {
        %dma_wait3A_559 = arith.constant 2 : i32
        %dma_wait3A_560 = arith.constant 2 : i32
        %dma_wait3A_561 = arith.constant 0 : i32
        %dma_wait3A_562 = arith.constant 0 : i32
        %dma_wait3A_563 = tpu.memref_slice %arg8[%dma_wait3A_559, %dma_wait3A_561, %dma_wait3A_562] : memref<9x80x64xf32, #tpu.memory_space<vmem>> -> memref<1x80x64xf32, #tpu.memory_space<vmem>>
        %dma_wait3A_564 = tpu.memref_squeeze %dma_wait3A_563 : memref<1x80x64xf32, #tpu.memory_space<vmem>> -> memref<80x64xf32, #tpu.memory_space<vmem>>
        %dma_wait3A_565 = arith.constant 0 : i32
        %dma_wait3A_566 = tpu.memref_slice %arg7[%add3A_487, %dma_wait3A_565] : memref<250x80xi32, #tpu.memory_space<vmem>> -> memref<1x80xi32, #tpu.memory_space<vmem>>
        %dma_wait3A_567 = tpu.memref_squeeze %dma_wait3A_566 : memref<1x80xi32, #tpu.memory_space<vmem>> -> memref<80xi32, #tpu.memory_space<vmem>>
        %dma_wait3A_568 = arith.constant 0 : i32
        %dma_wait3A_569 = arith.constant 0 : i32
        %dma_wait3A_570 = tpu.memref_slice %arg11[%dma_wait3A_568, %dma_wait3A_569] : memref<10000x64xf32, #tpu.memory_space<vmem_shared>> -> memref<10000x64xf32, #tpu.memory_space<vmem_shared>>
        %dma_wait3A_571 = tpu.memref_slice %arg10[%dma_wait3A_560] : memref<9x!tpu.dma_semaphore, #tpu.memory_space<semaphore_mem>> -> memref<1x!tpu.dma_semaphore, #tpu.memory_space<semaphore_mem>>
        %dma_wait3A_572 = tpu.memref_squeeze %dma_wait3A_571 : memref<1x!tpu.dma_semaphore, #tpu.memory_space<semaphore_mem>> -> memref<!tpu.dma_semaphore, #tpu.memory_space<semaphore_mem>>
        tpu.wait_indirect_dma semaphore(%dma_wait3A_572 : memref<!tpu.dma_semaphore, #tpu.memory_space<semaphore_mem>>) src(%dma_wait3A_564 : memref<80x64xf32, #tpu.memory_space<vmem>>) dst(%dma_wait3A_570 : memref<10000x64xf32, #tpu.memory_space<vmem_shared>>)
        %dma_start3A_573 = arith.constant 2 : i32
        %dma_start3A_574 = arith.constant 2 : i32
        %dma_start3A_575 = arith.constant 0 : i32
        %dma_start3A_576 = arith.constant 0 : i32
        %dma_start3A_577 = tpu.memref_slice %arg8[%dma_start3A_573, %dma_start3A_575, %dma_start3A_576] : memref<9x80x64xf32, #tpu.memory_space<vmem>> -> memref<1x80x64xf32, #tpu.memory_space<vmem>>
        %dma_start3A_578 = tpu.memref_squeeze %dma_start3A_577 : memref<1x80x64xf32, #tpu.memory_space<vmem>> -> memref<80x64xf32, #tpu.memory_space<vmem>>
        %dma_start3A_579 = arith.constant 0 : i32
        %dma_start3A_580 = tpu.memref_slice %arg6[%add3A_487, %dma_start3A_579] : memref<250x80xi32, #tpu.memory_space<vmem>> -> memref<1x80xi32, #tpu.memory_space<vmem>>
        %dma_start3A_581 = tpu.memref_squeeze %dma_start3A_580 : memref<1x80xi32, #tpu.memory_space<vmem>> -> memref<80xi32, #tpu.memory_space<vmem>>
        %dma_start3A_582 = arith.constant 0 : i32
        %dma_start3A_583 = arith.constant 0 : i32
        %dma_start3A_584 = tpu.memref_slice %arg2[%arg0, %dma_start3A_582, %dma_start3A_583] : memref<2x10000x64xf32, #tpu.memory_space<hbm>> -> memref<1x10000x64xf32, #tpu.memory_space<hbm>>
        %dma_start3A_585 = tpu.memref_squeeze %dma_start3A_584 : memref<1x10000x64xf32, #tpu.memory_space<hbm>> -> memref<10000x64xf32, #tpu.memory_space<hbm>>
        %dma_start3A_586 = arith.constant 0 : i32
        %dma_start3A_587 = arith.constant 0 : i32
        %dma_start3A_588 = tpu.memref_slice %dma_start3A_585[%dma_start3A_586, %dma_start3A_587] : memref<10000x64xf32, #tpu.memory_space<hbm>> -> memref<10000x64xf32, #tpu.memory_space<hbm>>
        %dma_start3A_589 = tpu.memref_slice %arg9[%dma_start3A_574] : memref<9x!tpu.dma_semaphore, #tpu.memory_space<semaphore_mem>> -> memref<1x!tpu.dma_semaphore, #tpu.memory_space<semaphore_mem>>
        %dma_start3A_590 = tpu.memref_squeeze %dma_start3A_589 : memref<1x!tpu.dma_semaphore, #tpu.memory_space<semaphore_mem>> -> memref<!tpu.dma_semaphore, #tpu.memory_space<semaphore_mem>>
        tpu.enqueue_indirect_dma source(%dma_start3A_588 : memref<10000x64xf32, #tpu.memory_space<hbm>>) target(%dma_start3A_578 : memref<80x64xf32, #tpu.memory_space<vmem>>) offsets(%dma_start3A_581 : memref<80xi32, #tpu.memory_space<vmem>>) semaphore(%dma_start3A_590 : memref<!tpu.dma_semaphore, #tpu.memory_space<semaphore_mem>>)
      } else {
      }
      %add3A_493 = arith.constant 1 : i32
      %add3A_494 = arith.addi %scan3A_380, %add3A_493 : i32
      %mul3A_495 = arith.constant 9 : i32
      %mul3A_496 = arith.muli %add3A_494, %mul3A_495 : i32
      %add3A_497 = arith.constant 3 : i32
      %add3A_498 = arith.addi %mul3A_496, %add3A_497 : i32
      %lt3A_499 = arith.constant 250 : i32
      %lt3A_500 = arith.cmpi slt, %add3A_498, %lt3A_499 : i32
      %convert_element_type3A_501 = arith.extui %lt3A_500 : i1 to i32
      %cond3A_502 = arith.constant 0 : i32
      %cond3A_503 = arith.cmpi ne, %convert_element_type3A_501, %cond3A_502 : i32
      scf.if %cond3A_503 {
        %dma_wait3A_559 = arith.constant 3 : i32
        %dma_wait3A_560 = arith.constant 3 : i32
        %dma_wait3A_561 = arith.constant 0 : i32
        %dma_wait3A_562 = arith.constant 0 : i32
        %dma_wait3A_563 = tpu.memref_slice %arg8[%dma_wait3A_559, %dma_wait3A_561, %dma_wait3A_562] : memref<9x80x64xf32, #tpu.memory_space<vmem>> -> memref<1x80x64xf32, #tpu.memory_space<vmem>>
        %dma_wait3A_564 = tpu.memref_squeeze %dma_wait3A_563 : memref<1x80x64xf32, #tpu.memory_space<vmem>> -> memref<80x64xf32, #tpu.memory_space<vmem>>
        %dma_wait3A_565 = arith.constant 0 : i32
        %dma_wait3A_566 = tpu.memref_slice %arg7[%add3A_498, %dma_wait3A_565] : memref<250x80xi32, #tpu.memory_space<vmem>> -> memref<1x80xi32, #tpu.memory_space<vmem>>
        %dma_wait3A_567 = tpu.memref_squeeze %dma_wait3A_566 : memref<1x80xi32, #tpu.memory_space<vmem>> -> memref<80xi32, #tpu.memory_space<vmem>>
        %dma_wait3A_568 = arith.constant 0 : i32
        %dma_wait3A_569 = arith.constant 0 : i32
        %dma_wait3A_570 = tpu.memref_slice %arg11[%dma_wait3A_568, %dma_wait3A_569] : memref<10000x64xf32, #tpu.memory_space<vmem_shared>> -> memref<10000x64xf32, #tpu.memory_space<vmem_shared>>
        %dma_wait3A_571 = tpu.memref_slice %arg10[%dma_wait3A_560] : memref<9x!tpu.dma_semaphore, #tpu.memory_space<semaphore_mem>> -> memref<1x!tpu.dma_semaphore, #tpu.memory_space<semaphore_mem>>
        %dma_wait3A_572 = tpu.memref_squeeze %dma_wait3A_571 : memref<1x!tpu.dma_semaphore, #tpu.memory_space<semaphore_mem>> -> memref<!tpu.dma_semaphore, #tpu.memory_space<semaphore_mem>>
        tpu.wait_indirect_dma semaphore(%dma_wait3A_572 : memref<!tpu.dma_semaphore, #tpu.memory_space<semaphore_mem>>) src(%dma_wait3A_564 : memref<80x64xf32, #tpu.memory_space<vmem>>) dst(%dma_wait3A_570 : memref<10000x64xf32, #tpu.memory_space<vmem_shared>>)
        %dma_start3A_573 = arith.constant 3 : i32
        %dma_start3A_574 = arith.constant 3 : i32
        %dma_start3A_575 = arith.constant 0 : i32
        %dma_start3A_576 = arith.constant 0 : i32
        %dma_start3A_577 = tpu.memref_slice %arg8[%dma_start3A_573, %dma_start3A_575, %dma_start3A_576] : memref<9x80x64xf32, #tpu.memory_space<vmem>> -> memref<1x80x64xf32, #tpu.memory_space<vmem>>
        %dma_start3A_578 = tpu.memref_squeeze %dma_start3A_577 : memref<1x80x64xf32, #tpu.memory_space<vmem>> -> memref<80x64xf32, #tpu.memory_space<vmem>>
        %dma_start3A_579 = arith.constant 0 : i32
        %dma_start3A_580 = tpu.memref_slice %arg6[%add3A_498, %dma_start3A_579] : memref<250x80xi32, #tpu.memory_space<vmem>> -> memref<1x80xi32, #tpu.memory_space<vmem>>
        %dma_start3A_581 = tpu.memref_squeeze %dma_start3A_580 : memref<1x80xi32, #tpu.memory_space<vmem>> -> memref<80xi32, #tpu.memory_space<vmem>>
        %dma_start3A_582 = arith.constant 0 : i32
        %dma_start3A_583 = arith.constant 0 : i32
        %dma_start3A_584 = tpu.memref_slice %arg2[%arg0, %dma_start3A_582, %dma_start3A_583] : memref<2x10000x64xf32, #tpu.memory_space<hbm>> -> memref<1x10000x64xf32, #tpu.memory_space<hbm>>
        %dma_start3A_585 = tpu.memref_squeeze %dma_start3A_584 : memref<1x10000x64xf32, #tpu.memory_space<hbm>> -> memref<10000x64xf32, #tpu.memory_space<hbm>>
        %dma_start3A_586 = arith.constant 0 : i32
        %dma_start3A_587 = arith.constant 0 : i32
        %dma_start3A_588 = tpu.memref_slice %dma_start3A_585[%dma_start3A_586, %dma_start3A_587] : memref<10000x64xf32, #tpu.memory_space<hbm>> -> memref<10000x64xf32, #tpu.memory_space<hbm>>
        %dma_start3A_589 = tpu.memref_slice %arg9[%dma_start3A_574] : memref<9x!tpu.dma_semaphore, #tpu.memory_space<semaphore_mem>> -> memref<1x!tpu.dma_semaphore, #tpu.memory_space<semaphore_mem>>
        %dma_start3A_590 = tpu.memref_squeeze %dma_start3A_589 : memref<1x!tpu.dma_semaphore, #tpu.memory_space<semaphore_mem>> -> memref<!tpu.dma_semaphore, #tpu.memory_space<semaphore_mem>>
        tpu.enqueue_indirect_dma source(%dma_start3A_588 : memref<10000x64xf32, #tpu.memory_space<hbm>>) target(%dma_start3A_578 : memref<80x64xf32, #tpu.memory_space<vmem>>) offsets(%dma_start3A_581 : memref<80xi32, #tpu.memory_space<vmem>>) semaphore(%dma_start3A_590 : memref<!tpu.dma_semaphore, #tpu.memory_space<semaphore_mem>>)
      } else {
      }
      %add3A_504 = arith.constant 1 : i32
      %add3A_505 = arith.addi %scan3A_380, %add3A_504 : i32
      %mul3A_506 = arith.constant 9 : i32
      %mul3A_507 = arith.muli %add3A_505, %mul3A_506 : i32
      %add3A_508 = arith.constant 4 : i32
      %add3A_509 = arith.addi %mul3A_507, %add3A_508 : i32
      %lt3A_510 = arith.constant 250 : i32
      %lt3A_511 = arith.cmpi slt, %add3A_509, %lt3A_510 : i32
      %convert_element_type3A_512 = arith.extui %lt3A_511 : i1 to i32
      %cond3A_513 = arith.constant 0 : i32
      %cond3A_514 = arith.cmpi ne, %convert_element_type3A_512, %cond3A_513 : i32
      scf.if %cond3A_514 {
        %dma_wait3A_559 = arith.constant 4 : i32
        %dma_wait3A_560 = arith.constant 4 : i32
        %dma_wait3A_561 = arith.constant 0 : i32
        %dma_wait3A_562 = arith.constant 0 : i32
        %dma_wait3A_563 = tpu.memref_slice %arg8[%dma_wait3A_559, %dma_wait3A_561, %dma_wait3A_562] : memref<9x80x64xf32, #tpu.memory_space<vmem>> -> memref<1x80x64xf32, #tpu.memory_space<vmem>>
        %dma_wait3A_564 = tpu.memref_squeeze %dma_wait3A_563 : memref<1x80x64xf32, #tpu.memory_space<vmem>> -> memref<80x64xf32, #tpu.memory_space<vmem>>
        %dma_wait3A_565 = arith.constant 0 : i32
        %dma_wait3A_566 = tpu.memref_slice %arg7[%add3A_509, %dma_wait3A_565] : memref<250x80xi32, #tpu.memory_space<vmem>> -> memref<1x80xi32, #tpu.memory_space<vmem>>
        %dma_wait3A_567 = tpu.memref_squeeze %dma_wait3A_566 : memref<1x80xi32, #tpu.memory_space<vmem>> -> memref<80xi32, #tpu.memory_space<vmem>>
        %dma_wait3A_568 = arith.constant 0 : i32
        %dma_wait3A_569 = arith.constant 0 : i32
        %dma_wait3A_570 = tpu.memref_slice %arg11[%dma_wait3A_568, %dma_wait3A_569] : memref<10000x64xf32, #tpu.memory_space<vmem_shared>> -> memref<10000x64xf32, #tpu.memory_space<vmem_shared>>
        %dma_wait3A_571 = tpu.memref_slice %arg10[%dma_wait3A_560] : memref<9x!tpu.dma_semaphore, #tpu.memory_space<semaphore_mem>> -> memref<1x!tpu.dma_semaphore, #tpu.memory_space<semaphore_mem>>
        %dma_wait3A_572 = tpu.memref_squeeze %dma_wait3A_571 : memref<1x!tpu.dma_semaphore, #tpu.memory_space<semaphore_mem>> -> memref<!tpu.dma_semaphore, #tpu.memory_space<semaphore_mem>>
        tpu.wait_indirect_dma semaphore(%dma_wait3A_572 : memref<!tpu.dma_semaphore, #tpu.memory_space<semaphore_mem>>) src(%dma_wait3A_564 : memref<80x64xf32, #tpu.memory_space<vmem>>) dst(%dma_wait3A_570 : memref<10000x64xf32, #tpu.memory_space<vmem_shared>>)
        %dma_start3A_573 = arith.constant 4 : i32
        %dma_start3A_574 = arith.constant 4 : i32
        %dma_start3A_575 = arith.constant 0 : i32
        %dma_start3A_576 = arith.constant 0 : i32
        %dma_start3A_577 = tpu.memref_slice %arg8[%dma_start3A_573, %dma_start3A_575, %dma_start3A_576] : memref<9x80x64xf32, #tpu.memory_space<vmem>> -> memref<1x80x64xf32, #tpu.memory_space<vmem>>
        %dma_start3A_578 = tpu.memref_squeeze %dma_start3A_577 : memref<1x80x64xf32, #tpu.memory_space<vmem>> -> memref<80x64xf32, #tpu.memory_space<vmem>>
        %dma_start3A_579 = arith.constant 0 : i32
        %dma_start3A_580 = tpu.memref_slice %arg6[%add3A_509, %dma_start3A_579] : memref<250x80xi32, #tpu.memory_space<vmem>> -> memref<1x80xi32, #tpu.memory_space<vmem>>
        %dma_start3A_581 = tpu.memref_squeeze %dma_start3A_580 : memref<1x80xi32, #tpu.memory_space<vmem>> -> memref<80xi32, #tpu.memory_space<vmem>>
        %dma_start3A_582 = arith.constant 0 : i32
        %dma_start3A_583 = arith.constant 0 : i32
        %dma_start3A_584 = tpu.memref_slice %arg2[%arg0, %dma_start3A_582, %dma_start3A_583] : memref<2x10000x64xf32, #tpu.memory_space<hbm>> -> memref<1x10000x64xf32, #tpu.memory_space<hbm>>
        %dma_start3A_585 = tpu.memref_squeeze %dma_start3A_584 : memref<1x10000x64xf32, #tpu.memory_space<hbm>> -> memref<10000x64xf32, #tpu.memory_space<hbm>>
        %dma_start3A_586 = arith.constant 0 : i32
        %dma_start3A_587 = arith.constant 0 : i32
        %dma_start3A_588 = tpu.memref_slice %dma_start3A_585[%dma_start3A_586, %dma_start3A_587] : memref<10000x64xf32, #tpu.memory_space<hbm>> -> memref<10000x64xf32, #tpu.memory_space<hbm>>
        %dma_start3A_589 = tpu.memref_slice %arg9[%dma_start3A_574] : memref<9x!tpu.dma_semaphore, #tpu.memory_space<semaphore_mem>> -> memref<1x!tpu.dma_semaphore, #tpu.memory_space<semaphore_mem>>
        %dma_start3A_590 = tpu.memref_squeeze %dma_start3A_589 : memref<1x!tpu.dma_semaphore, #tpu.memory_space<semaphore_mem>> -> memref<!tpu.dma_semaphore, #tpu.memory_space<semaphore_mem>>
        tpu.enqueue_indirect_dma source(%dma_start3A_588 : memref<10000x64xf32, #tpu.memory_space<hbm>>) target(%dma_start3A_578 : memref<80x64xf32, #tpu.memory_space<vmem>>) offsets(%dma_start3A_581 : memref<80xi32, #tpu.memory_space<vmem>>) semaphore(%dma_start3A_590 : memref<!tpu.dma_semaphore, #tpu.memory_space<semaphore_mem>>)
      } else {
      }
      %add3A_515 = arith.constant 1 : i32
      %add3A_516 = arith.addi %scan3A_380, %add3A_515 : i32
      %mul3A_517 = arith.constant 9 : i32
      %mul3A_518 = arith.muli %add3A_516, %mul3A_517 : i32
      %add3A_519 = arith.constant 5 : i32
      %add3A_520 = arith.addi %mul3A_518, %add3A_519 : i32
      %lt3A_521 = arith.constant 250 : i32
      %lt3A_522 = arith.cmpi slt, %add3A_520, %lt3A_521 : i32
      %convert_element_type3A_523 = arith.extui %lt3A_522 : i1 to i32
      %cond3A_524 = arith.constant 0 : i32
      %cond3A_525 = arith.cmpi ne, %convert_element_type3A_523, %cond3A_524 : i32
      scf.if %cond3A_525 {
        %dma_wait3A_559 = arith.constant 5 : i32
        %dma_wait3A_560 = arith.constant 5 : i32
        %dma_wait3A_561 = arith.constant 0 : i32
        %dma_wait3A_562 = arith.constant 0 : i32
        %dma_wait3A_563 = tpu.memref_slice %arg8[%dma_wait3A_559, %dma_wait3A_561, %dma_wait3A_562] : memref<9x80x64xf32, #tpu.memory_space<vmem>> -> memref<1x80x64xf32, #tpu.memory_space<vmem>>
        %dma_wait3A_564 = tpu.memref_squeeze %dma_wait3A_563 : memref<1x80x64xf32, #tpu.memory_space<vmem>> -> memref<80x64xf32, #tpu.memory_space<vmem>>
        %dma_wait3A_565 = arith.constant 0 : i32
        %dma_wait3A_566 = tpu.memref_slice %arg7[%add3A_520, %dma_wait3A_565] : memref<250x80xi32, #tpu.memory_space<vmem>> -> memref<1x80xi32, #tpu.memory_space<vmem>>
        %dma_wait3A_567 = tpu.memref_squeeze %dma_wait3A_566 : memref<1x80xi32, #tpu.memory_space<vmem>> -> memref<80xi32, #tpu.memory_space<vmem>>
        %dma_wait3A_568 = arith.constant 0 : i32
        %dma_wait3A_569 = arith.constant 0 : i32
        %dma_wait3A_570 = tpu.memref_slice %arg11[%dma_wait3A_568, %dma_wait3A_569] : memref<10000x64xf32, #tpu.memory_space<vmem_shared>> -> memref<10000x64xf32, #tpu.memory_space<vmem_shared>>
        %dma_wait3A_571 = tpu.memref_slice %arg10[%dma_wait3A_560] : memref<9x!tpu.dma_semaphore, #tpu.memory_space<semaphore_mem>> -> memref<1x!tpu.dma_semaphore, #tpu.memory_space<semaphore_mem>>
        %dma_wait3A_572 = tpu.memref_squeeze %dma_wait3A_571 : memref<1x!tpu.dma_semaphore, #tpu.memory_space<semaphore_mem>> -> memref<!tpu.dma_semaphore, #tpu.memory_space<semaphore_mem>>
        tpu.wait_indirect_dma semaphore(%dma_wait3A_572 : memref<!tpu.dma_semaphore, #tpu.memory_space<semaphore_mem>>) src(%dma_wait3A_564 : memref<80x64xf32, #tpu.memory_space<vmem>>) dst(%dma_wait3A_570 : memref<10000x64xf32, #tpu.memory_space<vmem_shared>>)
        %dma_start3A_573 = arith.constant 5 : i32
        %dma_start3A_574 = arith.constant 5 : i32
        %dma_start3A_575 = arith.constant 0 : i32
        %dma_start3A_576 = arith.constant 0 : i32
        %dma_start3A_577 = tpu.memref_slice %arg8[%dma_start3A_573, %dma_start3A_575, %dma_start3A_576] : memref<9x80x64xf32, #tpu.memory_space<vmem>> -> memref<1x80x64xf32, #tpu.memory_space<vmem>>
        %dma_start3A_578 = tpu.memref_squeeze %dma_start3A_577 : memref<1x80x64xf32, #tpu.memory_space<vmem>> -> memref<80x64xf32, #tpu.memory_space<vmem>>
        %dma_start3A_579 = arith.constant 0 : i32
        %dma_start3A_580 = tpu.memref_slice %arg6[%add3A_520, %dma_start3A_579] : memref<250x80xi32, #tpu.memory_space<vmem>> -> memref<1x80xi32, #tpu.memory_space<vmem>>
        %dma_start3A_581 = tpu.memref_squeeze %dma_start3A_580 : memref<1x80xi32, #tpu.memory_space<vmem>> -> memref<80xi32, #tpu.memory_space<vmem>>
        %dma_start3A_582 = arith.constant 0 : i32
        %dma_start3A_583 = arith.constant 0 : i32
        %dma_start3A_584 = tpu.memref_slice %arg2[%arg0, %dma_start3A_582, %dma_start3A_583] : memref<2x10000x64xf32, #tpu.memory_space<hbm>> -> memref<1x10000x64xf32, #tpu.memory_space<hbm>>
        %dma_start3A_585 = tpu.memref_squeeze %dma_start3A_584 : memref<1x10000x64xf32, #tpu.memory_space<hbm>> -> memref<10000x64xf32, #tpu.memory_space<hbm>>
        %dma_start3A_586 = arith.constant 0 : i32
        %dma_start3A_587 = arith.constant 0 : i32
        %dma_start3A_588 = tpu.memref_slice %dma_start3A_585[%dma_start3A_586, %dma_start3A_587] : memref<10000x64xf32, #tpu.memory_space<hbm>> -> memref<10000x64xf32, #tpu.memory_space<hbm>>
        %dma_start3A_589 = tpu.memref_slice %arg9[%dma_start3A_574] : memref<9x!tpu.dma_semaphore, #tpu.memory_space<semaphore_mem>> -> memref<1x!tpu.dma_semaphore, #tpu.memory_space<semaphore_mem>>
        %dma_start3A_590 = tpu.memref_squeeze %dma_start3A_589 : memref<1x!tpu.dma_semaphore, #tpu.memory_space<semaphore_mem>> -> memref<!tpu.dma_semaphore, #tpu.memory_space<semaphore_mem>>
        tpu.enqueue_indirect_dma source(%dma_start3A_588 : memref<10000x64xf32, #tpu.memory_space<hbm>>) target(%dma_start3A_578 : memref<80x64xf32, #tpu.memory_space<vmem>>) offsets(%dma_start3A_581 : memref<80xi32, #tpu.memory_space<vmem>>) semaphore(%dma_start3A_590 : memref<!tpu.dma_semaphore, #tpu.memory_space<semaphore_mem>>)
      } else {
      }
      %add3A_526 = arith.constant 1 : i32
      %add3A_527 = arith.addi %scan3A_380, %add3A_526 : i32
      %mul3A_528 = arith.constant 9 : i32
      %mul3A_529 = arith.muli %add3A_527, %mul3A_528 : i32
      %add3A_530 = arith.constant 6 : i32
      %add3A_531 = arith.addi %mul3A_529, %add3A_530 : i32
      %lt3A_532 = arith.constant 250 : i32
      %lt3A_533 = arith.cmpi slt, %add3A_531, %lt3A_532 : i32
      %convert_element_type3A_534 = arith.extui %lt3A_533 : i1 to i32
      %cond3A_535 = arith.constant 0 : i32
      %cond3A_536 = arith.cmpi ne, %convert_element_type3A_534, %cond3A_535 : i32
      scf.if %cond3A_536 {
        %dma_wait3A_559 = arith.constant 6 : i32
        %dma_wait3A_560 = arith.constant 6 : i32
        %dma_wait3A_561 = arith.constant 0 : i32
        %dma_wait3A_562 = arith.constant 0 : i32
        %dma_wait3A_563 = tpu.memref_slice %arg8[%dma_wait3A_559, %dma_wait3A_561, %dma_wait3A_562] : memref<9x80x64xf32, #tpu.memory_space<vmem>> -> memref<1x80x64xf32, #tpu.memory_space<vmem>>
        %dma_wait3A_564 = tpu.memref_squeeze %dma_wait3A_563 : memref<1x80x64xf32, #tpu.memory_space<vmem>> -> memref<80x64xf32, #tpu.memory_space<vmem>>
        %dma_wait3A_565 = arith.constant 0 : i32
        %dma_wait3A_566 = tpu.memref_slice %arg7[%add3A_531, %dma_wait3A_565] : memref<250x80xi32, #tpu.memory_space<vmem>> -> memref<1x80xi32, #tpu.memory_space<vmem>>
        %dma_wait3A_567 = tpu.memref_squeeze %dma_wait3A_566 : memref<1x80xi32, #tpu.memory_space<vmem>> -> memref<80xi32, #tpu.memory_space<vmem>>
        %dma_wait3A_568 = arith.constant 0 : i32
        %dma_wait3A_569 = arith.constant 0 : i32
        %dma_wait3A_570 = tpu.memref_slice %arg11[%dma_wait3A_568, %dma_wait3A_569] : memref<10000x64xf32, #tpu.memory_space<vmem_shared>> -> memref<10000x64xf32, #tpu.memory_space<vmem_shared>>
        %dma_wait3A_571 = tpu.memref_slice %arg10[%dma_wait3A_560] : memref<9x!tpu.dma_semaphore, #tpu.memory_space<semaphore_mem>> -> memref<1x!tpu.dma_semaphore, #tpu.memory_space<semaphore_mem>>
        %dma_wait3A_572 = tpu.memref_squeeze %dma_wait3A_571 : memref<1x!tpu.dma_semaphore, #tpu.memory_space<semaphore_mem>> -> memref<!tpu.dma_semaphore, #tpu.memory_space<semaphore_mem>>
        tpu.wait_indirect_dma semaphore(%dma_wait3A_572 : memref<!tpu.dma_semaphore, #tpu.memory_space<semaphore_mem>>) src(%dma_wait3A_564 : memref<80x64xf32, #tpu.memory_space<vmem>>) dst(%dma_wait3A_570 : memref<10000x64xf32, #tpu.memory_space<vmem_shared>>)
        %dma_start3A_573 = arith.constant 6 : i32
        %dma_start3A_574 = arith.constant 6 : i32
        %dma_start3A_575 = arith.constant 0 : i32
        %dma_start3A_576 = arith.constant 0 : i32
        %dma_start3A_577 = tpu.memref_slice %arg8[%dma_start3A_573, %dma_start3A_575, %dma_start3A_576] : memref<9x80x64xf32, #tpu.memory_space<vmem>> -> memref<1x80x64xf32, #tpu.memory_space<vmem>>
        %dma_start3A_578 = tpu.memref_squeeze %dma_start3A_577 : memref<1x80x64xf32, #tpu.memory_space<vmem>> -> memref<80x64xf32, #tpu.memory_space<vmem>>
        %dma_start3A_579 = arith.constant 0 : i32
        %dma_start3A_580 = tpu.memref_slice %arg6[%add3A_531, %dma_start3A_579] : memref<250x80xi32, #tpu.memory_space<vmem>> -> memref<1x80xi32, #tpu.memory_space<vmem>>
        %dma_start3A_581 = tpu.memref_squeeze %dma_start3A_580 : memref<1x80xi32, #tpu.memory_space<vmem>> -> memref<80xi32, #tpu.memory_space<vmem>>
        %dma_start3A_582 = arith.constant 0 : i32
        %dma_start3A_583 = arith.constant 0 : i32
        %dma_start3A_584 = tpu.memref_slice %arg2[%arg0, %dma_start3A_582, %dma_start3A_583] : memref<2x10000x64xf32, #tpu.memory_space<hbm>> -> memref<1x10000x64xf32, #tpu.memory_space<hbm>>
        %dma_start3A_585 = tpu.memref_squeeze %dma_start3A_584 : memref<1x10000x64xf32, #tpu.memory_space<hbm>> -> memref<10000x64xf32, #tpu.memory_space<hbm>>
        %dma_start3A_586 = arith.constant 0 : i32
        %dma_start3A_587 = arith.constant 0 : i32
        %dma_start3A_588 = tpu.memref_slice %dma_start3A_585[%dma_start3A_586, %dma_start3A_587] : memref<10000x64xf32, #tpu.memory_space<hbm>> -> memref<10000x64xf32, #tpu.memory_space<hbm>>
        %dma_start3A_589 = tpu.memref_slice %arg9[%dma_start3A_574] : memref<9x!tpu.dma_semaphore, #tpu.memory_space<semaphore_mem>> -> memref<1x!tpu.dma_semaphore, #tpu.memory_space<semaphore_mem>>
        %dma_start3A_590 = tpu.memref_squeeze %dma_start3A_589 : memref<1x!tpu.dma_semaphore, #tpu.memory_space<semaphore_mem>> -> memref<!tpu.dma_semaphore, #tpu.memory_space<semaphore_mem>>
        tpu.enqueue_indirect_dma source(%dma_start3A_588 : memref<10000x64xf32, #tpu.memory_space<hbm>>) target(%dma_start3A_578 : memref<80x64xf32, #tpu.memory_space<vmem>>) offsets(%dma_start3A_581 : memref<80xi32, #tpu.memory_space<vmem>>) semaphore(%dma_start3A_590 : memref<!tpu.dma_semaphore, #tpu.memory_space<semaphore_mem>>)
      } else {
      }
      %add3A_537 = arith.constant 1 : i32
      %add3A_538 = arith.addi %scan3A_380, %add3A_537 : i32
      %mul3A_539 = arith.constant 9 : i32
      %mul3A_540 = arith.muli %add3A_538, %mul3A_539 : i32
      %add3A_541 = arith.constant 7 : i32
      %add3A_542 = arith.addi %mul3A_540, %add3A_541 : i32
      %lt3A_543 = arith.constant 250 : i32
      %lt3A_544 = arith.cmpi slt, %add3A_542, %lt3A_543 : i32
      %convert_element_type3A_545 = arith.extui %lt3A_544 : i1 to i32
      %cond3A_546 = arith.constant 0 : i32
      %cond3A_547 = arith.cmpi ne, %convert_element_type3A_545, %cond3A_546 : i32
      scf.if %cond3A_547 {
        %dma_wait3A_559 = arith.constant 7 : i32
        %dma_wait3A_560 = arith.constant 7 : i32
        %dma_wait3A_561 = arith.constant 0 : i32
        %dma_wait3A_562 = arith.constant 0 : i32
        %dma_wait3A_563 = tpu.memref_slice %arg8[%dma_wait3A_559, %dma_wait3A_561, %dma_wait3A_562] : memref<9x80x64xf32, #tpu.memory_space<vmem>> -> memref<1x80x64xf32, #tpu.memory_space<vmem>>
        %dma_wait3A_564 = tpu.memref_squeeze %dma_wait3A_563 : memref<1x80x64xf32, #tpu.memory_space<vmem>> -> memref<80x64xf32, #tpu.memory_space<vmem>>
        %dma_wait3A_565 = arith.constant 0 : i32
        %dma_wait3A_566 = tpu.memref_slice %arg7[%add3A_542, %dma_wait3A_565] : memref<250x80xi32, #tpu.memory_space<vmem>> -> memref<1x80xi32, #tpu.memory_space<vmem>>
        %dma_wait3A_567 = tpu.memref_squeeze %dma_wait3A_566 : memref<1x80xi32, #tpu.memory_space<vmem>> -> memref<80xi32, #tpu.memory_space<vmem>>
        %dma_wait3A_568 = arith.constant 0 : i32
        %dma_wait3A_569 = arith.constant 0 : i32
        %dma_wait3A_570 = tpu.memref_slice %arg11[%dma_wait3A_568, %dma_wait3A_569] : memref<10000x64xf32, #tpu.memory_space<vmem_shared>> -> memref<10000x64xf32, #tpu.memory_space<vmem_shared>>
        %dma_wait3A_571 = tpu.memref_slice %arg10[%dma_wait3A_560] : memref<9x!tpu.dma_semaphore, #tpu.memory_space<semaphore_mem>> -> memref<1x!tpu.dma_semaphore, #tpu.memory_space<semaphore_mem>>
        %dma_wait3A_572 = tpu.memref_squeeze %dma_wait3A_571 : memref<1x!tpu.dma_semaphore, #tpu.memory_space<semaphore_mem>> -> memref<!tpu.dma_semaphore, #tpu.memory_space<semaphore_mem>>
        tpu.wait_indirect_dma semaphore(%dma_wait3A_572 : memref<!tpu.dma_semaphore, #tpu.memory_space<semaphore_mem>>) src(%dma_wait3A_564 : memref<80x64xf32, #tpu.memory_space<vmem>>) dst(%dma_wait3A_570 : memref<10000x64xf32, #tpu.memory_space<vmem_shared>>)
        %dma_start3A_573 = arith.constant 7 : i32
        %dma_start3A_574 = arith.constant 7 : i32
        %dma_start3A_575 = arith.constant 0 : i32
        %dma_start3A_576 = arith.constant 0 : i32
        %dma_start3A_577 = tpu.memref_slice %arg8[%dma_start3A_573, %dma_start3A_575, %dma_start3A_576] : memref<9x80x64xf32, #tpu.memory_space<vmem>> -> memref<1x80x64xf32, #tpu.memory_space<vmem>>
        %dma_start3A_578 = tpu.memref_squeeze %dma_start3A_577 : memref<1x80x64xf32, #tpu.memory_space<vmem>> -> memref<80x64xf32, #tpu.memory_space<vmem>>
        %dma_start3A_579 = arith.constant 0 : i32
        %dma_start3A_580 = tpu.memref_slice %arg6[%add3A_542, %dma_start3A_579] : memref<250x80xi32, #tpu.memory_space<vmem>> -> memref<1x80xi32, #tpu.memory_space<vmem>>
        %dma_start3A_581 = tpu.memref_squeeze %dma_start3A_580 : memref<1x80xi32, #tpu.memory_space<vmem>> -> memref<80xi32, #tpu.memory_space<vmem>>
        %dma_start3A_582 = arith.constant 0 : i32
        %dma_start3A_583 = arith.constant 0 : i32
        %dma_start3A_584 = tpu.memref_slice %arg2[%arg0, %dma_start3A_582, %dma_start3A_583] : memref<2x10000x64xf32, #tpu.memory_space<hbm>> -> memref<1x10000x64xf32, #tpu.memory_space<hbm>>
        %dma_start3A_585 = tpu.memref_squeeze %dma_start3A_584 : memref<1x10000x64xf32, #tpu.memory_space<hbm>> -> memref<10000x64xf32, #tpu.memory_space<hbm>>
        %dma_start3A_586 = arith.constant 0 : i32
        %dma_start3A_587 = arith.constant 0 : i32
        %dma_start3A_588 = tpu.memref_slice %dma_start3A_585[%dma_start3A_586, %dma_start3A_587] : memref<10000x64xf32, #tpu.memory_space<hbm>> -> memref<10000x64xf32, #tpu.memory_space<hbm>>
        %dma_start3A_589 = tpu.memref_slice %arg9[%dma_start3A_574] : memref<9x!tpu.dma_semaphore, #tpu.memory_space<semaphore_mem>> -> memref<1x!tpu.dma_semaphore, #tpu.memory_space<semaphore_mem>>
        %dma_start3A_590 = tpu.memref_squeeze %dma_start3A_589 : memref<1x!tpu.dma_semaphore, #tpu.memory_space<semaphore_mem>> -> memref<!tpu.dma_semaphore, #tpu.memory_space<semaphore_mem>>
        tpu.enqueue_indirect_dma source(%dma_start3A_588 : memref<10000x64xf32, #tpu.memory_space<hbm>>) target(%dma_start3A_578 : memref<80x64xf32, #tpu.memory_space<vmem>>) offsets(%dma_start3A_581 : memref<80xi32, #tpu.memory_space<vmem>>) semaphore(%dma_start3A_590 : memref<!tpu.dma_semaphore, #tpu.memory_space<semaphore_mem>>)
      } else {
      }
      %add3A_548 = arith.constant 1 : i32
      %add3A_549 = arith.addi %scan3A_380, %add3A_548 : i32
      %mul3A_550 = arith.constant 9 : i32
      %mul3A_551 = arith.muli %add3A_549, %mul3A_550 : i32
      %add3A_552 = arith.constant 8 : i32
      %add3A_553 = arith.addi %mul3A_551, %add3A_552 : i32
      %lt3A_554 = arith.constant 250 : i32
      %lt3A_555 = arith.cmpi slt, %add3A_553, %lt3A_554 : i32
      %convert_element_type3A_556 = arith.extui %lt3A_555 : i1 to i32
      %cond3A_557 = arith.constant 0 : i32
      %cond3A_558 = arith.cmpi ne, %convert_element_type3A_556, %cond3A_557 : i32
      scf.if %cond3A_558 {
        %dma_wait3A_559 = arith.constant 8 : i32
        %dma_wait3A_560 = arith.constant 8 : i32
        %dma_wait3A_561 = arith.constant 0 : i32
        %dma_wait3A_562 = arith.constant 0 : i32
        %dma_wait3A_563 = tpu.memref_slice %arg8[%dma_wait3A_559, %dma_wait3A_561, %dma_wait3A_562] : memref<9x80x64xf32, #tpu.memory_space<vmem>> -> memref<1x80x64xf32, #tpu.memory_space<vmem>>
        %dma_wait3A_564 = tpu.memref_squeeze %dma_wait3A_563 : memref<1x80x64xf32, #tpu.memory_space<vmem>> -> memref<80x64xf32, #tpu.memory_space<vmem>>
        %dma_wait3A_565 = arith.constant 0 : i32
        %dma_wait3A_566 = tpu.memref_slice %arg7[%add3A_553, %dma_wait3A_565] : memref<250x80xi32, #tpu.memory_space<vmem>> -> memref<1x80xi32, #tpu.memory_space<vmem>>
        %dma_wait3A_567 = tpu.memref_squeeze %dma_wait3A_566 : memref<1x80xi32, #tpu.memory_space<vmem>> -> memref<80xi32, #tpu.memory_space<vmem>>
        %dma_wait3A_568 = arith.constant 0 : i32
        %dma_wait3A_569 = arith.constant 0 : i32
        %dma_wait3A_570 = tpu.memref_slice %arg11[%dma_wait3A_568, %dma_wait3A_569] : memref<10000x64xf32, #tpu.memory_space<vmem_shared>> -> memref<10000x64xf32, #tpu.memory_space<vmem_shared>>
        %dma_wait3A_571 = tpu.memref_slice %arg10[%dma_wait3A_560] : memref<9x!tpu.dma_semaphore, #tpu.memory_space<semaphore_mem>> -> memref<1x!tpu.dma_semaphore, #tpu.memory_space<semaphore_mem>>
        %dma_wait3A_572 = tpu.memref_squeeze %dma_wait3A_571 : memref<1x!tpu.dma_semaphore, #tpu.memory_space<semaphore_mem>> -> memref<!tpu.dma_semaphore, #tpu.memory_space<semaphore_mem>>
        tpu.wait_indirect_dma semaphore(%dma_wait3A_572 : memref<!tpu.dma_semaphore, #tpu.memory_space<semaphore_mem>>) src(%dma_wait3A_564 : memref<80x64xf32, #tpu.memory_space<vmem>>) dst(%dma_wait3A_570 : memref<10000x64xf32, #tpu.memory_space<vmem_shared>>)
        %dma_start3A_573 = arith.constant 8 : i32
        %dma_start3A_574 = arith.constant 8 : i32
        %dma_start3A_575 = arith.constant 0 : i32
        %dma_start3A_576 = arith.constant 0 : i32
        %dma_start3A_577 = tpu.memref_slice %arg8[%dma_start3A_573, %dma_start3A_575, %dma_start3A_576] : memref<9x80x64xf32, #tpu.memory_space<vmem>> -> memref<1x80x64xf32, #tpu.memory_space<vmem>>
        %dma_start3A_578 = tpu.memref_squeeze %dma_start3A_577 : memref<1x80x64xf32, #tpu.memory_space<vmem>> -> memref<80x64xf32, #tpu.memory_space<vmem>>
        %dma_start3A_579 = arith.constant 0 : i32
        %dma_start3A_580 = tpu.memref_slice %arg6[%add3A_553, %dma_start3A_579] : memref<250x80xi32, #tpu.memory_space<vmem>> -> memref<1x80xi32, #tpu.memory_space<vmem>>
        %dma_start3A_581 = tpu.memref_squeeze %dma_start3A_580 : memref<1x80xi32, #tpu.memory_space<vmem>> -> memref<80xi32, #tpu.memory_space<vmem>>
        %dma_start3A_582 = arith.constant 0 : i32
        %dma_start3A_583 = arith.constant 0 : i32
        %dma_start3A_584 = tpu.memref_slice %arg2[%arg0, %dma_start3A_582, %dma_start3A_583] : memref<2x10000x64xf32, #tpu.memory_space<hbm>> -> memref<1x10000x64xf32, #tpu.memory_space<hbm>>
        %dma_start3A_585 = tpu.memref_squeeze %dma_start3A_584 : memref<1x10000x64xf32, #tpu.memory_space<hbm>> -> memref<10000x64xf32, #tpu.memory_space<hbm>>
        %dma_start3A_586 = arith.constant 0 : i32
        %dma_start3A_587 = arith.constant 0 : i32
        %dma_start3A_588 = tpu.memref_slice %dma_start3A_585[%dma_start3A_586, %dma_start3A_587] : memref<10000x64xf32, #tpu.memory_space<hbm>> -> memref<10000x64xf32, #tpu.memory_space<hbm>>
        %dma_start3A_589 = tpu.memref_slice %arg9[%dma_start3A_574] : memref<9x!tpu.dma_semaphore, #tpu.memory_space<semaphore_mem>> -> memref<1x!tpu.dma_semaphore, #tpu.memory_space<semaphore_mem>>
        %dma_start3A_590 = tpu.memref_squeeze %dma_start3A_589 : memref<1x!tpu.dma_semaphore, #tpu.memory_space<semaphore_mem>> -> memref<!tpu.dma_semaphore, #tpu.memory_space<semaphore_mem>>
        tpu.enqueue_indirect_dma source(%dma_start3A_588 : memref<10000x64xf32, #tpu.memory_space<hbm>>) target(%dma_start3A_578 : memref<80x64xf32, #tpu.memory_space<vmem>>) offsets(%dma_start3A_581 : memref<80xi32, #tpu.memory_space<vmem>>) semaphore(%dma_start3A_590 : memref<!tpu.dma_semaphore, #tpu.memory_space<semaphore_mem>>)
      } else {
      }
    }
    %scan3A_233 = arith.constant 28 : i32
    %dma_wait3A_234 = arith.constant 0 : i32
    %dma_wait3A_235 = arith.constant 0 : i32
    %dma_wait3A_236 = arith.constant 0 : i32
    %dma_wait3A_237 = arith.constant 0 : i32
    %dma_wait3A_238 = arith.constant 0 : i32
    %dma_wait3A_239 = tpu.memref_slice %arg8[%dma_wait3A_234, %dma_wait3A_237, %dma_wait3A_238] : memref<9x80x64xf32, #tpu.memory_space<vmem>> -> memref<1x80x64xf32, #tpu.memory_space<vmem>>
    %dma_wait3A_240 = tpu.memref_squeeze %dma_wait3A_239 : memref<1x80x64xf32, #tpu.memory_space<vmem>> -> memref<80x64xf32, #tpu.memory_space<vmem>>
    %dma_wait3A_241 = arith.constant 0 : i32
    %dma_wait3A_242 = tpu.memref_slice %arg7[%dma_wait3A_235, %dma_wait3A_241] : memref<250x80xi32, #tpu.memory_space<vmem>> -> memref<1x80xi32, #tpu.memory_space<vmem>>
    %dma_wait3A_243 = tpu.memref_squeeze %dma_wait3A_242 : memref<1x80xi32, #tpu.memory_space<vmem>> -> memref<80xi32, #tpu.memory_space<vmem>>
    %dma_wait3A_244 = arith.constant 0 : i32
    %dma_wait3A_245 = arith.constant 0 : i32
    %dma_wait3A_246 = tpu.memref_slice %arg11[%dma_wait3A_244, %dma_wait3A_245] : memref<10000x64xf32, #tpu.memory_space<vmem_shared>> -> memref<10000x64xf32, #tpu.memory_space<vmem_shared>>
    %dma_wait3A_247 = tpu.memref_slice %arg10[%dma_wait3A_236] : memref<9x!tpu.dma_semaphore, #tpu.memory_space<semaphore_mem>> -> memref<1x!tpu.dma_semaphore, #tpu.memory_space<semaphore_mem>>
    %dma_wait3A_248 = tpu.memref_squeeze %dma_wait3A_247 : memref<1x!tpu.dma_semaphore, #tpu.memory_space<semaphore_mem>> -> memref<!tpu.dma_semaphore, #tpu.memory_space<semaphore_mem>>
    tpu.wait_indirect_dma semaphore(%dma_wait3A_248 : memref<!tpu.dma_semaphore, #tpu.memory_space<semaphore_mem>>) src(%dma_wait3A_240 : memref<80x64xf32, #tpu.memory_space<vmem>>) dst(%dma_wait3A_246 : memref<10000x64xf32, #tpu.memory_space<vmem_shared>>)
    %dma_wait3A_249 = arith.constant 1 : i32
    %dma_wait3A_250 = arith.constant 1 : i32
    %dma_wait3A_251 = arith.constant 1 : i32
    %dma_wait3A_252 = arith.constant 0 : i32
    %dma_wait3A_253 = arith.constant 0 : i32
    %dma_wait3A_254 = tpu.memref_slice %arg8[%dma_wait3A_249, %dma_wait3A_252, %dma_wait3A_253] : memref<9x80x64xf32, #tpu.memory_space<vmem>> -> memref<1x80x64xf32, #tpu.memory_space<vmem>>
    %dma_wait3A_255 = tpu.memref_squeeze %dma_wait3A_254 : memref<1x80x64xf32, #tpu.memory_space<vmem>> -> memref<80x64xf32, #tpu.memory_space<vmem>>
    %dma_wait3A_256 = arith.constant 0 : i32
    %dma_wait3A_257 = tpu.memref_slice %arg7[%dma_wait3A_250, %dma_wait3A_256] : memref<250x80xi32, #tpu.memory_space<vmem>> -> memref<1x80xi32, #tpu.memory_space<vmem>>
    %dma_wait3A_258 = tpu.memref_squeeze %dma_wait3A_257 : memref<1x80xi32, #tpu.memory_space<vmem>> -> memref<80xi32, #tpu.memory_space<vmem>>
    %dma_wait3A_259 = arith.constant 0 : i32
    %dma_wait3A_260 = arith.constant 0 : i32
    %dma_wait3A_261 = tpu.memref_slice %arg11[%dma_wait3A_259, %dma_wait3A_260] : memref<10000x64xf32, #tpu.memory_space<vmem_shared>> -> memref<10000x64xf32, #tpu.memory_space<vmem_shared>>
    %dma_wait3A_262 = tpu.memref_slice %arg10[%dma_wait3A_251] : memref<9x!tpu.dma_semaphore, #tpu.memory_space<semaphore_mem>> -> memref<1x!tpu.dma_semaphore, #tpu.memory_space<semaphore_mem>>
    %dma_wait3A_263 = tpu.memref_squeeze %dma_wait3A_262 : memref<1x!tpu.dma_semaphore, #tpu.memory_space<semaphore_mem>> -> memref<!tpu.dma_semaphore, #tpu.memory_space<semaphore_mem>>
    tpu.wait_indirect_dma semaphore(%dma_wait3A_263 : memref<!tpu.dma_semaphore, #tpu.memory_space<semaphore_mem>>) src(%dma_wait3A_255 : memref<80x64xf32, #tpu.memory_space<vmem>>) dst(%dma_wait3A_261 : memref<10000x64xf32, #tpu.memory_space<vmem_shared>>)
    %dma_wait3A_264 = arith.constant 2 : i32
    %dma_wait3A_265 = arith.constant 2 : i32
    %dma_wait3A_266 = arith.constant 2 : i32
    %dma_wait3A_267 = arith.constant 0 : i32
    %dma_wait3A_268 = arith.constant 0 : i32
    %dma_wait3A_269 = tpu.memref_slice %arg8[%dma_wait3A_264, %dma_wait3A_267, %dma_wait3A_268] : memref<9x80x64xf32, #tpu.memory_space<vmem>> -> memref<1x80x64xf32, #tpu.memory_space<vmem>>
    %dma_wait3A_270 = tpu.memref_squeeze %dma_wait3A_269 : memref<1x80x64xf32, #tpu.memory_space<vmem>> -> memref<80x64xf32, #tpu.memory_space<vmem>>
    %dma_wait3A_271 = arith.constant 0 : i32
    %dma_wait3A_272 = tpu.memref_slice %arg7[%dma_wait3A_265, %dma_wait3A_271] : memref<250x80xi32, #tpu.memory_space<vmem>> -> memref<1x80xi32, #tpu.memory_space<vmem>>
    %dma_wait3A_273 = tpu.memref_squeeze %dma_wait3A_272 : memref<1x80xi32, #tpu.memory_space<vmem>> -> memref<80xi32, #tpu.memory_space<vmem>>
    %dma_wait3A_274 = arith.constant 0 : i32
    %dma_wait3A_275 = arith.constant 0 : i32
    %dma_wait3A_276 = tpu.memref_slice %arg11[%dma_wait3A_274, %dma_wait3A_275] : memref<10000x64xf32, #tpu.memory_space<vmem_shared>> -> memref<10000x64xf32, #tpu.memory_space<vmem_shared>>
    %dma_wait3A_277 = tpu.memref_slice %arg10[%dma_wait3A_266] : memref<9x!tpu.dma_semaphore, #tpu.memory_space<semaphore_mem>> -> memref<1x!tpu.dma_semaphore, #tpu.memory_space<semaphore_mem>>
    %dma_wait3A_278 = tpu.memref_squeeze %dma_wait3A_277 : memref<1x!tpu.dma_semaphore, #tpu.memory_space<semaphore_mem>> -> memref<!tpu.dma_semaphore, #tpu.memory_space<semaphore_mem>>
    tpu.wait_indirect_dma semaphore(%dma_wait3A_278 : memref<!tpu.dma_semaphore, #tpu.memory_space<semaphore_mem>>) src(%dma_wait3A_270 : memref<80x64xf32, #tpu.memory_space<vmem>>) dst(%dma_wait3A_276 : memref<10000x64xf32, #tpu.memory_space<vmem_shared>>)
    %dma_wait3A_279 = arith.constant 3 : i32
    %dma_wait3A_280 = arith.constant 3 : i32
    %dma_wait3A_281 = arith.constant 3 : i32
    %dma_wait3A_282 = arith.constant 0 : i32
    %dma_wait3A_283 = arith.constant 0 : i32
    %dma_wait3A_284 = tpu.memref_slice %arg8[%dma_wait3A_279, %dma_wait3A_282, %dma_wait3A_283] : memref<9x80x64xf32, #tpu.memory_space<vmem>> -> memref<1x80x64xf32, #tpu.memory_space<vmem>>
    %dma_wait3A_285 = tpu.memref_squeeze %dma_wait3A_284 : memref<1x80x64xf32, #tpu.memory_space<vmem>> -> memref<80x64xf32, #tpu.memory_space<vmem>>
    %dma_wait3A_286 = arith.constant 0 : i32
    %dma_wait3A_287 = tpu.memref_slice %arg7[%dma_wait3A_280, %dma_wait3A_286] : memref<250x80xi32, #tpu.memory_space<vmem>> -> memref<1x80xi32, #tpu.memory_space<vmem>>
    %dma_wait3A_288 = tpu.memref_squeeze %dma_wait3A_287 : memref<1x80xi32, #tpu.memory_space<vmem>> -> memref<80xi32, #tpu.memory_space<vmem>>
    %dma_wait3A_289 = arith.constant 0 : i32
    %dma_wait3A_290 = arith.constant 0 : i32
    %dma_wait3A_291 = tpu.memref_slice %arg11[%dma_wait3A_289, %dma_wait3A_290] : memref<10000x64xf32, #tpu.memory_space<vmem_shared>> -> memref<10000x64xf32, #tpu.memory_space<vmem_shared>>
    %dma_wait3A_292 = tpu.memref_slice %arg10[%dma_wait3A_281] : memref<9x!tpu.dma_semaphore, #tpu.memory_space<semaphore_mem>> -> memref<1x!tpu.dma_semaphore, #tpu.memory_space<semaphore_mem>>
    %dma_wait3A_293 = tpu.memref_squeeze %dma_wait3A_292 : memref<1x!tpu.dma_semaphore, #tpu.memory_space<semaphore_mem>> -> memref<!tpu.dma_semaphore, #tpu.memory_space<semaphore_mem>>
    tpu.wait_indirect_dma semaphore(%dma_wait3A_293 : memref<!tpu.dma_semaphore, #tpu.memory_space<semaphore_mem>>) src(%dma_wait3A_285 : memref<80x64xf32, #tpu.memory_space<vmem>>) dst(%dma_wait3A_291 : memref<10000x64xf32, #tpu.memory_space<vmem_shared>>)
    %dma_wait3A_294 = arith.constant 4 : i32
    %dma_wait3A_295 = arith.constant 4 : i32
    %dma_wait3A_296 = arith.constant 4 : i32
    %dma_wait3A_297 = arith.constant 0 : i32
    %dma_wait3A_298 = arith.constant 0 : i32
    %dma_wait3A_299 = tpu.memref_slice %arg8[%dma_wait3A_294, %dma_wait3A_297, %dma_wait3A_298] : memref<9x80x64xf32, #tpu.memory_space<vmem>> -> memref<1x80x64xf32, #tpu.memory_space<vmem>>
    %dma_wait3A_300 = tpu.memref_squeeze %dma_wait3A_299 : memref<1x80x64xf32, #tpu.memory_space<vmem>> -> memref<80x64xf32, #tpu.memory_space<vmem>>
    %dma_wait3A_301 = arith.constant 0 : i32
    %dma_wait3A_302 = tpu.memref_slice %arg7[%dma_wait3A_295, %dma_wait3A_301] : memref<250x80xi32, #tpu.memory_space<vmem>> -> memref<1x80xi32, #tpu.memory_space<vmem>>
    %dma_wait3A_303 = tpu.memref_squeeze %dma_wait3A_302 : memref<1x80xi32, #tpu.memory_space<vmem>> -> memref<80xi32, #tpu.memory_space<vmem>>
    %dma_wait3A_304 = arith.constant 0 : i32
    %dma_wait3A_305 = arith.constant 0 : i32
    %dma_wait3A_306 = tpu.memref_slice %arg11[%dma_wait3A_304, %dma_wait3A_305] : memref<10000x64xf32, #tpu.memory_space<vmem_shared>> -> memref<10000x64xf32, #tpu.memory_space<vmem_shared>>
    %dma_wait3A_307 = tpu.memref_slice %arg10[%dma_wait3A_296] : memref<9x!tpu.dma_semaphore, #tpu.memory_space<semaphore_mem>> -> memref<1x!tpu.dma_semaphore, #tpu.memory_space<semaphore_mem>>
    %dma_wait3A_308 = tpu.memref_squeeze %dma_wait3A_307 : memref<1x!tpu.dma_semaphore, #tpu.memory_space<semaphore_mem>> -> memref<!tpu.dma_semaphore, #tpu.memory_space<semaphore_mem>>
    tpu.wait_indirect_dma semaphore(%dma_wait3A_308 : memref<!tpu.dma_semaphore, #tpu.memory_space<semaphore_mem>>) src(%dma_wait3A_300 : memref<80x64xf32, #tpu.memory_space<vmem>>) dst(%dma_wait3A_306 : memref<10000x64xf32, #tpu.memory_space<vmem_shared>>)
    %dma_wait3A_309 = arith.constant 5 : i32
    %dma_wait3A_310 = arith.constant 5 : i32
    %dma_wait3A_311 = arith.constant 5 : i32
    %dma_wait3A_312 = arith.constant 0 : i32
    %dma_wait3A_313 = arith.constant 0 : i32
    %dma_wait3A_314 = tpu.memref_slice %arg8[%dma_wait3A_309, %dma_wait3A_312, %dma_wait3A_313] : memref<9x80x64xf32, #tpu.memory_space<vmem>> -> memref<1x80x64xf32, #tpu.memory_space<vmem>>
    %dma_wait3A_315 = tpu.memref_squeeze %dma_wait3A_314 : memref<1x80x64xf32, #tpu.memory_space<vmem>> -> memref<80x64xf32, #tpu.memory_space<vmem>>
    %dma_wait3A_316 = arith.constant 0 : i32
    %dma_wait3A_317 = tpu.memref_slice %arg7[%dma_wait3A_310, %dma_wait3A_316] : memref<250x80xi32, #tpu.memory_space<vmem>> -> memref<1x80xi32, #tpu.memory_space<vmem>>
    %dma_wait3A_318 = tpu.memref_squeeze %dma_wait3A_317 : memref<1x80xi32, #tpu.memory_space<vmem>> -> memref<80xi32, #tpu.memory_space<vmem>>
    %dma_wait3A_319 = arith.constant 0 : i32
    %dma_wait3A_320 = arith.constant 0 : i32
    %dma_wait3A_321 = tpu.memref_slice %arg11[%dma_wait3A_319, %dma_wait3A_320] : memref<10000x64xf32, #tpu.memory_space<vmem_shared>> -> memref<10000x64xf32, #tpu.memory_space<vmem_shared>>
    %dma_wait3A_322 = tpu.memref_slice %arg10[%dma_wait3A_311] : memref<9x!tpu.dma_semaphore, #tpu.memory_space<semaphore_mem>> -> memref<1x!tpu.dma_semaphore, #tpu.memory_space<semaphore_mem>>
    %dma_wait3A_323 = tpu.memref_squeeze %dma_wait3A_322 : memref<1x!tpu.dma_semaphore, #tpu.memory_space<semaphore_mem>> -> memref<!tpu.dma_semaphore, #tpu.memory_space<semaphore_mem>>
    tpu.wait_indirect_dma semaphore(%dma_wait3A_323 : memref<!tpu.dma_semaphore, #tpu.memory_space<semaphore_mem>>) src(%dma_wait3A_315 : memref<80x64xf32, #tpu.memory_space<vmem>>) dst(%dma_wait3A_321 : memref<10000x64xf32, #tpu.memory_space<vmem_shared>>)
    %dma_wait3A_324 = arith.constant 6 : i32
    %dma_wait3A_325 = arith.constant 6 : i32
    %dma_wait3A_326 = arith.constant 6 : i32
    %dma_wait3A_327 = arith.constant 0 : i32
    %dma_wait3A_328 = arith.constant 0 : i32
    %dma_wait3A_329 = tpu.memref_slice %arg8[%dma_wait3A_324, %dma_wait3A_327, %dma_wait3A_328] : memref<9x80x64xf32, #tpu.memory_space<vmem>> -> memref<1x80x64xf32, #tpu.memory_space<vmem>>
    %dma_wait3A_330 = tpu.memref_squeeze %dma_wait3A_329 : memref<1x80x64xf32, #tpu.memory_space<vmem>> -> memref<80x64xf32, #tpu.memory_space<vmem>>
    %dma_wait3A_331 = arith.constant 0 : i32
    %dma_wait3A_332 = tpu.memref_slice %arg7[%dma_wait3A_325, %dma_wait3A_331] : memref<250x80xi32, #tpu.memory_space<vmem>> -> memref<1x80xi32, #tpu.memory_space<vmem>>
    %dma_wait3A_333 = tpu.memref_squeeze %dma_wait3A_332 : memref<1x80xi32, #tpu.memory_space<vmem>> -> memref<80xi32, #tpu.memory_space<vmem>>
    %dma_wait3A_334 = arith.constant 0 : i32
    %dma_wait3A_335 = arith.constant 0 : i32
    %dma_wait3A_336 = tpu.memref_slice %arg11[%dma_wait3A_334, %dma_wait3A_335] : memref<10000x64xf32, #tpu.memory_space<vmem_shared>> -> memref<10000x64xf32, #tpu.memory_space<vmem_shared>>
    %dma_wait3A_337 = tpu.memref_slice %arg10[%dma_wait3A_326] : memref<9x!tpu.dma_semaphore, #tpu.memory_space<semaphore_mem>> -> memref<1x!tpu.dma_semaphore, #tpu.memory_space<semaphore_mem>>
    %dma_wait3A_338 = tpu.memref_squeeze %dma_wait3A_337 : memref<1x!tpu.dma_semaphore, #tpu.memory_space<semaphore_mem>> -> memref<!tpu.dma_semaphore, #tpu.memory_space<semaphore_mem>>
    tpu.wait_indirect_dma semaphore(%dma_wait3A_338 : memref<!tpu.dma_semaphore, #tpu.memory_space<semaphore_mem>>) src(%dma_wait3A_330 : memref<80x64xf32, #tpu.memory_space<vmem>>) dst(%dma_wait3A_336 : memref<10000x64xf32, #tpu.memory_space<vmem_shared>>)
    %dma_wait3A_339 = arith.constant 7 : i32
    %dma_wait3A_340 = arith.constant 7 : i32
    %dma_wait3A_341 = arith.constant 7 : i32
    %dma_wait3A_342 = arith.constant 0 : i32
    %dma_wait3A_343 = arith.constant 0 : i32
    %dma_wait3A_344 = tpu.memref_slice %arg8[%dma_wait3A_339, %dma_wait3A_342, %dma_wait3A_343] : memref<9x80x64xf32, #tpu.memory_space<vmem>> -> memref<1x80x64xf32, #tpu.memory_space<vmem>>
    %dma_wait3A_345 = tpu.memref_squeeze %dma_wait3A_344 : memref<1x80x64xf32, #tpu.memory_space<vmem>> -> memref<80x64xf32, #tpu.memory_space<vmem>>
    %dma_wait3A_346 = arith.constant 0 : i32
    %dma_wait3A_347 = tpu.memref_slice %arg7[%dma_wait3A_340, %dma_wait3A_346] : memref<250x80xi32, #tpu.memory_space<vmem>> -> memref<1x80xi32, #tpu.memory_space<vmem>>
    %dma_wait3A_348 = tpu.memref_squeeze %dma_wait3A_347 : memref<1x80xi32, #tpu.memory_space<vmem>> -> memref<80xi32, #tpu.memory_space<vmem>>
    %dma_wait3A_349 = arith.constant 0 : i32
    %dma_wait3A_350 = arith.constant 0 : i32
    %dma_wait3A_351 = tpu.memref_slice %arg11[%dma_wait3A_349, %dma_wait3A_350] : memref<10000x64xf32, #tpu.memory_space<vmem_shared>> -> memref<10000x64xf32, #tpu.memory_space<vmem_shared>>
    %dma_wait3A_352 = tpu.memref_slice %arg10[%dma_wait3A_341] : memref<9x!tpu.dma_semaphore, #tpu.memory_space<semaphore_mem>> -> memref<1x!tpu.dma_semaphore, #tpu.memory_space<semaphore_mem>>
    %dma_wait3A_353 = tpu.memref_squeeze %dma_wait3A_352 : memref<1x!tpu.dma_semaphore, #tpu.memory_space<semaphore_mem>> -> memref<!tpu.dma_semaphore, #tpu.memory_space<semaphore_mem>>
    tpu.wait_indirect_dma semaphore(%dma_wait3A_353 : memref<!tpu.dma_semaphore, #tpu.memory_space<semaphore_mem>>) src(%dma_wait3A_345 : memref<80x64xf32, #tpu.memory_space<vmem>>) dst(%dma_wait3A_351 : memref<10000x64xf32, #tpu.memory_space<vmem_shared>>)
    %dma_wait3A_354 = arith.constant 8 : i32
    %dma_wait3A_355 = arith.constant 8 : i32
    %dma_wait3A_356 = arith.constant 8 : i32
    %dma_wait3A_357 = arith.constant 0 : i32
    %dma_wait3A_358 = arith.constant 0 : i32
    %dma_wait3A_359 = tpu.memref_slice %arg8[%dma_wait3A_354, %dma_wait3A_357, %dma_wait3A_358] : memref<9x80x64xf32, #tpu.memory_space<vmem>> -> memref<1x80x64xf32, #tpu.memory_space<vmem>>
    %dma_wait3A_360 = tpu.memref_squeeze %dma_wait3A_359 : memref<1x80x64xf32, #tpu.memory_space<vmem>> -> memref<80x64xf32, #tpu.memory_space<vmem>>
    %dma_wait3A_361 = arith.constant 0 : i32
    %dma_wait3A_362 = tpu.memref_slice %arg7[%dma_wait3A_355, %dma_wait3A_361] : memref<250x80xi32, #tpu.memory_space<vmem>> -> memref<1x80xi32, #tpu.memory_space<vmem>>
    %dma_wait3A_363 = tpu.memref_squeeze %dma_wait3A_362 : memref<1x80xi32, #tpu.memory_space<vmem>> -> memref<80xi32, #tpu.memory_space<vmem>>
    %dma_wait3A_364 = arith.constant 0 : i32
    %dma_wait3A_365 = arith.constant 0 : i32
    %dma_wait3A_366 = tpu.memref_slice %arg11[%dma_wait3A_364, %dma_wait3A_365] : memref<10000x64xf32, #tpu.memory_space<vmem_shared>> -> memref<10000x64xf32, #tpu.memory_space<vmem_shared>>
    %dma_wait3A_367 = tpu.memref_slice %arg10[%dma_wait3A_356] : memref<9x!tpu.dma_semaphore, #tpu.memory_space<semaphore_mem>> -> memref<1x!tpu.dma_semaphore, #tpu.memory_space<semaphore_mem>>
    %dma_wait3A_368 = tpu.memref_squeeze %dma_wait3A_367 : memref<1x!tpu.dma_semaphore, #tpu.memory_space<semaphore_mem>> -> memref<!tpu.dma_semaphore, #tpu.memory_space<semaphore_mem>>
    tpu.wait_indirect_dma semaphore(%dma_wait3A_368 : memref<!tpu.dma_semaphore, #tpu.memory_space<semaphore_mem>>) src(%dma_wait3A_360 : memref<80x64xf32, #tpu.memory_space<vmem>>) dst(%dma_wait3A_366 : memref<10000x64xf32, #tpu.memory_space<vmem_shared>>)
    %barrier3A_369 = arith.constant 0 : index
    tpu.barrier barrier_id(%barrier3A_369)
    %lt3A_370 = arith.constant 15 : i32
    %lt3A_371 = arith.cmpi slt, %arg1, %lt3A_370 : i32
    %convert_element_type3A_372 = arith.extui %lt3A_371 : i1 to i32
    %cond3A_373 = arith.constant 0 : i32
    %cond3A_374 = arith.cmpi ne, %convert_element_type3A_372, %cond3A_373 : i32
    scf.if %cond3A_374 {
      %mul3A = arith.constant 624 : i32
      %mul3A_380 = arith.muli %arg1, %mul3A : i32
      %mul3A_381 = arith.constant 624 : i32
      %mul3A_382 = arith.muli %arg1, %mul3A_381 : i32
      %mul3A_383 = arith.constant 64 : i32
      %mul3A_384 = arith.muli %arg0, %mul3A_383 : i32
      "tpu.region"() ({
        %run_scoped3A = tpu.sem_alloc : memref<!tpu.dma_semaphore, #tpu.memory_space<semaphore_mem>>
        %dma_start3A_385 = tpu.memref_slice %arg5[%mul3A_382, %mul3A_384] : memref<10000x128xf32, #tpu.memory_space<hbm>> -> memref<624x64xf32, #tpu.memory_space<hbm>>
        %dma_start3A_386 = arith.constant 0 : i32
        %dma_start3A_387 = tpu.memref_slice %arg11[%mul3A_380, %dma_start3A_386] : memref<10000x64xf32, #tpu.memory_space<vmem_shared>> -> memref<624x64xf32, #tpu.memory_space<vmem_shared>>
        tpu.enqueue_dma source(%dma_start3A_387 : memref<624x64xf32, #tpu.memory_space<vmem_shared>>) target(%dma_start3A_385 : memref<624x64xf32, #tpu.memory_space<hbm>>) target_semaphore(%run_scoped3A : memref<!tpu.dma_semaphore, #tpu.memory_space<semaphore_mem>>)
        %dma_wait3A_388 = tpu.memref_slice %arg5[%mul3A_382, %mul3A_384] : memref<10000x128xf32, #tpu.memory_space<hbm>> -> memref<624x64xf32, #tpu.memory_space<hbm>>
        %dma_wait3A_389 = arith.constant 0 : i32
        %dma_wait3A_390 = tpu.memref_slice %arg11[%mul3A_380, %dma_wait3A_389] : memref<10000x64xf32, #tpu.memory_space<vmem_shared>> -> memref<624x64xf32, #tpu.memory_space<vmem_shared>>
        tpu.wait_dma2 semaphore(%run_scoped3A : memref<!tpu.dma_semaphore, #tpu.memory_space<semaphore_mem>>) src(%dma_wait3A_390 : memref<624x64xf32, #tpu.memory_space<vmem_shared>>) dst(%dma_wait3A_388 : memref<624x64xf32, #tpu.memory_space<hbm>>)
        tpu.yield
      }) : () -> ()
    } else {
    }
    %eq3A_375 = arith.constant 15 : i32
    %eq3A_376 = arith.cmpi eq, %arg1, %eq3A_375 : i32
    %convert_element_type3A_377 = arith.extui %eq3A_376 : i1 to i32
    %cond3A_378 = arith.constant 0 : i32
    %cond3A_379 = arith.cmpi ne, %convert_element_type3A_377, %cond3A_378 : i32
    scf.if %cond3A_379 {
      %mul3A = arith.constant 64 : i32
      %mul3A_380 = arith.muli %arg0, %mul3A : i32
      "tpu.region"() ({
        %run_scoped3A = tpu.sem_alloc : memref<!tpu.dma_semaphore, #tpu.memory_space<semaphore_mem>>
        %dma_start3A_381 = arith.constant 9360 : i32
        %dma_start3A_382 = tpu.memref_slice %arg5[%dma_start3A_381, %mul3A_380] : memref<10000x128xf32, #tpu.memory_space<hbm>> -> memref<640x64xf32, #tpu.memory_space<hbm>>
        %dma_start3A_383 = arith.constant 9360 : i32
        %dma_start3A_384 = arith.constant 0 : i32
        %dma_start3A_385 = tpu.memref_slice %arg11[%dma_start3A_383, %dma_start3A_384] : memref<10000x64xf32, #tpu.memory_space<vmem_shared>> -> memref<640x64xf32, #tpu.memory_space<vmem_shared>>
        tpu.enqueue_dma source(%dma_start3A_385 : memref<640x64xf32, #tpu.memory_space<vmem_shared>>) target(%dma_start3A_382 : memref<640x64xf32, #tpu.memory_space<hbm>>) target_semaphore(%run_scoped3A : memref<!tpu.dma_semaphore, #tpu.memory_space<semaphore_mem>>)
        %dma_wait3A_386 = arith.constant 9360 : i32
        %dma_wait3A_387 = tpu.memref_slice %arg5[%dma_wait3A_386, %mul3A_380] : memref<10000x128xf32, #tpu.memory_space<hbm>> -> memref<640x64xf32, #tpu.memory_space<hbm>>
        %dma_wait3A_388 = arith.constant 9360 : i32
        %dma_wait3A_389 = arith.constant 0 : i32
        %dma_wait3A_390 = tpu.memref_slice %arg11[%dma_wait3A_388, %dma_wait3A_389] : memref<10000x64xf32, #tpu.memory_space<vmem_shared>> -> memref<640x64xf32, #tpu.memory_space<vmem_shared>>
        tpu.wait_dma2 semaphore(%run_scoped3A : memref<!tpu.dma_semaphore, #tpu.memory_space<semaphore_mem>>) src(%dma_wait3A_390 : memref<640x64xf32, #tpu.memory_space<vmem_shared>>) dst(%dma_wait3A_387 : memref<640x64xf32, #tpu.memory_space<hbm>>)
        tpu.yield
      }) : () -> ()
    } else {
    }
    return
  }
}

module attributes {stable_mosaic.version = 14 : i64} {
  func.func @_mlp1_body(%arg0: i32, %arg1: memref<2000x128xf32, #tpu.memory_space<vmem>>, %arg2: memref<128x128xf32, #tpu.memory_space<vmem>>, %arg3: memref<1x128xf32, #tpu.memory_space<vmem>>, %arg4: memref<128x128xf32, #tpu.memory_space<vmem>>, %arg5: memref<1x128xf32, #tpu.memory_space<vmem>>, %arg6: memref<2x2000x64xf32, #tpu.memory_space<vmem>>) attributes {dimension_semantics = [#tpu.dimension_semantics<arbitrary>], iteration_bounds = array<i64: 5>, scalar_prefetch = 0 : i64, scratch_operands = 0 : i64, tpu.core_type = #tpu.core_type<tc>, window_params = [{transform_indices = @transform_0, window_bounds = array<i64: 2000, 128>}, {pipeline_mode = #tpu.pipeline_mode<synchronous>, transform_indices = @transform_1, window_bounds = array<i64: 128, 128>}, {pipeline_mode = #tpu.pipeline_mode<synchronous>, transform_indices = @transform_2, window_bounds = array<i64: 1, 128>}, {pipeline_mode = #tpu.pipeline_mode<synchronous>, transform_indices = @transform_3, window_bounds = array<i64: 128, 128>}, {pipeline_mode = #tpu.pipeline_mode<synchronous>, transform_indices = @transform_4, window_bounds = array<i64: 1, 128>}, {transform_indices = @transform_5, window_bounds = array<i64: 2, 2000, 64>}]} {
    %get3A = arith.constant 0 : index
    %get3A_0 = arith.constant 0 : index
    %get3A_1 = vector.load %arg1[%get3A, %get3A_0] : memref<2000x128xf32, #tpu.memory_space<vmem>>, vector<2000x128xf32>
    %get3A_2 = arith.constant 0 : index
    %get3A_3 = arith.constant 0 : index
    %get3A_4 = vector.load %arg2[%get3A_2, %get3A_3] : memref<128x128xf32, #tpu.memory_space<vmem>>, vector<128x128xf32>
    %dot_general3A = arith.constant dense<0.000000e+00> : vector<2000x128xf32>
    %dot_general3A_5 = tpu.matmul %get3A_1, %get3A_4, %dot_general3A {dimension_numbers = #tpu.dot_dimension_numbers<[1], [0], [0], [1], [0, 0, 1, 1], [], []>, transpose_lhs_hint = false} : vector<2000x128xf32>, vector<128x128xf32>, vector<2000x128xf32> -> vector<2000x128xf32>
    %get3A_6 = arith.constant 0 : index
    %get3A_7 = arith.constant 0 : index
    %get3A_8 = vector.load %arg3[%get3A_6, %get3A_7] : memref<1x128xf32, #tpu.memory_space<vmem>>, vector<1x128xf32>
    %add3A = vector.broadcast %get3A_8 : vector<1x128xf32> to vector<2000x128xf32>
    %add3A_9 = arith.addf %dot_general3A_5, %add3A : vector<2000x128xf32>
    %max3A = arith.constant 0.000000e+00 : f32
    %max3A_10 = vector.broadcast %max3A : f32 to vector<2000x128xf32>
    %max3A_11 = arith.maximumf %add3A_9, %max3A_10 : vector<2000x128xf32>
    %get3A_12 = arith.constant 0 : index
    %get3A_13 = arith.constant 0 : index
    %get3A_14 = vector.load %arg4[%get3A_12, %get3A_13] : memref<128x128xf32, #tpu.memory_space<vmem>>, vector<128x128xf32>
    %dot_general3A_15 = arith.constant dense<0.000000e+00> : vector<2000x128xf32>
    %dot_general3A_16 = tpu.matmul %max3A_11, %get3A_14, %dot_general3A_15 {dimension_numbers = #tpu.dot_dimension_numbers<[1], [0], [0], [1], [0, 0, 1, 1], [], []>, transpose_lhs_hint = false} : vector<2000x128xf32>, vector<128x128xf32>, vector<2000x128xf32> -> vector<2000x128xf32>
    %get3A_17 = arith.constant 0 : index
    %get3A_18 = arith.constant 0 : index
    %get3A_19 = vector.load %arg5[%get3A_17, %get3A_18] : memref<1x128xf32, #tpu.memory_space<vmem>>, vector<1x128xf32>
    %add3A_20 = vector.broadcast %get3A_19 : vector<1x128xf32> to vector<2000x128xf32>
    %add3A_21 = arith.addf %dot_general3A_16, %add3A_20 : vector<2000x128xf32>
    %max3A_22 = arith.constant 0.000000e+00 : f32
    %max3A_23 = vector.broadcast %max3A_22 : f32 to vector<2000x128xf32>
    %max3A_24 = arith.maximumf %add3A_21, %max3A_23 : vector<2000x128xf32>
    %slice3A = vector.extract_strided_slice %max3A_24 {offsets = [0, 0], sizes = [2000, 64], strides = [1, 1]} : vector<2000x128xf32> to vector<2000x64xf32>
    %swap3A = arith.constant 0 : index
    %swap3A_25 = arith.constant 0 : index
    %swap3A_26 = arith.constant 0 : index
    %swap3A_27 = vector.load %arg6[%swap3A, %swap3A_25, %swap3A_26] : memref<2x2000x64xf32, #tpu.memory_space<vmem>>, vector<1x2000x64xf32>
    %swap3A_28 = vector.shape_cast %swap3A_27 : vector<1x2000x64xf32> to vector<2000x64xf32>
    %swap3A_29 = vector.shape_cast %slice3A : vector<2000x64xf32> to vector<1x2000x64xf32>
    tpu.vector_store %arg6[%swap3A, %swap3A_25, %swap3A_26], %swap3A_29 {strides = array<i32>} : memref<2x2000x64xf32, #tpu.memory_space<vmem>>, vector<1x2000x64xf32>,
    %slice3A_30 = vector.extract_strided_slice %max3A_24 {offsets = [0, 64], sizes = [2000, 64], strides = [1, 1]} : vector<2000x128xf32> to vector<2000x64xf32>
    %swap3A_31 = arith.constant 1 : index
    %swap3A_32 = arith.constant 0 : index
    %swap3A_33 = arith.constant 0 : index
    %swap3A_34 = vector.load %arg6[%swap3A_31, %swap3A_32, %swap3A_33] : memref<2x2000x64xf32, #tpu.memory_space<vmem>>, vector<1x2000x64xf32>
    %swap3A_35 = vector.shape_cast %swap3A_34 : vector<1x2000x64xf32> to vector<2000x64xf32>
    %swap3A_36 = vector.shape_cast %slice3A_30 : vector<2000x64xf32> to vector<1x2000x64xf32>
    tpu.vector_store %arg6[%swap3A_31, %swap3A_32, %swap3A_33], %swap3A_36 {strides = array<i32>} : memref<2x2000x64xf32, #tpu.memory_space<vmem>>, vector<1x2000x64xf32>,
    return
  }
  func.func @transform_0(%arg0: i32) -> (i32, i32) {
    %c0_i32 = arith.constant 0 : i32
    %c0_i32_0 = arith.constant 0 : i32
    return %arg0, %c0_i32 : i32, i32
  }
  func.func @transform_1(%arg0: i32) -> (i32, i32) {
    %c0_i32 = arith.constant 0 : i32
    %c0_i32_0 = arith.constant 0 : i32
    %c0_i32_1 = arith.constant 0 : i32
    return %c0_i32, %c0_i32_0 : i32, i32
  }
  func.func @transform_2(%arg0: i32) -> (i32, i32) {
    %c0_i32 = arith.constant 0 : i32
    %c0_i32_0 = arith.constant 0 : i32
    %c0_i32_1 = arith.constant 0 : i32
    return %c0_i32, %c0_i32_0 : i32, i32
  }
  func.func @transform_3(%arg0: i32) -> (i32, i32) {
    %c0_i32 = arith.constant 0 : i32
    %c0_i32_0 = arith.constant 0 : i32
    %c0_i32_1 = arith.constant 0 : i32
    return %c0_i32, %c0_i32_0 : i32, i32
  }
  func.func @transform_4(%arg0: i32) -> (i32, i32) {
    %c0_i32 = arith.constant 0 : i32
    %c0_i32_0 = arith.constant 0 : i32
    %c0_i32_1 = arith.constant 0 : i32
    return %c0_i32, %c0_i32_0 : i32, i32
  }
  func.func @transform_5(%arg0: i32) -> (i32, i32, i32) {
    %c0_i32 = arith.constant 0 : i32
    %c0_i32_0 = arith.constant 0 : i32
    %c0_i32_1 = arith.constant 0 : i32
    return %c0_i32, %arg0, %c0_i32_0 : i32, i32, i32
  }
}

module attributes {stable_mosaic.version = 14 : i64} {
  func.func @_mlp2_body(%arg0: i32, %arg1: memref<2000x128xf32, #tpu.memory_space<vmem>>, %arg2: memref<128x128xf32, #tpu.memory_space<vmem>>, %arg3: memref<1x128xf32, #tpu.memory_space<vmem>>, %arg4: memref<128x128xf32, #tpu.memory_space<vmem>>, %arg5: memref<1x128xf32, #tpu.memory_space<vmem>>, %arg6: memref<1x128xf32, #tpu.memory_space<vmem>>, %arg7: memref<1x128xf32, #tpu.memory_space<vmem>>) attributes {dimension_semantics = [#tpu.dimension_semantics<arbitrary>], iteration_bounds = array<i64: 5>, scalar_prefetch = 0 : i64, scratch_operands = 0 : i64, tpu.core_type = #tpu.core_type<tc>, window_params = [{transform_indices = @transform_0, window_bounds = array<i64: 2000, 128>}, {pipeline_mode = #tpu.pipeline_mode<synchronous>, transform_indices = @transform_1, window_bounds = array<i64: 128, 128>}, {pipeline_mode = #tpu.pipeline_mode<synchronous>, transform_indices = @transform_2, window_bounds = array<i64: 1, 128>}, {pipeline_mode = #tpu.pipeline_mode<synchronous>, transform_indices = @transform_3, window_bounds = array<i64: 128, 128>}, {pipeline_mode = #tpu.pipeline_mode<synchronous>, transform_indices = @transform_4, window_bounds = array<i64: 1, 128>}, {pipeline_mode = #tpu.pipeline_mode<synchronous>, transform_indices = @transform_5, window_bounds = array<i64: 1, 128>}, {pipeline_mode = #tpu.pipeline_mode<synchronous>, transform_indices = @transform_6, window_bounds = array<i64: 1, 128>}]} {
    %get3A = arith.constant 0 : index
    %get3A_0 = arith.constant 0 : index
    %get3A_1 = vector.load %arg1[%get3A, %get3A_0] : memref<2000x128xf32, #tpu.memory_space<vmem>>, vector<2000x128xf32>
    %get3A_2 = arith.constant 0 : index
    %get3A_3 = arith.constant 0 : index
    %get3A_4 = vector.load %arg2[%get3A_2, %get3A_3] : memref<128x128xf32, #tpu.memory_space<vmem>>, vector<128x128xf32>
    %dot_general3A = arith.constant dense<0.000000e+00> : vector<2000x128xf32>
    %dot_general3A_5 = tpu.matmul %get3A_1, %get3A_4, %dot_general3A {dimension_numbers = #tpu.dot_dimension_numbers<[1], [0], [0], [1], [0, 0, 1, 1], [], []>, transpose_lhs_hint = false} : vector<2000x128xf32>, vector<128x128xf32>, vector<2000x128xf32> -> vector<2000x128xf32>
    %get3A_6 = arith.constant 0 : index
    %get3A_7 = arith.constant 0 : index
    %get3A_8 = vector.load %arg3[%get3A_6, %get3A_7] : memref<1x128xf32, #tpu.memory_space<vmem>>, vector<1x128xf32>
    %add3A = vector.broadcast %get3A_8 : vector<1x128xf32> to vector<2000x128xf32>
    %add3A_9 = arith.addf %dot_general3A_5, %add3A : vector<2000x128xf32>
    %max3A = arith.constant 0.000000e+00 : f32
    %max3A_10 = vector.broadcast %max3A : f32 to vector<2000x128xf32>
    %max3A_11 = arith.maximumf %add3A_9, %max3A_10 : vector<2000x128xf32>
    %reduce_sum3A = arith.constant dense<0.000000e+00> : vector<128xf32>
    %reduce_sum3A_12 = vector.multi_reduction <add>, %max3A_11, %reduce_sum3A [0] : vector<2000x128xf32> to vector<128xf32>
    %broadcast_in_dim3A = vector.shape_cast %reduce_sum3A_12 : vector<128xf32> to vector<1x128xf32>
    %eq3A = arith.constant 0 : i32
    %eq3A_13 = arith.cmpi eq, %arg0, %eq3A : i32
    %convert_element_type3A = arith.extui %eq3A_13 : i1 to i32
    %cond3A = arith.constant 0 : i32
    %cond3A_14 = arith.cmpi ne, %convert_element_type3A, %cond3A : i32
    scf.if %cond3A_14 {
      %broadcast_in_dim3A_26 = arith.constant 0.000000e+00 : f32
      %broadcast_in_dim3A_27 = vector.broadcast %broadcast_in_dim3A_26 : f32 to vector<1x128xf32>
      %swap3A_28 = arith.constant 0 : index
      %swap3A_29 = arith.constant 0 : index
      %swap3A_30 = vector.load %arg6[%swap3A_28, %swap3A_29] : memref<1x128xf32, #tpu.memory_space<vmem>>, vector<1x128xf32>
      tpu.vector_store %arg6[%swap3A_28, %swap3A_29], %broadcast_in_dim3A_27 {strides = array<i32>} : memref<1x128xf32, #tpu.memory_space<vmem>>, vector<1x128xf32>,
    } else {
    }
    %get3A_15 = arith.constant 0 : index
    %get3A_16 = arith.constant 0 : index
    %get3A_17 = vector.load %arg6[%get3A_15, %get3A_16] : memref<1x128xf32, #tpu.memory_space<vmem>>, vector<1x128xf32>
    %add3A_18 = arith.addf %get3A_17, %broadcast_in_dim3A : vector<1x128xf32>
    %swap3A = arith.constant 0 : index
    %swap3A_19 = arith.constant 0 : index
    %swap3A_20 = vector.load %arg6[%swap3A, %swap3A_19] : memref<1x128xf32, #tpu.memory_space<vmem>>, vector<1x128xf32>
    tpu.vector_store %arg6[%swap3A, %swap3A_19], %add3A_18 {strides = array<i32>} : memref<1x128xf32, #tpu.memory_space<vmem>>, vector<1x128xf32>,
    %eq3A_21 = arith.constant 4 : i32
    %eq3A_22 = arith.cmpi eq, %arg0, %eq3A_21 : i32
    %convert_element_type3A_23 = arith.extui %eq3A_22 : i1 to i32
    %cond3A_24 = arith.constant 0 : i32
    %cond3A_25 = arith.cmpi ne, %convert_element_type3A_23, %cond3A_24 : i32
    scf.if %cond3A_25 {
      %get3A_26 = arith.constant 0 : index
      %get3A_27 = arith.constant 0 : index
      %get3A_28 = vector.load %arg6[%get3A_26, %get3A_27] : memref<1x128xf32, #tpu.memory_space<vmem>>, vector<1x128xf32>
      %mul3A = arith.constant 9.99999974E-5 : f32
      %mul3A_29 = vector.broadcast %mul3A : f32 to vector<1x128xf32>
      %mul3A_30 = arith.mulf %get3A_28, %mul3A_29 : vector<1x128xf32>
      %get3A_31 = arith.constant 0 : index
      %get3A_32 = arith.constant 0 : index
      %get3A_33 = vector.load %arg4[%get3A_31, %get3A_32] : memref<128x128xf32, #tpu.memory_space<vmem>>, vector<128x128xf32>
      %dot_general3A_34 = arith.constant dense<0.000000e+00> : vector<1x128xf32>
      %dot_general3A_35 = tpu.matmul %mul3A_30, %get3A_33, %dot_general3A_34 {dimension_numbers = #tpu.dot_dimension_numbers<[1], [0], [0], [1], [0, 0, 1, 1], [], []>, transpose_lhs_hint = false} : vector<1x128xf32>, vector<128x128xf32>, vector<1x128xf32> -> vector<1x128xf32>
      %get3A_36 = arith.constant 0 : index
      %get3A_37 = arith.constant 0 : index
      %get3A_38 = vector.load %arg5[%get3A_36, %get3A_37] : memref<1x128xf32, #tpu.memory_space<vmem>>, vector<1x128xf32>
      %add3A_39 = arith.addf %dot_general3A_35, %get3A_38 : vector<1x128xf32>
      %swap3A_40 = arith.constant 0 : index
      %swap3A_41 = arith.constant 0 : index
      %swap3A_42 = vector.load %arg7[%swap3A_40, %swap3A_41] : memref<1x128xf32, #tpu.memory_space<vmem>>, vector<1x128xf32>
      tpu.vector_store %arg7[%swap3A_40, %swap3A_41], %add3A_39 {strides = array<i32>} : memref<1x128xf32, #tpu.memory_space<vmem>>, vector<1x128xf32>,
    } else {
    }
    return
  }
  func.func @transform_0(%arg0: i32) -> (i32, i32) {
    %c0_i32 = arith.constant 0 : i32
    %c0_i32_0 = arith.constant 0 : i32
    return %arg0, %c0_i32 : i32, i32
  }
  func.func @transform_1(%arg0: i32) -> (i32, i32) {
    %c0_i32 = arith.constant 0 : i32
    %c0_i32_0 = arith.constant 0 : i32
    %c0_i32_1 = arith.constant 0 : i32
    return %c0_i32, %c0_i32_0 : i32, i32
  }
  func.func @transform_2(%arg0: i32) -> (i32, i32) {
    %c0_i32 = arith.constant 0 : i32
    %c0_i32_0 = arith.constant 0 : i32
    %c0_i32_1 = arith.constant 0 : i32
    return %c0_i32, %c0_i32_0 : i32, i32
  }
  func.func @transform_3(%arg0: i32) -> (i32, i32) {
    %c0_i32 = arith.constant 0 : i32
    %c0_i32_0 = arith.constant 0 : i32
    %c0_i32_1 = arith.constant 0 : i32
    return %c0_i32, %c0_i32_0 : i32, i32
  }
  func.func @transform_4(%arg0: i32) -> (i32, i32) {
    %c0_i32 = arith.constant 0 : i32
    %c0_i32_0 = arith.constant 0 : i32
    %c0_i32_1 = arith.constant 0 : i32
    return %c0_i32, %c0_i32_0 : i32, i32
  }
  func.func @transform_5(%arg0: i32) -> (i32, i32) {
    %c0_i32 = arith.constant 0 : i32
    %c0_i32_0 = arith.constant 0 : i32
    %c0_i32_1 = arith.constant 0 : i32
    return %c0_i32, %c0_i32_0 : i32, i32
  }
  func.func @transform_6(%arg0: i32) -> (i32, i32) {
    %c0_i32 = arith.constant 0 : i32
    %c0_i32_0 = arith.constant 0 : i32
    %c0_i32_1 = arith.constant 0 : i32
    return %c0_i32, %c0_i32_0 : i32, i32
  }
}

</mosaic_0001>

<sc_bundles>
// kernel: kernel.6.cloned.1.call-start
scs
__scs_entry_jumppad:
0x0: {  	(pc) =	sbr.rel $0x88, $3  }
0x1: {  	(tag) =	ssettag $0x0;
	lr =	simm.s32 $0x1  }
0x2: {  	[smem:$0x3F97] =	sst lr;
	_ =	strace $0xD0000000  }
0x3: {  	_ = 	snop  }
0x4: {  	_ = 	snop  }
0x5: {  	_ = 	snop  }
0x6: {  	_ = 	snop  }
0x7: {  	_ = 	snop  }
__scs_overlays_trampoline_lowered:
0x8: {  	[smem:$0x3FA6] =	sst s0  }
0x9: {  	[smem:$0x3FA7] =	sst s1  }
0xa: {  	[smem:$0x3FA8] =	sst s2  }
0xb: {  	[smem:$0x3FA9] =	sst s3  }
0xc: {  	[smem:$0x3FAA] =	sst s4  }
0xd: {  	[smem:$0x3FAB] =	sst s5  }
0xe: {  	[smem:$0x3FAC] =	sst s6  }
0xf: {  	[smem:$0x3FAD] =	sst s7  }
0x10: {  	[smem:$0x3FAE] =	sst s8  }
0x11: {  	[smem:$0x3FAF] =	sst s9;
	s0 =	simm.s32 @!p0 $0x0  }
0x12: {  	s1 =	sld [smem:$0x3F95];
	s0 =	simm.s32 @p0 $0x1  }
0x13: {  	[smem:$0x3FB0] =	sst s0;
	s0 =	simm.s32 @!p1 $0x0  }
0x14: {  	s2 =	sld [smem:$0x3F94];
	s0 =	simm.s32 @p1 $0x1  }
0x15: {  	[smem:$0x3FB1] =	sst s0;
	s0 =	simm.s32 @!p2 $0x0  }
0x16: {  	s3 =	sld [smem:$0x3FDB];
	s0 =	simm.s32 @p2 $0x1  }
0x17: {  	s4 =	simm.s32 $0x1BF5;
	[smem:$0x3FB3] =	sst s0  }
0x18: {  	s0 =	sld [smem:$0x3F96];
	_ =	swait.ge [sflag:s4], $0x0  }
0x19: {  	s7 =	sld [smem:$0x3F97]  }
0x1a: {  	s8 =	sadd.s32 $0xFFFFE003, lr  }
0x1b: {  	s9 =	sadd.s32 $0xFFFFFEF7, lr;
	s5 =	simm.s32 $0xFFFFFFFF;
	p2 =	slt.u32 s8, $0xFFFFF086  }
0x1c: {  	p1 =	slt.u32 s9, $0xF7A;
	s5 =	simm.s32 @!p2 $0x0  }
0x1d: {  	s5 =	simm.s32 @p1 $0x1;
	p0 =	seq.s32 s7, s2  }
0x1e: {  	s7 =	smul.u32 @!p0 $0xF7A, s2;
	p2 =	seq.s32 @!p0 s5, $0x0  }
0x1f: {  	s9 =	smul.u32 $0xF7A, s1;
	s8 =	simm.s32 @!p0 $0x1BF5;
	p2 =	por !p2, p0  }
0x20: {  	[sflag:s8] =	ssyncset.s32 @!p0 $0xFFFFF086;
	s6 =	sadd.s32 @!p0 s3, s7;
	s7 =	simm.s32 @!p0 $0x108  }
0x21: {  	s3 =	sadd.s32 s3, s9;
	s6 =	sadd.s32 @!p0 $0x88, s6;
	s7 =	simm.s32 @p2 $0x1082  }
0x22: {  	[simem:s7], [sflag:s8] =	dma.local @!p0 [hbm:s6], $0xF7A  }
0x23: {  	s9 =	sor.u32 $0xD0000000, s2;
	s6 =	simm.s32 $0x108;
	_ =	swait.ge @!p0 [sflag:s8], $0x0  }
0x24: {  	s3 =	sadd.s32 $0x88, s3;
	s6 =	simm.s32 @!p1 $0x1082;
	[sflag:s4] =	ssyncset.s32 $0xFFFFF086  }
0x25: {  	[simem:s6], [sflag:s4] =	dma.local [hbm:s3], $0xF7A  }
0x26: {  	[smem:$0x3F97] =	sst s1;
	(tag) =	ssettag s2;
	_ =	strace s9  }
0x27: {  	s1 =	sld [smem:$0x3FA7]  }
0x28: {  	s2 =	sld [smem:$0x3FA8]  }
0x29: {  	s4 =	sld [smem:$0x3FAA]  }
0x2a: {  	p0 =	seq.s32 s5, $0x0;
	s5 =	sld [smem:$0x3FAB]  }
0x2b: {  	s6 =	sld [smem:$0x3FAC]  }
0x2c: {  	s7 =	sld [smem:$0x3FAD]  }
0x2d: {  	s3 =	simm.s32 $0x108;
	s8 =	sld [smem:$0x3FAE]  }
0x2e: {  	s3 =	simm.s32 @!p0 $0x1082;
	s9 =	sld [smem:$0x3FAF]  }
0x2f: {  	lr =	sadd.s32 s0, s3;
	s0 =	sld [smem:$0x3FA6]  }
0x30: {  	s3 =	sld [smem:$0x3FA9]  }
0x31: {  	[smem:$0x3FB2] =	sst s10  }
0x32: {  	s10 =	sld [smem:$0x3FB0];
	_ =	sdelay $0x3  }
0x33: {  	p0 =	seq.s32 s10, $0x1;
	s10 =	sld [smem:$0x3FB2];
	_ =	sdelay $0x3  }
0x34: {  	[smem:$0x3FB2] =	sst s10  }
0x35: {  	s10 =	sld [smem:$0x3FB1];
	_ =	sdelay $0x3  }
0x36: {  	p1 =	seq.s32 s10, $0x1;
	s10 =	sld [smem:$0x3FB2];
	_ =	sdelay $0x3  }
0x37: {  	[smem:$0x3FB2] =	sst s10  }
0x38: {  	s10 =	sld [smem:$0x3FB3]  }
0x39: {  	_ = 	snop;
	(pc) =	sbr.ind lr, $3  }
0x3a: {  	_ = 	snop  }
0x3b: {  	_ = 	snop  }
0x3c: {  	p2 =	seq.s32 s10, $0x1;
	s10 =	sld [smem:$0x3FB2]  }
0x3d: {  	_ =	shalt  }
0x3e: {  	_ =	shalt  }
0x3f: {  	_ =	shalt  }
0x40: {  	_ =	shalt  }
0x41: {  	_ =	shalt  }
0x42: {  	_ =	shalt  }
0x43: {  	_ =	shalt  }
0x44: {  	_ =	shalt  }
0x45: {  	_ =	shalt  }
0x46: {  	_ =	shalt  }
0x47: {  	_ =	shalt  }
0x48: {  	_ =	shalt  }
0x49: {  	_ =	shalt  }
0x4a: {  	_ =	shalt  }
0x4b: {  	_ =	shalt  }
0x4c: {  	_ =	shalt  }
0x4d: {  	_ =	shalt  }
0x4e: {  	_ =	shalt  }
0x4f: {  	_ =	shalt  }
0x50: {  	_ =	shalt  }
0x51: {  	_ =	shalt  }
0x52: {  	_ =	shalt  }
0x53: {  	_ =	shalt  }
0x54: {  	_ =	shalt  }
0x55: {  	_ =	shalt  }
0x56: {  	_ =	shalt  }
0x57: {  	_ =	shalt  }
0x58: {  	_ =	shalt  }
0x59: {  	_ =	shalt  }
0x5a: {  	_ =	shalt  }
0x5b: {  	_ =	shalt  }
0x5c: {  	_ =	shalt  }
0x5d: {  	_ =	shalt  }
0x5e: {  	_ =	shalt  }
0x5f: {  	_ =	shalt  }
0x60: {  	_ =	shalt  }
0x61: {  	_ =	shalt  }
0x62: {  	_ =	shalt  }
0x63: {  	_ =	shalt  }
0x64: {  	_ =	shalt  }
0x65: {  	_ =	shalt  }
0x66: {  	_ =	shalt  }
0x67: {  	_ =	shalt  }
0x68: {  	_ =	shalt  }
0x69: {  	_ =	shalt  }
0x6a: {  	_ =	shalt  }
0x6b: {  	_ =	shalt  }
0x6c: {  	_ =	shalt  }
0x6d: {  	_ =	shalt  }
0x6e: {  	_ =	shalt  }
0x6f: {  	_ =	shalt  }
0x70: {  	_ =	shalt  }
0x71: {  	_ =	shalt  }
0x72: {  	_ =	shalt  }
0x73: {  	_ =	shalt  }
0x74: {  	_ =	shalt  }
0x75: {  	_ =	shalt  }
0x76: {  	_ =	shalt  }
0x77: {  	_ =	shalt  }
0x78: {  	_ =	shalt  }
0x79: {  	_ =	shalt  }
0x7a: {  	_ =	shalt  }
0x7b: {  	_ =	shalt  }
0x7c: {  	_ =	shalt  }
0x7d: {  	_ =	shalt  }
0x7e: {  	_ =	shalt  }
0x7f: {  	_ =	shalt  }
0x80: {  	_ =	shalt  }
0x81: {  	_ =	shalt  }
0x82: {  	_ =	shalt  }
0x83: {  	_ =	shalt  }
0x84: {  	_ =	shalt  }
0x85: {  	_ =	shalt  }
0x86: {  	_ =	shalt  }
0x87: {  	_ =	shalt  }
.Lfunc_end0:
.L_simem_size_0:
called_computation_lowered:
.L_overlay_start_0:
0x88: {  	s2 =	sld [smem:$0x3FD9]  }
0x89: {  	s3 =	sld [smem:$0x3FFE];
	_ =	sdelay $0x1  }
0x8a: {  	s1 =	srdreg.scid  }
0x8b: {  	s0 =	sand.u32 $0x1, s1  }
0x8c: {  	s16 =	sshll.u32 s0, $0xA;
	s2 =	sadd.s32 s3, s2  }
0x8d: {  	s2 =	sadd.s32 s2, s16  }
0x8e: {  	[smem:$0x3FBE] =	sst s2  }
0x8f: {  	_ = 	snop  }
0x90: {  	(tm) =	ssettm $0x1  }
0x91: {  	s17 =	sld [smem:$0x3FFB];
	_ =	sdelay $0x3  }
0x92: {  	_ =	strace s17  }
0x93: {  	s2 =	sld [smem:$0x3FFC];
	_ =	sdelay $0x3  }
0x94: {  	_ =	strace s2  }
0x95: {  	s2 =	sld [smem:$0x3FFD];
	_ =	sdelay $0x3  }
0x96: {  	_ =	strace s2  }
0x97: {  	_ =	strace $0x8FFFFFFF  }
0x98: {  	s18 =	sld [smem:$0x3FDB];
	_ =	sdelay $0x1  }
0x99: {  	s19 =	simm.s32 $_scs_section_size  }
0x9a: {  	s4 =	simm.s32 $_size__tile_overlayer_lowered;
	s5 =	simm.s32 $_tile_overlayer_lowered  }
0x9b: {  	s22 =	simm.s32 $0x1BFF;
	s21 =	sshll.u32 s5, $0x1;
	s2 =	sadd.s32 s19, s18  }
0x9c: {  	s6 =	simm.s32 $0x0;
	s20 =	sshll.u32 s4, $0x1;
	s4 =	sadd.s32 s21, s2  }
0x9d: {  	[timem:s6], [sflag:s22] =	dma.local [hbm:s4], s20  }
0x9e: {  	_ =	swait.ge [sflag:s22], s20  }
0x9f: {  	s3 =	ssub.s32 $0x0, s20;
	[sflag:s22] =	ssyncset.done $0x0  }
0xa0: {  	[sflag:s22] =	ssyncadd.s32 s3;
	_ =	sdelay $0x1  }
0xa1: {  	s23 =	simm.s32 $0x1B8B  }
0xa2: {  	_ =	swait.ge [sflag:s23], $0x1  }
0xa3: {  	[sflag:s23] =	ssyncset.done $0x0  }
0xa4: {  	s25 =	simm.s32 $0x1B8E;
	s24 =	sld [smem:$0x3FFE];
	[sflag:s23] =	ssyncadd.s32 $0xFFFFFFFF  }
0xa5: {  	s26 =	simm.s32 $execute0_lowered;
	[smem:$0x3FD2] =	sst s25  }
0xa6: {  	s4 =	sshll.u32 s26, $0x1;
	_ =	strace $0x80000046;
	[dreg:$0x1] =	wrdreg $0xFFFFFFFF  }
0xa7: {  	s28 =	simm.s32 $_size_execute0_lowered;
	s2 =	sadd.s32 s2, s4;
	[dreg:$0x0] =	wrdreg $0x0  }
0xa8: {  	s4 =	sshll.u32 s28, $0x1;
	[dreg:$0x2] =	wrdreg s2  }
0xa9: {  	[dreg:$0x3] =	wrdreg s4  }
0xaa: {  	[dreg:$0x4] =	wrdreg $0xC0  }
0xab: {  	_ =	task [dreg:s6], $0x5FFFF  }
0xac: {  	[dreg:$0x1] =	wrdreg $0xFFFFFFFF  }
0xad: {  	[dreg:$0x0] =	wrdreg $0x60  }
0xae: {  	[dreg:$0x2] =	wrdreg s24  }
0xaf: {  	[dreg:$0x3] =	wrdreg $0x150400  }
0xb0: {  	[dreg:$0x4] =	wrdreg $0x9  }
0xb1: {  	_ =	task.clear_ibuf [dreg:s6], $0x5FFFF;
	_ =	strace $0x90000046  }
0xb2: {  	s29 =	simm.s32 $0x9;
	_ =	strace $0x80000048  }
0xb3: {  	_ =	swait.ge [sflag:s29], $0x1  }
0xb4: {  	[sflag:s29] =	ssyncadd.s32 $0xFFFFFFFF  }
0xb5: {  	_ =	strace $0x90000048  }
0xb6: {  	_ =	sfence  }
0xb7: {  	s30 =	sld [smem:$0x0];
	_ =	sdelay $0x2  }
0xb8: {  	s31 =	sshll.u32 s1, $0xD;
	s1 =	sshrl.u32 s1, $0x2  }
0xb9: {  	s3 =	sand.u32 $0x4000, s31;
	s1 =	sadd.s32 s1, s30  }
0xba: {  	s0 =	sor.u32 s3, s0;
	s1 =	sshll.u32 s1, $0x11  }
0xbb: {  	s0 =	sor.u32 s1, s0  }
0xbc: {  	s0 =	sadd.s32 $0x8F2B, s0  }
0xbd: {  	[sflag:s0] =	ssyncadd.remote.s32 $0x1  }
0xbe: {  	_ =	sfence.sel $0xFFFF  }
0xbf: {  	[dreg:$0x0] =	wrdreg $0xFFFFFFFF;
	(pc) =	sbr.abs _section_cstart, $3  }
0xc0: {  	[dreg:$0x1] =	wrdreg $0xFFFFFFFF  }
0xc1: {  	_ =	task.clear_ibuf [dreg:s6], $0x2FFFF;
	_ =	strace $0x9FFFFFFF  }
0xc2: {  	(tm) =	ssettm $0x7FFFFFFF  }
0xc3: {  	_ =	shalt  }
tec
execute0_lowered:
.L_overlay_start_1:
0x0: {  	(tag) =	ssettag $0x1  }
0x1: {  	s0 =	rddreg [dreg:$0x0]  }
0x2: {  	s2 =	rddreg [dreg:$0x1]  }
0x3: {  	s11 =	stileid.u32;
	s1 =	srdreg.scid;
	s4 =	simm.s32 $0x0  }
0x4: {  	s29 =	simm.s32 $0xEC40;
	s31 =	simm.s32 $0x10040;
	s17 =	simm.s32 $0x12840  }
0x5: {  	s28 =	simm.s32 $0x1;
	s30 =	simm.s32 $0x4;
	s16 =	simm.s32 $0x6  }
0x6: {  	s12 =	simm.s32 $0xF;
	s14 =	simm.s32 $0x10;
	s3 =	smul.u32 $0x9C4, s11  }
0x7: {  	s15 =	simm.s32 $0x11;
	s1 =	sand.u32 $0x1, s1;
	s6 =	smul.u32 $0x9C00, s11  }
0x8: {  	[smem:$0x7FF] =	sst s4;
	s7 =	sadd.s32 $0x1A00, s0;
	s20 =	smul.u32 $0x13800, s11  }
0x9: {  	s9 =	sadd.s32 $0x92400, s2;
	s24 =	smul.u32 $0x27000, s11;
	p0 =	seq.s32 s11, $0xF  }
0xa: {  	s18 =	smul.u32 $0x9C400, s1;
	_ =	strace $0x80000047;
	s5 =	ssub.s32 $0x2, s1  }
0xb: {  	s21 =	sshll.u32 s1, $0x6;
	s22 =	smul.u32 $0x13880, s1;
	s1 =	sshll.u32 s1, $0x3  }
0xc: {  	s3 =	sadd.s32 s3, s0;
	s8 =	sshrl.u32 s5, $0x1;
	s0 =	sadd.s32 $0x3C800, s0  }
0xd: {  	s25 =	sshrl.u32 s24, $0x2;
	s24 =	simm.s32 $0xB040;
	s5 =	ssub.s32 s5, s8  }
0xe: {  	s19 =	sadd.s32 s6, s18;
	s6 =	sadd.s32 s6, s2;
	s4 =	sshrl.u32 s18, $0x3  }
0xf: {  	s10 =	sadd.s32 $0x32A00, s3;
	s3 =	sadd.s32 $0x28C00, s3;
	s18 =	simm.s32 $0x13C40  }
0x10: {  	s8 =	sshrl.u32 s19, $0x3;
	s4 =	sadd.s32 s7, s4;
	[dreg:$0x5] =	wrdreg s10  }
0x11: {  	[dreg:$0x6] =	wrdreg s3;
	s26 =	smax.u32 s5, $0x1;
	s19 =	simm.s32 $0x50  }
0x12: {  	s5 =	simm.s32 $0xA;
	s8 =	sadd.s32 s7, s8;
	[dreg:$0xa] =	wrdreg s26  }
0x13: {  	s10 =	simm.s32 $0xE;
	s4 =	sadd.s32 $0x12480, s4;
	[dreg:$0x3] =	wrdreg s8  }
0x14: {  	s26 =	simm.s32 $0xD840;
	[dreg:$0x4] =	wrdreg s4;
	s4 =	sor.u32 s21, s20  }
0x15: {  	s8 =	sadd.s32 s7, s22;
	s21 =	sshrl.u32 @p0 s9, $0x3;
	s22 =	simm.s32 $0x9C40  }
0x16: {  	s7 =	simm.s32 $0xC;
	s9 =	simm.s32 $0xD;
	s23 =	sshrl.u32 s4, $0x3  }
0x17: {  	s4 =	simm.s32 $0x7;
	[dreg:$0xb] =	wrdreg s21;
	s3 =	sadd.s32 s0, s23  }
0x18: {  	s0 =	sadd.s32 s1, s0;
	s1 =	sadd.s32 s25, s2;
	s23 =	simm.s32 $0xC440  }
0x19: {  	s25 =	simm.s32 $0x13C40;
	[dreg:$0x7] =	wrdreg s3;
	s0 =	sadd.s32 $0x24900, s0  }
.Ltmp0:
0x1a: {  	[dreg:$0x8] =	wrdreg s0;
	s0 =	sshll.u32 @!p0 s11, $0x6;
	(pc) =	sbr.rel .LBB2_1-.Ltmp0, $4  }
0x1b: {  	s3 =	simm.s32 $0x9;
	[dreg:$0x9] =	wrdreg s0;
	s0 =	sor.u32 @!p0 $0x1C01, s0  }
0x1c: {  	s11 =	simm.s32 $0x12;
	[dreg:$0xc] =	wrdreg s0;
	s0 =	sshrl.u32 @!p0 s6, $0x3  }
0x1d: {  	s6 =	simm.s32 $0xB;
	[dreg:$0xd] =	wrdreg s0;
	s0 =	sshrl.u32 @!p0 s1, $0x3  }
0x1e: {  	s1 =	simm.s32 $0x0;
	[dreg:$0xe] =	wrdreg s0;
	s0 =	simm.s32 $0x5  }
.LBB2_4:
0x1f: {  	_ =	swait.ge [sflag:s28], $0x1400  }
0x20: {  	[sflag:s28] =	ssyncset.done $0x0  }
0x21: {  	s13 =	simm.s32 $0x9C40;
	s18 =	simm.s32 $0x9A10;
	[sflag:s28] =	ssyncadd.s32 $0xFFFFEC00  }
0x22: {  	[spmem:s2] =	stream.indirect.scatter.add.f32 [tilespmem:s13], [sflag:$0xA], $0x40, s18, s19, $0xb8;
	[tilespmem:$0x1EC80] =	vst v63  }
0x23: {  	s18 =	simm.s32 $0x2  }
0x24: {  	_ =	swait.ge [sflag:s18], $0x1400  }
0x25: {  	[sflag:s18] =	ssyncset.done $0x0  }
0x26: {  	s20 =	simm.s32 $0x9A60;
	s21 =	simm.s32 $0x3;
	[sflag:s18] =	ssyncadd.s32 $0xFFFFEC00  }
0x27: {  	[spmem:s2] =	stream.indirect.scatter.add.f32 [tilespmem:s22], [sflag:$0xB], $0x40, s20, s19, $0xb8;
	[tilespmem:$0x1EC80] =	vst v63  }
0x28: {  	_ =	swait.ge [sflag:s21], $0x1400  }
0x29: {  	[sflag:s21] =	ssyncset.done $0x0  }
0x2a: {  	s22 =	simm.s32 $0x9AB0;
	[sflag:s21] =	ssyncadd.s32 $0xFFFFEC00  }
0x2b: {  	[spmem:s2] =	stream.indirect.scatter.add.f32 [tilespmem:s23], [sflag:$0xC], $0x40, s22, s19, $0xb8;
	[tilespmem:$0x1EC80] =	vst v63  }
0x2c: {  	_ =	swait.ge [sflag:s30], $0x1400  }
0x2d: {  	[sflag:s30] =	ssyncset.done $0x0  }
0x2e: {  	s23 =	simm.s32 $0x9B00;
	[sflag:s30] =	ssyncadd.s32 $0xFFFFEC00  }
0x2f: {  	[spmem:s2] =	stream.indirect.scatter.add.f32 [tilespmem:s24], [sflag:$0xD], $0x40, s23, s19, $0xb8;
	[tilespmem:$0x1EC80] =	vst v63  }
0x30: {  	_ =	swait.ge [sflag:s0], $0x1400  }
0x31: {  	[sflag:s0] =	ssyncset.done $0x0  }
0x32: {  	s24 =	simm.s32 $0x9B50;
	[sflag:s0] =	ssyncadd.s32 $0xFFFFEC00  }
0x33: {  	[spmem:s2] =	stream.indirect.scatter.add.f32 [tilespmem:s26], [sflag:$0xE], $0x40, s24, s19, $0xb8;
	[tilespmem:$0x1EC80] =	vst v63  }
0x34: {  	_ =	swait.ge [sflag:s16], $0x1400  }
0x35: {  	[sflag:s16] =	ssyncset.done $0x0  }
0x36: {  	s29 =	simm.s32 $0x9BA0;
	[sflag:s16] =	ssyncadd.s32 $0xFFFFEC00  }
0x37: {  	[spmem:s2] =	stream.indirect.scatter.add.f32 [tilespmem:s1], [sflag:$0xF], $0x40, s29, s19, $0xb8;
	[tilespmem:$0x1EC80] =	vst v63  }
0x38: {  	_ =	swait.ge [sflag:s4], $0x1400  }
0x39: {  	[sflag:s4] =	ssyncset.done $0x0  }
0x3a: {  	s31 =	simm.s32 $0x9BF0;
	s18 =	simm.s32 $0x13C40;
	[sflag:s4] =	ssyncadd.s32 $0xFFFFEC00  }
0x3b: {  	[spmem:s2] =	stream.indirect.scatter.add.f32 [tilespmem:s17], [sflag:$0x10], $0x40, s31, s19, $0xb8;
	[tilespmem:$0x1EC80] =	vst v63  }
.LBB2_5:
0x3c: {  	_ =	swait.ge [sflag:s5], $0x1400  }
0x3d: {  	[sflag:s5] =	ssyncset.done $0x0  }
0x3e: {  	[sflag:s5] =	ssyncadd.s32 $0xFFFFEC00  }
0x3f: {  	_ =	swait.ge [sflag:s6], $0x1400  }
0x40: {  	[sflag:s6] =	ssyncset.done $0x0  }
0x41: {  	[sflag:s6] =	ssyncadd.s32 $0xFFFFEC00  }
0x42: {  	_ =	swait.ge [sflag:s7], $0x1400  }
0x43: {  	[sflag:s7] =	ssyncset.done $0x0  }
0x44: {  	[sflag:s7] =	ssyncadd.s32 $0xFFFFEC00  }
0x45: {  	_ =	swait.ge [sflag:s9], $0x1400  }
0x46: {  	[sflag:s9] =	ssyncset.done $0x0  }
0x47: {  	[sflag:s9] =	ssyncadd.s32 $0xFFFFEC00  }
0x48: {  	_ =	swait.ge [sflag:s10], $0x1400  }
0x49: {  	[sflag:s10] =	ssyncset.done $0x0  }
0x4a: {  	[sflag:s10] =	ssyncadd.s32 $0xFFFFEC00  }
0x4b: {  	_ =	swait.ge [sflag:s12], $0x1400  }
0x4c: {  	[sflag:s12] =	ssyncset.done $0x0  }
0x4d: {  	[sflag:s12] =	ssyncadd.s32 $0xFFFFEC00  }
0x4e: {  	_ =	swait.ge [sflag:s14], $0x1400  }
0x4f: {  	[sflag:s14] =	ssyncset.done $0x0  }
0x50: {  	[sflag:s14] =	ssyncadd.s32 $0xFFFFEC00  }
0x51: {  	_ =	swait.ge [sflag:s15], $0x1400  }
0x52: {  	[sflag:s15] =	ssyncset.done $0x0  }
0x53: {  	[sflag:s15] =	ssyncadd.s32 $0xFFFFEC00  }
0x54: {  	_ =	swait.ge [sflag:s11], $0x1400  }
0x55: {  	[sflag:s11] =	ssyncset.done $0x0  }
0x56: {  	[sflag:s11] =	ssyncadd.s32 $0xFFFFEC00  }
0x57: {  	[bflag:$0x0] =	sbarrier.arrive $0xFFFF  }
0x58: {  	s1 =	simm.s32 @p0 $0x1;
	s17 =	simm.s32 @p0 $0x10;
	s13 =	rddreg [dreg:$0x8]  }
0x59: {  	s20 =	simm.s32 @p0 $0x8;
	s22 =	simm.s32 @p0 $0x1FD3;
	s21 =	rddreg [dreg:$0xb]  }
0x5a: {  	[hbm:s13@s17], [sflag:s22] =	dma.strided @p0 [spmem:s21@s20], $0x1400, s1, $0x8   }
0x5b: {  	s13 =	simm.s32 @p0 $0x13  }
0x5c: {  	_ =	swait.ge @p0 [sflag:s13], $0x1400  }
0x5d: {  	s1 =	simm.s32 @!p0 $0x1;
	[sflag:s13] =	ssyncset.done @p0 $0x0;
	s20 =	rddreg [dreg:$0x7]  }
0x5e: {  	s17 =	simm.s32 @!p0 $0x10;
	[sflag:s13] =	ssyncadd.s32 @p0 $0xFFFFEC00;
	s13 =	rddreg [dreg:$0x9]  }
0x5f: {  	s22 =	simm.s32 @!p0 $0x8;
	s23 =	rddreg [dreg:$0xe];
	s13 =	sor.u32 @!p0 $0x1C13, s13  }
0x60: {  	[hbm:s20@s17], [sflag:s13] =	dma.strided @!p0 [spmem:s23@s22], $0x1380, s1, $0x8   }
0x61: {  	s13 =	simm.s32 @!p0 $0x13  }
0x62: {  	_ =	swait.ge @!p0 [sflag:s13], $0x1380  }
0x63: {  	s24 =	rddreg [dreg:$0xf]  }
0x64: {  	s26 =	rddreg [dreg:$0xa];
	s1 =	sadd.s32 $0x1, s24  }
0x65: {  	p1 =	sne.s32 s1, s26  }
.Ltmp1:
0x66: {  	_ = 	snop;
	(pc) =	sbr.rel @!p1 .LBB2_6-.Ltmp1, $4  }
0x67: {  	_ = 	snop  }
0x68: {  	s29 =	simm.s32 $0xEC40;
	s31 =	simm.s32 $0x10040;
	s22 =	simm.s32 $0x9C40  }
0x69: {  	s23 =	simm.s32 $0xC440;
	s17 =	simm.s32 $0x12840;
	[sflag:s13] =	ssyncset.done @!p0 $0x0  }
0x6a: {  	[sflag:s13] =	ssyncadd.s32 @!p0 $0xFFFFEC80;
	s24 =	simm.s32 $0xB040;
	s26 =	simm.s32 $0xD840  }
.LBB2_1:
0x6b: {  	[dreg:$0xf] =	wrdreg s1  }
0x6c: {  	s13 =	simm.s32 @p0 $0x1FC1;
	s20 =	rddreg [dreg:$0x4]  }
0x6d: {  	[spmem:s21], [sflag:s13] =	dma.local @p0 [hbm:s20], $0x1400  }
0x6e: {  	s13 =	rddreg [dreg:$0x3]  }
0x6f: {  	s20 =	rddreg [dreg:$0xc]  }
0x70: {  	s21 =	rddreg [dreg:$0xd]  }
0x71: {  	[spmem:s21], [sflag:s20] =	dma.local @!p0 [hbm:s13], $0x1380  }
0x72: {  	s20 =	simm.s32 $0x0;
	s13 =	rddreg [dreg:$0x5]  }
0x73: {  	[tilespmem:s20], [sflag:$0x2] =	stream.linear.gather [hbm4b:s13+s20], $0x4E20, $0x38;
	[tilespmem:$0x1EC80] =	vst v63  }
0x74: {  	s1 =	simm.s32 $0x4E20;
	s21 =	rddreg [dreg:$0x6];
	s13 =	simm.s32 @p0 $0x1  }
0x75: {  	[tilespmem:s1], [sflag:$0x3] =	stream.linear.gather [hbm4b:s21+s20], $0x4E20, $0x38;
	[tilespmem:$0x1EC80] =	vst v63  }
0x76: {  	_ =	swait.ge @p0 [sflag:s13], $0x1400  }
0x77: {  	[sflag:s13] =	ssyncset.done @p0 $0x0  }
0x78: {  	[sflag:s13] =	ssyncadd.s32 @p0 $0xFFFFEC00;
	s13 =	simm.s32 @!p0 $0x1  }
0x79: {  	_ =	swait.ge @!p0 [sflag:s13], $0x1380  }
0x7a: {  	[sflag:s13] =	ssyncset.done @!p0 $0x0  }
0x7b: {  	s21 =	simm.s32 $0x2;
	[sflag:s13] =	ssyncadd.s32 @!p0 $0xFFFFEC80  }
0x7c: {  	_ =	swait.ge [sflag:s21], $0x4E20  }
0x7d: {  	[sflag:s21] =	ssyncset.done $0x0  }
0x7e: {  	s13 =	simm.s32 $0x3;
	[sflag:s21] =	ssyncadd.s32 $0xFFFFB1E0  }
0x7f: {  	_ =	swait.ge [sflag:s13], $0x4E20  }
0x80: {  	[sflag:s13] =	ssyncset.done $0x0  }
0x81: {  	[sflag:s13] =	ssyncadd.s32 $0xFFFFB1E0  }
0x82: {  	[bflag:$0x0] =	sbarrier.arrive $0xFFFF  }
0x83: {  	[tilespmem:s22], [sflag:$0x1] =	stream.indirect.gather [hbm4b:s8+s19], $0x40, s20, s19, $0xb8;
	[tilespmem:$0x1EC80] =	vst v63  }
0x84: {  	_ = 	snop  }
0x85: {  	[tilespmem:s24], [sflag:$0x2] =	stream.indirect.gather [hbm4b:s8+s19], $0x40, s19, s19, $0xb8;
	[tilespmem:$0x1EC80] =	vst v63  }
0x86: {  	s21 =	simm.s32 $0xA0  }
0x87: {  	[tilespmem:s23], [sflag:$0x3] =	stream.indirect.gather [hbm4b:s8+s19], $0x40, s21, s19, $0xb8;
	[tilespmem:$0x1EC80] =	vst v63  }
0x88: {  	s22 =	simm.s32 $0xF0  }
0x89: {  	[tilespmem:s26], [sflag:$0x4] =	stream.indirect.gather [hbm4b:s8+s19], $0x40, s22, s19, $0xb8;
	[tilespmem:$0x1EC80] =	vst v63  }
0x8a: {  	s23 =	simm.s32 $0x140  }
0x8b: {  	[tilespmem:s29], [sflag:$0x5] =	stream.indirect.gather [hbm4b:s8+s19], $0x40, s23, s19, $0xb8;
	[tilespmem:$0x1EC80] =	vst v63  }
0x8c: {  	s24 =	simm.s32 $0x190  }
0x8d: {  	[tilespmem:s31], [sflag:$0x6] =	stream.indirect.gather [hbm4b:s8+s19], $0x40, s24, s19, $0xb8;
	[tilespmem:$0x1EC80] =	vst v63  }
0x8e: {  	s26 =	simm.s32 $0x1E0;
	s29 =	simm.s32 $0x11440  }
0x8f: {  	[tilespmem:s29], [sflag:$0x7] =	stream.indirect.gather [hbm4b:s8+s19], $0x40, s26, s19, $0xb8;
	[tilespmem:$0x1EC80] =	vst v63  }
0x90: {  	s13 =	simm.s32 $0x0;
	s20 =	simm.s32 $0x0;
	s31 =	simm.s32 $0x230  }
0x91: {  	[tilespmem:s17], [sflag:$0x8] =	stream.indirect.gather [hbm4b:s8+s19], $0x40, s31, s19, $0xb8;
	[tilespmem:$0x1EC80] =	vst v63  }
.LBB2_2:
0x92: {  	s21 =	sshra.s32 s13, $0x2  }
0x93: {  	s22 =	sadd.s32 $0x280, s21  }
0x94: {  	[tilespmem:s18], [sflag:$0x9] =	stream.indirect.gather [hbm4b:s8+s19], $0x40, s22, s19, $0xb8;
	[tilespmem:$0x1EC80] =	vst v63  }
0x95: {  	_ =	swait.ge [sflag:s28], $0x1400  }
0x96: {  	[sflag:s28] =	ssyncset.done $0x0  }
0x97: {  	s24 =	simm.s32 $0x9C40;
	s1 =	sadd.s32 $0x4E20, s21;
	[sflag:s28] =	ssyncadd.s32 $0xFFFFEC00  }
0x98: {  	[spmem:s2] =	stream.indirect.scatter.add.f32 [tilespmem:s24], [sflag:$0xA], $0x40, s1, s19, $0xb8;
	[tilespmem:$0x1EC80] =	vst v63  }
0x99: {  	s1 =	simm.s32 $0x2  }
0x9a: {  	_ =	swait.ge [sflag:s1], $0x1400  }
0x9b: {  	s23 =	simm.s32 $0xB040;
	[sflag:s1] =	ssyncset.done $0x0  }
0x9c: {  	s26 =	simm.s32 $0x3;
	s17 =	sadd.s32 $0x4E70, s21;
	[sflag:s1] =	ssyncadd.s32 $0xFFFFEC00  }
0x9d: {  	[spmem:s2] =	stream.indirect.scatter.add.f32 [tilespmem:s23], [sflag:$0xB], $0x40, s17, s19, $0xb8;
	[tilespmem:$0x1EC80] =	vst v63  }
0x9e: {  	_ =	swait.ge [sflag:s26], $0x1400  }
0x9f: {  	[sflag:s26] =	ssyncset.done $0x0  }
0xa0: {  	s1 =	sadd.s32 $0x4EC0, s21;
	[sflag:s26] =	ssyncadd.s32 $0xFFFFEC00;
	s26 =	simm.s32 $0xC440  }
0xa1: {  	[spmem:s2] =	stream.indirect.scatter.add.f32 [tilespmem:s26], [sflag:$0xC], $0x40, s1, s19, $0xb8;
	[tilespmem:$0x1EC80] =	vst v63  }
0xa2: {  	_ =	swait.ge [sflag:s30], $0x1400  }
0xa3: {  	[sflag:s30] =	ssyncset.done $0x0  }
0xa4: {  	s29 =	simm.s32 $0xD840;
	s17 =	sadd.s32 $0x4F10, s21;
	[sflag:s30] =	ssyncadd.s32 $0xFFFFEC00  }
0xa5: {  	[spmem:s2] =	stream.indirect.scatter.add.f32 [tilespmem:s29], [sflag:$0xD], $0x40, s17, s19, $0xb8;
	[tilespmem:$0x1EC80] =	vst v63  }
0xa6: {  	_ =	swait.ge [sflag:s0], $0x1400  }
0xa7: {  	[sflag:s0] =	ssyncset.done $0x0  }
0xa8: {  	s31 =	simm.s32 $0xEC40;
	s1 =	sadd.s32 $0x4F60, s21;
	[sflag:s0] =	ssyncadd.s32 $0xFFFFEC00  }
0xa9: {  	[spmem:s2] =	stream.indirect.scatter.add.f32 [tilespmem:s31], [sflag:$0xE], $0x40, s1, s19, $0xb8;
	[tilespmem:$0x1EC80] =	vst v63  }
0xaa: {  	_ =	swait.ge [sflag:s16], $0x1400  }
0xab: {  	p1 =	seq.s32 s13, $0x12FC0;
	[sflag:s16] =	ssyncset.done $0x0  }
0xac: {  	s17 =	sadd.s32 $0x4FB0, s21;
	s1 =	simm.s32 $0x10040;
	[sflag:s16] =	ssyncadd.s32 $0xFFFFEC00  }
0xad: {  	[spmem:s2] =	stream.indirect.scatter.add.f32 [tilespmem:s1], [sflag:$0xF], $0x40, s17, s19, $0xb8;
	[tilespmem:$0x1EC80] =	vst v63  }
.Ltmp2:
0xae: {  	_ = 	snop;
	(pc) =	sbr.rel @p1 .LBB2_5-.Ltmp2, $4  }
0xaf: {  	_ =	swait.ge [sflag:s4], $0x1400  }
0xb0: {  	[sflag:s4] =	ssyncset.done $0x0  }
0xb1: {  	s22 =	sadd.s32 $0x5000, s21;
	s17 =	simm.s32 $0x11440;
	[sflag:s4] =	ssyncadd.s32 $0xFFFFEC00  }
0xb2: {  	[spmem:s2] =	stream.indirect.scatter.add.f32 [tilespmem:s17], [sflag:$0x10], $0x40, s22, s19, $0xb8;
	[tilespmem:$0x1EC80] =	vst v63  }
0xb3: {  	s18 =	simm.s32 $0x8  }
0xb4: {  	_ =	swait.ge [sflag:s18], $0x1400  }
0xb5: {  	[sflag:s18] =	ssyncset.done $0x0  }
0xb6: {  	s22 =	sadd.s32 $0x5050, s21;
	[sflag:s18] =	ssyncadd.s32 $0xFFFFEC00;
	s18 =	simm.s32 $0x12840  }
0xb7: {  	[spmem:s2] =	stream.indirect.scatter.add.f32 [tilespmem:s18], [sflag:$0x11], $0x40, s22, s19, $0xb8;
	[tilespmem:$0x1EC80] =	vst v63  }
0xb8: {  	_ =	swait.ge [sflag:s3], $0x1400  }
0xb9: {  	[sflag:s3] =	ssyncset.done $0x0  }
0xba: {  	s22 =	sadd.s32 $0x50A0, s21;
	[sflag:s3] =	ssyncadd.s32 $0xFFFFEC00  }
0xbb: {  	[spmem:s2] =	stream.indirect.scatter.add.f32 [tilespmem:s25], [sflag:$0x12], $0x40, s22, s19, $0xb8;
	[tilespmem:$0x1EC80] =	vst v63  }
0xbc: {  	_ =	swait.ge [sflag:s5], $0x1400  }
0xbd: {  	[sflag:s5] =	ssyncset.done $0x0  }
0xbe: {  	s22 =	sadd.s32 $0x2D0, s21;
	[sflag:s5] =	ssyncadd.s32 $0xFFFFEC00  }
0xbf: {  	[tilespmem:s24], [sflag:$0x1] =	stream.indirect.gather [hbm4b:s8+s19], $0x40, s22, s19, $0xb8;
	[tilespmem:$0x1EC80] =	vst v63  }
0xc0: {  	_ =	swait.ge [sflag:s6], $0x1400  }
0xc1: {  	[sflag:s6] =	ssyncset.done $0x0  }
0xc2: {  	s24 =	sadd.s32 $0x320, s21;
	[sflag:s6] =	ssyncadd.s32 $0xFFFFEC00  }
0xc3: {  	[tilespmem:s23], [sflag:$0x2] =	stream.indirect.gather [hbm4b:s8+s19], $0x40, s24, s19, $0xb8;
	[tilespmem:$0x1EC80] =	vst v63  }
0xc4: {  	_ =	swait.ge [sflag:s7], $0x1400  }
0xc5: {  	[sflag:s7] =	ssyncset.done $0x0  }
0xc6: {  	s23 =	sadd.s32 $0x370, s21;
	[sflag:s7] =	ssyncadd.s32 $0xFFFFEC00  }
0xc7: {  	[tilespmem:s26], [sflag:$0x3] =	stream.indirect.gather [hbm4b:s8+s19], $0x40, s23, s19, $0xb8;
	[tilespmem:$0x1EC80] =	vst v63  }
0xc8: {  	_ =	swait.ge [sflag:s9], $0x1400  }
0xc9: {  	[sflag:s9] =	ssyncset.done $0x0  }
0xca: {  	s24 =	sadd.s32 $0x3C0, s21;
	[sflag:s9] =	ssyncadd.s32 $0xFFFFEC00  }
0xcb: {  	[tilespmem:s29], [sflag:$0x4] =	stream.indirect.gather [hbm4b:s8+s19], $0x40, s24, s19, $0xb8;
	[tilespmem:$0x1EC80] =	vst v63  }
0xcc: {  	_ =	swait.ge [sflag:s10], $0x1400  }
0xcd: {  	[sflag:s10] =	ssyncset.done $0x0  }
0xce: {  	s26 =	sadd.s32 $0x410, s21;
	[sflag:s10] =	ssyncadd.s32 $0xFFFFEC00  }
0xcf: {  	[tilespmem:s31], [sflag:$0x5] =	stream.indirect.gather [hbm4b:s8+s19], $0x40, s26, s19, $0xb8;
	[tilespmem:$0x1EC80] =	vst v63  }
0xd0: {  	_ =	swait.ge [sflag:s12], $0x1400  }
0xd1: {  	[sflag:s12] =	ssyncset.done $0x0  }
0xd2: {  	p1 =	slt.u32 s20, $0x1A;
	s29 =	sadd.s32 $0x460, s21;
	[sflag:s12] =	ssyncadd.s32 $0xFFFFEC00  }
0xd3: {  	[tilespmem:s1], [sflag:$0x6] =	stream.indirect.gather [hbm4b:s8+s19], $0x40, s29, s19, $0xb8;
	[tilespmem:$0x1EC80] =	vst v63  }
.Ltmp3:
0xd4: {  	_ =	swait.ge [sflag:s14], $0x1400;
	(pc) =	sbr.rel @!p1 .LBB2_4-.Ltmp3, $4  }
0xd5: {  	s22 =	simm.s32 $0xB040;
	s23 =	simm.s32 $0xC440;
	[sflag:s14] =	ssyncset.done $0x0  }
0xd6: {  	s24 =	simm.s32 $0xD840;
	s31 =	sadd.s32 $0x4B0, s21;
	[sflag:s14] =	ssyncadd.s32 $0xFFFFEC00  }
0xd7: {  	[tilespmem:s17], [sflag:$0x7] =	stream.indirect.gather [hbm4b:s8+s19], $0x40, s31, s19, $0xb8;
	[tilespmem:$0x1EC80] =	vst v63  }
0xd8: {  	s26 =	simm.s32 $0xEC40;
	s1 =	simm.s32 $0x10040;
	s17 =	simm.s32 $0x11440  }
0xd9: {  	_ =	swait.ge [sflag:s15], $0x1400  }
0xda: {  	[sflag:s15] =	ssyncset.done $0x0  }
.Ltmp4:
0xdb: {  	s21 =	sadd.s32 $0x500, s21;
	[sflag:s15] =	ssyncadd.s32 $0xFFFFEC00;
	(pc) =	sbr.rel .LBB2_2-.Ltmp4, $4  }
0xdc: {  	[tilespmem:s18], [sflag:$0x8] =	stream.indirect.gather [hbm4b:s8+s19], $0x40, s21, s19, $0xb8;
	[tilespmem:$0x1EC80] =	vst v63  }
0xdd: {  	_ =	swait.ge [sflag:s11], $0x1400  }
0xde: {  	s13 =	sadd.s32 $0xB40, s13;
	[sflag:s11] =	ssyncset.done $0x0  }
0xdf: {  	s20 =	sadd.s32 $0x1, s20;
	s18 =	simm.s32 $0x13C40;
	[sflag:s11] =	ssyncadd.s32 $0xFFFFEC00  }
.LBB2_6:
0xe0: {  	_ =	sfence.sel $0x180000  }
0xe1: {  	[bflag:$0x0] =	sbarrier.arrive $0xFFFF  }
0xe2: {  	_ =	strace $0x90000047  }
0xe3: {  	s0 =	stileid.u32;
	[bflag:$0x2] =	sbarrier.arrive $0xFFFF  }
0xe4: {  	p0 =	sne.s32 s0, $0x0;
	s0 =	rddreg [dreg:$0x2]  }
0xe5: {  	s0 =	sadd.s32 @!p0 $0x100000, s0  }
0xe6: {  	[sflag:s0] =	ssyncadd.tile.s32 @!p0 $0x1;
	_ =	shalt  }
.Lfunc_end2:
_tile_overlayer_lowered:
.L_overlay_start_2:
0xe7: {  	(tag) =	ssettag $0x2  }
0xe8: {  	s0 =	rddreg [dreg:$0x0];
	s2 =	stileid.u32  }
0xe9: {  	s1 =	rddreg [dreg:$0x1];
	p0 =	sne.s32 s2, $0x0  }
0xea: {  	s3 =	rddreg [dreg:$0x2];
	[bflag:$0x3] =	sbarrier.arrive $0xFFFF;
	s2 =	simm.s32 @!p0 $0x1C13  }
0xeb: {  	[timem:s3], [sflag:s2] =	dma.local @!p0 [hbm:s0], s1  }
0xec: {  	s0 =	simm.s32 @!p0 $0x13  }
0xed: {  	_ =	swait.ge @!p0 [sflag:s0], s1  }
0xee: {  	s1 =	ssub.s32 @!p0 $0x0, s1;
	[sflag:s0] =	ssyncset.done @!p0 $0x0  }
0xef: {  	[sflag:s0] =	ssyncadd.s32 @!p0 s1  }
0xf0: {  	[bflag:$0x3] =	sbarrier.arrive $0xFFFF  }
0xf1: {  	_ =	shalt  }

// kernel: kernel.9.cloned.1.call-start
scs
__scs_entry_jumppad:
0x0: {  	(pc) =	sbr.rel $0x88, $3  }
0x1: {  	(tag) =	ssettag $0x0;
	lr =	simm.s32 $0x1  }
0x2: {  	[smem:$0x3F97] =	sst lr;
	_ =	strace $0xD0000000  }
0x3: {  	_ = 	snop  }
0x4: {  	_ = 	snop  }
0x5: {  	_ = 	snop  }
0x6: {  	_ = 	snop  }
0x7: {  	_ = 	snop  }
__scs_overlays_trampoline_lowered:
0x8: {  	[smem:$0x3FA6] =	sst s0  }
0x9: {  	[smem:$0x3FA7] =	sst s1  }
0xa: {  	[smem:$0x3FA8] =	sst s2  }
0xb: {  	[smem:$0x3FA9] =	sst s3  }
0xc: {  	[smem:$0x3FAA] =	sst s4  }
0xd: {  	[smem:$0x3FAB] =	sst s5  }
0xe: {  	[smem:$0x3FAC] =	sst s6  }
0xf: {  	[smem:$0x3FAD] =	sst s7  }
0x10: {  	[smem:$0x3FAE] =	sst s8  }
0x11: {  	[smem:$0x3FAF] =	sst s9;
	s0 =	simm.s32 @!p0 $0x0  }
0x12: {  	s1 =	sld [smem:$0x3F95];
	s0 =	simm.s32 @p0 $0x1  }
0x13: {  	[smem:$0x3FB0] =	sst s0;
	s0 =	simm.s32 @!p1 $0x0  }
0x14: {  	s2 =	sld [smem:$0x3F94];
	s0 =	simm.s32 @p1 $0x1  }
0x15: {  	[smem:$0x3FB1] =	sst s0;
	s0 =	simm.s32 @!p2 $0x0  }
0x16: {  	s3 =	sld [smem:$0x3FDB];
	s0 =	simm.s32 @p2 $0x1  }
0x17: {  	s4 =	simm.s32 $0x1BF5;
	[smem:$0x3FB3] =	sst s0  }
0x18: {  	s0 =	sld [smem:$0x3F96];
	_ =	swait.ge [sflag:s4], $0x0  }
0x19: {  	s7 =	sld [smem:$0x3F97]  }
0x1a: {  	s8 =	sadd.s32 $0xFFFFE003, lr  }
0x1b: {  	s9 =	sadd.s32 $0xFFFFFEF7, lr;
	s5 =	simm.s32 $0xFFFFFFFF;
	p2 =	slt.u32 s8, $0xFFFFF086  }
0x1c: {  	p1 =	slt.u32 s9, $0xF7A;
	s5 =	simm.s32 @!p2 $0x0  }
0x1d: {  	s5 =	simm.s32 @p1 $0x1;
	p0 =	seq.s32 s7, s2  }
0x1e: {  	s7 =	smul.u32 @!p0 $0xF7A, s2;
	p2 =	seq.s32 @!p0 s5, $0x0  }
0x1f: {  	s9 =	smul.u32 $0xF7A, s1;
	s8 =	simm.s32 @!p0 $0x1BF5;
	p2 =	por !p2, p0  }
0x20: {  	[sflag:s8] =	ssyncset.s32 @!p0 $0xFFFFF086;
	s6 =	sadd.s32 @!p0 s3, s7;
	s7 =	simm.s32 @!p0 $0x108  }
0x21: {  	s3 =	sadd.s32 s3, s9;
	s6 =	sadd.s32 @!p0 $0x88, s6;
	s7 =	simm.s32 @p2 $0x1082  }
0x22: {  	[simem:s7], [sflag:s8] =	dma.local @!p0 [hbm:s6], $0xF7A  }
0x23: {  	s9 =	sor.u32 $0xD0000000, s2;
	s6 =	simm.s32 $0x108;
	_ =	swait.ge @!p0 [sflag:s8], $0x0  }
0x24: {  	s3 =	sadd.s32 $0x88, s3;
	s6 =	simm.s32 @!p1 $0x1082;
	[sflag:s4] =	ssyncset.s32 $0xFFFFF086  }
0x25: {  	[simem:s6], [sflag:s4] =	dma.local [hbm:s3], $0xF7A  }
0x26: {  	[smem:$0x3F97] =	sst s1;
	(tag) =	ssettag s2;
	_ =	strace s9  }
0x27: {  	s1 =	sld [smem:$0x3FA7]  }
0x28: {  	s2 =	sld [smem:$0x3FA8]  }
0x29: {  	s4 =	sld [smem:$0x3FAA]  }
0x2a: {  	p0 =	seq.s32 s5, $0x0;
	s5 =	sld [smem:$0x3FAB]  }
0x2b: {  	s6 =	sld [smem:$0x3FAC]  }
0x2c: {  	s7 =	sld [smem:$0x3FAD]  }
0x2d: {  	s3 =	simm.s32 $0x108;
	s8 =	sld [smem:$0x3FAE]  }
0x2e: {  	s3 =	simm.s32 @!p0 $0x1082;
	s9 =	sld [smem:$0x3FAF]  }
0x2f: {  	lr =	sadd.s32 s0, s3;
	s0 =	sld [smem:$0x3FA6]  }
0x30: {  	s3 =	sld [smem:$0x3FA9]  }
0x31: {  	[smem:$0x3FB2] =	sst s10  }
0x32: {  	s10 =	sld [smem:$0x3FB0];
	_ =	sdelay $0x3  }
0x33: {  	p0 =	seq.s32 s10, $0x1;
	s10 =	sld [smem:$0x3FB2];
	_ =	sdelay $0x3  }
0x34: {  	[smem:$0x3FB2] =	sst s10  }
0x35: {  	s10 =	sld [smem:$0x3FB1];
	_ =	sdelay $0x3  }
0x36: {  	p1 =	seq.s32 s10, $0x1;
	s10 =	sld [smem:$0x3FB2];
	_ =	sdelay $0x3  }
0x37: {  	[smem:$0x3FB2] =	sst s10  }
0x38: {  	s10 =	sld [smem:$0x3FB3]  }
0x39: {  	_ = 	snop;
	(pc) =	sbr.ind lr, $3  }
0x3a: {  	_ = 	snop  }
0x3b: {  	_ = 	snop  }
0x3c: {  	p2 =	seq.s32 s10, $0x1;
	s10 =	sld [smem:$0x3FB2]  }
0x3d: {  	_ =	shalt  }
0x3e: {  	_ =	shalt  }
0x3f: {  	_ =	shalt  }
0x40: {  	_ =	shalt  }
0x41: {  	_ =	shalt  }
0x42: {  	_ =	shalt  }
0x43: {  	_ =	shalt  }
0x44: {  	_ =	shalt  }
0x45: {  	_ =	shalt  }
0x46: {  	_ =	shalt  }
0x47: {  	_ =	shalt  }
0x48: {  	_ =	shalt  }
0x49: {  	_ =	shalt  }
0x4a: {  	_ =	shalt  }
0x4b: {  	_ =	shalt  }
0x4c: {  	_ =	shalt  }
0x4d: {  	_ =	shalt  }
0x4e: {  	_ =	shalt  }
0x4f: {  	_ =	shalt  }
0x50: {  	_ =	shalt  }
0x51: {  	_ =	shalt  }
0x52: {  	_ =	shalt  }
0x53: {  	_ =	shalt  }
0x54: {  	_ =	shalt  }
0x55: {  	_ =	shalt  }
0x56: {  	_ =	shalt  }
0x57: {  	_ =	shalt  }
0x58: {  	_ =	shalt  }
0x59: {  	_ =	shalt  }
0x5a: {  	_ =	shalt  }
0x5b: {  	_ =	shalt  }
0x5c: {  	_ =	shalt  }
0x5d: {  	_ =	shalt  }
0x5e: {  	_ =	shalt  }
0x5f: {  	_ =	shalt  }
0x60: {  	_ =	shalt  }
0x61: {  	_ =	shalt  }
0x62: {  	_ =	shalt  }
0x63: {  	_ =	shalt  }
0x64: {  	_ =	shalt  }
0x65: {  	_ =	shalt  }
0x66: {  	_ =	shalt  }
0x67: {  	_ =	shalt  }
0x68: {  	_ =	shalt  }
0x69: {  	_ =	shalt  }
0x6a: {  	_ =	shalt  }
0x6b: {  	_ =	shalt  }
0x6c: {  	_ =	shalt  }
0x6d: {  	_ =	shalt  }
0x6e: {  	_ =	shalt  }
0x6f: {  	_ =	shalt  }
0x70: {  	_ =	shalt  }
0x71: {  	_ =	shalt  }
0x72: {  	_ =	shalt  }
0x73: {  	_ =	shalt  }
0x74: {  	_ =	shalt  }
0x75: {  	_ =	shalt  }
0x76: {  	_ =	shalt  }
0x77: {  	_ =	shalt  }
0x78: {  	_ =	shalt  }
0x79: {  	_ =	shalt  }
0x7a: {  	_ =	shalt  }
0x7b: {  	_ =	shalt  }
0x7c: {  	_ =	shalt  }
0x7d: {  	_ =	shalt  }
0x7e: {  	_ =	shalt  }
0x7f: {  	_ =	shalt  }
0x80: {  	_ =	shalt  }
0x81: {  	_ =	shalt  }
0x82: {  	_ =	shalt  }
0x83: {  	_ =	shalt  }
0x84: {  	_ =	shalt  }
0x85: {  	_ =	shalt  }
0x86: {  	_ =	shalt  }
0x87: {  	_ =	shalt  }
.Lfunc_end0:
.L_simem_size_0:
called_computation.1_lowered:
.L_overlay_start_0:
0x88: {  	s2 =	sld [smem:$0x3FD9]  }
0x89: {  	s3 =	sld [smem:$0x3FFE];
	_ =	sdelay $0x1  }
0x8a: {  	s1 =	srdreg.scid  }
0x8b: {  	s0 =	sand.u32 $0x1, s1  }
0x8c: {  	s16 =	sshll.u32 s0, $0xA;
	s2 =	sadd.s32 s3, s2  }
0x8d: {  	s2 =	sadd.s32 s2, s16  }
0x8e: {  	[smem:$0x3FBE] =	sst s2  }
0x8f: {  	_ = 	snop  }
0x90: {  	(tm) =	ssettm $0x1  }
0x91: {  	s17 =	sld [smem:$0x3FFB];
	_ =	sdelay $0x3  }
0x92: {  	_ =	strace s17  }
0x93: {  	s2 =	sld [smem:$0x3FFC];
	_ =	sdelay $0x3  }
0x94: {  	_ =	strace s2  }
0x95: {  	s2 =	sld [smem:$0x3FFD];
	_ =	sdelay $0x3  }
0x96: {  	_ =	strace s2  }
0x97: {  	_ =	strace $0x8FFFFFFF  }
0x98: {  	s18 =	sld [smem:$0x3FDB];
	_ =	sdelay $0x1  }
0x99: {  	s19 =	simm.s32 $_scs_section_size  }
0x9a: {  	s4 =	simm.s32 $_size__tile_overlayer_lowered;
	s5 =	simm.s32 $_tile_overlayer_lowered  }
0x9b: {  	s22 =	simm.s32 $0x1BFF;
	s21 =	sshll.u32 s5, $0x1;
	s2 =	sadd.s32 s19, s18  }
0x9c: {  	s6 =	simm.s32 $0x0;
	s20 =	sshll.u32 s4, $0x1;
	s4 =	sadd.s32 s21, s2  }
0x9d: {  	[timem:s6], [sflag:s22] =	dma.local [hbm:s4], s20  }
0x9e: {  	_ =	swait.ge [sflag:s22], s20  }
0x9f: {  	s3 =	ssub.s32 $0x0, s20;
	[sflag:s22] =	ssyncset.done $0x0  }
0xa0: {  	[sflag:s22] =	ssyncadd.s32 s3;
	_ =	sdelay $0x1  }
0xa1: {  	s23 =	simm.s32 $0x1B8B  }
0xa2: {  	_ =	swait.ge [sflag:s23], $0x1  }
0xa3: {  	[sflag:s23] =	ssyncset.done $0x0  }
0xa4: {  	s25 =	simm.s32 $0x1B8E;
	s24 =	sld [smem:$0x3FFE];
	[sflag:s23] =	ssyncadd.s32 $0xFFFFFFFF  }
0xa5: {  	s26 =	simm.s32 $execute0_lowered;
	[smem:$0x3FD2] =	sst s25  }
0xa6: {  	s4 =	sshll.u32 s26, $0x1;
	_ =	strace $0x80000049;
	[dreg:$0x1] =	wrdreg $0xFFFFFFFF  }
0xa7: {  	s28 =	simm.s32 $_size_execute0_lowered;
	s2 =	sadd.s32 s2, s4;
	[dreg:$0x0] =	wrdreg $0x0  }
0xa8: {  	s4 =	sshll.u32 s28, $0x1;
	[dreg:$0x2] =	wrdreg s2  }
0xa9: {  	[dreg:$0x3] =	wrdreg s4  }
0xaa: {  	[dreg:$0x4] =	wrdreg $0xC0  }
0xab: {  	_ =	task [dreg:s6], $0x5FFFF  }
0xac: {  	[dreg:$0x1] =	wrdreg $0xFFFFFFFF  }
0xad: {  	[dreg:$0x0] =	wrdreg $0x60  }
0xae: {  	[dreg:$0x2] =	wrdreg s24  }
0xaf: {  	[dreg:$0x3] =	wrdreg $0x150400  }
0xb0: {  	[dreg:$0x4] =	wrdreg $0x9  }
0xb1: {  	_ =	task.clear_ibuf [dreg:s6], $0x5FFFF;
	_ =	strace $0x90000049  }
0xb2: {  	s29 =	simm.s32 $0x9;
	_ =	strace $0x8000004B  }
0xb3: {  	_ =	swait.ge [sflag:s29], $0x1  }
0xb4: {  	[sflag:s29] =	ssyncadd.s32 $0xFFFFFFFF  }
0xb5: {  	_ =	strace $0x9000004B  }
0xb6: {  	_ =	sfence  }
0xb7: {  	s30 =	sld [smem:$0x0];
	_ =	sdelay $0x2  }
0xb8: {  	s31 =	sshll.u32 s1, $0xD;
	s1 =	sshrl.u32 s1, $0x2  }
0xb9: {  	s3 =	sand.u32 $0x4000, s31;
	s1 =	sadd.s32 s1, s30  }
0xba: {  	s0 =	sor.u32 s3, s0;
	s1 =	sshll.u32 s1, $0x11  }
0xbb: {  	s0 =	sor.u32 s1, s0  }
0xbc: {  	s0 =	sadd.s32 $0x8F2B, s0  }
0xbd: {  	[sflag:s0] =	ssyncadd.remote.s32 $0x1  }
0xbe: {  	_ =	sfence.sel $0xFFFF  }
0xbf: {  	[dreg:$0x0] =	wrdreg $0xFFFFFFFF;
	(pc) =	sbr.abs _section_cstart, $3  }
0xc0: {  	[dreg:$0x1] =	wrdreg $0xFFFFFFFF  }
0xc1: {  	_ =	task.clear_ibuf [dreg:s6], $0x2FFFF;
	_ =	strace $0x9FFFFFFF  }
0xc2: {  	(tm) =	ssettm $0x7FFFFFFF  }
0xc3: {  	_ =	shalt  }
tec
execute0_lowered:
.L_overlay_start_1:
0x0: {  	(tag) =	ssettag $0x1  }
0x1: {  	s0 =	rddreg [dreg:$0x0]  }
0x2: {  	s2 =	rddreg [dreg:$0x1]  }
0x3: {  	s11 =	stileid.u32;
	s1 =	srdreg.scid;
	s4 =	simm.s32 $0x0  }
0x4: {  	s29 =	simm.s32 $0xEC40;
	s31 =	simm.s32 $0x10040;
	s17 =	simm.s32 $0x12840  }
0x5: {  	s28 =	simm.s32 $0x1;
	s30 =	simm.s32 $0x4;
	s16 =	simm.s32 $0x6  }
0x6: {  	s12 =	simm.s32 $0xF;
	s14 =	simm.s32 $0x10;
	s3 =	smul.u32 $0x9C4, s11  }
0x7: {  	s15 =	simm.s32 $0x11;
	s1 =	sand.u32 $0x1, s1;
	s6 =	smul.u32 $0x9C00, s11  }
0x8: {  	[smem:$0x7FF] =	sst s4;
	s7 =	sadd.s32 $0x1A00, s0;
	s20 =	smul.u32 $0x13800, s11  }
0x9: {  	s9 =	sadd.s32 $0x92400, s2;
	s24 =	smul.u32 $0x27000, s11;
	p0 =	seq.s32 s11, $0xF  }
0xa: {  	s18 =	smul.u32 $0x9C400, s1;
	_ =	strace $0x8000004A;
	s5 =	ssub.s32 $0x2, s1  }
0xb: {  	s21 =	sshll.u32 s1, $0x6;
	s22 =	smul.u32 $0x13880, s1;
	s1 =	sshll.u32 s1, $0x3  }
0xc: {  	s3 =	sadd.s32 s3, s0;
	s8 =	sshrl.u32 s5, $0x1;
	s0 =	sadd.s32 $0x3C800, s0  }
0xd: {  	s25 =	sshrl.u32 s24, $0x2;
	s24 =	simm.s32 $0xB040;
	s5 =	ssub.s32 s5, s8  }
0xe: {  	s19 =	sadd.s32 s6, s18;
	s6 =	sadd.s32 s6, s2;
	s4 =	sshrl.u32 s18, $0x3  }
0xf: {  	s10 =	sadd.s32 $0x32A00, s3;
	s3 =	sadd.s32 $0x28C00, s3;
	s18 =	simm.s32 $0x13C40  }
0x10: {  	s8 =	sshrl.u32 s19, $0x3;
	s4 =	sadd.s32 s7, s4;
	[dreg:$0x5] =	wrdreg s10  }
0x11: {  	[dreg:$0x6] =	wrdreg s3;
	s26 =	smax.u32 s5, $0x1;
	s19 =	simm.s32 $0x50  }
0x12: {  	s5 =	simm.s32 $0xA;
	s8 =	sadd.s32 s7, s8;
	[dreg:$0xa] =	wrdreg s26  }
0x13: {  	s10 =	simm.s32 $0xE;
	s4 =	sadd.s32 $0x12480, s4;
	[dreg:$0x3] =	wrdreg s8  }
0x14: {  	s26 =	simm.s32 $0xD840;
	[dreg:$0x4] =	wrdreg s4;
	s4 =	sor.u32 s21, s20  }
0x15: {  	s8 =	sadd.s32 s7, s22;
	s21 =	sshrl.u32 @p0 s9, $0x3;
	s22 =	simm.s32 $0x9C40  }
0x16: {  	s7 =	simm.s32 $0xC;
	s9 =	simm.s32 $0xD;
	s23 =	sshrl.u32 s4, $0x3  }
0x17: {  	s4 =	simm.s32 $0x7;
	[dreg:$0xb] =	wrdreg s21;
	s3 =	sadd.s32 s0, s23  }
0x18: {  	s0 =	sadd.s32 s1, s0;
	s1 =	sadd.s32 s25, s2;
	s23 =	simm.s32 $0xC440  }
0x19: {  	s25 =	simm.s32 $0x13C40;
	[dreg:$0x7] =	wrdreg s3;
	s0 =	sadd.s32 $0x24900, s0  }
.Ltmp0:
0x1a: {  	[dreg:$0x8] =	wrdreg s0;
	s0 =	sshll.u32 @!p0 s11, $0x6;
	(pc) =	sbr.rel .LBB2_1-.Ltmp0, $4  }
0x1b: {  	s3 =	simm.s32 $0x9;
	[dreg:$0x9] =	wrdreg s0;
	s0 =	sor.u32 @!p0 $0x1C01, s0  }
0x1c: {  	s11 =	simm.s32 $0x12;
	[dreg:$0xc] =	wrdreg s0;
	s0 =	sshrl.u32 @!p0 s6, $0x3  }
0x1d: {  	s6 =	simm.s32 $0xB;
	[dreg:$0xd] =	wrdreg s0;
	s0 =	sshrl.u32 @!p0 s1, $0x3  }
0x1e: {  	s1 =	simm.s32 $0x0;
	[dreg:$0xe] =	wrdreg s0;
	s0 =	simm.s32 $0x5  }
.LBB2_4:
0x1f: {  	_ =	swait.ge [sflag:s28], $0x1400  }
0x20: {  	[sflag:s28] =	ssyncset.done $0x0  }
0x21: {  	s13 =	simm.s32 $0x9C40;
	s18 =	simm.s32 $0x9A10;
	[sflag:s28] =	ssyncadd.s32 $0xFFFFEC00  }
0x22: {  	[spmem:s2] =	stream.indirect.scatter.add.f32 [tilespmem:s13], [sflag:$0xA], $0x40, s18, s19, $0xb8;
	[tilespmem:$0x1EC80] =	vst v63  }
0x23: {  	s18 =	simm.s32 $0x2  }
0x24: {  	_ =	swait.ge [sflag:s18], $0x1400  }
0x25: {  	[sflag:s18] =	ssyncset.done $0x0  }
0x26: {  	s20 =	simm.s32 $0x9A60;
	s21 =	simm.s32 $0x3;
	[sflag:s18] =	ssyncadd.s32 $0xFFFFEC00  }
0x27: {  	[spmem:s2] =	stream.indirect.scatter.add.f32 [tilespmem:s22], [sflag:$0xB], $0x40, s20, s19, $0xb8;
	[tilespmem:$0x1EC80] =	vst v63  }
0x28: {  	_ =	swait.ge [sflag:s21], $0x1400  }
0x29: {  	[sflag:s21] =	ssyncset.done $0x0  }
0x2a: {  	s22 =	simm.s32 $0x9AB0;
	[sflag:s21] =	ssyncadd.s32 $0xFFFFEC00  }
0x2b: {  	[spmem:s2] =	stream.indirect.scatter.add.f32 [tilespmem:s23], [sflag:$0xC], $0x40, s22, s19, $0xb8;
	[tilespmem:$0x1EC80] =	vst v63  }
0x2c: {  	_ =	swait.ge [sflag:s30], $0x1400  }
0x2d: {  	[sflag:s30] =	ssyncset.done $0x0  }
0x2e: {  	s23 =	simm.s32 $0x9B00;
	[sflag:s30] =	ssyncadd.s32 $0xFFFFEC00  }
0x2f: {  	[spmem:s2] =	stream.indirect.scatter.add.f32 [tilespmem:s24], [sflag:$0xD], $0x40, s23, s19, $0xb8;
	[tilespmem:$0x1EC80] =	vst v63  }
0x30: {  	_ =	swait.ge [sflag:s0], $0x1400  }
0x31: {  	[sflag:s0] =	ssyncset.done $0x0  }
0x32: {  	s24 =	simm.s32 $0x9B50;
	[sflag:s0] =	ssyncadd.s32 $0xFFFFEC00  }
0x33: {  	[spmem:s2] =	stream.indirect.scatter.add.f32 [tilespmem:s26], [sflag:$0xE], $0x40, s24, s19, $0xb8;
	[tilespmem:$0x1EC80] =	vst v63  }
0x34: {  	_ =	swait.ge [sflag:s16], $0x1400  }
0x35: {  	[sflag:s16] =	ssyncset.done $0x0  }
0x36: {  	s29 =	simm.s32 $0x9BA0;
	[sflag:s16] =	ssyncadd.s32 $0xFFFFEC00  }
0x37: {  	[spmem:s2] =	stream.indirect.scatter.add.f32 [tilespmem:s1], [sflag:$0xF], $0x40, s29, s19, $0xb8;
	[tilespmem:$0x1EC80] =	vst v63  }
0x38: {  	_ =	swait.ge [sflag:s4], $0x1400  }
0x39: {  	[sflag:s4] =	ssyncset.done $0x0  }
0x3a: {  	s31 =	simm.s32 $0x9BF0;
	s18 =	simm.s32 $0x13C40;
	[sflag:s4] =	ssyncadd.s32 $0xFFFFEC00  }
0x3b: {  	[spmem:s2] =	stream.indirect.scatter.add.f32 [tilespmem:s17], [sflag:$0x10], $0x40, s31, s19, $0xb8;
	[tilespmem:$0x1EC80] =	vst v63  }
.LBB2_5:
0x3c: {  	_ =	swait.ge [sflag:s5], $0x1400  }
0x3d: {  	[sflag:s5] =	ssyncset.done $0x0  }
0x3e: {  	[sflag:s5] =	ssyncadd.s32 $0xFFFFEC00  }
0x3f: {  	_ =	swait.ge [sflag:s6], $0x1400  }
0x40: {  	[sflag:s6] =	ssyncset.done $0x0  }
0x41: {  	[sflag:s6] =	ssyncadd.s32 $0xFFFFEC00  }
0x42: {  	_ =	swait.ge [sflag:s7], $0x1400  }
0x43: {  	[sflag:s7] =	ssyncset.done $0x0  }
0x44: {  	[sflag:s7] =	ssyncadd.s32 $0xFFFFEC00  }
0x45: {  	_ =	swait.ge [sflag:s9], $0x1400  }
0x46: {  	[sflag:s9] =	ssyncset.done $0x0  }
0x47: {  	[sflag:s9] =	ssyncadd.s32 $0xFFFFEC00  }
0x48: {  	_ =	swait.ge [sflag:s10], $0x1400  }
0x49: {  	[sflag:s10] =	ssyncset.done $0x0  }
0x4a: {  	[sflag:s10] =	ssyncadd.s32 $0xFFFFEC00  }
0x4b: {  	_ =	swait.ge [sflag:s12], $0x1400  }
0x4c: {  	[sflag:s12] =	ssyncset.done $0x0  }
0x4d: {  	[sflag:s12] =	ssyncadd.s32 $0xFFFFEC00  }
0x4e: {  	_ =	swait.ge [sflag:s14], $0x1400  }
0x4f: {  	[sflag:s14] =	ssyncset.done $0x0  }
0x50: {  	[sflag:s14] =	ssyncadd.s32 $0xFFFFEC00  }
0x51: {  	_ =	swait.ge [sflag:s15], $0x1400  }
0x52: {  	[sflag:s15] =	ssyncset.done $0x0  }
0x53: {  	[sflag:s15] =	ssyncadd.s32 $0xFFFFEC00  }
0x54: {  	_ =	swait.ge [sflag:s11], $0x1400  }
0x55: {  	[sflag:s11] =	ssyncset.done $0x0  }
0x56: {  	[sflag:s11] =	ssyncadd.s32 $0xFFFFEC00  }
0x57: {  	[bflag:$0x0] =	sbarrier.arrive $0xFFFF  }
0x58: {  	s1 =	simm.s32 @p0 $0x1;
	s17 =	simm.s32 @p0 $0x10;
	s13 =	rddreg [dreg:$0x8]  }
0x59: {  	s20 =	simm.s32 @p0 $0x8;
	s22 =	simm.s32 @p0 $0x1FD3;
	s21 =	rddreg [dreg:$0xb]  }
0x5a: {  	[hbm:s13@s17], [sflag:s22] =	dma.strided @p0 [spmem:s21@s20], $0x1400, s1, $0x8   }
0x5b: {  	s13 =	simm.s32 @p0 $0x13  }
0x5c: {  	_ =	swait.ge @p0 [sflag:s13], $0x1400  }
0x5d: {  	s1 =	simm.s32 @!p0 $0x1;
	[sflag:s13] =	ssyncset.done @p0 $0x0;
	s20 =	rddreg [dreg:$0x7]  }
0x5e: {  	s17 =	simm.s32 @!p0 $0x10;
	[sflag:s13] =	ssyncadd.s32 @p0 $0xFFFFEC00;
	s13 =	rddreg [dreg:$0x9]  }
0x5f: {  	s22 =	simm.s32 @!p0 $0x8;
	s23 =	rddreg [dreg:$0xe];
	s13 =	sor.u32 @!p0 $0x1C13, s13  }
0x60: {  	[hbm:s20@s17], [sflag:s13] =	dma.strided @!p0 [spmem:s23@s22], $0x1380, s1, $0x8   }
0x61: {  	s13 =	simm.s32 @!p0 $0x13  }
0x62: {  	_ =	swait.ge @!p0 [sflag:s13], $0x1380  }
0x63: {  	s24 =	rddreg [dreg:$0xf]  }
0x64: {  	s26 =	rddreg [dreg:$0xa];
	s1 =	sadd.s32 $0x1, s24  }
0x65: {  	p1 =	sne.s32 s1, s26  }
.Ltmp1:
0x66: {  	_ = 	snop;
	(pc) =	sbr.rel @!p1 .LBB2_6-.Ltmp1, $4  }
0x67: {  	_ = 	snop  }
0x68: {  	s29 =	simm.s32 $0xEC40;
	s31 =	simm.s32 $0x10040;
	s22 =	simm.s32 $0x9C40  }
0x69: {  	s23 =	simm.s32 $0xC440;
	s17 =	simm.s32 $0x12840;
	[sflag:s13] =	ssyncset.done @!p0 $0x0  }
0x6a: {  	[sflag:s13] =	ssyncadd.s32 @!p0 $0xFFFFEC80;
	s24 =	simm.s32 $0xB040;
	s26 =	simm.s32 $0xD840  }
.LBB2_1:
0x6b: {  	[dreg:$0xf] =	wrdreg s1  }
0x6c: {  	s13 =	simm.s32 @p0 $0x1FC1;
	s20 =	rddreg [dreg:$0x4]  }
0x6d: {  	[spmem:s21], [sflag:s13] =	dma.local @p0 [hbm:s20], $0x1400  }
0x6e: {  	s13 =	rddreg [dreg:$0x3]  }
0x6f: {  	s20 =	rddreg [dreg:$0xc]  }
0x70: {  	s21 =	rddreg [dreg:$0xd]  }
0x71: {  	[spmem:s21], [sflag:s20] =	dma.local @!p0 [hbm:s13], $0x1380  }
0x72: {  	s20 =	simm.s32 $0x0;
	s13 =	rddreg [dreg:$0x5]  }
0x73: {  	[tilespmem:s20], [sflag:$0x2] =	stream.linear.gather [hbm4b:s13+s20], $0x4E20, $0x38;
	[tilespmem:$0x1EC80] =	vst v63  }
0x74: {  	s1 =	simm.s32 $0x4E20;
	s21 =	rddreg [dreg:$0x6];
	s13 =	simm.s32 @p0 $0x1  }
0x75: {  	[tilespmem:s1], [sflag:$0x3] =	stream.linear.gather [hbm4b:s21+s20], $0x4E20, $0x38;
	[tilespmem:$0x1EC80] =	vst v63  }
0x76: {  	_ =	swait.ge @p0 [sflag:s13], $0x1400  }
0x77: {  	[sflag:s13] =	ssyncset.done @p0 $0x0  }
0x78: {  	[sflag:s13] =	ssyncadd.s32 @p0 $0xFFFFEC00;
	s13 =	simm.s32 @!p0 $0x1  }
0x79: {  	_ =	swait.ge @!p0 [sflag:s13], $0x1380  }
0x7a: {  	[sflag:s13] =	ssyncset.done @!p0 $0x0  }
0x7b: {  	s21 =	simm.s32 $0x2;
	[sflag:s13] =	ssyncadd.s32 @!p0 $0xFFFFEC80  }
0x7c: {  	_ =	swait.ge [sflag:s21], $0x4E20  }
0x7d: {  	[sflag:s21] =	ssyncset.done $0x0  }
0x7e: {  	s13 =	simm.s32 $0x3;
	[sflag:s21] =	ssyncadd.s32 $0xFFFFB1E0  }
0x7f: {  	_ =	swait.ge [sflag:s13], $0x4E20  }
0x80: {  	[sflag:s13] =	ssyncset.done $0x0  }
0x81: {  	[sflag:s13] =	ssyncadd.s32 $0xFFFFB1E0  }
0x82: {  	[bflag:$0x0] =	sbarrier.arrive $0xFFFF  }
0x83: {  	[tilespmem:s22], [sflag:$0x1] =	stream.indirect.gather [hbm4b:s8+s19], $0x40, s20, s19, $0xb8;
	[tilespmem:$0x1EC80] =	vst v63  }
0x84: {  	_ = 	snop  }
0x85: {  	[tilespmem:s24], [sflag:$0x2] =	stream.indirect.gather [hbm4b:s8+s19], $0x40, s19, s19, $0xb8;
	[tilespmem:$0x1EC80] =	vst v63  }
0x86: {  	s21 =	simm.s32 $0xA0  }
0x87: {  	[tilespmem:s23], [sflag:$0x3] =	stream.indirect.gather [hbm4b:s8+s19], $0x40, s21, s19, $0xb8;
	[tilespmem:$0x1EC80] =	vst v63  }
0x88: {  	s22 =	simm.s32 $0xF0  }
0x89: {  	[tilespmem:s26], [sflag:$0x4] =	stream.indirect.gather [hbm4b:s8+s19], $0x40, s22, s19, $0xb8;
	[tilespmem:$0x1EC80] =	vst v63  }
0x8a: {  	s23 =	simm.s32 $0x140  }
0x8b: {  	[tilespmem:s29], [sflag:$0x5] =	stream.indirect.gather [hbm4b:s8+s19], $0x40, s23, s19, $0xb8;
	[tilespmem:$0x1EC80] =	vst v63  }
0x8c: {  	s24 =	simm.s32 $0x190  }
0x8d: {  	[tilespmem:s31], [sflag:$0x6] =	stream.indirect.gather [hbm4b:s8+s19], $0x40, s24, s19, $0xb8;
	[tilespmem:$0x1EC80] =	vst v63  }
0x8e: {  	s26 =	simm.s32 $0x1E0;
	s29 =	simm.s32 $0x11440  }
0x8f: {  	[tilespmem:s29], [sflag:$0x7] =	stream.indirect.gather [hbm4b:s8+s19], $0x40, s26, s19, $0xb8;
	[tilespmem:$0x1EC80] =	vst v63  }
0x90: {  	s13 =	simm.s32 $0x0;
	s20 =	simm.s32 $0x0;
	s31 =	simm.s32 $0x230  }
0x91: {  	[tilespmem:s17], [sflag:$0x8] =	stream.indirect.gather [hbm4b:s8+s19], $0x40, s31, s19, $0xb8;
	[tilespmem:$0x1EC80] =	vst v63  }
.LBB2_2:
0x92: {  	s21 =	sshra.s32 s13, $0x2  }
0x93: {  	s22 =	sadd.s32 $0x280, s21  }
0x94: {  	[tilespmem:s18], [sflag:$0x9] =	stream.indirect.gather [hbm4b:s8+s19], $0x40, s22, s19, $0xb8;
	[tilespmem:$0x1EC80] =	vst v63  }
0x95: {  	_ =	swait.ge [sflag:s28], $0x1400  }
0x96: {  	[sflag:s28] =	ssyncset.done $0x0  }
0x97: {  	s24 =	simm.s32 $0x9C40;
	s1 =	sadd.s32 $0x4E20, s21;
	[sflag:s28] =	ssyncadd.s32 $0xFFFFEC00  }
0x98: {  	[spmem:s2] =	stream.indirect.scatter.add.f32 [tilespmem:s24], [sflag:$0xA], $0x40, s1, s19, $0xb8;
	[tilespmem:$0x1EC80] =	vst v63  }
0x99: {  	s1 =	simm.s32 $0x2  }
0x9a: {  	_ =	swait.ge [sflag:s1], $0x1400  }
0x9b: {  	s23 =	simm.s32 $0xB040;
	[sflag:s1] =	ssyncset.done $0x0  }
0x9c: {  	s26 =	simm.s32 $0x3;
	s17 =	sadd.s32 $0x4E70, s21;
	[sflag:s1] =	ssyncadd.s32 $0xFFFFEC00  }
0x9d: {  	[spmem:s2] =	stream.indirect.scatter.add.f32 [tilespmem:s23], [sflag:$0xB], $0x40, s17, s19, $0xb8;
	[tilespmem:$0x1EC80] =	vst v63  }
0x9e: {  	_ =	swait.ge [sflag:s26], $0x1400  }
0x9f: {  	[sflag:s26] =	ssyncset.done $0x0  }
0xa0: {  	s1 =	sadd.s32 $0x4EC0, s21;
	[sflag:s26] =	ssyncadd.s32 $0xFFFFEC00;
	s26 =	simm.s32 $0xC440  }
0xa1: {  	[spmem:s2] =	stream.indirect.scatter.add.f32 [tilespmem:s26], [sflag:$0xC], $0x40, s1, s19, $0xb8;
	[tilespmem:$0x1EC80] =	vst v63  }
0xa2: {  	_ =	swait.ge [sflag:s30], $0x1400  }
0xa3: {  	[sflag:s30] =	ssyncset.done $0x0  }
0xa4: {  	s29 =	simm.s32 $0xD840;
	s17 =	sadd.s32 $0x4F10, s21;
	[sflag:s30] =	ssyncadd.s32 $0xFFFFEC00  }
0xa5: {  	[spmem:s2] =	stream.indirect.scatter.add.f32 [tilespmem:s29], [sflag:$0xD], $0x40, s17, s19, $0xb8;
	[tilespmem:$0x1EC80] =	vst v63  }
0xa6: {  	_ =	swait.ge [sflag:s0], $0x1400  }
0xa7: {  	[sflag:s0] =	ssyncset.done $0x0  }
0xa8: {  	s31 =	simm.s32 $0xEC40;
	s1 =	sadd.s32 $0x4F60, s21;
	[sflag:s0] =	ssyncadd.s32 $0xFFFFEC00  }
0xa9: {  	[spmem:s2] =	stream.indirect.scatter.add.f32 [tilespmem:s31], [sflag:$0xE], $0x40, s1, s19, $0xb8;
	[tilespmem:$0x1EC80] =	vst v63  }
0xaa: {  	_ =	swait.ge [sflag:s16], $0x1400  }
0xab: {  	p1 =	seq.s32 s13, $0x12FC0;
	[sflag:s16] =	ssyncset.done $0x0  }
0xac: {  	s17 =	sadd.s32 $0x4FB0, s21;
	s1 =	simm.s32 $0x10040;
	[sflag:s16] =	ssyncadd.s32 $0xFFFFEC00  }
0xad: {  	[spmem:s2] =	stream.indirect.scatter.add.f32 [tilespmem:s1], [sflag:$0xF], $0x40, s17, s19, $0xb8;
	[tilespmem:$0x1EC80] =	vst v63  }
.Ltmp2:
0xae: {  	_ = 	snop;
	(pc) =	sbr.rel @p1 .LBB2_5-.Ltmp2, $4  }
0xaf: {  	_ =	swait.ge [sflag:s4], $0x1400  }
0xb0: {  	[sflag:s4] =	ssyncset.done $0x0  }
0xb1: {  	s22 =	sadd.s32 $0x5000, s21;
	s17 =	simm.s32 $0x11440;
	[sflag:s4] =	ssyncadd.s32 $0xFFFFEC00  }
0xb2: {  	[spmem:s2] =	stream.indirect.scatter.add.f32 [tilespmem:s17], [sflag:$0x10], $0x40, s22, s19, $0xb8;
	[tilespmem:$0x1EC80] =	vst v63  }
0xb3: {  	s18 =	simm.s32 $0x8  }
0xb4: {  	_ =	swait.ge [sflag:s18], $0x1400  }
0xb5: {  	[sflag:s18] =	ssyncset.done $0x0  }
0xb6: {  	s22 =	sadd.s32 $0x5050, s21;
	[sflag:s18] =	ssyncadd.s32 $0xFFFFEC00;
	s18 =	simm.s32 $0x12840  }
0xb7: {  	[spmem:s2] =	stream.indirect.scatter.add.f32 [tilespmem:s18], [sflag:$0x11], $0x40, s22, s19, $0xb8;
	[tilespmem:$0x1EC80] =	vst v63  }
0xb8: {  	_ =	swait.ge [sflag:s3], $0x1400  }
0xb9: {  	[sflag:s3] =	ssyncset.done $0x0  }
0xba: {  	s22 =	sadd.s32 $0x50A0, s21;
	[sflag:s3] =	ssyncadd.s32 $0xFFFFEC00  }
0xbb: {  	[spmem:s2] =	stream.indirect.scatter.add.f32 [tilespmem:s25], [sflag:$0x12], $0x40, s22, s19, $0xb8;
	[tilespmem:$0x1EC80] =	vst v63  }
0xbc: {  	_ =	swait.ge [sflag:s5], $0x1400  }
0xbd: {  	[sflag:s5] =	ssyncset.done $0x0  }
0xbe: {  	s22 =	sadd.s32 $0x2D0, s21;
	[sflag:s5] =	ssyncadd.s32 $0xFFFFEC00  }
0xbf: {  	[tilespmem:s24], [sflag:$0x1] =	stream.indirect.gather [hbm4b:s8+s19], $0x40, s22, s19, $0xb8;
	[tilespmem:$0x1EC80] =	vst v63  }
0xc0: {  	_ =	swait.ge [sflag:s6], $0x1400  }
0xc1: {  	[sflag:s6] =	ssyncset.done $0x0  }
0xc2: {  	s24 =	sadd.s32 $0x320, s21;
	[sflag:s6] =	ssyncadd.s32 $0xFFFFEC00  }
0xc3: {  	[tilespmem:s23], [sflag:$0x2] =	stream.indirect.gather [hbm4b:s8+s19], $0x40, s24, s19, $0xb8;
	[tilespmem:$0x1EC80] =	vst v63  }
0xc4: {  	_ =	swait.ge [sflag:s7], $0x1400  }
0xc5: {  	[sflag:s7] =	ssyncset.done $0x0  }
0xc6: {  	s23 =	sadd.s32 $0x370, s21;
	[sflag:s7] =	ssyncadd.s32 $0xFFFFEC00  }
0xc7: {  	[tilespmem:s26], [sflag:$0x3] =	stream.indirect.gather [hbm4b:s8+s19], $0x40, s23, s19, $0xb8;
	[tilespmem:$0x1EC80] =	vst v63  }
0xc8: {  	_ =	swait.ge [sflag:s9], $0x1400  }
0xc9: {  	[sflag:s9] =	ssyncset.done $0x0  }
0xca: {  	s24 =	sadd.s32 $0x3C0, s21;
	[sflag:s9] =	ssyncadd.s32 $0xFFFFEC00  }
0xcb: {  	[tilespmem:s29], [sflag:$0x4] =	stream.indirect.gather [hbm4b:s8+s19], $0x40, s24, s19, $0xb8;
	[tilespmem:$0x1EC80] =	vst v63  }
0xcc: {  	_ =	swait.ge [sflag:s10], $0x1400  }
0xcd: {  	[sflag:s10] =	ssyncset.done $0x0  }
0xce: {  	s26 =	sadd.s32 $0x410, s21;
	[sflag:s10] =	ssyncadd.s32 $0xFFFFEC00  }
0xcf: {  	[tilespmem:s31], [sflag:$0x5] =	stream.indirect.gather [hbm4b:s8+s19], $0x40, s26, s19, $0xb8;
	[tilespmem:$0x1EC80] =	vst v63  }
0xd0: {  	_ =	swait.ge [sflag:s12], $0x1400  }
0xd1: {  	[sflag:s12] =	ssyncset.done $0x0  }
0xd2: {  	p1 =	slt.u32 s20, $0x1A;
	s29 =	sadd.s32 $0x460, s21;
	[sflag:s12] =	ssyncadd.s32 $0xFFFFEC00  }
0xd3: {  	[tilespmem:s1], [sflag:$0x6] =	stream.indirect.gather [hbm4b:s8+s19], $0x40, s29, s19, $0xb8;
	[tilespmem:$0x1EC80] =	vst v63  }
.Ltmp3:
0xd4: {  	_ =	swait.ge [sflag:s14], $0x1400;
	(pc) =	sbr.rel @!p1 .LBB2_4-.Ltmp3, $4  }
0xd5: {  	s22 =	simm.s32 $0xB040;
	s23 =	simm.s32 $0xC440;
	[sflag:s14] =	ssyncset.done $0x0  }
0xd6: {  	s24 =	simm.s32 $0xD840;
	s31 =	sadd.s32 $0x4B0, s21;
	[sflag:s14] =	ssyncadd.s32 $0xFFFFEC00  }
0xd7: {  	[tilespmem:s17], [sflag:$0x7] =	stream.indirect.gather [hbm4b:s8+s19], $0x40, s31, s19, $0xb8;
	[tilespmem:$0x1EC80] =	vst v63  }
0xd8: {  	s26 =	simm.s32 $0xEC40;
	s1 =	simm.s32 $0x10040;
	s17 =	simm.s32 $0x11440  }
0xd9: {  	_ =	swait.ge [sflag:s15], $0x1400  }
0xda: {  	[sflag:s15] =	ssyncset.done $0x0  }
.Ltmp4:
0xdb: {  	s21 =	sadd.s32 $0x500, s21;
	[sflag:s15] =	ssyncadd.s32 $0xFFFFEC00;
	(pc) =	sbr.rel .LBB2_2-.Ltmp4, $4  }
0xdc: {  	[tilespmem:s18], [sflag:$0x8] =	stream.indirect.gather [hbm4b:s8+s19], $0x40, s21, s19, $0xb8;
	[tilespmem:$0x1EC80] =	vst v63  }
0xdd: {  	_ =	swait.ge [sflag:s11], $0x1400  }
0xde: {  	s13 =	sadd.s32 $0xB40, s13;
	[sflag:s11] =	ssyncset.done $0x0  }
0xdf: {  	s20 =	sadd.s32 $0x1, s20;
	s18 =	simm.s32 $0x13C40;
	[sflag:s11] =	ssyncadd.s32 $0xFFFFEC00  }
.LBB2_6:
0xe0: {  	_ =	sfence.sel $0x180000  }
0xe1: {  	[bflag:$0x0] =	sbarrier.arrive $0xFFFF  }
0xe2: {  	_ =	strace $0x9000004A  }
0xe3: {  	s0 =	stileid.u32;
	[bflag:$0x2] =	sbarrier.arrive $0xFFFF  }
0xe4: {  	p0 =	sne.s32 s0, $0x0;
	s0 =	rddreg [dreg:$0x2]  }
0xe5: {  	s0 =	sadd.s32 @!p0 $0x100000, s0  }
0xe6: {  	[sflag:s0] =	ssyncadd.tile.s32 @!p0 $0x1;
	_ =	shalt  }
.Lfunc_end2:
_tile_overlayer_lowered:
.L_overlay_start_2:
0xe7: {  	(tag) =	ssettag $0x2  }
0xe8: {  	s0 =	rddreg [dreg:$0x0];
	s2 =	stileid.u32  }
0xe9: {  	s1 =	rddreg [dreg:$0x1];
	p0 =	sne.s32 s2, $0x0  }
0xea: {  	s3 =	rddreg [dreg:$0x2];
	[bflag:$0x3] =	sbarrier.arrive $0xFFFF;
	s2 =	simm.s32 @!p0 $0x1C13  }
0xeb: {  	[timem:s3], [sflag:s2] =	dma.local @!p0 [hbm:s0], s1  }
0xec: {  	s0 =	simm.s32 @!p0 $0x13  }
0xed: {  	_ =	swait.ge @!p0 [sflag:s0], s1  }
0xee: {  	s1 =	ssub.s32 @!p0 $0x0, s1;
	[sflag:s0] =	ssyncset.done @!p0 $0x0  }
0xef: {  	[sflag:s0] =	ssyncadd.s32 @!p0 s1  }
0xf0: {  	[bflag:$0x3] =	sbarrier.arrive $0xFFFF  }
0xf1: {  	_ =	shalt  }

</sc_bundles>
